<compile_context>
chip_gen: v7x
topology: tpu7x:2x2x1
jax: 0.10.2.dev20260603
libtpu: 0.0.44.dev20260713+nightly
codegen_flags: <defaults>
</compile_context>

<pallas_src>
import functools

import jax
import jax.numpy as jnp
from jax import lax
from jax.experimental import pallas as pl
from jax.experimental.pallas import tpu as pltpu
from jax.experimental.pallas import tpu_sc as plsc

N = 10000
E = 320000
F_IN = 128
N_HID = 16
N_CLS = 40

NC = 2
NS = 16
NW = NC * NS
CK = 128
NCH = 80
E_PAD = NW * NCH * CK
R_PAD = 10240
RPS = R_PAD // NS
NBUF = 10
PF = 5

_mesh = plsc.VectorSubcoreMesh(core_axis_name="c", subcore_axis_name="s")
_sc_params = pltpu.CompilerParams(use_tc_tiling_on_sc=False)



def _deg_body(col_hbm, zer_hbm, out_hbm, col_v, ones_v, acc, sem):
    c = lax.axis_index("c")
    s = lax.axis_index("s")
    wid = s * NC + c
    sl = pl.ds(s * RPS, RPS)

    pltpu.async_copy(zer_hbm.at[sl], acc.at[sl], sem)
    pltpu.async_copy(col_hbm.at[wid], col_v, sem)

    @pl.loop(0, CK, step=16)
    def _(i):
        ones_v[pl.ds(i, 16)] = jnp.full((16,), 1.0, jnp.float32)

    pltpu.make_async_copy(zer_hbm.at[sl], acc.at[sl], sem).wait()
    pltpu.make_async_copy(col_hbm.at[wid], col_v, sem).wait()
    plsc.subcore_barrier()

    @pl.loop(0, NCH, step=20)
    def _(j):
        for b in range(20):
            pltpu.async_copy(ones_v, acc.at[col_v.at[j + b]], sem, add=True)
        for b in range(20):
            pltpu.make_async_copy(ones_v, acc.at[col_v.at[j + b]], sem).wait()

    plsc.subcore_barrier()
    pltpu.sync_copy(acc.at[sl], out_hbm.at[c].at[sl])


def _scatter_body(D, g_hbm, zer_hbm, row_hbm, col_hbm, out_hbm,
                  row_v, col_v, bufs, g_st, acc, gsem, ssem):
    c = lax.axis_index("c")
    s = lax.axis_index("s")
    wid = s * NC + c
    sl = pl.ds(s * RPS, RPS)

    pltpu.async_copy(g_hbm.at[sl], g_st.at[sl], ssem.at[0])

    @pl.when(c == 0)
    def _():
        pltpu.async_copy(g_hbm.at[sl], acc.at[sl], ssem.at[1])

    @pl.when(c != 0)
    def _():
        pltpu.async_copy(zer_hbm.at[sl], acc.at[sl], ssem.at[1])

    pltpu.async_copy(row_hbm.at[wid], row_v, ssem.at[2])
    pltpu.async_copy(col_hbm.at[wid], col_v, ssem.at[3])

    pltpu.make_async_copy(g_hbm.at[sl], g_st.at[sl], ssem.at[0]).wait()
    pltpu.make_async_copy(zer_hbm.at[sl], acc.at[sl], ssem.at[1]).wait()
    pltpu.make_async_copy(row_hbm.at[wid], row_v, ssem.at[2]).wait()
    pltpu.make_async_copy(col_hbm.at[wid], col_v, ssem.at[3]).wait()
    plsc.subcore_barrier()

    def start_gather(j, b):
        pltpu.async_copy(g_st.at[row_v.at[j]], bufs.at[b], gsem.at[b])

    def wait_gather(j, b):
        pltpu.make_async_copy(g_st.at[row_v.at[j]], bufs.at[b],
                              gsem.at[b]).wait()

    def start_scatter(j, b):
        pltpu.async_copy(bufs.at[b], acc.at[col_v.at[j]], ssem.at[b],
                         add=True)

    def wait_scatter(j, b):
        pltpu.make_async_copy(bufs.at[b], acc.at[col_v.at[j]],
                              ssem.at[b]).wait()

    for p in range(PF):
        start_gather(p, p)

    @pl.loop(0, NCH, step=NBUF)
    def _(j0):
        for i in range(NBUF):
            j = j0 + i
            bn = (i + PF) % NBUF
            jn = j + PF

            @pl.when(jn < NCH)
            def _():
                @pl.when(jn >= NBUF)
                def _():
                    wait_scatter(jn - NBUF, bn)
                start_gather(jn, bn)

            wait_gather(j, i)
            start_scatter(j, i)

    for b in range(NBUF):
        wait_scatter(0, b)

    plsc.subcore_barrier()
    pltpu.sync_copy(acc.at[sl], out_hbm.at[c].at[sl])


def _deg_call(colp, zer1):
    return pl.kernel(
        _deg_body,
        out_type=jax.ShapeDtypeStruct((NC, R_PAD), jnp.float32),
        mesh=_mesh,
        scratch_types=[
            pltpu.VMEM((NCH, CK), jnp.int32),
            pltpu.VMEM((CK,), jnp.float32),
            pltpu.VMEM_SHARED((R_PAD,), jnp.float32),
            pltpu.SemaphoreType.DMA,
        ],
        compiler_params=_sc_params,
    )(colp, zer1)


def _scatter_call(D, g, zer, rowp, colp):
    return pl.kernel(
        functools.partial(_scatter_body, D),
        out_type=jax.ShapeDtypeStruct((NC, R_PAD, D), jnp.float32),
        mesh=_mesh,
        scratch_types=[
            pltpu.VMEM((NCH, CK), jnp.int32),
            pltpu.VMEM((NCH, CK), jnp.int32),
            pltpu.VMEM((NBUF, CK, D), jnp.float32),
            pltpu.VMEM_SHARED((R_PAD, D), jnp.float32),
            pltpu.VMEM_SHARED((R_PAD, D), jnp.float32),
            pltpu.SemaphoreType.DMA((NBUF,)),
            pltpu.SemaphoreType.DMA((NBUF,)),
        ],
        compiler_params=_sc_params,
    )(g, zer, rowp, colp)



_BLK = 1024
_OBLK = 1000


def _scale_body(p0_ref, p1_ref, x_ref, w_ref, g_ref, d_ref):
    deg = p0_ref[...] + p1_ref[...] + 1.0
    d = lax.rsqrt(deg)
    d_ref[...] = d
    h = jnp.dot(x_ref[...], w_ref[...], preferred_element_type=jnp.float32)
    g_ref[...] = h * d


def _mid_body(a0_ref, a1_ref, d_ref, b1_ref, w2_ref, g2_ref):
    d = d_ref[...]
    o1 = jnp.maximum((a0_ref[...] + a1_ref[...]) * d + b1_ref[...], 0.0)
    h2 = jnp.dot(o1, w2_ref[...], preferred_element_type=jnp.float32)
    g2_ref[...] = h2 * d


def _fin_body(a0_ref, a1_ref, d_ref, b2_ref, o_ref):
    o = (a0_ref[...] + a1_ref[...]) * d_ref[...] + b2_ref[...]
    m = jnp.max(o, axis=1, keepdims=True)
    e = jnp.exp(o - m)
    lse = jnp.log(jnp.sum(e, axis=1, keepdims=True))
    o_ref[...] = o - m - lse


def _scale(p0, p1, x_p, W1):
    return pl.pallas_call(
        _scale_body,
        grid=(R_PAD // _BLK,),
        in_specs=[pl.BlockSpec((_BLK, 1), lambda i: (i, 0)),
                  pl.BlockSpec((_BLK, 1), lambda i: (i, 0)),
                  pl.BlockSpec((_BLK, F_IN), lambda i: (i, 0)),
                  pl.BlockSpec((F_IN, N_HID), lambda i: (0, 0))],
        out_specs=[pl.BlockSpec((_BLK, N_HID), lambda i: (i, 0)),
                   pl.BlockSpec((_BLK, 1), lambda i: (i, 0))],
        out_shape=[jax.ShapeDtypeStruct((R_PAD, N_HID), jnp.float32),
                   jax.ShapeDtypeStruct((R_PAD, 1), jnp.float32)],
    )(p0, p1, x_p, W1)


def _mid(a0, a1, d, b1r, W2):
    return pl.pallas_call(
        _mid_body,
        grid=(R_PAD // _BLK,),
        in_specs=[pl.BlockSpec((_BLK, N_HID), lambda i: (i, 0)),
                  pl.BlockSpec((_BLK, N_HID), lambda i: (i, 0)),
                  pl.BlockSpec((_BLK, 1), lambda i: (i, 0)),
                  pl.BlockSpec((1, N_HID), lambda i: (0, 0)),
                  pl.BlockSpec((N_HID, N_CLS), lambda i: (0, 0))],
        out_specs=pl.BlockSpec((_BLK, N_CLS), lambda i: (i, 0)),
        out_shape=jax.ShapeDtypeStruct((R_PAD, N_CLS), jnp.float32),
    )(a0, a1, d, b1r, W2)


def _fin(a0, a1, d, b2r):
    return pl.pallas_call(
        _fin_body,
        grid=(N // _OBLK,),
        in_specs=[pl.BlockSpec((_OBLK, N_CLS), lambda i: (i, 0)),
                  pl.BlockSpec((_OBLK, N_CLS), lambda i: (i, 0)),
                  pl.BlockSpec((_OBLK, 1), lambda i: (i, 0)),
                  pl.BlockSpec((1, N_CLS), lambda i: (0, 0))],
        out_specs=pl.BlockSpec((_OBLK, N_CLS), lambda i: (i, 0)),
        out_shape=jax.ShapeDtypeStruct((N, N_CLS), jnp.float32),
    )(a0, a1, d, b2r)



def kernel(x, edge_index, W1, b1, W2, b2):
    row = edge_index[0]
    col = edge_index[1]
    pad = E_PAD - E
    rowp = jnp.concatenate(
        [row, jnp.zeros((pad,), jnp.int32)]).reshape(NW, NCH, CK)
    colp = jnp.concatenate(
        [col, jnp.full((pad,), N, jnp.int32)]).reshape(NW, NCH, CK)
    x_p = jnp.pad(x, ((0, R_PAD - N), (0, 0)))

    zer1 = jnp.zeros((R_PAD,), jnp.float32)
    zer16 = jnp.zeros((R_PAD, N_HID), jnp.float32)
    zer40 = jnp.zeros((R_PAD, N_CLS), jnp.float32)

    degp = _deg_call(colp, zer1)
    g1, d = _scale(degp[0].reshape(R_PAD, 1), degp[1].reshape(R_PAD, 1),
                   x_p, W1)
    a1 = _scatter_call(N_HID, g1, zer16, rowp, colp)
    g2 = _mid(a1[0], a1[1], d, b1.reshape(1, N_HID), W2)
    a2 = _scatter_call(N_CLS, g2, zer40, rowp, colp)
    return _fin(a2[0], a2[1], d, b2.reshape(1, N_CLS))

# --- scband reference (transcript-rebuilt; emitter-appended) ---
"""Pipeline reference for scband-gcn-width-69277822484763 (READ-ONLY COPY).

The authoritative reference and input builder live on the scoring server;
editing this copy changes nothing except your own understanding.
"""

import jax, jax.numpy as jnp
import numpy as np

N_NODES = 10000
N_EDGES = 320000
F_IN = 128
N_HID = 16
N_CLS = 40


def setup_inputs(seed: int = 0) -> dict:
    key = jax.random.key(seed)
    k1, k2, k3, k4, k5, k6 = jax.random.split(key, 6)
    x = jax.random.normal(k1, (N_NODES, F_IN), dtype=jnp.float32)
    edge_index = jax.random.randint(k2, (2, N_EDGES), 0, N_NODES, dtype=jnp.int32)
    W1 = jax.random.normal(k3, (F_IN, N_HID), dtype=jnp.float32) * (1.0 / np.sqrt(F_IN))
    b1 = jnp.zeros((N_HID,), dtype=jnp.float32)
    W2 = jax.random.normal(k4, (N_HID, N_CLS), dtype=jnp.float32) * (1.0 / np.sqrt(N_HID))
    b2 = jnp.zeros((N_CLS,), dtype=jnp.float32)
    return {"x": x, "edge_index": edge_index, "W1": W1, "b1": b1, "W2": W2, "b2": b2}


def _gcn_conv(x, edge_index, W, b, n_nodes):
    # GCNConv: add self-loops, symmetric normalization, message = norm * (x W), scatter-add
    self_loops = jnp.arange(n_nodes, dtype=edge_index.dtype)
    row = jnp.concatenate([edge_index[0], self_loops])
    col = jnp.concatenate([edge_index[1], self_loops])
    deg = jax.ops.segment_sum(jnp.ones_like(col, dtype=x.dtype), col, num_segments=n_nodes)
    deg_inv_sqrt = jnp.where(deg > 0, deg ** -0.5, 0.0)
    norm = deg_inv_sqrt[row] * deg_inv_sqrt[col]
    h = x @ W
    msg = h[row] * norm[:, None]
    out = jax.ops.segment_sum(msg, col, num_segments=n_nodes)
    return out + b


def reference(x, edge_index, W1, b1, W2, b2):
    h = _gcn_conv(x, edge_index, W1, b1, N_NODES)
    h = jax.nn.relu(h)
    out = _gcn_conv(h, edge_index, W2, b2, N_NODES)
    return jax.nn.log_softmax(out, axis=1)

if __name__ == "__main__":
    import jax
    _d = setup_inputs()
    print(jax.jit(kernel)(*tuple(_d.values())))

</pallas_src>

<mosaic_0001>
#map = affine_map<(d0, d1) -> (0, 0)>
#map1 = affine_map<(d0, d1) -> (0, 0, 0)>
module attributes {stable_mosaic.version = 14 : i64} {
  func.func @_scatter_body(%arg0: i32, %arg1: i32, %arg2: memref<10240x40xf32, #tpu.memory_space<hbm>>, %arg3: memref<10240x40xf32, #tpu.memory_space<hbm>>, %arg4: memref<32x80x128xi32, #tpu.memory_space<hbm>>, %arg5: memref<32x80x128xi32, #tpu.memory_space<hbm>>, %arg6: memref<2x10240x40xf32, #tpu.memory_space<hbm>>, %arg7: memref<80x128xi32, #tpu.memory_space<vmem>>, %arg8: memref<80x128xi32, #tpu.memory_space<vmem>>, %arg9: memref<10x128x40xf32, #tpu.memory_space<vmem>>, %arg10: memref<10240x40xf32, #tpu.memory_space<vmem_shared>>, %arg11: memref<10240x40xf32, #tpu.memory_space<vmem_shared>>, %arg12: memref<10x!tpu.dma_semaphore, #tpu.memory_space<semaphore_mem>>, %arg13: memref<10x!tpu.dma_semaphore, #tpu.memory_space<semaphore_mem>>) attributes {dimension_semantics = [#tpu.dimension_semantics<core_parallel>, #tpu.dimension_semantics<subcore_parallel>], iteration_bounds = array<i64: 2, 16>, scalar_prefetch = 0 : i64, scratch_operands = 7 : i64, tpu.core_type = #tpu.core_type<sc_vector_subcore>, window_params = [{transform_indices = #map}, {transform_indices = #map}, {transform_indices = #map1}, {transform_indices = #map1}, {transform_indices = #map1}]} {
    %mul3A = arith.constant 2 : i32
    %mul3A_0 = arith.muli %arg1, %mul3A : i32
    %add3A = arith.addi %mul3A_0, %arg0 : i32
    %mul3A_1 = arith.constant 640 : i32
    %mul3A_2 = arith.muli %arg1, %mul3A_1 : i32
    %dma_start3A = arith.constant 0 : i32
    %dma_start3A_3 = tpu.memref_slice %arg13[%dma_start3A] : memref<10x!tpu.dma_semaphore, #tpu.memory_space<semaphore_mem>> -> memref<1x!tpu.dma_semaphore, #tpu.memory_space<semaphore_mem>>
    %dma_start3A_4 = tpu.memref_squeeze %dma_start3A_3 : memref<1x!tpu.dma_semaphore, #tpu.memory_space<semaphore_mem>> -> memref<!tpu.dma_semaphore, #tpu.memory_space<semaphore_mem>>
    %dma_start3A_5 = arith.constant 0 : i32
    %dma_start3A_6 = tpu.memref_slice %arg10[%mul3A_2, %dma_start3A_5] : memref<10240x40xf32, #tpu.memory_space<vmem_shared>> -> memref<640x40xf32, #tpu.memory_space<vmem_shared>>
    %dma_start3A_7 = arith.constant 0 : i32
    %dma_start3A_8 = tpu.memref_slice %arg2[%mul3A_2, %dma_start3A_7] : memref<10240x40xf32, #tpu.memory_space<hbm>> -> memref<640x40xf32, #tpu.memory_space<hbm>>
    tpu.enqueue_dma source(%dma_start3A_8 : memref<640x40xf32, #tpu.memory_space<hbm>>) target(%dma_start3A_6 : memref<640x40xf32, #tpu.memory_space<vmem_shared>>) target_semaphore(%dma_start3A_4 : memref<!tpu.dma_semaphore, #tpu.memory_space<semaphore_mem>>)
    %eq3A = arith.constant 0 : i32
    %eq3A_9 = arith.cmpi eq, %arg0, %eq3A : i32
    %convert_element_type3A = arith.extui %eq3A_9 : i1 to i32
    %cond3A = arith.constant 0 : i32
    %cond3A_10 = arith.cmpi ne, %convert_element_type3A, %cond3A : i32
    scf.if %cond3A_10 {
      %dma_start3A_302 = arith.constant 1 : i32
      %dma_start3A_303 = tpu.memref_slice %arg13[%dma_start3A_302] : memref<10x!tpu.dma_semaphore, #tpu.memory_space<semaphore_mem>> -> memref<1x!tpu.dma_semaphore, #tpu.memory_space<semaphore_mem>>
      %dma_start3A_304 = tpu.memref_squeeze %dma_start3A_303 : memref<1x!tpu.dma_semaphore, #tpu.memory_space<semaphore_mem>> -> memref<!tpu.dma_semaphore, #tpu.memory_space<semaphore_mem>>
      %dma_start3A_305 = arith.constant 0 : i32
      %dma_start3A_306 = tpu.memref_slice %arg11[%mul3A_2, %dma_start3A_305] : memref<10240x40xf32, #tpu.memory_space<vmem_shared>> -> memref<640x40xf32, #tpu.memory_space<vmem_shared>>
      %dma_start3A_307 = arith.constant 0 : i32
      %dma_start3A_308 = tpu.memref_slice %arg2[%mul3A_2, %dma_start3A_307] : memref<10240x40xf32, #tpu.memory_space<hbm>> -> memref<640x40xf32, #tpu.memory_space<hbm>>
      tpu.enqueue_dma source(%dma_start3A_308 : memref<640x40xf32, #tpu.memory_space<hbm>>) target(%dma_start3A_306 : memref<640x40xf32, #tpu.memory_space<vmem_shared>>) target_semaphore(%dma_start3A_304 : memref<!tpu.dma_semaphore, #tpu.memory_space<semaphore_mem>>)
    } else {
    }
    %ne3A = arith.constant 0 : i32
    %ne3A_11 = arith.cmpi ne, %arg0, %ne3A : i32
    %convert_element_type3A_12 = arith.extui %ne3A_11 : i1 to i32
    %cond3A_13 = arith.constant 0 : i32
    %cond3A_14 = arith.cmpi ne, %convert_element_type3A_12, %cond3A_13 : i32
    scf.if %cond3A_14 {
      %dma_start3A_302 = arith.constant 1 : i32
      %dma_start3A_303 = tpu.memref_slice %arg13[%dma_start3A_302] : memref<10x!tpu.dma_semaphore, #tpu.memory_space<semaphore_mem>> -> memref<1x!tpu.dma_semaphore, #tpu.memory_space<semaphore_mem>>
      %dma_start3A_304 = tpu.memref_squeeze %dma_start3A_303 : memref<1x!tpu.dma_semaphore, #tpu.memory_space<semaphore_mem>> -> memref<!tpu.dma_semaphore, #tpu.memory_space<semaphore_mem>>
      %dma_start3A_305 = arith.constant 0 : i32
      %dma_start3A_306 = tpu.memref_slice %arg11[%mul3A_2, %dma_start3A_305] : memref<10240x40xf32, #tpu.memory_space<vmem_shared>> -> memref<640x40xf32, #tpu.memory_space<vmem_shared>>
      %dma_start3A_307 = arith.constant 0 : i32
      %dma_start3A_308 = tpu.memref_slice %arg3[%mul3A_2, %dma_start3A_307] : memref<10240x40xf32, #tpu.memory_space<hbm>> -> memref<640x40xf32, #tpu.memory_space<hbm>>
      tpu.enqueue_dma source(%dma_start3A_308 : memref<640x40xf32, #tpu.memory_space<hbm>>) target(%dma_start3A_306 : memref<640x40xf32, #tpu.memory_space<vmem_shared>>) target_semaphore(%dma_start3A_304 : memref<!tpu.dma_semaphore, #tpu.memory_space<semaphore_mem>>)
    } else {
    }
    %dma_start3A_15 = arith.constant 2 : i32
    %dma_start3A_16 = arith.constant 0 : i32
    %dma_start3A_17 = arith.constant 0 : i32
    %dma_start3A_18 = tpu.memref_slice %arg4[%add3A, %dma_start3A_16, %dma_start3A_17] : memref<32x80x128xi32, #tpu.memory_space<hbm>> -> memref<1x80x128xi32, #tpu.memory_space<hbm>>
    %dma_start3A_19 = tpu.memref_squeeze %dma_start3A_18 : memref<1x80x128xi32, #tpu.memory_space<hbm>> -> memref<80x128xi32, #tpu.memory_space<hbm>>
    %dma_start3A_20 = tpu.memref_slice %arg13[%dma_start3A_15] : memref<10x!tpu.dma_semaphore, #tpu.memory_space<semaphore_mem>> -> memref<1x!tpu.dma_semaphore, #tpu.memory_space<semaphore_mem>>
    %dma_start3A_21 = tpu.memref_squeeze %dma_start3A_20 : memref<1x!tpu.dma_semaphore, #tpu.memory_space<semaphore_mem>> -> memref<!tpu.dma_semaphore, #tpu.memory_space<semaphore_mem>>
    %dma_start3A_22 = arith.constant 0 : i32
    %dma_start3A_23 = arith.constant 0 : i32
    %dma_start3A_24 = tpu.memref_slice %arg4[%add3A, %dma_start3A_22, %dma_start3A_23] : memref<32x80x128xi32, #tpu.memory_space<hbm>> -> memref<1x80x128xi32, #tpu.memory_space<hbm>>
    %dma_start3A_25 = tpu.memref_squeeze %dma_start3A_24 : memref<1x80x128xi32, #tpu.memory_space<hbm>> -> memref<80x128xi32, #tpu.memory_space<hbm>>
    tpu.enqueue_dma source(%dma_start3A_25 : memref<80x128xi32, #tpu.memory_space<hbm>>) target(%arg7 : memref<80x128xi32, #tpu.memory_space<vmem>>) target_semaphore(%dma_start3A_21 : memref<!tpu.dma_semaphore, #tpu.memory_space<semaphore_mem>>)
    %dma_start3A_26 = arith.constant 3 : i32
    %dma_start3A_27 = arith.constant 0 : i32
    %dma_start3A_28 = arith.constant 0 : i32
    %dma_start3A_29 = tpu.memref_slice %arg5[%add3A, %dma_start3A_27, %dma_start3A_28] : memref<32x80x128xi32, #tpu.memory_space<hbm>> -> memref<1x80x128xi32, #tpu.memory_space<hbm>>
    %dma_start3A_30 = tpu.memref_squeeze %dma_start3A_29 : memref<1x80x128xi32, #tpu.memory_space<hbm>> -> memref<80x128xi32, #tpu.memory_space<hbm>>
    %dma_start3A_31 = tpu.memref_slice %arg13[%dma_start3A_26] : memref<10x!tpu.dma_semaphore, #tpu.memory_space<semaphore_mem>> -> memref<1x!tpu.dma_semaphore, #tpu.memory_space<semaphore_mem>>
    %dma_start3A_32 = tpu.memref_squeeze %dma_start3A_31 : memref<1x!tpu.dma_semaphore, #tpu.memory_space<semaphore_mem>> -> memref<!tpu.dma_semaphore, #tpu.memory_space<semaphore_mem>>
    %dma_start3A_33 = arith.constant 0 : i32
    %dma_start3A_34 = arith.constant 0 : i32
    %dma_start3A_35 = tpu.memref_slice %arg5[%add3A, %dma_start3A_33, %dma_start3A_34] : memref<32x80x128xi32, #tpu.memory_space<hbm>> -> memref<1x80x128xi32, #tpu.memory_space<hbm>>
    %dma_start3A_36 = tpu.memref_squeeze %dma_start3A_35 : memref<1x80x128xi32, #tpu.memory_space<hbm>> -> memref<80x128xi32, #tpu.memory_space<hbm>>
    tpu.enqueue_dma source(%dma_start3A_36 : memref<80x128xi32, #tpu.memory_space<hbm>>) target(%arg8 : memref<80x128xi32, #tpu.memory_space<vmem>>) target_semaphore(%dma_start3A_32 : memref<!tpu.dma_semaphore, #tpu.memory_space<semaphore_mem>>)
    %dma_wait3A = arith.constant 0 : i32
    %dma_wait3A_37 = tpu.memref_slice %arg13[%dma_wait3A] : memref<10x!tpu.dma_semaphore, #tpu.memory_space<semaphore_mem>> -> memref<1x!tpu.dma_semaphore, #tpu.memory_space<semaphore_mem>>
    %dma_wait3A_38 = tpu.memref_squeeze %dma_wait3A_37 : memref<1x!tpu.dma_semaphore, #tpu.memory_space<semaphore_mem>> -> memref<!tpu.dma_semaphore, #tpu.memory_space<semaphore_mem>>
    %dma_wait3A_39 = arith.constant 0 : i32
    %dma_wait3A_40 = tpu.memref_slice %arg10[%mul3A_2, %dma_wait3A_39] : memref<10240x40xf32, #tpu.memory_space<vmem_shared>> -> memref<640x40xf32, #tpu.memory_space<vmem_shared>>
    %dma_wait3A_41 = arith.constant 0 : i32
    %dma_wait3A_42 = tpu.memref_slice %arg2[%mul3A_2, %dma_wait3A_41] : memref<10240x40xf32, #tpu.memory_space<hbm>> -> memref<640x40xf32, #tpu.memory_space<hbm>>
    tpu.wait_dma2 semaphore(%dma_wait3A_38 : memref<!tpu.dma_semaphore, #tpu.memory_space<semaphore_mem>>) src(%dma_wait3A_42 : memref<640x40xf32, #tpu.memory_space<hbm>>) dst(%dma_wait3A_40 : memref<640x40xf32, #tpu.memory_space<vmem_shared>>)
    %dma_wait3A_43 = arith.constant 1 : i32
    %dma_wait3A_44 = tpu.memref_slice %arg13[%dma_wait3A_43] : memref<10x!tpu.dma_semaphore, #tpu.memory_space<semaphore_mem>> -> memref<1x!tpu.dma_semaphore, #tpu.memory_space<semaphore_mem>>
    %dma_wait3A_45 = tpu.memref_squeeze %dma_wait3A_44 : memref<1x!tpu.dma_semaphore, #tpu.memory_space<semaphore_mem>> -> memref<!tpu.dma_semaphore, #tpu.memory_space<semaphore_mem>>
    %dma_wait3A_46 = arith.constant 0 : i32
    %dma_wait3A_47 = tpu.memref_slice %arg11[%mul3A_2, %dma_wait3A_46] : memref<10240x40xf32, #tpu.memory_space<vmem_shared>> -> memref<640x40xf32, #tpu.memory_space<vmem_shared>>
    %dma_wait3A_48 = arith.constant 0 : i32
    %dma_wait3A_49 = tpu.memref_slice %arg3[%mul3A_2, %dma_wait3A_48] : memref<10240x40xf32, #tpu.memory_space<hbm>> -> memref<640x40xf32, #tpu.memory_space<hbm>>
    tpu.wait_dma2 semaphore(%dma_wait3A_45 : memref<!tpu.dma_semaphore, #tpu.memory_space<semaphore_mem>>) src(%dma_wait3A_49 : memref<640x40xf32, #tpu.memory_space<hbm>>) dst(%dma_wait3A_47 : memref<640x40xf32, #tpu.memory_space<vmem_shared>>)
    %dma_wait3A_50 = arith.constant 2 : i32
    %dma_wait3A_51 = arith.constant 0 : i32
    %dma_wait3A_52 = arith.constant 0 : i32
    %dma_wait3A_53 = tpu.memref_slice %arg4[%add3A, %dma_wait3A_51, %dma_wait3A_52] : memref<32x80x128xi32, #tpu.memory_space<hbm>> -> memref<1x80x128xi32, #tpu.memory_space<hbm>>
    %dma_wait3A_54 = tpu.memref_squeeze %dma_wait3A_53 : memref<1x80x128xi32, #tpu.memory_space<hbm>> -> memref<80x128xi32, #tpu.memory_space<hbm>>
    %dma_wait3A_55 = tpu.memref_slice %arg13[%dma_wait3A_50] : memref<10x!tpu.dma_semaphore, #tpu.memory_space<semaphore_mem>> -> memref<1x!tpu.dma_semaphore, #tpu.memory_space<semaphore_mem>>
    %dma_wait3A_56 = tpu.memref_squeeze %dma_wait3A_55 : memref<1x!tpu.dma_semaphore, #tpu.memory_space<semaphore_mem>> -> memref<!tpu.dma_semaphore, #tpu.memory_space<semaphore_mem>>
    %dma_wait3A_57 = arith.constant 0 : i32
    %dma_wait3A_58 = arith.constant 0 : i32
    %dma_wait3A_59 = tpu.memref_slice %arg4[%add3A, %dma_wait3A_57, %dma_wait3A_58] : memref<32x80x128xi32, #tpu.memory_space<hbm>> -> memref<1x80x128xi32, #tpu.memory_space<hbm>>
    %dma_wait3A_60 = tpu.memref_squeeze %dma_wait3A_59 : memref<1x80x128xi32, #tpu.memory_space<hbm>> -> memref<80x128xi32, #tpu.memory_space<hbm>>
    tpu.wait_dma2 semaphore(%dma_wait3A_56 : memref<!tpu.dma_semaphore, #tpu.memory_space<semaphore_mem>>) src(%dma_wait3A_60 : memref<80x128xi32, #tpu.memory_space<hbm>>) dst(%arg7 : memref<80x128xi32, #tpu.memory_space<vmem>>)
    %dma_wait3A_61 = arith.constant 3 : i32
    %dma_wait3A_62 = arith.constant 0 : i32
    %dma_wait3A_63 = arith.constant 0 : i32
    %dma_wait3A_64 = tpu.memref_slice %arg5[%add3A, %dma_wait3A_62, %dma_wait3A_63] : memref<32x80x128xi32, #tpu.memory_space<hbm>> -> memref<1x80x128xi32, #tpu.memory_space<hbm>>
    %dma_wait3A_65 = tpu.memref_squeeze %dma_wait3A_64 : memref<1x80x128xi32, #tpu.memory_space<hbm>> -> memref<80x128xi32, #tpu.memory_space<hbm>>
    %dma_wait3A_66 = tpu.memref_slice %arg13[%dma_wait3A_61] : memref<10x!tpu.dma_semaphore, #tpu.memory_space<semaphore_mem>> -> memref<1x!tpu.dma_semaphore, #tpu.memory_space<semaphore_mem>>
    %dma_wait3A_67 = tpu.memref_squeeze %dma_wait3A_66 : memref<1x!tpu.dma_semaphore, #tpu.memory_space<semaphore_mem>> -> memref<!tpu.dma_semaphore, #tpu.memory_space<semaphore_mem>>
    %dma_wait3A_68 = arith.constant 0 : i32
    %dma_wait3A_69 = arith.constant 0 : i32
    %dma_wait3A_70 = tpu.memref_slice %arg5[%add3A, %dma_wait3A_68, %dma_wait3A_69] : memref<32x80x128xi32, #tpu.memory_space<hbm>> -> memref<1x80x128xi32, #tpu.memory_space<hbm>>
    %dma_wait3A_71 = tpu.memref_squeeze %dma_wait3A_70 : memref<1x80x128xi32, #tpu.memory_space<hbm>> -> memref<80x128xi32, #tpu.memory_space<hbm>>
    tpu.wait_dma2 semaphore(%dma_wait3A_67 : memref<!tpu.dma_semaphore, #tpu.memory_space<semaphore_mem>>) src(%dma_wait3A_71 : memref<80x128xi32, #tpu.memory_space<hbm>>) dst(%arg8 : memref<80x128xi32, #tpu.memory_space<vmem>>)
    %barrier3A = arith.constant 0 : index
    tpu.barrier barrier_id(%barrier3A)
    %dma_start3A_72 = arith.constant 0 : i32
    %dma_start3A_73 = arith.constant 0 : i32
    %dma_start3A_74 = arith.constant 0 : i32
    %dma_start3A_75 = arith.constant 0 : i32
    %dma_start3A_76 = arith.constant 0 : i32
    %dma_start3A_77 = tpu.memref_slice %arg9[%dma_start3A_73, %dma_start3A_75, %dma_start3A_76] : memref<10x128x40xf32, #tpu.memory_space<vmem>> -> memref<1x128x40xf32, #tpu.memory_space<vmem>>
    %dma_start3A_78 = tpu.memref_squeeze %dma_start3A_77 : memref<1x128x40xf32, #tpu.memory_space<vmem>> -> memref<128x40xf32, #tpu.memory_space<vmem>>
    %dma_start3A_79 = arith.constant 0 : i32
    %dma_start3A_80 = tpu.memref_slice %arg7[%dma_start3A_72, %dma_start3A_79] : memref<80x128xi32, #tpu.memory_space<vmem>> -> memref<1x128xi32, #tpu.memory_space<vmem>>
    %dma_start3A_81 = tpu.memref_squeeze %dma_start3A_80 : memref<1x128xi32, #tpu.memory_space<vmem>> -> memref<128xi32, #tpu.memory_space<vmem>>
    %dma_start3A_82 = arith.constant 0 : i32
    %dma_start3A_83 = arith.constant 0 : i32
    %dma_start3A_84 = tpu.memref_slice %arg10[%dma_start3A_82, %dma_start3A_83] : memref<10240x40xf32, #tpu.memory_space<vmem_shared>> -> memref<10240x40xf32, #tpu.memory_space<vmem_shared>>
    %dma_start3A_85 = tpu.memref_slice %arg12[%dma_start3A_74] : memref<10x!tpu.dma_semaphore, #tpu.memory_space<semaphore_mem>> -> memref<1x!tpu.dma_semaphore, #tpu.memory_space<semaphore_mem>>
    %dma_start3A_86 = tpu.memref_squeeze %dma_start3A_85 : memref<1x!tpu.dma_semaphore, #tpu.memory_space<semaphore_mem>> -> memref<!tpu.dma_semaphore, #tpu.memory_space<semaphore_mem>>
    tpu.enqueue_indirect_dma source(%dma_start3A_84 : memref<10240x40xf32, #tpu.memory_space<vmem_shared>>) target(%dma_start3A_78 : memref<128x40xf32, #tpu.memory_space<vmem>>) offsets(%dma_start3A_81 : memref<128xi32, #tpu.memory_space<vmem>>) semaphore(%dma_start3A_86 : memref<!tpu.dma_semaphore, #tpu.memory_space<semaphore_mem>>)
    %dma_start3A_87 = arith.constant 1 : i32
    %dma_start3A_88 = arith.constant 1 : i32
    %dma_start3A_89 = arith.constant 1 : i32
    %dma_start3A_90 = arith.constant 0 : i32
    %dma_start3A_91 = arith.constant 0 : i32
    %dma_start3A_92 = tpu.memref_slice %arg9[%dma_start3A_88, %dma_start3A_90, %dma_start3A_91] : memref<10x128x40xf32, #tpu.memory_space<vmem>> -> memref<1x128x40xf32, #tpu.memory_space<vmem>>
    %dma_start3A_93 = tpu.memref_squeeze %dma_start3A_92 : memref<1x128x40xf32, #tpu.memory_space<vmem>> -> memref<128x40xf32, #tpu.memory_space<vmem>>
    %dma_start3A_94 = arith.constant 0 : i32
    %dma_start3A_95 = tpu.memref_slice %arg7[%dma_start3A_87, %dma_start3A_94] : memref<80x128xi32, #tpu.memory_space<vmem>> -> memref<1x128xi32, #tpu.memory_space<vmem>>
    %dma_start3A_96 = tpu.memref_squeeze %dma_start3A_95 : memref<1x128xi32, #tpu.memory_space<vmem>> -> memref<128xi32, #tpu.memory_space<vmem>>
    %dma_start3A_97 = arith.constant 0 : i32
    %dma_start3A_98 = arith.constant 0 : i32
    %dma_start3A_99 = tpu.memref_slice %arg10[%dma_start3A_97, %dma_start3A_98] : memref<10240x40xf32, #tpu.memory_space<vmem_shared>> -> memref<10240x40xf32, #tpu.memory_space<vmem_shared>>
    %dma_start3A_100 = tpu.memref_slice %arg12[%dma_start3A_89] : memref<10x!tpu.dma_semaphore, #tpu.memory_space<semaphore_mem>> -> memref<1x!tpu.dma_semaphore, #tpu.memory_space<semaphore_mem>>
    %dma_start3A_101 = tpu.memref_squeeze %dma_start3A_100 : memref<1x!tpu.dma_semaphore, #tpu.memory_space<semaphore_mem>> -> memref<!tpu.dma_semaphore, #tpu.memory_space<semaphore_mem>>
    tpu.enqueue_indirect_dma source(%dma_start3A_99 : memref<10240x40xf32, #tpu.memory_space<vmem_shared>>) target(%dma_start3A_93 : memref<128x40xf32, #tpu.memory_space<vmem>>) offsets(%dma_start3A_96 : memref<128xi32, #tpu.memory_space<vmem>>) semaphore(%dma_start3A_101 : memref<!tpu.dma_semaphore, #tpu.memory_space<semaphore_mem>>)
    %dma_start3A_102 = arith.constant 2 : i32
    %dma_start3A_103 = arith.constant 2 : i32
    %dma_start3A_104 = arith.constant 2 : i32
    %dma_start3A_105 = arith.constant 0 : i32
    %dma_start3A_106 = arith.constant 0 : i32
    %dma_start3A_107 = tpu.memref_slice %arg9[%dma_start3A_103, %dma_start3A_105, %dma_start3A_106] : memref<10x128x40xf32, #tpu.memory_space<vmem>> -> memref<1x128x40xf32, #tpu.memory_space<vmem>>
    %dma_start3A_108 = tpu.memref_squeeze %dma_start3A_107 : memref<1x128x40xf32, #tpu.memory_space<vmem>> -> memref<128x40xf32, #tpu.memory_space<vmem>>
    %dma_start3A_109 = arith.constant 0 : i32
    %dma_start3A_110 = tpu.memref_slice %arg7[%dma_start3A_102, %dma_start3A_109] : memref<80x128xi32, #tpu.memory_space<vmem>> -> memref<1x128xi32, #tpu.memory_space<vmem>>
    %dma_start3A_111 = tpu.memref_squeeze %dma_start3A_110 : memref<1x128xi32, #tpu.memory_space<vmem>> -> memref<128xi32, #tpu.memory_space<vmem>>
    %dma_start3A_112 = arith.constant 0 : i32
    %dma_start3A_113 = arith.constant 0 : i32
    %dma_start3A_114 = tpu.memref_slice %arg10[%dma_start3A_112, %dma_start3A_113] : memref<10240x40xf32, #tpu.memory_space<vmem_shared>> -> memref<10240x40xf32, #tpu.memory_space<vmem_shared>>
    %dma_start3A_115 = tpu.memref_slice %arg12[%dma_start3A_104] : memref<10x!tpu.dma_semaphore, #tpu.memory_space<semaphore_mem>> -> memref<1x!tpu.dma_semaphore, #tpu.memory_space<semaphore_mem>>
    %dma_start3A_116 = tpu.memref_squeeze %dma_start3A_115 : memref<1x!tpu.dma_semaphore, #tpu.memory_space<semaphore_mem>> -> memref<!tpu.dma_semaphore, #tpu.memory_space<semaphore_mem>>
    tpu.enqueue_indirect_dma source(%dma_start3A_114 : memref<10240x40xf32, #tpu.memory_space<vmem_shared>>) target(%dma_start3A_108 : memref<128x40xf32, #tpu.memory_space<vmem>>) offsets(%dma_start3A_111 : memref<128xi32, #tpu.memory_space<vmem>>) semaphore(%dma_start3A_116 : memref<!tpu.dma_semaphore, #tpu.memory_space<semaphore_mem>>)
    %dma_start3A_117 = arith.constant 3 : i32
    %dma_start3A_118 = arith.constant 3 : i32
    %dma_start3A_119 = arith.constant 3 : i32
    %dma_start3A_120 = arith.constant 0 : i32
    %dma_start3A_121 = arith.constant 0 : i32
    %dma_start3A_122 = tpu.memref_slice %arg9[%dma_start3A_118, %dma_start3A_120, %dma_start3A_121] : memref<10x128x40xf32, #tpu.memory_space<vmem>> -> memref<1x128x40xf32, #tpu.memory_space<vmem>>
    %dma_start3A_123 = tpu.memref_squeeze %dma_start3A_122 : memref<1x128x40xf32, #tpu.memory_space<vmem>> -> memref<128x40xf32, #tpu.memory_space<vmem>>
    %dma_start3A_124 = arith.constant 0 : i32
    %dma_start3A_125 = tpu.memref_slice %arg7[%dma_start3A_117, %dma_start3A_124] : memref<80x128xi32, #tpu.memory_space<vmem>> -> memref<1x128xi32, #tpu.memory_space<vmem>>
    %dma_start3A_126 = tpu.memref_squeeze %dma_start3A_125 : memref<1x128xi32, #tpu.memory_space<vmem>> -> memref<128xi32, #tpu.memory_space<vmem>>
    %dma_start3A_127 = arith.constant 0 : i32
    %dma_start3A_128 = arith.constant 0 : i32
    %dma_start3A_129 = tpu.memref_slice %arg10[%dma_start3A_127, %dma_start3A_128] : memref<10240x40xf32, #tpu.memory_space<vmem_shared>> -> memref<10240x40xf32, #tpu.memory_space<vmem_shared>>
    %dma_start3A_130 = tpu.memref_slice %arg12[%dma_start3A_119] : memref<10x!tpu.dma_semaphore, #tpu.memory_space<semaphore_mem>> -> memref<1x!tpu.dma_semaphore, #tpu.memory_space<semaphore_mem>>
    %dma_start3A_131 = tpu.memref_squeeze %dma_start3A_130 : memref<1x!tpu.dma_semaphore, #tpu.memory_space<semaphore_mem>> -> memref<!tpu.dma_semaphore, #tpu.memory_space<semaphore_mem>>
    tpu.enqueue_indirect_dma source(%dma_start3A_129 : memref<10240x40xf32, #tpu.memory_space<vmem_shared>>) target(%dma_start3A_123 : memref<128x40xf32, #tpu.memory_space<vmem>>) offsets(%dma_start3A_126 : memref<128xi32, #tpu.memory_space<vmem>>) semaphore(%dma_start3A_131 : memref<!tpu.dma_semaphore, #tpu.memory_space<semaphore_mem>>)
    %dma_start3A_132 = arith.constant 4 : i32
    %dma_start3A_133 = arith.constant 4 : i32
    %dma_start3A_134 = arith.constant 4 : i32
    %dma_start3A_135 = arith.constant 0 : i32
    %dma_start3A_136 = arith.constant 0 : i32
    %dma_start3A_137 = tpu.memref_slice %arg9[%dma_start3A_133, %dma_start3A_135, %dma_start3A_136] : memref<10x128x40xf32, #tpu.memory_space<vmem>> -> memref<1x128x40xf32, #tpu.memory_space<vmem>>
    %dma_start3A_138 = tpu.memref_squeeze %dma_start3A_137 : memref<1x128x40xf32, #tpu.memory_space<vmem>> -> memref<128x40xf32, #tpu.memory_space<vmem>>
    %dma_start3A_139 = arith.constant 0 : i32
    %dma_start3A_140 = tpu.memref_slice %arg7[%dma_start3A_132, %dma_start3A_139] : memref<80x128xi32, #tpu.memory_space<vmem>> -> memref<1x128xi32, #tpu.memory_space<vmem>>
    %dma_start3A_141 = tpu.memref_squeeze %dma_start3A_140 : memref<1x128xi32, #tpu.memory_space<vmem>> -> memref<128xi32, #tpu.memory_space<vmem>>
    %dma_start3A_142 = arith.constant 0 : i32
    %dma_start3A_143 = arith.constant 0 : i32
    %dma_start3A_144 = tpu.memref_slice %arg10[%dma_start3A_142, %dma_start3A_143] : memref<10240x40xf32, #tpu.memory_space<vmem_shared>> -> memref<10240x40xf32, #tpu.memory_space<vmem_shared>>
    %dma_start3A_145 = tpu.memref_slice %arg12[%dma_start3A_134] : memref<10x!tpu.dma_semaphore, #tpu.memory_space<semaphore_mem>> -> memref<1x!tpu.dma_semaphore, #tpu.memory_space<semaphore_mem>>
    %dma_start3A_146 = tpu.memref_squeeze %dma_start3A_145 : memref<1x!tpu.dma_semaphore, #tpu.memory_space<semaphore_mem>> -> memref<!tpu.dma_semaphore, #tpu.memory_space<semaphore_mem>>
    tpu.enqueue_indirect_dma source(%dma_start3A_144 : memref<10240x40xf32, #tpu.memory_space<vmem_shared>>) target(%dma_start3A_138 : memref<128x40xf32, #tpu.memory_space<vmem>>) offsets(%dma_start3A_141 : memref<128xi32, #tpu.memory_space<vmem>>) semaphore(%dma_start3A_146 : memref<!tpu.dma_semaphore, #tpu.memory_space<semaphore_mem>>)
    %scan3A = arith.constant 0 : i32
    %scan3A_147 = arith.constant 8 : i32
    %scan3A_148 = arith.addi %scan3A, %scan3A_147 : i32
    %scan3A_149 = arith.constant 1 : i32
    scf.for %scan3A_302 = %scan3A to %scan3A_148 step %scan3A_149  : i32 {
      %mul3A_303 = arith.constant 10 : i32
      %mul3A_304 = arith.muli %scan3A_302, %mul3A_303 : i32
      %add3A_305 = arith.constant 0 : i32
      %add3A_306 = arith.addi %add3A_305, %mul3A_304 : i32
      %add3A_307 = arith.constant 0 : i32
      %add3A_308 = arith.addi %add3A_306, %add3A_307 : i32
      %add3A_309 = arith.constant 5 : i32
      %add3A_310 = arith.addi %add3A_308, %add3A_309 : i32
      %lt3A = arith.constant 80 : i32
      %lt3A_311 = arith.cmpi slt, %add3A_310, %lt3A : i32
      %convert_element_type3A_312 = arith.extui %lt3A_311 : i1 to i32
      %cond3A_313 = arith.constant 0 : i32
      %cond3A_314 = arith.cmpi ne, %convert_element_type3A_312, %cond3A_313 : i32
      scf.if %cond3A_314 {
        %ge3A = arith.constant 10 : i32
        %ge3A_676 = arith.cmpi sge, %add3A_310, %ge3A : i32
        %convert_element_type3A_677 = arith.extui %ge3A_676 : i1 to i32
        %cond3A_678 = arith.constant 0 : i32
        %cond3A_679 = arith.cmpi ne, %convert_element_type3A_677, %cond3A_678 : i32
        scf.if %cond3A_679 {
          %sub3A = arith.constant 10 : i32
          %sub3A_694 = arith.subi %add3A_310, %sub3A : i32
          %dma_wait3A_695 = arith.constant 5 : i32
          %dma_wait3A_696 = arith.constant 5 : i32
          %dma_wait3A_697 = arith.constant 0 : i32
          %dma_wait3A_698 = arith.constant 0 : i32
          %dma_wait3A_699 = tpu.memref_slice %arg9[%dma_wait3A_695, %dma_wait3A_697, %dma_wait3A_698] : memref<10x128x40xf32, #tpu.memory_space<vmem>> -> memref<1x128x40xf32, #tpu.memory_space<vmem>>
          %dma_wait3A_700 = tpu.memref_squeeze %dma_wait3A_699 : memref<1x128x40xf32, #tpu.memory_space<vmem>> -> memref<128x40xf32, #tpu.memory_space<vmem>>
          %dma_wait3A_701 = arith.constant 0 : i32
          %dma_wait3A_702 = tpu.memref_slice %arg8[%sub3A_694, %dma_wait3A_701] : memref<80x128xi32, #tpu.memory_space<vmem>> -> memref<1x128xi32, #tpu.memory_space<vmem>>
          %dma_wait3A_703 = tpu.memref_squeeze %dma_wait3A_702 : memref<1x128xi32, #tpu.memory_space<vmem>> -> memref<128xi32, #tpu.memory_space<vmem>>
          %dma_wait3A_704 = arith.constant 0 : i32
          %dma_wait3A_705 = arith.constant 0 : i32
          %dma_wait3A_706 = tpu.memref_slice %arg11[%dma_wait3A_704, %dma_wait3A_705] : memref<10240x40xf32, #tpu.memory_space<vmem_shared>> -> memref<10240x40xf32, #tpu.memory_space<vmem_shared>>
          %dma_wait3A_707 = tpu.memref_slice %arg13[%dma_wait3A_696] : memref<10x!tpu.dma_semaphore, #tpu.memory_space<semaphore_mem>> -> memref<1x!tpu.dma_semaphore, #tpu.memory_space<semaphore_mem>>
          %dma_wait3A_708 = tpu.memref_squeeze %dma_wait3A_707 : memref<1x!tpu.dma_semaphore, #tpu.memory_space<semaphore_mem>> -> memref<!tpu.dma_semaphore, #tpu.memory_space<semaphore_mem>>
          tpu.wait_indirect_dma semaphore(%dma_wait3A_708 : memref<!tpu.dma_semaphore, #tpu.memory_space<semaphore_mem>>) src(%dma_wait3A_700 : memref<128x40xf32, #tpu.memory_space<vmem>>) dst(%dma_wait3A_706 : memref<10240x40xf32, #tpu.memory_space<vmem_shared>>)
        } else {
        }
        %dma_start3A_680 = arith.constant 5 : i32
        %dma_start3A_681 = arith.constant 5 : i32
        %dma_start3A_682 = arith.constant 0 : i32
        %dma_start3A_683 = arith.constant 0 : i32
        %dma_start3A_684 = tpu.memref_slice %arg9[%dma_start3A_680, %dma_start3A_682, %dma_start3A_683] : memref<10x128x40xf32, #tpu.memory_space<vmem>> -> memref<1x128x40xf32, #tpu.memory_space<vmem>>
        %dma_start3A_685 = tpu.memref_squeeze %dma_start3A_684 : memref<1x128x40xf32, #tpu.memory_space<vmem>> -> memref<128x40xf32, #tpu.memory_space<vmem>>
        %dma_start3A_686 = arith.constant 0 : i32
        %dma_start3A_687 = tpu.memref_slice %arg7[%add3A_310, %dma_start3A_686] : memref<80x128xi32, #tpu.memory_space<vmem>> -> memref<1x128xi32, #tpu.memory_space<vmem>>
        %dma_start3A_688 = tpu.memref_squeeze %dma_start3A_687 : memref<1x128xi32, #tpu.memory_space<vmem>> -> memref<128xi32, #tpu.memory_space<vmem>>
        %dma_start3A_689 = arith.constant 0 : i32
        %dma_start3A_690 = arith.constant 0 : i32
        %dma_start3A_691 = tpu.memref_slice %arg10[%dma_start3A_689, %dma_start3A_690] : memref<10240x40xf32, #tpu.memory_space<vmem_shared>> -> memref<10240x40xf32, #tpu.memory_space<vmem_shared>>
        %dma_start3A_692 = tpu.memref_slice %arg12[%dma_start3A_681] : memref<10x!tpu.dma_semaphore, #tpu.memory_space<semaphore_mem>> -> memref<1x!tpu.dma_semaphore, #tpu.memory_space<semaphore_mem>>
        %dma_start3A_693 = tpu.memref_squeeze %dma_start3A_692 : memref<1x!tpu.dma_semaphore, #tpu.memory_space<semaphore_mem>> -> memref<!tpu.dma_semaphore, #tpu.memory_space<semaphore_mem>>
        tpu.enqueue_indirect_dma source(%dma_start3A_691 : memref<10240x40xf32, #tpu.memory_space<vmem_shared>>) target(%dma_start3A_685 : memref<128x40xf32, #tpu.memory_space<vmem>>) offsets(%dma_start3A_688 : memref<128xi32, #tpu.memory_space<vmem>>) semaphore(%dma_start3A_693 : memref<!tpu.dma_semaphore, #tpu.memory_space<semaphore_mem>>)
      } else {
      }
      %dma_wait3A_315 = arith.constant 0 : i32
      %dma_wait3A_316 = arith.constant 0 : i32
      %dma_wait3A_317 = arith.constant 0 : i32
      %dma_wait3A_318 = arith.constant 0 : i32
      %dma_wait3A_319 = tpu.memref_slice %arg9[%dma_wait3A_315, %dma_wait3A_317, %dma_wait3A_318] : memref<10x128x40xf32, #tpu.memory_space<vmem>> -> memref<1x128x40xf32, #tpu.memory_space<vmem>>
      %dma_wait3A_320 = tpu.memref_squeeze %dma_wait3A_319 : memref<1x128x40xf32, #tpu.memory_space<vmem>> -> memref<128x40xf32, #tpu.memory_space<vmem>>
      %dma_wait3A_321 = arith.constant 0 : i32
      %dma_wait3A_322 = tpu.memref_slice %arg7[%add3A_308, %dma_wait3A_321] : memref<80x128xi32, #tpu.memory_space<vmem>> -> memref<1x128xi32, #tpu.memory_space<vmem>>
      %dma_wait3A_323 = tpu.memref_squeeze %dma_wait3A_322 : memref<1x128xi32, #tpu.memory_space<vmem>> -> memref<128xi32, #tpu.memory_space<vmem>>
      %dma_wait3A_324 = arith.constant 0 : i32
      %dma_wait3A_325 = arith.constant 0 : i32
      %dma_wait3A_326 = tpu.memref_slice %arg10[%dma_wait3A_324, %dma_wait3A_325] : memref<10240x40xf32, #tpu.memory_space<vmem_shared>> -> memref<10240x40xf32, #tpu.memory_space<vmem_shared>>
      %dma_wait3A_327 = tpu.memref_slice %arg12[%dma_wait3A_316] : memref<10x!tpu.dma_semaphore, #tpu.memory_space<semaphore_mem>> -> memref<1x!tpu.dma_semaphore, #tpu.memory_space<semaphore_mem>>
      %dma_wait3A_328 = tpu.memref_squeeze %dma_wait3A_327 : memref<1x!tpu.dma_semaphore, #tpu.memory_space<semaphore_mem>> -> memref<!tpu.dma_semaphore, #tpu.memory_space<semaphore_mem>>
      tpu.wait_indirect_dma semaphore(%dma_wait3A_328 : memref<!tpu.dma_semaphore, #tpu.memory_space<semaphore_mem>>) src(%dma_wait3A_326 : memref<10240x40xf32, #tpu.memory_space<vmem_shared>>) dst(%dma_wait3A_320 : memref<128x40xf32, #tpu.memory_space<vmem>>)
      %dma_start3A_329 = arith.constant 0 : i32
      %dma_start3A_330 = arith.constant 0 : i32
      %dma_start3A_331 = arith.constant 0 : i32
      %dma_start3A_332 = arith.constant 0 : i32
      %dma_start3A_333 = tpu.memref_slice %arg9[%dma_start3A_329, %dma_start3A_331, %dma_start3A_332] : memref<10x128x40xf32, #tpu.memory_space<vmem>> -> memref<1x128x40xf32, #tpu.memory_space<vmem>>
      %dma_start3A_334 = tpu.memref_squeeze %dma_start3A_333 : memref<1x128x40xf32, #tpu.memory_space<vmem>> -> memref<128x40xf32, #tpu.memory_space<vmem>>
      %dma_start3A_335 = arith.constant 0 : i32
      %dma_start3A_336 = tpu.memref_slice %arg8[%add3A_308, %dma_start3A_335] : memref<80x128xi32, #tpu.memory_space<vmem>> -> memref<1x128xi32, #tpu.memory_space<vmem>>
      %dma_start3A_337 = tpu.memref_squeeze %dma_start3A_336 : memref<1x128xi32, #tpu.memory_space<vmem>> -> memref<128xi32, #tpu.memory_space<vmem>>
      %dma_start3A_338 = arith.constant 0 : i32
      %dma_start3A_339 = arith.constant 0 : i32
      %dma_start3A_340 = tpu.memref_slice %arg11[%dma_start3A_338, %dma_start3A_339] : memref<10240x40xf32, #tpu.memory_space<vmem_shared>> -> memref<10240x40xf32, #tpu.memory_space<vmem_shared>>
      %dma_start3A_341 = tpu.memref_slice %arg13[%dma_start3A_330] : memref<10x!tpu.dma_semaphore, #tpu.memory_space<semaphore_mem>> -> memref<1x!tpu.dma_semaphore, #tpu.memory_space<semaphore_mem>>
      %dma_start3A_342 = tpu.memref_squeeze %dma_start3A_341 : memref<1x!tpu.dma_semaphore, #tpu.memory_space<semaphore_mem>> -> memref<!tpu.dma_semaphore, #tpu.memory_space<semaphore_mem>>
      tpu.enqueue_indirect_dma source(%dma_start3A_334 : memref<128x40xf32, #tpu.memory_space<vmem>>) target(%dma_start3A_340 : memref<10240x40xf32, #tpu.memory_space<vmem_shared>>) offsets(%dma_start3A_337 : memref<128xi32, #tpu.memory_space<vmem>>) semaphore(%dma_start3A_342 : memref<!tpu.dma_semaphore, #tpu.memory_space<semaphore_mem>>) {add = true}
      %add3A_343 = arith.constant 1 : i32
      %add3A_344 = arith.addi %add3A_306, %add3A_343 : i32
      %add3A_345 = arith.constant 5 : i32
      %add3A_346 = arith.addi %add3A_344, %add3A_345 : i32
      %lt3A_347 = arith.constant 80 : i32
      %lt3A_348 = arith.cmpi slt, %add3A_346, %lt3A_347 : i32
      %convert_element_type3A_349 = arith.extui %lt3A_348 : i1 to i32
      %cond3A_350 = arith.constant 0 : i32
      %cond3A_351 = arith.cmpi ne, %convert_element_type3A_349, %cond3A_350 : i32
      scf.if %cond3A_351 {
        %ge3A = arith.constant 10 : i32
        %ge3A_676 = arith.cmpi sge, %add3A_346, %ge3A : i32
        %convert_element_type3A_677 = arith.extui %ge3A_676 : i1 to i32
        %cond3A_678 = arith.constant 0 : i32
        %cond3A_679 = arith.cmpi ne, %convert_element_type3A_677, %cond3A_678 : i32
        scf.if %cond3A_679 {
          %sub3A = arith.constant 10 : i32
          %sub3A_694 = arith.subi %add3A_346, %sub3A : i32
          %dma_wait3A_695 = arith.constant 6 : i32
          %dma_wait3A_696 = arith.constant 6 : i32
          %dma_wait3A_697 = arith.constant 0 : i32
          %dma_wait3A_698 = arith.constant 0 : i32
          %dma_wait3A_699 = tpu.memref_slice %arg9[%dma_wait3A_695, %dma_wait3A_697, %dma_wait3A_698] : memref<10x128x40xf32, #tpu.memory_space<vmem>> -> memref<1x128x40xf32, #tpu.memory_space<vmem>>
          %dma_wait3A_700 = tpu.memref_squeeze %dma_wait3A_699 : memref<1x128x40xf32, #tpu.memory_space<vmem>> -> memref<128x40xf32, #tpu.memory_space<vmem>>
          %dma_wait3A_701 = arith.constant 0 : i32
          %dma_wait3A_702 = tpu.memref_slice %arg8[%sub3A_694, %dma_wait3A_701] : memref<80x128xi32, #tpu.memory_space<vmem>> -> memref<1x128xi32, #tpu.memory_space<vmem>>
          %dma_wait3A_703 = tpu.memref_squeeze %dma_wait3A_702 : memref<1x128xi32, #tpu.memory_space<vmem>> -> memref<128xi32, #tpu.memory_space<vmem>>
          %dma_wait3A_704 = arith.constant 0 : i32
          %dma_wait3A_705 = arith.constant 0 : i32
          %dma_wait3A_706 = tpu.memref_slice %arg11[%dma_wait3A_704, %dma_wait3A_705] : memref<10240x40xf32, #tpu.memory_space<vmem_shared>> -> memref<10240x40xf32, #tpu.memory_space<vmem_shared>>
          %dma_wait3A_707 = tpu.memref_slice %arg13[%dma_wait3A_696] : memref<10x!tpu.dma_semaphore, #tpu.memory_space<semaphore_mem>> -> memref<1x!tpu.dma_semaphore, #tpu.memory_space<semaphore_mem>>
          %dma_wait3A_708 = tpu.memref_squeeze %dma_wait3A_707 : memref<1x!tpu.dma_semaphore, #tpu.memory_space<semaphore_mem>> -> memref<!tpu.dma_semaphore, #tpu.memory_space<semaphore_mem>>
          tpu.wait_indirect_dma semaphore(%dma_wait3A_708 : memref<!tpu.dma_semaphore, #tpu.memory_space<semaphore_mem>>) src(%dma_wait3A_700 : memref<128x40xf32, #tpu.memory_space<vmem>>) dst(%dma_wait3A_706 : memref<10240x40xf32, #tpu.memory_space<vmem_shared>>)
        } else {
        }
        %dma_start3A_680 = arith.constant 6 : i32
        %dma_start3A_681 = arith.constant 6 : i32
        %dma_start3A_682 = arith.constant 0 : i32
        %dma_start3A_683 = arith.constant 0 : i32
        %dma_start3A_684 = tpu.memref_slice %arg9[%dma_start3A_680, %dma_start3A_682, %dma_start3A_683] : memref<10x128x40xf32, #tpu.memory_space<vmem>> -> memref<1x128x40xf32, #tpu.memory_space<vmem>>
        %dma_start3A_685 = tpu.memref_squeeze %dma_start3A_684 : memref<1x128x40xf32, #tpu.memory_space<vmem>> -> memref<128x40xf32, #tpu.memory_space<vmem>>
        %dma_start3A_686 = arith.constant 0 : i32
        %dma_start3A_687 = tpu.memref_slice %arg7[%add3A_346, %dma_start3A_686] : memref<80x128xi32, #tpu.memory_space<vmem>> -> memref<1x128xi32, #tpu.memory_space<vmem>>
        %dma_start3A_688 = tpu.memref_squeeze %dma_start3A_687 : memref<1x128xi32, #tpu.memory_space<vmem>> -> memref<128xi32, #tpu.memory_space<vmem>>
        %dma_start3A_689 = arith.constant 0 : i32
        %dma_start3A_690 = arith.constant 0 : i32
        %dma_start3A_691 = tpu.memref_slice %arg10[%dma_start3A_689, %dma_start3A_690] : memref<10240x40xf32, #tpu.memory_space<vmem_shared>> -> memref<10240x40xf32, #tpu.memory_space<vmem_shared>>
        %dma_start3A_692 = tpu.memref_slice %arg12[%dma_start3A_681] : memref<10x!tpu.dma_semaphore, #tpu.memory_space<semaphore_mem>> -> memref<1x!tpu.dma_semaphore, #tpu.memory_space<semaphore_mem>>
        %dma_start3A_693 = tpu.memref_squeeze %dma_start3A_692 : memref<1x!tpu.dma_semaphore, #tpu.memory_space<semaphore_mem>> -> memref<!tpu.dma_semaphore, #tpu.memory_space<semaphore_mem>>
        tpu.enqueue_indirect_dma source(%dma_start3A_691 : memref<10240x40xf32, #tpu.memory_space<vmem_shared>>) target(%dma_start3A_685 : memref<128x40xf32, #tpu.memory_space<vmem>>) offsets(%dma_start3A_688 : memref<128xi32, #tpu.memory_space<vmem>>) semaphore(%dma_start3A_693 : memref<!tpu.dma_semaphore, #tpu.memory_space<semaphore_mem>>)
      } else {
      }
      %dma_wait3A_352 = arith.constant 1 : i32
      %dma_wait3A_353 = arith.constant 1 : i32
      %dma_wait3A_354 = arith.constant 0 : i32
      %dma_wait3A_355 = arith.constant 0 : i32
      %dma_wait3A_356 = tpu.memref_slice %arg9[%dma_wait3A_352, %dma_wait3A_354, %dma_wait3A_355] : memref<10x128x40xf32, #tpu.memory_space<vmem>> -> memref<1x128x40xf32, #tpu.memory_space<vmem>>
      %dma_wait3A_357 = tpu.memref_squeeze %dma_wait3A_356 : memref<1x128x40xf32, #tpu.memory_space<vmem>> -> memref<128x40xf32, #tpu.memory_space<vmem>>
      %dma_wait3A_358 = arith.constant 0 : i32
      %dma_wait3A_359 = tpu.memref_slice %arg7[%add3A_344, %dma_wait3A_358] : memref<80x128xi32, #tpu.memory_space<vmem>> -> memref<1x128xi32, #tpu.memory_space<vmem>>
      %dma_wait3A_360 = tpu.memref_squeeze %dma_wait3A_359 : memref<1x128xi32, #tpu.memory_space<vmem>> -> memref<128xi32, #tpu.memory_space<vmem>>
      %dma_wait3A_361 = arith.constant 0 : i32
      %dma_wait3A_362 = arith.constant 0 : i32
      %dma_wait3A_363 = tpu.memref_slice %arg10[%dma_wait3A_361, %dma_wait3A_362] : memref<10240x40xf32, #tpu.memory_space<vmem_shared>> -> memref<10240x40xf32, #tpu.memory_space<vmem_shared>>
      %dma_wait3A_364 = tpu.memref_slice %arg12[%dma_wait3A_353] : memref<10x!tpu.dma_semaphore, #tpu.memory_space<semaphore_mem>> -> memref<1x!tpu.dma_semaphore, #tpu.memory_space<semaphore_mem>>
      %dma_wait3A_365 = tpu.memref_squeeze %dma_wait3A_364 : memref<1x!tpu.dma_semaphore, #tpu.memory_space<semaphore_mem>> -> memref<!tpu.dma_semaphore, #tpu.memory_space<semaphore_mem>>
      tpu.wait_indirect_dma semaphore(%dma_wait3A_365 : memref<!tpu.dma_semaphore, #tpu.memory_space<semaphore_mem>>) src(%dma_wait3A_363 : memref<10240x40xf32, #tpu.memory_space<vmem_shared>>) dst(%dma_wait3A_357 : memref<128x40xf32, #tpu.memory_space<vmem>>)
      %dma_start3A_366 = arith.constant 1 : i32
      %dma_start3A_367 = arith.constant 1 : i32
      %dma_start3A_368 = arith.constant 0 : i32
      %dma_start3A_369 = arith.constant 0 : i32
      %dma_start3A_370 = tpu.memref_slice %arg9[%dma_start3A_366, %dma_start3A_368, %dma_start3A_369] : memref<10x128x40xf32, #tpu.memory_space<vmem>> -> memref<1x128x40xf32, #tpu.memory_space<vmem>>
      %dma_start3A_371 = tpu.memref_squeeze %dma_start3A_370 : memref<1x128x40xf32, #tpu.memory_space<vmem>> -> memref<128x40xf32, #tpu.memory_space<vmem>>
      %dma_start3A_372 = arith.constant 0 : i32
      %dma_start3A_373 = tpu.memref_slice %arg8[%add3A_344, %dma_start3A_372] : memref<80x128xi32, #tpu.memory_space<vmem>> -> memref<1x128xi32, #tpu.memory_space<vmem>>
      %dma_start3A_374 = tpu.memref_squeeze %dma_start3A_373 : memref<1x128xi32, #tpu.memory_space<vmem>> -> memref<128xi32, #tpu.memory_space<vmem>>
      %dma_start3A_375 = arith.constant 0 : i32
      %dma_start3A_376 = arith.constant 0 : i32
      %dma_start3A_377 = tpu.memref_slice %arg11[%dma_start3A_375, %dma_start3A_376] : memref<10240x40xf32, #tpu.memory_space<vmem_shared>> -> memref<10240x40xf32, #tpu.memory_space<vmem_shared>>
      %dma_start3A_378 = tpu.memref_slice %arg13[%dma_start3A_367] : memref<10x!tpu.dma_semaphore, #tpu.memory_space<semaphore_mem>> -> memref<1x!tpu.dma_semaphore, #tpu.memory_space<semaphore_mem>>
      %dma_start3A_379 = tpu.memref_squeeze %dma_start3A_378 : memref<1x!tpu.dma_semaphore, #tpu.memory_space<semaphore_mem>> -> memref<!tpu.dma_semaphore, #tpu.memory_space<semaphore_mem>>
      tpu.enqueue_indirect_dma source(%dma_start3A_371 : memref<128x40xf32, #tpu.memory_space<vmem>>) target(%dma_start3A_377 : memref<10240x40xf32, #tpu.memory_space<vmem_shared>>) offsets(%dma_start3A_374 : memref<128xi32, #tpu.memory_space<vmem>>) semaphore(%dma_start3A_379 : memref<!tpu.dma_semaphore, #tpu.memory_space<semaphore_mem>>) {add = true}
      %add3A_380 = arith.constant 2 : i32
      %add3A_381 = arith.addi %add3A_306, %add3A_380 : i32
      %add3A_382 = arith.constant 5 : i32
      %add3A_383 = arith.addi %add3A_381, %add3A_382 : i32
      %lt3A_384 = arith.constant 80 : i32
      %lt3A_385 = arith.cmpi slt, %add3A_383, %lt3A_384 : i32
      %convert_element_type3A_386 = arith.extui %lt3A_385 : i1 to i32
      %cond3A_387 = arith.constant 0 : i32
      %cond3A_388 = arith.cmpi ne, %convert_element_type3A_386, %cond3A_387 : i32
      scf.if %cond3A_388 {
        %ge3A = arith.constant 10 : i32
        %ge3A_676 = arith.cmpi sge, %add3A_383, %ge3A : i32
        %convert_element_type3A_677 = arith.extui %ge3A_676 : i1 to i32
        %cond3A_678 = arith.constant 0 : i32
        %cond3A_679 = arith.cmpi ne, %convert_element_type3A_677, %cond3A_678 : i32
        scf.if %cond3A_679 {
          %sub3A = arith.constant 10 : i32
          %sub3A_694 = arith.subi %add3A_383, %sub3A : i32
          %dma_wait3A_695 = arith.constant 7 : i32
          %dma_wait3A_696 = arith.constant 7 : i32
          %dma_wait3A_697 = arith.constant 0 : i32
          %dma_wait3A_698 = arith.constant 0 : i32
          %dma_wait3A_699 = tpu.memref_slice %arg9[%dma_wait3A_695, %dma_wait3A_697, %dma_wait3A_698] : memref<10x128x40xf32, #tpu.memory_space<vmem>> -> memref<1x128x40xf32, #tpu.memory_space<vmem>>
          %dma_wait3A_700 = tpu.memref_squeeze %dma_wait3A_699 : memref<1x128x40xf32, #tpu.memory_space<vmem>> -> memref<128x40xf32, #tpu.memory_space<vmem>>
          %dma_wait3A_701 = arith.constant 0 : i32
          %dma_wait3A_702 = tpu.memref_slice %arg8[%sub3A_694, %dma_wait3A_701] : memref<80x128xi32, #tpu.memory_space<vmem>> -> memref<1x128xi32, #tpu.memory_space<vmem>>
          %dma_wait3A_703 = tpu.memref_squeeze %dma_wait3A_702 : memref<1x128xi32, #tpu.memory_space<vmem>> -> memref<128xi32, #tpu.memory_space<vmem>>
          %dma_wait3A_704 = arith.constant 0 : i32
          %dma_wait3A_705 = arith.constant 0 : i32
          %dma_wait3A_706 = tpu.memref_slice %arg11[%dma_wait3A_704, %dma_wait3A_705] : memref<10240x40xf32, #tpu.memory_space<vmem_shared>> -> memref<10240x40xf32, #tpu.memory_space<vmem_shared>>
          %dma_wait3A_707 = tpu.memref_slice %arg13[%dma_wait3A_696] : memref<10x!tpu.dma_semaphore, #tpu.memory_space<semaphore_mem>> -> memref<1x!tpu.dma_semaphore, #tpu.memory_space<semaphore_mem>>
          %dma_wait3A_708 = tpu.memref_squeeze %dma_wait3A_707 : memref<1x!tpu.dma_semaphore, #tpu.memory_space<semaphore_mem>> -> memref<!tpu.dma_semaphore, #tpu.memory_space<semaphore_mem>>
          tpu.wait_indirect_dma semaphore(%dma_wait3A_708 : memref<!tpu.dma_semaphore, #tpu.memory_space<semaphore_mem>>) src(%dma_wait3A_700 : memref<128x40xf32, #tpu.memory_space<vmem>>) dst(%dma_wait3A_706 : memref<10240x40xf32, #tpu.memory_space<vmem_shared>>)
        } else {
        }
        %dma_start3A_680 = arith.constant 7 : i32
        %dma_start3A_681 = arith.constant 7 : i32
        %dma_start3A_682 = arith.constant 0 : i32
        %dma_start3A_683 = arith.constant 0 : i32
        %dma_start3A_684 = tpu.memref_slice %arg9[%dma_start3A_680, %dma_start3A_682, %dma_start3A_683] : memref<10x128x40xf32, #tpu.memory_space<vmem>> -> memref<1x128x40xf32, #tpu.memory_space<vmem>>
        %dma_start3A_685 = tpu.memref_squeeze %dma_start3A_684 : memref<1x128x40xf32, #tpu.memory_space<vmem>> -> memref<128x40xf32, #tpu.memory_space<vmem>>
        %dma_start3A_686 = arith.constant 0 : i32
        %dma_start3A_687 = tpu.memref_slice %arg7[%add3A_383, %dma_start3A_686] : memref<80x128xi32, #tpu.memory_space<vmem>> -> memref<1x128xi32, #tpu.memory_space<vmem>>
        %dma_start3A_688 = tpu.memref_squeeze %dma_start3A_687 : memref<1x128xi32, #tpu.memory_space<vmem>> -> memref<128xi32, #tpu.memory_space<vmem>>
        %dma_start3A_689 = arith.constant 0 : i32
        %dma_start3A_690 = arith.constant 0 : i32
        %dma_start3A_691 = tpu.memref_slice %arg10[%dma_start3A_689, %dma_start3A_690] : memref<10240x40xf32, #tpu.memory_space<vmem_shared>> -> memref<10240x40xf32, #tpu.memory_space<vmem_shared>>
        %dma_start3A_692 = tpu.memref_slice %arg12[%dma_start3A_681] : memref<10x!tpu.dma_semaphore, #tpu.memory_space<semaphore_mem>> -> memref<1x!tpu.dma_semaphore, #tpu.memory_space<semaphore_mem>>
        %dma_start3A_693 = tpu.memref_squeeze %dma_start3A_692 : memref<1x!tpu.dma_semaphore, #tpu.memory_space<semaphore_mem>> -> memref<!tpu.dma_semaphore, #tpu.memory_space<semaphore_mem>>
        tpu.enqueue_indirect_dma source(%dma_start3A_691 : memref<10240x40xf32, #tpu.memory_space<vmem_shared>>) target(%dma_start3A_685 : memref<128x40xf32, #tpu.memory_space<vmem>>) offsets(%dma_start3A_688 : memref<128xi32, #tpu.memory_space<vmem>>) semaphore(%dma_start3A_693 : memref<!tpu.dma_semaphore, #tpu.memory_space<semaphore_mem>>)
      } else {
      }
      %dma_wait3A_389 = arith.constant 2 : i32
      %dma_wait3A_390 = arith.constant 2 : i32
      %dma_wait3A_391 = arith.constant 0 : i32
      %dma_wait3A_392 = arith.constant 0 : i32
      %dma_wait3A_393 = tpu.memref_slice %arg9[%dma_wait3A_389, %dma_wait3A_391, %dma_wait3A_392] : memref<10x128x40xf32, #tpu.memory_space<vmem>> -> memref<1x128x40xf32, #tpu.memory_space<vmem>>
      %dma_wait3A_394 = tpu.memref_squeeze %dma_wait3A_393 : memref<1x128x40xf32, #tpu.memory_space<vmem>> -> memref<128x40xf32, #tpu.memory_space<vmem>>
      %dma_wait3A_395 = arith.constant 0 : i32
      %dma_wait3A_396 = tpu.memref_slice %arg7[%add3A_381, %dma_wait3A_395] : memref<80x128xi32, #tpu.memory_space<vmem>> -> memref<1x128xi32, #tpu.memory_space<vmem>>
      %dma_wait3A_397 = tpu.memref_squeeze %dma_wait3A_396 : memref<1x128xi32, #tpu.memory_space<vmem>> -> memref<128xi32, #tpu.memory_space<vmem>>
      %dma_wait3A_398 = arith.constant 0 : i32
      %dma_wait3A_399 = arith.constant 0 : i32
      %dma_wait3A_400 = tpu.memref_slice %arg10[%dma_wait3A_398, %dma_wait3A_399] : memref<10240x40xf32, #tpu.memory_space<vmem_shared>> -> memref<10240x40xf32, #tpu.memory_space<vmem_shared>>
      %dma_wait3A_401 = tpu.memref_slice %arg12[%dma_wait3A_390] : memref<10x!tpu.dma_semaphore, #tpu.memory_space<semaphore_mem>> -> memref<1x!tpu.dma_semaphore, #tpu.memory_space<semaphore_mem>>
      %dma_wait3A_402 = tpu.memref_squeeze %dma_wait3A_401 : memref<1x!tpu.dma_semaphore, #tpu.memory_space<semaphore_mem>> -> memref<!tpu.dma_semaphore, #tpu.memory_space<semaphore_mem>>
      tpu.wait_indirect_dma semaphore(%dma_wait3A_402 : memref<!tpu.dma_semaphore, #tpu.memory_space<semaphore_mem>>) src(%dma_wait3A_400 : memref<10240x40xf32, #tpu.memory_space<vmem_shared>>) dst(%dma_wait3A_394 : memref<128x40xf32, #tpu.memory_space<vmem>>)
      %dma_start3A_403 = arith.constant 2 : i32
      %dma_start3A_404 = arith.constant 2 : i32
      %dma_start3A_405 = arith.constant 0 : i32
      %dma_start3A_406 = arith.constant 0 : i32
      %dma_start3A_407 = tpu.memref_slice %arg9[%dma_start3A_403, %dma_start3A_405, %dma_start3A_406] : memref<10x128x40xf32, #tpu.memory_space<vmem>> -> memref<1x128x40xf32, #tpu.memory_space<vmem>>
      %dma_start3A_408 = tpu.memref_squeeze %dma_start3A_407 : memref<1x128x40xf32, #tpu.memory_space<vmem>> -> memref<128x40xf32, #tpu.memory_space<vmem>>
      %dma_start3A_409 = arith.constant 0 : i32
      %dma_start3A_410 = tpu.memref_slice %arg8[%add3A_381, %dma_start3A_409] : memref<80x128xi32, #tpu.memory_space<vmem>> -> memref<1x128xi32, #tpu.memory_space<vmem>>
      %dma_start3A_411 = tpu.memref_squeeze %dma_start3A_410 : memref<1x128xi32, #tpu.memory_space<vmem>> -> memref<128xi32, #tpu.memory_space<vmem>>
      %dma_start3A_412 = arith.constant 0 : i32
      %dma_start3A_413 = arith.constant 0 : i32
      %dma_start3A_414 = tpu.memref_slice %arg11[%dma_start3A_412, %dma_start3A_413] : memref<10240x40xf32, #tpu.memory_space<vmem_shared>> -> memref<10240x40xf32, #tpu.memory_space<vmem_shared>>
      %dma_start3A_415 = tpu.memref_slice %arg13[%dma_start3A_404] : memref<10x!tpu.dma_semaphore, #tpu.memory_space<semaphore_mem>> -> memref<1x!tpu.dma_semaphore, #tpu.memory_space<semaphore_mem>>
      %dma_start3A_416 = tpu.memref_squeeze %dma_start3A_415 : memref<1x!tpu.dma_semaphore, #tpu.memory_space<semaphore_mem>> -> memref<!tpu.dma_semaphore, #tpu.memory_space<semaphore_mem>>
      tpu.enqueue_indirect_dma source(%dma_start3A_408 : memref<128x40xf32, #tpu.memory_space<vmem>>) target(%dma_start3A_414 : memref<10240x40xf32, #tpu.memory_space<vmem_shared>>) offsets(%dma_start3A_411 : memref<128xi32, #tpu.memory_space<vmem>>) semaphore(%dma_start3A_416 : memref<!tpu.dma_semaphore, #tpu.memory_space<semaphore_mem>>) {add = true}
      %add3A_417 = arith.constant 3 : i32
      %add3A_418 = arith.addi %add3A_306, %add3A_417 : i32
      %add3A_419 = arith.constant 5 : i32
      %add3A_420 = arith.addi %add3A_418, %add3A_419 : i32
      %lt3A_421 = arith.constant 80 : i32
      %lt3A_422 = arith.cmpi slt, %add3A_420, %lt3A_421 : i32
      %convert_element_type3A_423 = arith.extui %lt3A_422 : i1 to i32
      %cond3A_424 = arith.constant 0 : i32
      %cond3A_425 = arith.cmpi ne, %convert_element_type3A_423, %cond3A_424 : i32
      scf.if %cond3A_425 {
        %ge3A = arith.constant 10 : i32
        %ge3A_676 = arith.cmpi sge, %add3A_420, %ge3A : i32
        %convert_element_type3A_677 = arith.extui %ge3A_676 : i1 to i32
        %cond3A_678 = arith.constant 0 : i32
        %cond3A_679 = arith.cmpi ne, %convert_element_type3A_677, %cond3A_678 : i32
        scf.if %cond3A_679 {
          %sub3A = arith.constant 10 : i32
          %sub3A_694 = arith.subi %add3A_420, %sub3A : i32
          %dma_wait3A_695 = arith.constant 8 : i32
          %dma_wait3A_696 = arith.constant 8 : i32
          %dma_wait3A_697 = arith.constant 0 : i32
          %dma_wait3A_698 = arith.constant 0 : i32
          %dma_wait3A_699 = tpu.memref_slice %arg9[%dma_wait3A_695, %dma_wait3A_697, %dma_wait3A_698] : memref<10x128x40xf32, #tpu.memory_space<vmem>> -> memref<1x128x40xf32, #tpu.memory_space<vmem>>
          %dma_wait3A_700 = tpu.memref_squeeze %dma_wait3A_699 : memref<1x128x40xf32, #tpu.memory_space<vmem>> -> memref<128x40xf32, #tpu.memory_space<vmem>>
          %dma_wait3A_701 = arith.constant 0 : i32
          %dma_wait3A_702 = tpu.memref_slice %arg8[%sub3A_694, %dma_wait3A_701] : memref<80x128xi32, #tpu.memory_space<vmem>> -> memref<1x128xi32, #tpu.memory_space<vmem>>
          %dma_wait3A_703 = tpu.memref_squeeze %dma_wait3A_702 : memref<1x128xi32, #tpu.memory_space<vmem>> -> memref<128xi32, #tpu.memory_space<vmem>>
          %dma_wait3A_704 = arith.constant 0 : i32
          %dma_wait3A_705 = arith.constant 0 : i32
          %dma_wait3A_706 = tpu.memref_slice %arg11[%dma_wait3A_704, %dma_wait3A_705] : memref<10240x40xf32, #tpu.memory_space<vmem_shared>> -> memref<10240x40xf32, #tpu.memory_space<vmem_shared>>
          %dma_wait3A_707 = tpu.memref_slice %arg13[%dma_wait3A_696] : memref<10x!tpu.dma_semaphore, #tpu.memory_space<semaphore_mem>> -> memref<1x!tpu.dma_semaphore, #tpu.memory_space<semaphore_mem>>
          %dma_wait3A_708 = tpu.memref_squeeze %dma_wait3A_707 : memref<1x!tpu.dma_semaphore, #tpu.memory_space<semaphore_mem>> -> memref<!tpu.dma_semaphore, #tpu.memory_space<semaphore_mem>>
          tpu.wait_indirect_dma semaphore(%dma_wait3A_708 : memref<!tpu.dma_semaphore, #tpu.memory_space<semaphore_mem>>) src(%dma_wait3A_700 : memref<128x40xf32, #tpu.memory_space<vmem>>) dst(%dma_wait3A_706 : memref<10240x40xf32, #tpu.memory_space<vmem_shared>>)
        } else {
        }
        %dma_start3A_680 = arith.constant 8 : i32
        %dma_start3A_681 = arith.constant 8 : i32
        %dma_start3A_682 = arith.constant 0 : i32
        %dma_start3A_683 = arith.constant 0 : i32
        %dma_start3A_684 = tpu.memref_slice %arg9[%dma_start3A_680, %dma_start3A_682, %dma_start3A_683] : memref<10x128x40xf32, #tpu.memory_space<vmem>> -> memref<1x128x40xf32, #tpu.memory_space<vmem>>
        %dma_start3A_685 = tpu.memref_squeeze %dma_start3A_684 : memref<1x128x40xf32, #tpu.memory_space<vmem>> -> memref<128x40xf32, #tpu.memory_space<vmem>>
        %dma_start3A_686 = arith.constant 0 : i32
        %dma_start3A_687 = tpu.memref_slice %arg7[%add3A_420, %dma_start3A_686] : memref<80x128xi32, #tpu.memory_space<vmem>> -> memref<1x128xi32, #tpu.memory_space<vmem>>
        %dma_start3A_688 = tpu.memref_squeeze %dma_start3A_687 : memref<1x128xi32, #tpu.memory_space<vmem>> -> memref<128xi32, #tpu.memory_space<vmem>>
        %dma_start3A_689 = arith.constant 0 : i32
        %dma_start3A_690 = arith.constant 0 : i32
        %dma_start3A_691 = tpu.memref_slice %arg10[%dma_start3A_689, %dma_start3A_690] : memref<10240x40xf32, #tpu.memory_space<vmem_shared>> -> memref<10240x40xf32, #tpu.memory_space<vmem_shared>>
        %dma_start3A_692 = tpu.memref_slice %arg12[%dma_start3A_681] : memref<10x!tpu.dma_semaphore, #tpu.memory_space<semaphore_mem>> -> memref<1x!tpu.dma_semaphore, #tpu.memory_space<semaphore_mem>>
        %dma_start3A_693 = tpu.memref_squeeze %dma_start3A_692 : memref<1x!tpu.dma_semaphore, #tpu.memory_space<semaphore_mem>> -> memref<!tpu.dma_semaphore, #tpu.memory_space<semaphore_mem>>
        tpu.enqueue_indirect_dma source(%dma_start3A_691 : memref<10240x40xf32, #tpu.memory_space<vmem_shared>>) target(%dma_start3A_685 : memref<128x40xf32, #tpu.memory_space<vmem>>) offsets(%dma_start3A_688 : memref<128xi32, #tpu.memory_space<vmem>>) semaphore(%dma_start3A_693 : memref<!tpu.dma_semaphore, #tpu.memory_space<semaphore_mem>>)
      } else {
      }
      %dma_wait3A_426 = arith.constant 3 : i32
      %dma_wait3A_427 = arith.constant 3 : i32
      %dma_wait3A_428 = arith.constant 0 : i32
      %dma_wait3A_429 = arith.constant 0 : i32
      %dma_wait3A_430 = tpu.memref_slice %arg9[%dma_wait3A_426, %dma_wait3A_428, %dma_wait3A_429] : memref<10x128x40xf32, #tpu.memory_space<vmem>> -> memref<1x128x40xf32, #tpu.memory_space<vmem>>
      %dma_wait3A_431 = tpu.memref_squeeze %dma_wait3A_430 : memref<1x128x40xf32, #tpu.memory_space<vmem>> -> memref<128x40xf32, #tpu.memory_space<vmem>>
      %dma_wait3A_432 = arith.constant 0 : i32
      %dma_wait3A_433 = tpu.memref_slice %arg7[%add3A_418, %dma_wait3A_432] : memref<80x128xi32, #tpu.memory_space<vmem>> -> memref<1x128xi32, #tpu.memory_space<vmem>>
      %dma_wait3A_434 = tpu.memref_squeeze %dma_wait3A_433 : memref<1x128xi32, #tpu.memory_space<vmem>> -> memref<128xi32, #tpu.memory_space<vmem>>
      %dma_wait3A_435 = arith.constant 0 : i32
      %dma_wait3A_436 = arith.constant 0 : i32
      %dma_wait3A_437 = tpu.memref_slice %arg10[%dma_wait3A_435, %dma_wait3A_436] : memref<10240x40xf32, #tpu.memory_space<vmem_shared>> -> memref<10240x40xf32, #tpu.memory_space<vmem_shared>>
      %dma_wait3A_438 = tpu.memref_slice %arg12[%dma_wait3A_427] : memref<10x!tpu.dma_semaphore, #tpu.memory_space<semaphore_mem>> -> memref<1x!tpu.dma_semaphore, #tpu.memory_space<semaphore_mem>>
      %dma_wait3A_439 = tpu.memref_squeeze %dma_wait3A_438 : memref<1x!tpu.dma_semaphore, #tpu.memory_space<semaphore_mem>> -> memref<!tpu.dma_semaphore, #tpu.memory_space<semaphore_mem>>
      tpu.wait_indirect_dma semaphore(%dma_wait3A_439 : memref<!tpu.dma_semaphore, #tpu.memory_space<semaphore_mem>>) src(%dma_wait3A_437 : memref<10240x40xf32, #tpu.memory_space<vmem_shared>>) dst(%dma_wait3A_431 : memref<128x40xf32, #tpu.memory_space<vmem>>)
      %dma_start3A_440 = arith.constant 3 : i32
      %dma_start3A_441 = arith.constant 3 : i32
      %dma_start3A_442 = arith.constant 0 : i32
      %dma_start3A_443 = arith.constant 0 : i32
      %dma_start3A_444 = tpu.memref_slice %arg9[%dma_start3A_440, %dma_start3A_442, %dma_start3A_443] : memref<10x128x40xf32, #tpu.memory_space<vmem>> -> memref<1x128x40xf32, #tpu.memory_space<vmem>>
      %dma_start3A_445 = tpu.memref_squeeze %dma_start3A_444 : memref<1x128x40xf32, #tpu.memory_space<vmem>> -> memref<128x40xf32, #tpu.memory_space<vmem>>
      %dma_start3A_446 = arith.constant 0 : i32
      %dma_start3A_447 = tpu.memref_slice %arg8[%add3A_418, %dma_start3A_446] : memref<80x128xi32, #tpu.memory_space<vmem>> -> memref<1x128xi32, #tpu.memory_space<vmem>>
      %dma_start3A_448 = tpu.memref_squeeze %dma_start3A_447 : memref<1x128xi32, #tpu.memory_space<vmem>> -> memref<128xi32, #tpu.memory_space<vmem>>
      %dma_start3A_449 = arith.constant 0 : i32
      %dma_start3A_450 = arith.constant 0 : i32
      %dma_start3A_451 = tpu.memref_slice %arg11[%dma_start3A_449, %dma_start3A_450] : memref<10240x40xf32, #tpu.memory_space<vmem_shared>> -> memref<10240x40xf32, #tpu.memory_space<vmem_shared>>
      %dma_start3A_452 = tpu.memref_slice %arg13[%dma_start3A_441] : memref<10x!tpu.dma_semaphore, #tpu.memory_space<semaphore_mem>> -> memref<1x!tpu.dma_semaphore, #tpu.memory_space<semaphore_mem>>
      %dma_start3A_453 = tpu.memref_squeeze %dma_start3A_452 : memref<1x!tpu.dma_semaphore, #tpu.memory_space<semaphore_mem>> -> memref<!tpu.dma_semaphore, #tpu.memory_space<semaphore_mem>>
      tpu.enqueue_indirect_dma source(%dma_start3A_445 : memref<128x40xf32, #tpu.memory_space<vmem>>) target(%dma_start3A_451 : memref<10240x40xf32, #tpu.memory_space<vmem_shared>>) offsets(%dma_start3A_448 : memref<128xi32, #tpu.memory_space<vmem>>) semaphore(%dma_start3A_453 : memref<!tpu.dma_semaphore, #tpu.memory_space<semaphore_mem>>) {add = true}
      %add3A_454 = arith.constant 4 : i32
      %add3A_455 = arith.addi %add3A_306, %add3A_454 : i32
      %add3A_456 = arith.constant 5 : i32
      %add3A_457 = arith.addi %add3A_455, %add3A_456 : i32
      %lt3A_458 = arith.constant 80 : i32
      %lt3A_459 = arith.cmpi slt, %add3A_457, %lt3A_458 : i32
      %convert_element_type3A_460 = arith.extui %lt3A_459 : i1 to i32
      %cond3A_461 = arith.constant 0 : i32
      %cond3A_462 = arith.cmpi ne, %convert_element_type3A_460, %cond3A_461 : i32
      scf.if %cond3A_462 {
        %ge3A = arith.constant 10 : i32
        %ge3A_676 = arith.cmpi sge, %add3A_457, %ge3A : i32
        %convert_element_type3A_677 = arith.extui %ge3A_676 : i1 to i32
        %cond3A_678 = arith.constant 0 : i32
        %cond3A_679 = arith.cmpi ne, %convert_element_type3A_677, %cond3A_678 : i32
        scf.if %cond3A_679 {
          %sub3A = arith.constant 10 : i32
          %sub3A_694 = arith.subi %add3A_457, %sub3A : i32
          %dma_wait3A_695 = arith.constant 9 : i32
          %dma_wait3A_696 = arith.constant 9 : i32
          %dma_wait3A_697 = arith.constant 0 : i32
          %dma_wait3A_698 = arith.constant 0 : i32
          %dma_wait3A_699 = tpu.memref_slice %arg9[%dma_wait3A_695, %dma_wait3A_697, %dma_wait3A_698] : memref<10x128x40xf32, #tpu.memory_space<vmem>> -> memref<1x128x40xf32, #tpu.memory_space<vmem>>
          %dma_wait3A_700 = tpu.memref_squeeze %dma_wait3A_699 : memref<1x128x40xf32, #tpu.memory_space<vmem>> -> memref<128x40xf32, #tpu.memory_space<vmem>>
          %dma_wait3A_701 = arith.constant 0 : i32
          %dma_wait3A_702 = tpu.memref_slice %arg8[%sub3A_694, %dma_wait3A_701] : memref<80x128xi32, #tpu.memory_space<vmem>> -> memref<1x128xi32, #tpu.memory_space<vmem>>
          %dma_wait3A_703 = tpu.memref_squeeze %dma_wait3A_702 : memref<1x128xi32, #tpu.memory_space<vmem>> -> memref<128xi32, #tpu.memory_space<vmem>>
          %dma_wait3A_704 = arith.constant 0 : i32
          %dma_wait3A_705 = arith.constant 0 : i32
          %dma_wait3A_706 = tpu.memref_slice %arg11[%dma_wait3A_704, %dma_wait3A_705] : memref<10240x40xf32, #tpu.memory_space<vmem_shared>> -> memref<10240x40xf32, #tpu.memory_space<vmem_shared>>
          %dma_wait3A_707 = tpu.memref_slice %arg13[%dma_wait3A_696] : memref<10x!tpu.dma_semaphore, #tpu.memory_space<semaphore_mem>> -> memref<1x!tpu.dma_semaphore, #tpu.memory_space<semaphore_mem>>
          %dma_wait3A_708 = tpu.memref_squeeze %dma_wait3A_707 : memref<1x!tpu.dma_semaphore, #tpu.memory_space<semaphore_mem>> -> memref<!tpu.dma_semaphore, #tpu.memory_space<semaphore_mem>>
          tpu.wait_indirect_dma semaphore(%dma_wait3A_708 : memref<!tpu.dma_semaphore, #tpu.memory_space<semaphore_mem>>) src(%dma_wait3A_700 : memref<128x40xf32, #tpu.memory_space<vmem>>) dst(%dma_wait3A_706 : memref<10240x40xf32, #tpu.memory_space<vmem_shared>>)
        } else {
        }
        %dma_start3A_680 = arith.constant 9 : i32
        %dma_start3A_681 = arith.constant 9 : i32
        %dma_start3A_682 = arith.constant 0 : i32
        %dma_start3A_683 = arith.constant 0 : i32
        %dma_start3A_684 = tpu.memref_slice %arg9[%dma_start3A_680, %dma_start3A_682, %dma_start3A_683] : memref<10x128x40xf32, #tpu.memory_space<vmem>> -> memref<1x128x40xf32, #tpu.memory_space<vmem>>
        %dma_start3A_685 = tpu.memref_squeeze %dma_start3A_684 : memref<1x128x40xf32, #tpu.memory_space<vmem>> -> memref<128x40xf32, #tpu.memory_space<vmem>>
        %dma_start3A_686 = arith.constant 0 : i32
        %dma_start3A_687 = tpu.memref_slice %arg7[%add3A_457, %dma_start3A_686] : memref<80x128xi32, #tpu.memory_space<vmem>> -> memref<1x128xi32, #tpu.memory_space<vmem>>
        %dma_start3A_688 = tpu.memref_squeeze %dma_start3A_687 : memref<1x128xi32, #tpu.memory_space<vmem>> -> memref<128xi32, #tpu.memory_space<vmem>>
        %dma_start3A_689 = arith.constant 0 : i32
        %dma_start3A_690 = arith.constant 0 : i32
        %dma_start3A_691 = tpu.memref_slice %arg10[%dma_start3A_689, %dma_start3A_690] : memref<10240x40xf32, #tpu.memory_space<vmem_shared>> -> memref<10240x40xf32, #tpu.memory_space<vmem_shared>>
        %dma_start3A_692 = tpu.memref_slice %arg12[%dma_start3A_681] : memref<10x!tpu.dma_semaphore, #tpu.memory_space<semaphore_mem>> -> memref<1x!tpu.dma_semaphore, #tpu.memory_space<semaphore_mem>>
        %dma_start3A_693 = tpu.memref_squeeze %dma_start3A_692 : memref<1x!tpu.dma_semaphore, #tpu.memory_space<semaphore_mem>> -> memref<!tpu.dma_semaphore, #tpu.memory_space<semaphore_mem>>
        tpu.enqueue_indirect_dma source(%dma_start3A_691 : memref<10240x40xf32, #tpu.memory_space<vmem_shared>>) target(%dma_start3A_685 : memref<128x40xf32, #tpu.memory_space<vmem>>) offsets(%dma_start3A_688 : memref<128xi32, #tpu.memory_space<vmem>>) semaphore(%dma_start3A_693 : memref<!tpu.dma_semaphore, #tpu.memory_space<semaphore_mem>>)
      } else {
      }
      %dma_wait3A_463 = arith.constant 4 : i32
      %dma_wait3A_464 = arith.constant 4 : i32
      %dma_wait3A_465 = arith.constant 0 : i32
      %dma_wait3A_466 = arith.constant 0 : i32
      %dma_wait3A_467 = tpu.memref_slice %arg9[%dma_wait3A_463, %dma_wait3A_465, %dma_wait3A_466] : memref<10x128x40xf32, #tpu.memory_space<vmem>> -> memref<1x128x40xf32, #tpu.memory_space<vmem>>
      %dma_wait3A_468 = tpu.memref_squeeze %dma_wait3A_467 : memref<1x128x40xf32, #tpu.memory_space<vmem>> -> memref<128x40xf32, #tpu.memory_space<vmem>>
      %dma_wait3A_469 = arith.constant 0 : i32
      %dma_wait3A_470 = tpu.memref_slice %arg7[%add3A_455, %dma_wait3A_469] : memref<80x128xi32, #tpu.memory_space<vmem>> -> memref<1x128xi32, #tpu.memory_space<vmem>>
      %dma_wait3A_471 = tpu.memref_squeeze %dma_wait3A_470 : memref<1x128xi32, #tpu.memory_space<vmem>> -> memref<128xi32, #tpu.memory_space<vmem>>
      %dma_wait3A_472 = arith.constant 0 : i32
      %dma_wait3A_473 = arith.constant 0 : i32
      %dma_wait3A_474 = tpu.memref_slice %arg10[%dma_wait3A_472, %dma_wait3A_473] : memref<10240x40xf32, #tpu.memory_space<vmem_shared>> -> memref<10240x40xf32, #tpu.memory_space<vmem_shared>>
      %dma_wait3A_475 = tpu.memref_slice %arg12[%dma_wait3A_464] : memref<10x!tpu.dma_semaphore, #tpu.memory_space<semaphore_mem>> -> memref<1x!tpu.dma_semaphore, #tpu.memory_space<semaphore_mem>>
      %dma_wait3A_476 = tpu.memref_squeeze %dma_wait3A_475 : memref<1x!tpu.dma_semaphore, #tpu.memory_space<semaphore_mem>> -> memref<!tpu.dma_semaphore, #tpu.memory_space<semaphore_mem>>
      tpu.wait_indirect_dma semaphore(%dma_wait3A_476 : memref<!tpu.dma_semaphore, #tpu.memory_space<semaphore_mem>>) src(%dma_wait3A_474 : memref<10240x40xf32, #tpu.memory_space<vmem_shared>>) dst(%dma_wait3A_468 : memref<128x40xf32, #tpu.memory_space<vmem>>)
      %dma_start3A_477 = arith.constant 4 : i32
      %dma_start3A_478 = arith.constant 4 : i32
      %dma_start3A_479 = arith.constant 0 : i32
      %dma_start3A_480 = arith.constant 0 : i32
      %dma_start3A_481 = tpu.memref_slice %arg9[%dma_start3A_477, %dma_start3A_479, %dma_start3A_480] : memref<10x128x40xf32, #tpu.memory_space<vmem>> -> memref<1x128x40xf32, #tpu.memory_space<vmem>>
      %dma_start3A_482 = tpu.memref_squeeze %dma_start3A_481 : memref<1x128x40xf32, #tpu.memory_space<vmem>> -> memref<128x40xf32, #tpu.memory_space<vmem>>
      %dma_start3A_483 = arith.constant 0 : i32
      %dma_start3A_484 = tpu.memref_slice %arg8[%add3A_455, %dma_start3A_483] : memref<80x128xi32, #tpu.memory_space<vmem>> -> memref<1x128xi32, #tpu.memory_space<vmem>>
      %dma_start3A_485 = tpu.memref_squeeze %dma_start3A_484 : memref<1x128xi32, #tpu.memory_space<vmem>> -> memref<128xi32, #tpu.memory_space<vmem>>
      %dma_start3A_486 = arith.constant 0 : i32
      %dma_start3A_487 = arith.constant 0 : i32
      %dma_start3A_488 = tpu.memref_slice %arg11[%dma_start3A_486, %dma_start3A_487] : memref<10240x40xf32, #tpu.memory_space<vmem_shared>> -> memref<10240x40xf32, #tpu.memory_space<vmem_shared>>
      %dma_start3A_489 = tpu.memref_slice %arg13[%dma_start3A_478] : memref<10x!tpu.dma_semaphore, #tpu.memory_space<semaphore_mem>> -> memref<1x!tpu.dma_semaphore, #tpu.memory_space<semaphore_mem>>
      %dma_start3A_490 = tpu.memref_squeeze %dma_start3A_489 : memref<1x!tpu.dma_semaphore, #tpu.memory_space<semaphore_mem>> -> memref<!tpu.dma_semaphore, #tpu.memory_space<semaphore_mem>>
      tpu.enqueue_indirect_dma source(%dma_start3A_482 : memref<128x40xf32, #tpu.memory_space<vmem>>) target(%dma_start3A_488 : memref<10240x40xf32, #tpu.memory_space<vmem_shared>>) offsets(%dma_start3A_485 : memref<128xi32, #tpu.memory_space<vmem>>) semaphore(%dma_start3A_490 : memref<!tpu.dma_semaphore, #tpu.memory_space<semaphore_mem>>) {add = true}
      %add3A_491 = arith.constant 5 : i32
      %add3A_492 = arith.addi %add3A_306, %add3A_491 : i32
      %add3A_493 = arith.constant 5 : i32
      %add3A_494 = arith.addi %add3A_492, %add3A_493 : i32
      %lt3A_495 = arith.constant 80 : i32
      %lt3A_496 = arith.cmpi slt, %add3A_494, %lt3A_495 : i32
      %convert_element_type3A_497 = arith.extui %lt3A_496 : i1 to i32
      %cond3A_498 = arith.constant 0 : i32
      %cond3A_499 = arith.cmpi ne, %convert_element_type3A_497, %cond3A_498 : i32
      scf.if %cond3A_499 {
        %ge3A = arith.constant 10 : i32
        %ge3A_676 = arith.cmpi sge, %add3A_494, %ge3A : i32
        %convert_element_type3A_677 = arith.extui %ge3A_676 : i1 to i32
        %cond3A_678 = arith.constant 0 : i32
        %cond3A_679 = arith.cmpi ne, %convert_element_type3A_677, %cond3A_678 : i32
        scf.if %cond3A_679 {
          %sub3A = arith.constant 10 : i32
          %sub3A_694 = arith.subi %add3A_494, %sub3A : i32
          %dma_wait3A_695 = arith.constant 0 : i32
          %dma_wait3A_696 = arith.constant 0 : i32
          %dma_wait3A_697 = arith.constant 0 : i32
          %dma_wait3A_698 = arith.constant 0 : i32
          %dma_wait3A_699 = tpu.memref_slice %arg9[%dma_wait3A_695, %dma_wait3A_697, %dma_wait3A_698] : memref<10x128x40xf32, #tpu.memory_space<vmem>> -> memref<1x128x40xf32, #tpu.memory_space<vmem>>
          %dma_wait3A_700 = tpu.memref_squeeze %dma_wait3A_699 : memref<1x128x40xf32, #tpu.memory_space<vmem>> -> memref<128x40xf32, #tpu.memory_space<vmem>>
          %dma_wait3A_701 = arith.constant 0 : i32
          %dma_wait3A_702 = tpu.memref_slice %arg8[%sub3A_694, %dma_wait3A_701] : memref<80x128xi32, #tpu.memory_space<vmem>> -> memref<1x128xi32, #tpu.memory_space<vmem>>
          %dma_wait3A_703 = tpu.memref_squeeze %dma_wait3A_702 : memref<1x128xi32, #tpu.memory_space<vmem>> -> memref<128xi32, #tpu.memory_space<vmem>>
          %dma_wait3A_704 = arith.constant 0 : i32
          %dma_wait3A_705 = arith.constant 0 : i32
          %dma_wait3A_706 = tpu.memref_slice %arg11[%dma_wait3A_704, %dma_wait3A_705] : memref<10240x40xf32, #tpu.memory_space<vmem_shared>> -> memref<10240x40xf32, #tpu.memory_space<vmem_shared>>
          %dma_wait3A_707 = tpu.memref_slice %arg13[%dma_wait3A_696] : memref<10x!tpu.dma_semaphore, #tpu.memory_space<semaphore_mem>> -> memref<1x!tpu.dma_semaphore, #tpu.memory_space<semaphore_mem>>
          %dma_wait3A_708 = tpu.memref_squeeze %dma_wait3A_707 : memref<1x!tpu.dma_semaphore, #tpu.memory_space<semaphore_mem>> -> memref<!tpu.dma_semaphore, #tpu.memory_space<semaphore_mem>>
          tpu.wait_indirect_dma semaphore(%dma_wait3A_708 : memref<!tpu.dma_semaphore, #tpu.memory_space<semaphore_mem>>) src(%dma_wait3A_700 : memref<128x40xf32, #tpu.memory_space<vmem>>) dst(%dma_wait3A_706 : memref<10240x40xf32, #tpu.memory_space<vmem_shared>>)
        } else {
        }
        %dma_start3A_680 = arith.constant 0 : i32
        %dma_start3A_681 = arith.constant 0 : i32
        %dma_start3A_682 = arith.constant 0 : i32
        %dma_start3A_683 = arith.constant 0 : i32
        %dma_start3A_684 = tpu.memref_slice %arg9[%dma_start3A_680, %dma_start3A_682, %dma_start3A_683] : memref<10x128x40xf32, #tpu.memory_space<vmem>> -> memref<1x128x40xf32, #tpu.memory_space<vmem>>
        %dma_start3A_685 = tpu.memref_squeeze %dma_start3A_684 : memref<1x128x40xf32, #tpu.memory_space<vmem>> -> memref<128x40xf32, #tpu.memory_space<vmem>>
        %dma_start3A_686 = arith.constant 0 : i32
        %dma_start3A_687 = tpu.memref_slice %arg7[%add3A_494, %dma_start3A_686] : memref<80x128xi32, #tpu.memory_space<vmem>> -> memref<1x128xi32, #tpu.memory_space<vmem>>
        %dma_start3A_688 = tpu.memref_squeeze %dma_start3A_687 : memref<1x128xi32, #tpu.memory_space<vmem>> -> memref<128xi32, #tpu.memory_space<vmem>>
        %dma_start3A_689 = arith.constant 0 : i32
        %dma_start3A_690 = arith.constant 0 : i32
        %dma_start3A_691 = tpu.memref_slice %arg10[%dma_start3A_689, %dma_start3A_690] : memref<10240x40xf32, #tpu.memory_space<vmem_shared>> -> memref<10240x40xf32, #tpu.memory_space<vmem_shared>>
        %dma_start3A_692 = tpu.memref_slice %arg12[%dma_start3A_681] : memref<10x!tpu.dma_semaphore, #tpu.memory_space<semaphore_mem>> -> memref<1x!tpu.dma_semaphore, #tpu.memory_space<semaphore_mem>>
        %dma_start3A_693 = tpu.memref_squeeze %dma_start3A_692 : memref<1x!tpu.dma_semaphore, #tpu.memory_space<semaphore_mem>> -> memref<!tpu.dma_semaphore, #tpu.memory_space<semaphore_mem>>
        tpu.enqueue_indirect_dma source(%dma_start3A_691 : memref<10240x40xf32, #tpu.memory_space<vmem_shared>>) target(%dma_start3A_685 : memref<128x40xf32, #tpu.memory_space<vmem>>) offsets(%dma_start3A_688 : memref<128xi32, #tpu.memory_space<vmem>>) semaphore(%dma_start3A_693 : memref<!tpu.dma_semaphore, #tpu.memory_space<semaphore_mem>>)
      } else {
      }
      %dma_wait3A_500 = arith.constant 5 : i32
      %dma_wait3A_501 = arith.constant 5 : i32
      %dma_wait3A_502 = arith.constant 0 : i32
      %dma_wait3A_503 = arith.constant 0 : i32
      %dma_wait3A_504 = tpu.memref_slice %arg9[%dma_wait3A_500, %dma_wait3A_502, %dma_wait3A_503] : memref<10x128x40xf32, #tpu.memory_space<vmem>> -> memref<1x128x40xf32, #tpu.memory_space<vmem>>
      %dma_wait3A_505 = tpu.memref_squeeze %dma_wait3A_504 : memref<1x128x40xf32, #tpu.memory_space<vmem>> -> memref<128x40xf32, #tpu.memory_space<vmem>>
      %dma_wait3A_506 = arith.constant 0 : i32
      %dma_wait3A_507 = tpu.memref_slice %arg7[%add3A_492, %dma_wait3A_506] : memref<80x128xi32, #tpu.memory_space<vmem>> -> memref<1x128xi32, #tpu.memory_space<vmem>>
      %dma_wait3A_508 = tpu.memref_squeeze %dma_wait3A_507 : memref<1x128xi32, #tpu.memory_space<vmem>> -> memref<128xi32, #tpu.memory_space<vmem>>
      %dma_wait3A_509 = arith.constant 0 : i32
      %dma_wait3A_510 = arith.constant 0 : i32
      %dma_wait3A_511 = tpu.memref_slice %arg10[%dma_wait3A_509, %dma_wait3A_510] : memref<10240x40xf32, #tpu.memory_space<vmem_shared>> -> memref<10240x40xf32, #tpu.memory_space<vmem_shared>>
      %dma_wait3A_512 = tpu.memref_slice %arg12[%dma_wait3A_501] : memref<10x!tpu.dma_semaphore, #tpu.memory_space<semaphore_mem>> -> memref<1x!tpu.dma_semaphore, #tpu.memory_space<semaphore_mem>>
      %dma_wait3A_513 = tpu.memref_squeeze %dma_wait3A_512 : memref<1x!tpu.dma_semaphore, #tpu.memory_space<semaphore_mem>> -> memref<!tpu.dma_semaphore, #tpu.memory_space<semaphore_mem>>
      tpu.wait_indirect_dma semaphore(%dma_wait3A_513 : memref<!tpu.dma_semaphore, #tpu.memory_space<semaphore_mem>>) src(%dma_wait3A_511 : memref<10240x40xf32, #tpu.memory_space<vmem_shared>>) dst(%dma_wait3A_505 : memref<128x40xf32, #tpu.memory_space<vmem>>)
      %dma_start3A_514 = arith.constant 5 : i32
      %dma_start3A_515 = arith.constant 5 : i32
      %dma_start3A_516 = arith.constant 0 : i32
      %dma_start3A_517 = arith.constant 0 : i32
      %dma_start3A_518 = tpu.memref_slice %arg9[%dma_start3A_514, %dma_start3A_516, %dma_start3A_517] : memref<10x128x40xf32, #tpu.memory_space<vmem>> -> memref<1x128x40xf32, #tpu.memory_space<vmem>>
      %dma_start3A_519 = tpu.memref_squeeze %dma_start3A_518 : memref<1x128x40xf32, #tpu.memory_space<vmem>> -> memref<128x40xf32, #tpu.memory_space<vmem>>
      %dma_start3A_520 = arith.constant 0 : i32
      %dma_start3A_521 = tpu.memref_slice %arg8[%add3A_492, %dma_start3A_520] : memref<80x128xi32, #tpu.memory_space<vmem>> -> memref<1x128xi32, #tpu.memory_space<vmem>>
      %dma_start3A_522 = tpu.memref_squeeze %dma_start3A_521 : memref<1x128xi32, #tpu.memory_space<vmem>> -> memref<128xi32, #tpu.memory_space<vmem>>
      %dma_start3A_523 = arith.constant 0 : i32
      %dma_start3A_524 = arith.constant 0 : i32
      %dma_start3A_525 = tpu.memref_slice %arg11[%dma_start3A_523, %dma_start3A_524] : memref<10240x40xf32, #tpu.memory_space<vmem_shared>> -> memref<10240x40xf32, #tpu.memory_space<vmem_shared>>
      %dma_start3A_526 = tpu.memref_slice %arg13[%dma_start3A_515] : memref<10x!tpu.dma_semaphore, #tpu.memory_space<semaphore_mem>> -> memref<1x!tpu.dma_semaphore, #tpu.memory_space<semaphore_mem>>
      %dma_start3A_527 = tpu.memref_squeeze %dma_start3A_526 : memref<1x!tpu.dma_semaphore, #tpu.memory_space<semaphore_mem>> -> memref<!tpu.dma_semaphore, #tpu.memory_space<semaphore_mem>>
      tpu.enqueue_indirect_dma source(%dma_start3A_519 : memref<128x40xf32, #tpu.memory_space<vmem>>) target(%dma_start3A_525 : memref<10240x40xf32, #tpu.memory_space<vmem_shared>>) offsets(%dma_start3A_522 : memref<128xi32, #tpu.memory_space<vmem>>) semaphore(%dma_start3A_527 : memref<!tpu.dma_semaphore, #tpu.memory_space<semaphore_mem>>) {add = true}
      %add3A_528 = arith.constant 6 : i32
      %add3A_529 = arith.addi %add3A_306, %add3A_528 : i32
      %add3A_530 = arith.constant 5 : i32
      %add3A_531 = arith.addi %add3A_529, %add3A_530 : i32
      %lt3A_532 = arith.constant 80 : i32
      %lt3A_533 = arith.cmpi slt, %add3A_531, %lt3A_532 : i32
      %convert_element_type3A_534 = arith.extui %lt3A_533 : i1 to i32
      %cond3A_535 = arith.constant 0 : i32
      %cond3A_536 = arith.cmpi ne, %convert_element_type3A_534, %cond3A_535 : i32
      scf.if %cond3A_536 {
        %ge3A = arith.constant 10 : i32
        %ge3A_676 = arith.cmpi sge, %add3A_531, %ge3A : i32
        %convert_element_type3A_677 = arith.extui %ge3A_676 : i1 to i32
        %cond3A_678 = arith.constant 0 : i32
        %cond3A_679 = arith.cmpi ne, %convert_element_type3A_677, %cond3A_678 : i32
        scf.if %cond3A_679 {
          %sub3A = arith.constant 10 : i32
          %sub3A_694 = arith.subi %add3A_531, %sub3A : i32
          %dma_wait3A_695 = arith.constant 1 : i32
          %dma_wait3A_696 = arith.constant 1 : i32
          %dma_wait3A_697 = arith.constant 0 : i32
          %dma_wait3A_698 = arith.constant 0 : i32
          %dma_wait3A_699 = tpu.memref_slice %arg9[%dma_wait3A_695, %dma_wait3A_697, %dma_wait3A_698] : memref<10x128x40xf32, #tpu.memory_space<vmem>> -> memref<1x128x40xf32, #tpu.memory_space<vmem>>
          %dma_wait3A_700 = tpu.memref_squeeze %dma_wait3A_699 : memref<1x128x40xf32, #tpu.memory_space<vmem>> -> memref<128x40xf32, #tpu.memory_space<vmem>>
          %dma_wait3A_701 = arith.constant 0 : i32
          %dma_wait3A_702 = tpu.memref_slice %arg8[%sub3A_694, %dma_wait3A_701] : memref<80x128xi32, #tpu.memory_space<vmem>> -> memref<1x128xi32, #tpu.memory_space<vmem>>
          %dma_wait3A_703 = tpu.memref_squeeze %dma_wait3A_702 : memref<1x128xi32, #tpu.memory_space<vmem>> -> memref<128xi32, #tpu.memory_space<vmem>>
          %dma_wait3A_704 = arith.constant 0 : i32
          %dma_wait3A_705 = arith.constant 0 : i32
          %dma_wait3A_706 = tpu.memref_slice %arg11[%dma_wait3A_704, %dma_wait3A_705] : memref<10240x40xf32, #tpu.memory_space<vmem_shared>> -> memref<10240x40xf32, #tpu.memory_space<vmem_shared>>
          %dma_wait3A_707 = tpu.memref_slice %arg13[%dma_wait3A_696] : memref<10x!tpu.dma_semaphore, #tpu.memory_space<semaphore_mem>> -> memref<1x!tpu.dma_semaphore, #tpu.memory_space<semaphore_mem>>
          %dma_wait3A_708 = tpu.memref_squeeze %dma_wait3A_707 : memref<1x!tpu.dma_semaphore, #tpu.memory_space<semaphore_mem>> -> memref<!tpu.dma_semaphore, #tpu.memory_space<semaphore_mem>>
          tpu.wait_indirect_dma semaphore(%dma_wait3A_708 : memref<!tpu.dma_semaphore, #tpu.memory_space<semaphore_mem>>) src(%dma_wait3A_700 : memref<128x40xf32, #tpu.memory_space<vmem>>) dst(%dma_wait3A_706 : memref<10240x40xf32, #tpu.memory_space<vmem_shared>>)
        } else {
        }
        %dma_start3A_680 = arith.constant 1 : i32
        %dma_start3A_681 = arith.constant 1 : i32
        %dma_start3A_682 = arith.constant 0 : i32
        %dma_start3A_683 = arith.constant 0 : i32
        %dma_start3A_684 = tpu.memref_slice %arg9[%dma_start3A_680, %dma_start3A_682, %dma_start3A_683] : memref<10x128x40xf32, #tpu.memory_space<vmem>> -> memref<1x128x40xf32, #tpu.memory_space<vmem>>
        %dma_start3A_685 = tpu.memref_squeeze %dma_start3A_684 : memref<1x128x40xf32, #tpu.memory_space<vmem>> -> memref<128x40xf32, #tpu.memory_space<vmem>>
        %dma_start3A_686 = arith.constant 0 : i32
        %dma_start3A_687 = tpu.memref_slice %arg7[%add3A_531, %dma_start3A_686] : memref<80x128xi32, #tpu.memory_space<vmem>> -> memref<1x128xi32, #tpu.memory_space<vmem>>
        %dma_start3A_688 = tpu.memref_squeeze %dma_start3A_687 : memref<1x128xi32, #tpu.memory_space<vmem>> -> memref<128xi32, #tpu.memory_space<vmem>>
        %dma_start3A_689 = arith.constant 0 : i32
        %dma_start3A_690 = arith.constant 0 : i32
        %dma_start3A_691 = tpu.memref_slice %arg10[%dma_start3A_689, %dma_start3A_690] : memref<10240x40xf32, #tpu.memory_space<vmem_shared>> -> memref<10240x40xf32, #tpu.memory_space<vmem_shared>>
        %dma_start3A_692 = tpu.memref_slice %arg12[%dma_start3A_681] : memref<10x!tpu.dma_semaphore, #tpu.memory_space<semaphore_mem>> -> memref<1x!tpu.dma_semaphore, #tpu.memory_space<semaphore_mem>>
        %dma_start3A_693 = tpu.memref_squeeze %dma_start3A_692 : memref<1x!tpu.dma_semaphore, #tpu.memory_space<semaphore_mem>> -> memref<!tpu.dma_semaphore, #tpu.memory_space<semaphore_mem>>
        tpu.enqueue_indirect_dma source(%dma_start3A_691 : memref<10240x40xf32, #tpu.memory_space<vmem_shared>>) target(%dma_start3A_685 : memref<128x40xf32, #tpu.memory_space<vmem>>) offsets(%dma_start3A_688 : memref<128xi32, #tpu.memory_space<vmem>>) semaphore(%dma_start3A_693 : memref<!tpu.dma_semaphore, #tpu.memory_space<semaphore_mem>>)
      } else {
      }
      %dma_wait3A_537 = arith.constant 6 : i32
      %dma_wait3A_538 = arith.constant 6 : i32
      %dma_wait3A_539 = arith.constant 0 : i32
      %dma_wait3A_540 = arith.constant 0 : i32
      %dma_wait3A_541 = tpu.memref_slice %arg9[%dma_wait3A_537, %dma_wait3A_539, %dma_wait3A_540] : memref<10x128x40xf32, #tpu.memory_space<vmem>> -> memref<1x128x40xf32, #tpu.memory_space<vmem>>
      %dma_wait3A_542 = tpu.memref_squeeze %dma_wait3A_541 : memref<1x128x40xf32, #tpu.memory_space<vmem>> -> memref<128x40xf32, #tpu.memory_space<vmem>>
      %dma_wait3A_543 = arith.constant 0 : i32
      %dma_wait3A_544 = tpu.memref_slice %arg7[%add3A_529, %dma_wait3A_543] : memref<80x128xi32, #tpu.memory_space<vmem>> -> memref<1x128xi32, #tpu.memory_space<vmem>>
      %dma_wait3A_545 = tpu.memref_squeeze %dma_wait3A_544 : memref<1x128xi32, #tpu.memory_space<vmem>> -> memref<128xi32, #tpu.memory_space<vmem>>
      %dma_wait3A_546 = arith.constant 0 : i32
      %dma_wait3A_547 = arith.constant 0 : i32
      %dma_wait3A_548 = tpu.memref_slice %arg10[%dma_wait3A_546, %dma_wait3A_547] : memref<10240x40xf32, #tpu.memory_space<vmem_shared>> -> memref<10240x40xf32, #tpu.memory_space<vmem_shared>>
      %dma_wait3A_549 = tpu.memref_slice %arg12[%dma_wait3A_538] : memref<10x!tpu.dma_semaphore, #tpu.memory_space<semaphore_mem>> -> memref<1x!tpu.dma_semaphore, #tpu.memory_space<semaphore_mem>>
      %dma_wait3A_550 = tpu.memref_squeeze %dma_wait3A_549 : memref<1x!tpu.dma_semaphore, #tpu.memory_space<semaphore_mem>> -> memref<!tpu.dma_semaphore, #tpu.memory_space<semaphore_mem>>
      tpu.wait_indirect_dma semaphore(%dma_wait3A_550 : memref<!tpu.dma_semaphore, #tpu.memory_space<semaphore_mem>>) src(%dma_wait3A_548 : memref<10240x40xf32, #tpu.memory_space<vmem_shared>>) dst(%dma_wait3A_542 : memref<128x40xf32, #tpu.memory_space<vmem>>)
      %dma_start3A_551 = arith.constant 6 : i32
      %dma_start3A_552 = arith.constant 6 : i32
      %dma_start3A_553 = arith.constant 0 : i32
      %dma_start3A_554 = arith.constant 0 : i32
      %dma_start3A_555 = tpu.memref_slice %arg9[%dma_start3A_551, %dma_start3A_553, %dma_start3A_554] : memref<10x128x40xf32, #tpu.memory_space<vmem>> -> memref<1x128x40xf32, #tpu.memory_space<vmem>>
      %dma_start3A_556 = tpu.memref_squeeze %dma_start3A_555 : memref<1x128x40xf32, #tpu.memory_space<vmem>> -> memref<128x40xf32, #tpu.memory_space<vmem>>
      %dma_start3A_557 = arith.constant 0 : i32
      %dma_start3A_558 = tpu.memref_slice %arg8[%add3A_529, %dma_start3A_557] : memref<80x128xi32, #tpu.memory_space<vmem>> -> memref<1x128xi32, #tpu.memory_space<vmem>>
      %dma_start3A_559 = tpu.memref_squeeze %dma_start3A_558 : memref<1x128xi32, #tpu.memory_space<vmem>> -> memref<128xi32, #tpu.memory_space<vmem>>
      %dma_start3A_560 = arith.constant 0 : i32
      %dma_start3A_561 = arith.constant 0 : i32
      %dma_start3A_562 = tpu.memref_slice %arg11[%dma_start3A_560, %dma_start3A_561] : memref<10240x40xf32, #tpu.memory_space<vmem_shared>> -> memref<10240x40xf32, #tpu.memory_space<vmem_shared>>
      %dma_start3A_563 = tpu.memref_slice %arg13[%dma_start3A_552] : memref<10x!tpu.dma_semaphore, #tpu.memory_space<semaphore_mem>> -> memref<1x!tpu.dma_semaphore, #tpu.memory_space<semaphore_mem>>
      %dma_start3A_564 = tpu.memref_squeeze %dma_start3A_563 : memref<1x!tpu.dma_semaphore, #tpu.memory_space<semaphore_mem>> -> memref<!tpu.dma_semaphore, #tpu.memory_space<semaphore_mem>>
      tpu.enqueue_indirect_dma source(%dma_start3A_556 : memref<128x40xf32, #tpu.memory_space<vmem>>) target(%dma_start3A_562 : memref<10240x40xf32, #tpu.memory_space<vmem_shared>>) offsets(%dma_start3A_559 : memref<128xi32, #tpu.memory_space<vmem>>) semaphore(%dma_start3A_564 : memref<!tpu.dma_semaphore, #tpu.memory_space<semaphore_mem>>) {add = true}
      %add3A_565 = arith.constant 7 : i32
      %add3A_566 = arith.addi %add3A_306, %add3A_565 : i32
      %add3A_567 = arith.constant 5 : i32
      %add3A_568 = arith.addi %add3A_566, %add3A_567 : i32
      %lt3A_569 = arith.constant 80 : i32
      %lt3A_570 = arith.cmpi slt, %add3A_568, %lt3A_569 : i32
      %convert_element_type3A_571 = arith.extui %lt3A_570 : i1 to i32
      %cond3A_572 = arith.constant 0 : i32
      %cond3A_573 = arith.cmpi ne, %convert_element_type3A_571, %cond3A_572 : i32
      scf.if %cond3A_573 {
        %ge3A = arith.constant 10 : i32
        %ge3A_676 = arith.cmpi sge, %add3A_568, %ge3A : i32
        %convert_element_type3A_677 = arith.extui %ge3A_676 : i1 to i32
        %cond3A_678 = arith.constant 0 : i32
        %cond3A_679 = arith.cmpi ne, %convert_element_type3A_677, %cond3A_678 : i32
        scf.if %cond3A_679 {
          %sub3A = arith.constant 10 : i32
          %sub3A_694 = arith.subi %add3A_568, %sub3A : i32
          %dma_wait3A_695 = arith.constant 2 : i32
          %dma_wait3A_696 = arith.constant 2 : i32
          %dma_wait3A_697 = arith.constant 0 : i32
          %dma_wait3A_698 = arith.constant 0 : i32
          %dma_wait3A_699 = tpu.memref_slice %arg9[%dma_wait3A_695, %dma_wait3A_697, %dma_wait3A_698] : memref<10x128x40xf32, #tpu.memory_space<vmem>> -> memref<1x128x40xf32, #tpu.memory_space<vmem>>
          %dma_wait3A_700 = tpu.memref_squeeze %dma_wait3A_699 : memref<1x128x40xf32, #tpu.memory_space<vmem>> -> memref<128x40xf32, #tpu.memory_space<vmem>>
          %dma_wait3A_701 = arith.constant 0 : i32
          %dma_wait3A_702 = tpu.memref_slice %arg8[%sub3A_694, %dma_wait3A_701] : memref<80x128xi32, #tpu.memory_space<vmem>> -> memref<1x128xi32, #tpu.memory_space<vmem>>
          %dma_wait3A_703 = tpu.memref_squeeze %dma_wait3A_702 : memref<1x128xi32, #tpu.memory_space<vmem>> -> memref<128xi32, #tpu.memory_space<vmem>>
          %dma_wait3A_704 = arith.constant 0 : i32
          %dma_wait3A_705 = arith.constant 0 : i32
          %dma_wait3A_706 = tpu.memref_slice %arg11[%dma_wait3A_704, %dma_wait3A_705] : memref<10240x40xf32, #tpu.memory_space<vmem_shared>> -> memref<10240x40xf32, #tpu.memory_space<vmem_shared>>
          %dma_wait3A_707 = tpu.memref_slice %arg13[%dma_wait3A_696] : memref<10x!tpu.dma_semaphore, #tpu.memory_space<semaphore_mem>> -> memref<1x!tpu.dma_semaphore, #tpu.memory_space<semaphore_mem>>
          %dma_wait3A_708 = tpu.memref_squeeze %dma_wait3A_707 : memref<1x!tpu.dma_semaphore, #tpu.memory_space<semaphore_mem>> -> memref<!tpu.dma_semaphore, #tpu.memory_space<semaphore_mem>>
          tpu.wait_indirect_dma semaphore(%dma_wait3A_708 : memref<!tpu.dma_semaphore, #tpu.memory_space<semaphore_mem>>) src(%dma_wait3A_700 : memref<128x40xf32, #tpu.memory_space<vmem>>) dst(%dma_wait3A_706 : memref<10240x40xf32, #tpu.memory_space<vmem_shared>>)
        } else {
        }
        %dma_start3A_680 = arith.constant 2 : i32
        %dma_start3A_681 = arith.constant 2 : i32
        %dma_start3A_682 = arith.constant 0 : i32
        %dma_start3A_683 = arith.constant 0 : i32
        %dma_start3A_684 = tpu.memref_slice %arg9[%dma_start3A_680, %dma_start3A_682, %dma_start3A_683] : memref<10x128x40xf32, #tpu.memory_space<vmem>> -> memref<1x128x40xf32, #tpu.memory_space<vmem>>
        %dma_start3A_685 = tpu.memref_squeeze %dma_start3A_684 : memref<1x128x40xf32, #tpu.memory_space<vmem>> -> memref<128x40xf32, #tpu.memory_space<vmem>>
        %dma_start3A_686 = arith.constant 0 : i32
        %dma_start3A_687 = tpu.memref_slice %arg7[%add3A_568, %dma_start3A_686] : memref<80x128xi32, #tpu.memory_space<vmem>> -> memref<1x128xi32, #tpu.memory_space<vmem>>
        %dma_start3A_688 = tpu.memref_squeeze %dma_start3A_687 : memref<1x128xi32, #tpu.memory_space<vmem>> -> memref<128xi32, #tpu.memory_space<vmem>>
        %dma_start3A_689 = arith.constant 0 : i32
        %dma_start3A_690 = arith.constant 0 : i32
        %dma_start3A_691 = tpu.memref_slice %arg10[%dma_start3A_689, %dma_start3A_690] : memref<10240x40xf32, #tpu.memory_space<vmem_shared>> -> memref<10240x40xf32, #tpu.memory_space<vmem_shared>>
        %dma_start3A_692 = tpu.memref_slice %arg12[%dma_start3A_681] : memref<10x!tpu.dma_semaphore, #tpu.memory_space<semaphore_mem>> -> memref<1x!tpu.dma_semaphore, #tpu.memory_space<semaphore_mem>>
        %dma_start3A_693 = tpu.memref_squeeze %dma_start3A_692 : memref<1x!tpu.dma_semaphore, #tpu.memory_space<semaphore_mem>> -> memref<!tpu.dma_semaphore, #tpu.memory_space<semaphore_mem>>
        tpu.enqueue_indirect_dma source(%dma_start3A_691 : memref<10240x40xf32, #tpu.memory_space<vmem_shared>>) target(%dma_start3A_685 : memref<128x40xf32, #tpu.memory_space<vmem>>) offsets(%dma_start3A_688 : memref<128xi32, #tpu.memory_space<vmem>>) semaphore(%dma_start3A_693 : memref<!tpu.dma_semaphore, #tpu.memory_space<semaphore_mem>>)
      } else {
      }
      %dma_wait3A_574 = arith.constant 7 : i32
      %dma_wait3A_575 = arith.constant 7 : i32
      %dma_wait3A_576 = arith.constant 0 : i32
      %dma_wait3A_577 = arith.constant 0 : i32
      %dma_wait3A_578 = tpu.memref_slice %arg9[%dma_wait3A_574, %dma_wait3A_576, %dma_wait3A_577] : memref<10x128x40xf32, #tpu.memory_space<vmem>> -> memref<1x128x40xf32, #tpu.memory_space<vmem>>
      %dma_wait3A_579 = tpu.memref_squeeze %dma_wait3A_578 : memref<1x128x40xf32, #tpu.memory_space<vmem>> -> memref<128x40xf32, #tpu.memory_space<vmem>>
      %dma_wait3A_580 = arith.constant 0 : i32
      %dma_wait3A_581 = tpu.memref_slice %arg7[%add3A_566, %dma_wait3A_580] : memref<80x128xi32, #tpu.memory_space<vmem>> -> memref<1x128xi32, #tpu.memory_space<vmem>>
      %dma_wait3A_582 = tpu.memref_squeeze %dma_wait3A_581 : memref<1x128xi32, #tpu.memory_space<vmem>> -> memref<128xi32, #tpu.memory_space<vmem>>
      %dma_wait3A_583 = arith.constant 0 : i32
      %dma_wait3A_584 = arith.constant 0 : i32
      %dma_wait3A_585 = tpu.memref_slice %arg10[%dma_wait3A_583, %dma_wait3A_584] : memref<10240x40xf32, #tpu.memory_space<vmem_shared>> -> memref<10240x40xf32, #tpu.memory_space<vmem_shared>>
      %dma_wait3A_586 = tpu.memref_slice %arg12[%dma_wait3A_575] : memref<10x!tpu.dma_semaphore, #tpu.memory_space<semaphore_mem>> -> memref<1x!tpu.dma_semaphore, #tpu.memory_space<semaphore_mem>>
      %dma_wait3A_587 = tpu.memref_squeeze %dma_wait3A_586 : memref<1x!tpu.dma_semaphore, #tpu.memory_space<semaphore_mem>> -> memref<!tpu.dma_semaphore, #tpu.memory_space<semaphore_mem>>
      tpu.wait_indirect_dma semaphore(%dma_wait3A_587 : memref<!tpu.dma_semaphore, #tpu.memory_space<semaphore_mem>>) src(%dma_wait3A_585 : memref<10240x40xf32, #tpu.memory_space<vmem_shared>>) dst(%dma_wait3A_579 : memref<128x40xf32, #tpu.memory_space<vmem>>)
      %dma_start3A_588 = arith.constant 7 : i32
      %dma_start3A_589 = arith.constant 7 : i32
      %dma_start3A_590 = arith.constant 0 : i32
      %dma_start3A_591 = arith.constant 0 : i32
      %dma_start3A_592 = tpu.memref_slice %arg9[%dma_start3A_588, %dma_start3A_590, %dma_start3A_591] : memref<10x128x40xf32, #tpu.memory_space<vmem>> -> memref<1x128x40xf32, #tpu.memory_space<vmem>>
      %dma_start3A_593 = tpu.memref_squeeze %dma_start3A_592 : memref<1x128x40xf32, #tpu.memory_space<vmem>> -> memref<128x40xf32, #tpu.memory_space<vmem>>
      %dma_start3A_594 = arith.constant 0 : i32
      %dma_start3A_595 = tpu.memref_slice %arg8[%add3A_566, %dma_start3A_594] : memref<80x128xi32, #tpu.memory_space<vmem>> -> memref<1x128xi32, #tpu.memory_space<vmem>>
      %dma_start3A_596 = tpu.memref_squeeze %dma_start3A_595 : memref<1x128xi32, #tpu.memory_space<vmem>> -> memref<128xi32, #tpu.memory_space<vmem>>
      %dma_start3A_597 = arith.constant 0 : i32
      %dma_start3A_598 = arith.constant 0 : i32
      %dma_start3A_599 = tpu.memref_slice %arg11[%dma_start3A_597, %dma_start3A_598] : memref<10240x40xf32, #tpu.memory_space<vmem_shared>> -> memref<10240x40xf32, #tpu.memory_space<vmem_shared>>
      %dma_start3A_600 = tpu.memref_slice %arg13[%dma_start3A_589] : memref<10x!tpu.dma_semaphore, #tpu.memory_space<semaphore_mem>> -> memref<1x!tpu.dma_semaphore, #tpu.memory_space<semaphore_mem>>
      %dma_start3A_601 = tpu.memref_squeeze %dma_start3A_600 : memref<1x!tpu.dma_semaphore, #tpu.memory_space<semaphore_mem>> -> memref<!tpu.dma_semaphore, #tpu.memory_space<semaphore_mem>>
      tpu.enqueue_indirect_dma source(%dma_start3A_593 : memref<128x40xf32, #tpu.memory_space<vmem>>) target(%dma_start3A_599 : memref<10240x40xf32, #tpu.memory_space<vmem_shared>>) offsets(%dma_start3A_596 : memref<128xi32, #tpu.memory_space<vmem>>) semaphore(%dma_start3A_601 : memref<!tpu.dma_semaphore, #tpu.memory_space<semaphore_mem>>) {add = true}
      %add3A_602 = arith.constant 8 : i32
      %add3A_603 = arith.addi %add3A_306, %add3A_602 : i32
      %add3A_604 = arith.constant 5 : i32
      %add3A_605 = arith.addi %add3A_603, %add3A_604 : i32
      %lt3A_606 = arith.constant 80 : i32
      %lt3A_607 = arith.cmpi slt, %add3A_605, %lt3A_606 : i32
      %convert_element_type3A_608 = arith.extui %lt3A_607 : i1 to i32
      %cond3A_609 = arith.constant 0 : i32
      %cond3A_610 = arith.cmpi ne, %convert_element_type3A_608, %cond3A_609 : i32
      scf.if %cond3A_610 {
        %ge3A = arith.constant 10 : i32
        %ge3A_676 = arith.cmpi sge, %add3A_605, %ge3A : i32
        %convert_element_type3A_677 = arith.extui %ge3A_676 : i1 to i32
        %cond3A_678 = arith.constant 0 : i32
        %cond3A_679 = arith.cmpi ne, %convert_element_type3A_677, %cond3A_678 : i32
        scf.if %cond3A_679 {
          %sub3A = arith.constant 10 : i32
          %sub3A_694 = arith.subi %add3A_605, %sub3A : i32
          %dma_wait3A_695 = arith.constant 3 : i32
          %dma_wait3A_696 = arith.constant 3 : i32
          %dma_wait3A_697 = arith.constant 0 : i32
          %dma_wait3A_698 = arith.constant 0 : i32
          %dma_wait3A_699 = tpu.memref_slice %arg9[%dma_wait3A_695, %dma_wait3A_697, %dma_wait3A_698] : memref<10x128x40xf32, #tpu.memory_space<vmem>> -> memref<1x128x40xf32, #tpu.memory_space<vmem>>
          %dma_wait3A_700 = tpu.memref_squeeze %dma_wait3A_699 : memref<1x128x40xf32, #tpu.memory_space<vmem>> -> memref<128x40xf32, #tpu.memory_space<vmem>>
          %dma_wait3A_701 = arith.constant 0 : i32
          %dma_wait3A_702 = tpu.memref_slice %arg8[%sub3A_694, %dma_wait3A_701] : memref<80x128xi32, #tpu.memory_space<vmem>> -> memref<1x128xi32, #tpu.memory_space<vmem>>
          %dma_wait3A_703 = tpu.memref_squeeze %dma_wait3A_702 : memref<1x128xi32, #tpu.memory_space<vmem>> -> memref<128xi32, #tpu.memory_space<vmem>>
          %dma_wait3A_704 = arith.constant 0 : i32
          %dma_wait3A_705 = arith.constant 0 : i32
          %dma_wait3A_706 = tpu.memref_slice %arg11[%dma_wait3A_704, %dma_wait3A_705] : memref<10240x40xf32, #tpu.memory_space<vmem_shared>> -> memref<10240x40xf32, #tpu.memory_space<vmem_shared>>
          %dma_wait3A_707 = tpu.memref_slice %arg13[%dma_wait3A_696] : memref<10x!tpu.dma_semaphore, #tpu.memory_space<semaphore_mem>> -> memref<1x!tpu.dma_semaphore, #tpu.memory_space<semaphore_mem>>
          %dma_wait3A_708 = tpu.memref_squeeze %dma_wait3A_707 : memref<1x!tpu.dma_semaphore, #tpu.memory_space<semaphore_mem>> -> memref<!tpu.dma_semaphore, #tpu.memory_space<semaphore_mem>>
          tpu.wait_indirect_dma semaphore(%dma_wait3A_708 : memref<!tpu.dma_semaphore, #tpu.memory_space<semaphore_mem>>) src(%dma_wait3A_700 : memref<128x40xf32, #tpu.memory_space<vmem>>) dst(%dma_wait3A_706 : memref<10240x40xf32, #tpu.memory_space<vmem_shared>>)
        } else {
        }
        %dma_start3A_680 = arith.constant 3 : i32
        %dma_start3A_681 = arith.constant 3 : i32
        %dma_start3A_682 = arith.constant 0 : i32
        %dma_start3A_683 = arith.constant 0 : i32
        %dma_start3A_684 = tpu.memref_slice %arg9[%dma_start3A_680, %dma_start3A_682, %dma_start3A_683] : memref<10x128x40xf32, #tpu.memory_space<vmem>> -> memref<1x128x40xf32, #tpu.memory_space<vmem>>
        %dma_start3A_685 = tpu.memref_squeeze %dma_start3A_684 : memref<1x128x40xf32, #tpu.memory_space<vmem>> -> memref<128x40xf32, #tpu.memory_space<vmem>>
        %dma_start3A_686 = arith.constant 0 : i32
        %dma_start3A_687 = tpu.memref_slice %arg7[%add3A_605, %dma_start3A_686] : memref<80x128xi32, #tpu.memory_space<vmem>> -> memref<1x128xi32, #tpu.memory_space<vmem>>
        %dma_start3A_688 = tpu.memref_squeeze %dma_start3A_687 : memref<1x128xi32, #tpu.memory_space<vmem>> -> memref<128xi32, #tpu.memory_space<vmem>>
        %dma_start3A_689 = arith.constant 0 : i32
        %dma_start3A_690 = arith.constant 0 : i32
        %dma_start3A_691 = tpu.memref_slice %arg10[%dma_start3A_689, %dma_start3A_690] : memref<10240x40xf32, #tpu.memory_space<vmem_shared>> -> memref<10240x40xf32, #tpu.memory_space<vmem_shared>>
        %dma_start3A_692 = tpu.memref_slice %arg12[%dma_start3A_681] : memref<10x!tpu.dma_semaphore, #tpu.memory_space<semaphore_mem>> -> memref<1x!tpu.dma_semaphore, #tpu.memory_space<semaphore_mem>>
        %dma_start3A_693 = tpu.memref_squeeze %dma_start3A_692 : memref<1x!tpu.dma_semaphore, #tpu.memory_space<semaphore_mem>> -> memref<!tpu.dma_semaphore, #tpu.memory_space<semaphore_mem>>
        tpu.enqueue_indirect_dma source(%dma_start3A_691 : memref<10240x40xf32, #tpu.memory_space<vmem_shared>>) target(%dma_start3A_685 : memref<128x40xf32, #tpu.memory_space<vmem>>) offsets(%dma_start3A_688 : memref<128xi32, #tpu.memory_space<vmem>>) semaphore(%dma_start3A_693 : memref<!tpu.dma_semaphore, #tpu.memory_space<semaphore_mem>>)
      } else {
      }
      %dma_wait3A_611 = arith.constant 8 : i32
      %dma_wait3A_612 = arith.constant 8 : i32
      %dma_wait3A_613 = arith.constant 0 : i32
      %dma_wait3A_614 = arith.constant 0 : i32
      %dma_wait3A_615 = tpu.memref_slice %arg9[%dma_wait3A_611, %dma_wait3A_613, %dma_wait3A_614] : memref<10x128x40xf32, #tpu.memory_space<vmem>> -> memref<1x128x40xf32, #tpu.memory_space<vmem>>
      %dma_wait3A_616 = tpu.memref_squeeze %dma_wait3A_615 : memref<1x128x40xf32, #tpu.memory_space<vmem>> -> memref<128x40xf32, #tpu.memory_space<vmem>>
      %dma_wait3A_617 = arith.constant 0 : i32
      %dma_wait3A_618 = tpu.memref_slice %arg7[%add3A_603, %dma_wait3A_617] : memref<80x128xi32, #tpu.memory_space<vmem>> -> memref<1x128xi32, #tpu.memory_space<vmem>>
      %dma_wait3A_619 = tpu.memref_squeeze %dma_wait3A_618 : memref<1x128xi32, #tpu.memory_space<vmem>> -> memref<128xi32, #tpu.memory_space<vmem>>
      %dma_wait3A_620 = arith.constant 0 : i32
      %dma_wait3A_621 = arith.constant 0 : i32
      %dma_wait3A_622 = tpu.memref_slice %arg10[%dma_wait3A_620, %dma_wait3A_621] : memref<10240x40xf32, #tpu.memory_space<vmem_shared>> -> memref<10240x40xf32, #tpu.memory_space<vmem_shared>>
      %dma_wait3A_623 = tpu.memref_slice %arg12[%dma_wait3A_612] : memref<10x!tpu.dma_semaphore, #tpu.memory_space<semaphore_mem>> -> memref<1x!tpu.dma_semaphore, #tpu.memory_space<semaphore_mem>>
      %dma_wait3A_624 = tpu.memref_squeeze %dma_wait3A_623 : memref<1x!tpu.dma_semaphore, #tpu.memory_space<semaphore_mem>> -> memref<!tpu.dma_semaphore, #tpu.memory_space<semaphore_mem>>
      tpu.wait_indirect_dma semaphore(%dma_wait3A_624 : memref<!tpu.dma_semaphore, #tpu.memory_space<semaphore_mem>>) src(%dma_wait3A_622 : memref<10240x40xf32, #tpu.memory_space<vmem_shared>>) dst(%dma_wait3A_616 : memref<128x40xf32, #tpu.memory_space<vmem>>)
      %dma_start3A_625 = arith.constant 8 : i32
      %dma_start3A_626 = arith.constant 8 : i32
      %dma_start3A_627 = arith.constant 0 : i32
      %dma_start3A_628 = arith.constant 0 : i32
      %dma_start3A_629 = tpu.memref_slice %arg9[%dma_start3A_625, %dma_start3A_627, %dma_start3A_628] : memref<10x128x40xf32, #tpu.memory_space<vmem>> -> memref<1x128x40xf32, #tpu.memory_space<vmem>>
      %dma_start3A_630 = tpu.memref_squeeze %dma_start3A_629 : memref<1x128x40xf32, #tpu.memory_space<vmem>> -> memref<128x40xf32, #tpu.memory_space<vmem>>
      %dma_start3A_631 = arith.constant 0 : i32
      %dma_start3A_632 = tpu.memref_slice %arg8[%add3A_603, %dma_start3A_631] : memref<80x128xi32, #tpu.memory_space<vmem>> -> memref<1x128xi32, #tpu.memory_space<vmem>>
      %dma_start3A_633 = tpu.memref_squeeze %dma_start3A_632 : memref<1x128xi32, #tpu.memory_space<vmem>> -> memref<128xi32, #tpu.memory_space<vmem>>
      %dma_start3A_634 = arith.constant 0 : i32
      %dma_start3A_635 = arith.constant 0 : i32
      %dma_start3A_636 = tpu.memref_slice %arg11[%dma_start3A_634, %dma_start3A_635] : memref<10240x40xf32, #tpu.memory_space<vmem_shared>> -> memref<10240x40xf32, #tpu.memory_space<vmem_shared>>
      %dma_start3A_637 = tpu.memref_slice %arg13[%dma_start3A_626] : memref<10x!tpu.dma_semaphore, #tpu.memory_space<semaphore_mem>> -> memref<1x!tpu.dma_semaphore, #tpu.memory_space<semaphore_mem>>
      %dma_start3A_638 = tpu.memref_squeeze %dma_start3A_637 : memref<1x!tpu.dma_semaphore, #tpu.memory_space<semaphore_mem>> -> memref<!tpu.dma_semaphore, #tpu.memory_space<semaphore_mem>>
      tpu.enqueue_indirect_dma source(%dma_start3A_630 : memref<128x40xf32, #tpu.memory_space<vmem>>) target(%dma_start3A_636 : memref<10240x40xf32, #tpu.memory_space<vmem_shared>>) offsets(%dma_start3A_633 : memref<128xi32, #tpu.memory_space<vmem>>) semaphore(%dma_start3A_638 : memref<!tpu.dma_semaphore, #tpu.memory_space<semaphore_mem>>) {add = true}
      %add3A_639 = arith.constant 9 : i32
      %add3A_640 = arith.addi %add3A_306, %add3A_639 : i32
      %add3A_641 = arith.constant 5 : i32
      %add3A_642 = arith.addi %add3A_640, %add3A_641 : i32
      %lt3A_643 = arith.constant 80 : i32
      %lt3A_644 = arith.cmpi slt, %add3A_642, %lt3A_643 : i32
      %convert_element_type3A_645 = arith.extui %lt3A_644 : i1 to i32
      %cond3A_646 = arith.constant 0 : i32
      %cond3A_647 = arith.cmpi ne, %convert_element_type3A_645, %cond3A_646 : i32
      scf.if %cond3A_647 {
        %ge3A = arith.constant 10 : i32
        %ge3A_676 = arith.cmpi sge, %add3A_642, %ge3A : i32
        %convert_element_type3A_677 = arith.extui %ge3A_676 : i1 to i32
        %cond3A_678 = arith.constant 0 : i32
        %cond3A_679 = arith.cmpi ne, %convert_element_type3A_677, %cond3A_678 : i32
        scf.if %cond3A_679 {
          %sub3A = arith.constant 10 : i32
          %sub3A_694 = arith.subi %add3A_642, %sub3A : i32
          %dma_wait3A_695 = arith.constant 4 : i32
          %dma_wait3A_696 = arith.constant 4 : i32
          %dma_wait3A_697 = arith.constant 0 : i32
          %dma_wait3A_698 = arith.constant 0 : i32
          %dma_wait3A_699 = tpu.memref_slice %arg9[%dma_wait3A_695, %dma_wait3A_697, %dma_wait3A_698] : memref<10x128x40xf32, #tpu.memory_space<vmem>> -> memref<1x128x40xf32, #tpu.memory_space<vmem>>
          %dma_wait3A_700 = tpu.memref_squeeze %dma_wait3A_699 : memref<1x128x40xf32, #tpu.memory_space<vmem>> -> memref<128x40xf32, #tpu.memory_space<vmem>>
          %dma_wait3A_701 = arith.constant 0 : i32
          %dma_wait3A_702 = tpu.memref_slice %arg8[%sub3A_694, %dma_wait3A_701] : memref<80x128xi32, #tpu.memory_space<vmem>> -> memref<1x128xi32, #tpu.memory_space<vmem>>
          %dma_wait3A_703 = tpu.memref_squeeze %dma_wait3A_702 : memref<1x128xi32, #tpu.memory_space<vmem>> -> memref<128xi32, #tpu.memory_space<vmem>>
          %dma_wait3A_704 = arith.constant 0 : i32
          %dma_wait3A_705 = arith.constant 0 : i32
          %dma_wait3A_706 = tpu.memref_slice %arg11[%dma_wait3A_704, %dma_wait3A_705] : memref<10240x40xf32, #tpu.memory_space<vmem_shared>> -> memref<10240x40xf32, #tpu.memory_space<vmem_shared>>
          %dma_wait3A_707 = tpu.memref_slice %arg13[%dma_wait3A_696] : memref<10x!tpu.dma_semaphore, #tpu.memory_space<semaphore_mem>> -> memref<1x!tpu.dma_semaphore, #tpu.memory_space<semaphore_mem>>
          %dma_wait3A_708 = tpu.memref_squeeze %dma_wait3A_707 : memref<1x!tpu.dma_semaphore, #tpu.memory_space<semaphore_mem>> -> memref<!tpu.dma_semaphore, #tpu.memory_space<semaphore_mem>>
          tpu.wait_indirect_dma semaphore(%dma_wait3A_708 : memref<!tpu.dma_semaphore, #tpu.memory_space<semaphore_mem>>) src(%dma_wait3A_700 : memref<128x40xf32, #tpu.memory_space<vmem>>) dst(%dma_wait3A_706 : memref<10240x40xf32, #tpu.memory_space<vmem_shared>>)
        } else {
        }
        %dma_start3A_680 = arith.constant 4 : i32
        %dma_start3A_681 = arith.constant 4 : i32
        %dma_start3A_682 = arith.constant 0 : i32
        %dma_start3A_683 = arith.constant 0 : i32
        %dma_start3A_684 = tpu.memref_slice %arg9[%dma_start3A_680, %dma_start3A_682, %dma_start3A_683] : memref<10x128x40xf32, #tpu.memory_space<vmem>> -> memref<1x128x40xf32, #tpu.memory_space<vmem>>
        %dma_start3A_685 = tpu.memref_squeeze %dma_start3A_684 : memref<1x128x40xf32, #tpu.memory_space<vmem>> -> memref<128x40xf32, #tpu.memory_space<vmem>>
        %dma_start3A_686 = arith.constant 0 : i32
        %dma_start3A_687 = tpu.memref_slice %arg7[%add3A_642, %dma_start3A_686] : memref<80x128xi32, #tpu.memory_space<vmem>> -> memref<1x128xi32, #tpu.memory_space<vmem>>
        %dma_start3A_688 = tpu.memref_squeeze %dma_start3A_687 : memref<1x128xi32, #tpu.memory_space<vmem>> -> memref<128xi32, #tpu.memory_space<vmem>>
        %dma_start3A_689 = arith.constant 0 : i32
        %dma_start3A_690 = arith.constant 0 : i32
        %dma_start3A_691 = tpu.memref_slice %arg10[%dma_start3A_689, %dma_start3A_690] : memref<10240x40xf32, #tpu.memory_space<vmem_shared>> -> memref<10240x40xf32, #tpu.memory_space<vmem_shared>>
        %dma_start3A_692 = tpu.memref_slice %arg12[%dma_start3A_681] : memref<10x!tpu.dma_semaphore, #tpu.memory_space<semaphore_mem>> -> memref<1x!tpu.dma_semaphore, #tpu.memory_space<semaphore_mem>>
        %dma_start3A_693 = tpu.memref_squeeze %dma_start3A_692 : memref<1x!tpu.dma_semaphore, #tpu.memory_space<semaphore_mem>> -> memref<!tpu.dma_semaphore, #tpu.memory_space<semaphore_mem>>
        tpu.enqueue_indirect_dma source(%dma_start3A_691 : memref<10240x40xf32, #tpu.memory_space<vmem_shared>>) target(%dma_start3A_685 : memref<128x40xf32, #tpu.memory_space<vmem>>) offsets(%dma_start3A_688 : memref<128xi32, #tpu.memory_space<vmem>>) semaphore(%dma_start3A_693 : memref<!tpu.dma_semaphore, #tpu.memory_space<semaphore_mem>>)
      } else {
      }
      %dma_wait3A_648 = arith.constant 9 : i32
      %dma_wait3A_649 = arith.constant 9 : i32
      %dma_wait3A_650 = arith.constant 0 : i32
      %dma_wait3A_651 = arith.constant 0 : i32
      %dma_wait3A_652 = tpu.memref_slice %arg9[%dma_wait3A_648, %dma_wait3A_650, %dma_wait3A_651] : memref<10x128x40xf32, #tpu.memory_space<vmem>> -> memref<1x128x40xf32, #tpu.memory_space<vmem>>
      %dma_wait3A_653 = tpu.memref_squeeze %dma_wait3A_652 : memref<1x128x40xf32, #tpu.memory_space<vmem>> -> memref<128x40xf32, #tpu.memory_space<vmem>>
      %dma_wait3A_654 = arith.constant 0 : i32
      %dma_wait3A_655 = tpu.memref_slice %arg7[%add3A_640, %dma_wait3A_654] : memref<80x128xi32, #tpu.memory_space<vmem>> -> memref<1x128xi32, #tpu.memory_space<vmem>>
      %dma_wait3A_656 = tpu.memref_squeeze %dma_wait3A_655 : memref<1x128xi32, #tpu.memory_space<vmem>> -> memref<128xi32, #tpu.memory_space<vmem>>
      %dma_wait3A_657 = arith.constant 0 : i32
      %dma_wait3A_658 = arith.constant 0 : i32
      %dma_wait3A_659 = tpu.memref_slice %arg10[%dma_wait3A_657, %dma_wait3A_658] : memref<10240x40xf32, #tpu.memory_space<vmem_shared>> -> memref<10240x40xf32, #tpu.memory_space<vmem_shared>>
      %dma_wait3A_660 = tpu.memref_slice %arg12[%dma_wait3A_649] : memref<10x!tpu.dma_semaphore, #tpu.memory_space<semaphore_mem>> -> memref<1x!tpu.dma_semaphore, #tpu.memory_space<semaphore_mem>>
      %dma_wait3A_661 = tpu.memref_squeeze %dma_wait3A_660 : memref<1x!tpu.dma_semaphore, #tpu.memory_space<semaphore_mem>> -> memref<!tpu.dma_semaphore, #tpu.memory_space<semaphore_mem>>
      tpu.wait_indirect_dma semaphore(%dma_wait3A_661 : memref<!tpu.dma_semaphore, #tpu.memory_space<semaphore_mem>>) src(%dma_wait3A_659 : memref<10240x40xf32, #tpu.memory_space<vmem_shared>>) dst(%dma_wait3A_653 : memref<128x40xf32, #tpu.memory_space<vmem>>)
      %dma_start3A_662 = arith.constant 9 : i32
      %dma_start3A_663 = arith.constant 9 : i32
      %dma_start3A_664 = arith.constant 0 : i32
      %dma_start3A_665 = arith.constant 0 : i32
      %dma_start3A_666 = tpu.memref_slice %arg9[%dma_start3A_662, %dma_start3A_664, %dma_start3A_665] : memref<10x128x40xf32, #tpu.memory_space<vmem>> -> memref<1x128x40xf32, #tpu.memory_space<vmem>>
      %dma_start3A_667 = tpu.memref_squeeze %dma_start3A_666 : memref<1x128x40xf32, #tpu.memory_space<vmem>> -> memref<128x40xf32, #tpu.memory_space<vmem>>
      %dma_start3A_668 = arith.constant 0 : i32
      %dma_start3A_669 = tpu.memref_slice %arg8[%add3A_640, %dma_start3A_668] : memref<80x128xi32, #tpu.memory_space<vmem>> -> memref<1x128xi32, #tpu.memory_space<vmem>>
      %dma_start3A_670 = tpu.memref_squeeze %dma_start3A_669 : memref<1x128xi32, #tpu.memory_space<vmem>> -> memref<128xi32, #tpu.memory_space<vmem>>
      %dma_start3A_671 = arith.constant 0 : i32
      %dma_start3A_672 = arith.constant 0 : i32
      %dma_start3A_673 = tpu.memref_slice %arg11[%dma_start3A_671, %dma_start3A_672] : memref<10240x40xf32, #tpu.memory_space<vmem_shared>> -> memref<10240x40xf32, #tpu.memory_space<vmem_shared>>
      %dma_start3A_674 = tpu.memref_slice %arg13[%dma_start3A_663] : memref<10x!tpu.dma_semaphore, #tpu.memory_space<semaphore_mem>> -> memref<1x!tpu.dma_semaphore, #tpu.memory_space<semaphore_mem>>
      %dma_start3A_675 = tpu.memref_squeeze %dma_start3A_674 : memref<1x!tpu.dma_semaphore, #tpu.memory_space<semaphore_mem>> -> memref<!tpu.dma_semaphore, #tpu.memory_space<semaphore_mem>>
      tpu.enqueue_indirect_dma source(%dma_start3A_667 : memref<128x40xf32, #tpu.memory_space<vmem>>) target(%dma_start3A_673 : memref<10240x40xf32, #tpu.memory_space<vmem_shared>>) offsets(%dma_start3A_670 : memref<128xi32, #tpu.memory_space<vmem>>) semaphore(%dma_start3A_675 : memref<!tpu.dma_semaphore, #tpu.memory_space<semaphore_mem>>) {add = true}
    }
    %scan3A_150 = arith.constant 8 : i32
    %dma_wait3A_151 = arith.constant 0 : i32
    %dma_wait3A_152 = arith.constant 0 : i32
    %dma_wait3A_153 = arith.constant 0 : i32
    %dma_wait3A_154 = arith.constant 0 : i32
    %dma_wait3A_155 = arith.constant 0 : i32
    %dma_wait3A_156 = tpu.memref_slice %arg9[%dma_wait3A_151, %dma_wait3A_154, %dma_wait3A_155] : memref<10x128x40xf32, #tpu.memory_space<vmem>> -> memref<1x128x40xf32, #tpu.memory_space<vmem>>
    %dma_wait3A_157 = tpu.memref_squeeze %dma_wait3A_156 : memref<1x128x40xf32, #tpu.memory_space<vmem>> -> memref<128x40xf32, #tpu.memory_space<vmem>>
    %dma_wait3A_158 = arith.constant 0 : i32
    %dma_wait3A_159 = tpu.memref_slice %arg8[%dma_wait3A_152, %dma_wait3A_158] : memref<80x128xi32, #tpu.memory_space<vmem>> -> memref<1x128xi32, #tpu.memory_space<vmem>>
    %dma_wait3A_160 = tpu.memref_squeeze %dma_wait3A_159 : memref<1x128xi32, #tpu.memory_space<vmem>> -> memref<128xi32, #tpu.memory_space<vmem>>
    %dma_wait3A_161 = arith.constant 0 : i32
    %dma_wait3A_162 = arith.constant 0 : i32
    %dma_wait3A_163 = tpu.memref_slice %arg11[%dma_wait3A_161, %dma_wait3A_162] : memref<10240x40xf32, #tpu.memory_space<vmem_shared>> -> memref<10240x40xf32, #tpu.memory_space<vmem_shared>>
    %dma_wait3A_164 = tpu.memref_slice %arg13[%dma_wait3A_153] : memref<10x!tpu.dma_semaphore, #tpu.memory_space<semaphore_mem>> -> memref<1x!tpu.dma_semaphore, #tpu.memory_space<semaphore_mem>>
    %dma_wait3A_165 = tpu.memref_squeeze %dma_wait3A_164 : memref<1x!tpu.dma_semaphore, #tpu.memory_space<semaphore_mem>> -> memref<!tpu.dma_semaphore, #tpu.memory_space<semaphore_mem>>
    tpu.wait_indirect_dma semaphore(%dma_wait3A_165 : memref<!tpu.dma_semaphore, #tpu.memory_space<semaphore_mem>>) src(%dma_wait3A_157 : memref<128x40xf32, #tpu.memory_space<vmem>>) dst(%dma_wait3A_163 : memref<10240x40xf32, #tpu.memory_space<vmem_shared>>)
    %dma_wait3A_166 = arith.constant 1 : i32
    %dma_wait3A_167 = arith.constant 0 : i32
    %dma_wait3A_168 = arith.constant 1 : i32
    %dma_wait3A_169 = arith.constant 0 : i32
    %dma_wait3A_170 = arith.constant 0 : i32
    %dma_wait3A_171 = tpu.memref_slice %arg9[%dma_wait3A_166, %dma_wait3A_169, %dma_wait3A_170] : memref<10x128x40xf32, #tpu.memory_space<vmem>> -> memref<1x128x40xf32, #tpu.memory_space<vmem>>
    %dma_wait3A_172 = tpu.memref_squeeze %dma_wait3A_171 : memref<1x128x40xf32, #tpu.memory_space<vmem>> -> memref<128x40xf32, #tpu.memory_space<vmem>>
    %dma_wait3A_173 = arith.constant 0 : i32
    %dma_wait3A_174 = tpu.memref_slice %arg8[%dma_wait3A_167, %dma_wait3A_173] : memref<80x128xi32, #tpu.memory_space<vmem>> -> memref<1x128xi32, #tpu.memory_space<vmem>>
    %dma_wait3A_175 = tpu.memref_squeeze %dma_wait3A_174 : memref<1x128xi32, #tpu.memory_space<vmem>> -> memref<128xi32, #tpu.memory_space<vmem>>
    %dma_wait3A_176 = arith.constant 0 : i32
    %dma_wait3A_177 = arith.constant 0 : i32
    %dma_wait3A_178 = tpu.memref_slice %arg11[%dma_wait3A_176, %dma_wait3A_177] : memref<10240x40xf32, #tpu.memory_space<vmem_shared>> -> memref<10240x40xf32, #tpu.memory_space<vmem_shared>>
    %dma_wait3A_179 = tpu.memref_slice %arg13[%dma_wait3A_168] : memref<10x!tpu.dma_semaphore, #tpu.memory_space<semaphore_mem>> -> memref<1x!tpu.dma_semaphore, #tpu.memory_space<semaphore_mem>>
    %dma_wait3A_180 = tpu.memref_squeeze %dma_wait3A_179 : memref<1x!tpu.dma_semaphore, #tpu.memory_space<semaphore_mem>> -> memref<!tpu.dma_semaphore, #tpu.memory_space<semaphore_mem>>
    tpu.wait_indirect_dma semaphore(%dma_wait3A_180 : memref<!tpu.dma_semaphore, #tpu.memory_space<semaphore_mem>>) src(%dma_wait3A_172 : memref<128x40xf32, #tpu.memory_space<vmem>>) dst(%dma_wait3A_178 : memref<10240x40xf32, #tpu.memory_space<vmem_shared>>)
    %dma_wait3A_181 = arith.constant 2 : i32
    %dma_wait3A_182 = arith.constant 0 : i32
    %dma_wait3A_183 = arith.constant 2 : i32
    %dma_wait3A_184 = arith.constant 0 : i32
    %dma_wait3A_185 = arith.constant 0 : i32
    %dma_wait3A_186 = tpu.memref_slice %arg9[%dma_wait3A_181, %dma_wait3A_184, %dma_wait3A_185] : memref<10x128x40xf32, #tpu.memory_space<vmem>> -> memref<1x128x40xf32, #tpu.memory_space<vmem>>
    %dma_wait3A_187 = tpu.memref_squeeze %dma_wait3A_186 : memref<1x128x40xf32, #tpu.memory_space<vmem>> -> memref<128x40xf32, #tpu.memory_space<vmem>>
    %dma_wait3A_188 = arith.constant 0 : i32
    %dma_wait3A_189 = tpu.memref_slice %arg8[%dma_wait3A_182, %dma_wait3A_188] : memref<80x128xi32, #tpu.memory_space<vmem>> -> memref<1x128xi32, #tpu.memory_space<vmem>>
    %dma_wait3A_190 = tpu.memref_squeeze %dma_wait3A_189 : memref<1x128xi32, #tpu.memory_space<vmem>> -> memref<128xi32, #tpu.memory_space<vmem>>
    %dma_wait3A_191 = arith.constant 0 : i32
    %dma_wait3A_192 = arith.constant 0 : i32
    %dma_wait3A_193 = tpu.memref_slice %arg11[%dma_wait3A_191, %dma_wait3A_192] : memref<10240x40xf32, #tpu.memory_space<vmem_shared>> -> memref<10240x40xf32, #tpu.memory_space<vmem_shared>>
    %dma_wait3A_194 = tpu.memref_slice %arg13[%dma_wait3A_183] : memref<10x!tpu.dma_semaphore, #tpu.memory_space<semaphore_mem>> -> memref<1x!tpu.dma_semaphore, #tpu.memory_space<semaphore_mem>>
    %dma_wait3A_195 = tpu.memref_squeeze %dma_wait3A_194 : memref<1x!tpu.dma_semaphore, #tpu.memory_space<semaphore_mem>> -> memref<!tpu.dma_semaphore, #tpu.memory_space<semaphore_mem>>
    tpu.wait_indirect_dma semaphore(%dma_wait3A_195 : memref<!tpu.dma_semaphore, #tpu.memory_space<semaphore_mem>>) src(%dma_wait3A_187 : memref<128x40xf32, #tpu.memory_space<vmem>>) dst(%dma_wait3A_193 : memref<10240x40xf32, #tpu.memory_space<vmem_shared>>)
    %dma_wait3A_196 = arith.constant 3 : i32
    %dma_wait3A_197 = arith.constant 0 : i32
    %dma_wait3A_198 = arith.constant 3 : i32
    %dma_wait3A_199 = arith.constant 0 : i32
    %dma_wait3A_200 = arith.constant 0 : i32
    %dma_wait3A_201 = tpu.memref_slice %arg9[%dma_wait3A_196, %dma_wait3A_199, %dma_wait3A_200] : memref<10x128x40xf32, #tpu.memory_space<vmem>> -> memref<1x128x40xf32, #tpu.memory_space<vmem>>
    %dma_wait3A_202 = tpu.memref_squeeze %dma_wait3A_201 : memref<1x128x40xf32, #tpu.memory_space<vmem>> -> memref<128x40xf32, #tpu.memory_space<vmem>>
    %dma_wait3A_203 = arith.constant 0 : i32
    %dma_wait3A_204 = tpu.memref_slice %arg8[%dma_wait3A_197, %dma_wait3A_203] : memref<80x128xi32, #tpu.memory_space<vmem>> -> memref<1x128xi32, #tpu.memory_space<vmem>>
    %dma_wait3A_205 = tpu.memref_squeeze %dma_wait3A_204 : memref<1x128xi32, #tpu.memory_space<vmem>> -> memref<128xi32, #tpu.memory_space<vmem>>
    %dma_wait3A_206 = arith.constant 0 : i32
    %dma_wait3A_207 = arith.constant 0 : i32
    %dma_wait3A_208 = tpu.memref_slice %arg11[%dma_wait3A_206, %dma_wait3A_207] : memref<10240x40xf32, #tpu.memory_space<vmem_shared>> -> memref<10240x40xf32, #tpu.memory_space<vmem_shared>>
    %dma_wait3A_209 = tpu.memref_slice %arg13[%dma_wait3A_198] : memref<10x!tpu.dma_semaphore, #tpu.memory_space<semaphore_mem>> -> memref<1x!tpu.dma_semaphore, #tpu.memory_space<semaphore_mem>>
    %dma_wait3A_210 = tpu.memref_squeeze %dma_wait3A_209 : memref<1x!tpu.dma_semaphore, #tpu.memory_space<semaphore_mem>> -> memref<!tpu.dma_semaphore, #tpu.memory_space<semaphore_mem>>
    tpu.wait_indirect_dma semaphore(%dma_wait3A_210 : memref<!tpu.dma_semaphore, #tpu.memory_space<semaphore_mem>>) src(%dma_wait3A_202 : memref<128x40xf32, #tpu.memory_space<vmem>>) dst(%dma_wait3A_208 : memref<10240x40xf32, #tpu.memory_space<vmem_shared>>)
    %dma_wait3A_211 = arith.constant 4 : i32
    %dma_wait3A_212 = arith.constant 0 : i32
    %dma_wait3A_213 = arith.constant 4 : i32
    %dma_wait3A_214 = arith.constant 0 : i32
    %dma_wait3A_215 = arith.constant 0 : i32
    %dma_wait3A_216 = tpu.memref_slice %arg9[%dma_wait3A_211, %dma_wait3A_214, %dma_wait3A_215] : memref<10x128x40xf32, #tpu.memory_space<vmem>> -> memref<1x128x40xf32, #tpu.memory_space<vmem>>
    %dma_wait3A_217 = tpu.memref_squeeze %dma_wait3A_216 : memref<1x128x40xf32, #tpu.memory_space<vmem>> -> memref<128x40xf32, #tpu.memory_space<vmem>>
    %dma_wait3A_218 = arith.constant 0 : i32
    %dma_wait3A_219 = tpu.memref_slice %arg8[%dma_wait3A_212, %dma_wait3A_218] : memref<80x128xi32, #tpu.memory_space<vmem>> -> memref<1x128xi32, #tpu.memory_space<vmem>>
    %dma_wait3A_220 = tpu.memref_squeeze %dma_wait3A_219 : memref<1x128xi32, #tpu.memory_space<vmem>> -> memref<128xi32, #tpu.memory_space<vmem>>
    %dma_wait3A_221 = arith.constant 0 : i32
    %dma_wait3A_222 = arith.constant 0 : i32
    %dma_wait3A_223 = tpu.memref_slice %arg11[%dma_wait3A_221, %dma_wait3A_222] : memref<10240x40xf32, #tpu.memory_space<vmem_shared>> -> memref<10240x40xf32, #tpu.memory_space<vmem_shared>>
    %dma_wait3A_224 = tpu.memref_slice %arg13[%dma_wait3A_213] : memref<10x!tpu.dma_semaphore, #tpu.memory_space<semaphore_mem>> -> memref<1x!tpu.dma_semaphore, #tpu.memory_space<semaphore_mem>>
    %dma_wait3A_225 = tpu.memref_squeeze %dma_wait3A_224 : memref<1x!tpu.dma_semaphore, #tpu.memory_space<semaphore_mem>> -> memref<!tpu.dma_semaphore, #tpu.memory_space<semaphore_mem>>
    tpu.wait_indirect_dma semaphore(%dma_wait3A_225 : memref<!tpu.dma_semaphore, #tpu.memory_space<semaphore_mem>>) src(%dma_wait3A_217 : memref<128x40xf32, #tpu.memory_space<vmem>>) dst(%dma_wait3A_223 : memref<10240x40xf32, #tpu.memory_space<vmem_shared>>)
    %dma_wait3A_226 = arith.constant 5 : i32
    %dma_wait3A_227 = arith.constant 0 : i32
    %dma_wait3A_228 = arith.constant 5 : i32
    %dma_wait3A_229 = arith.constant 0 : i32
    %dma_wait3A_230 = arith.constant 0 : i32
    %dma_wait3A_231 = tpu.memref_slice %arg9[%dma_wait3A_226, %dma_wait3A_229, %dma_wait3A_230] : memref<10x128x40xf32, #tpu.memory_space<vmem>> -> memref<1x128x40xf32, #tpu.memory_space<vmem>>
    %dma_wait3A_232 = tpu.memref_squeeze %dma_wait3A_231 : memref<1x128x40xf32, #tpu.memory_space<vmem>> -> memref<128x40xf32, #tpu.memory_space<vmem>>
    %dma_wait3A_233 = arith.constant 0 : i32
    %dma_wait3A_234 = tpu.memref_slice %arg8[%dma_wait3A_227, %dma_wait3A_233] : memref<80x128xi32, #tpu.memory_space<vmem>> -> memref<1x128xi32, #tpu.memory_space<vmem>>
    %dma_wait3A_235 = tpu.memref_squeeze %dma_wait3A_234 : memref<1x128xi32, #tpu.memory_space<vmem>> -> memref<128xi32, #tpu.memory_space<vmem>>
    %dma_wait3A_236 = arith.constant 0 : i32
    %dma_wait3A_237 = arith.constant 0 : i32
    %dma_wait3A_238 = tpu.memref_slice %arg11[%dma_wait3A_236, %dma_wait3A_237] : memref<10240x40xf32, #tpu.memory_space<vmem_shared>> -> memref<10240x40xf32, #tpu.memory_space<vmem_shared>>
    %dma_wait3A_239 = tpu.memref_slice %arg13[%dma_wait3A_228] : memref<10x!tpu.dma_semaphore, #tpu.memory_space<semaphore_mem>> -> memref<1x!tpu.dma_semaphore, #tpu.memory_space<semaphore_mem>>
    %dma_wait3A_240 = tpu.memref_squeeze %dma_wait3A_239 : memref<1x!tpu.dma_semaphore, #tpu.memory_space<semaphore_mem>> -> memref<!tpu.dma_semaphore, #tpu.memory_space<semaphore_mem>>
    tpu.wait_indirect_dma semaphore(%dma_wait3A_240 : memref<!tpu.dma_semaphore, #tpu.memory_space<semaphore_mem>>) src(%dma_wait3A_232 : memref<128x40xf32, #tpu.memory_space<vmem>>) dst(%dma_wait3A_238 : memref<10240x40xf32, #tpu.memory_space<vmem_shared>>)
    %dma_wait3A_241 = arith.constant 6 : i32
    %dma_wait3A_242 = arith.constant 0 : i32
    %dma_wait3A_243 = arith.constant 6 : i32
    %dma_wait3A_244 = arith.constant 0 : i32
    %dma_wait3A_245 = arith.constant 0 : i32
    %dma_wait3A_246 = tpu.memref_slice %arg9[%dma_wait3A_241, %dma_wait3A_244, %dma_wait3A_245] : memref<10x128x40xf32, #tpu.memory_space<vmem>> -> memref<1x128x40xf32, #tpu.memory_space<vmem>>
    %dma_wait3A_247 = tpu.memref_squeeze %dma_wait3A_246 : memref<1x128x40xf32, #tpu.memory_space<vmem>> -> memref<128x40xf32, #tpu.memory_space<vmem>>
    %dma_wait3A_248 = arith.constant 0 : i32
    %dma_wait3A_249 = tpu.memref_slice %arg8[%dma_wait3A_242, %dma_wait3A_248] : memref<80x128xi32, #tpu.memory_space<vmem>> -> memref<1x128xi32, #tpu.memory_space<vmem>>
    %dma_wait3A_250 = tpu.memref_squeeze %dma_wait3A_249 : memref<1x128xi32, #tpu.memory_space<vmem>> -> memref<128xi32, #tpu.memory_space<vmem>>
    %dma_wait3A_251 = arith.constant 0 : i32
    %dma_wait3A_252 = arith.constant 0 : i32
    %dma_wait3A_253 = tpu.memref_slice %arg11[%dma_wait3A_251, %dma_wait3A_252] : memref<10240x40xf32, #tpu.memory_space<vmem_shared>> -> memref<10240x40xf32, #tpu.memory_space<vmem_shared>>
    %dma_wait3A_254 = tpu.memref_slice %arg13[%dma_wait3A_243] : memref<10x!tpu.dma_semaphore, #tpu.memory_space<semaphore_mem>> -> memref<1x!tpu.dma_semaphore, #tpu.memory_space<semaphore_mem>>
    %dma_wait3A_255 = tpu.memref_squeeze %dma_wait3A_254 : memref<1x!tpu.dma_semaphore, #tpu.memory_space<semaphore_mem>> -> memref<!tpu.dma_semaphore, #tpu.memory_space<semaphore_mem>>
    tpu.wait_indirect_dma semaphore(%dma_wait3A_255 : memref<!tpu.dma_semaphore, #tpu.memory_space<semaphore_mem>>) src(%dma_wait3A_247 : memref<128x40xf32, #tpu.memory_space<vmem>>) dst(%dma_wait3A_253 : memref<10240x40xf32, #tpu.memory_space<vmem_shared>>)
    %dma_wait3A_256 = arith.constant 7 : i32
    %dma_wait3A_257 = arith.constant 0 : i32
    %dma_wait3A_258 = arith.constant 7 : i32
    %dma_wait3A_259 = arith.constant 0 : i32
    %dma_wait3A_260 = arith.constant 0 : i32
    %dma_wait3A_261 = tpu.memref_slice %arg9[%dma_wait3A_256, %dma_wait3A_259, %dma_wait3A_260] : memref<10x128x40xf32, #tpu.memory_space<vmem>> -> memref<1x128x40xf32, #tpu.memory_space<vmem>>
    %dma_wait3A_262 = tpu.memref_squeeze %dma_wait3A_261 : memref<1x128x40xf32, #tpu.memory_space<vmem>> -> memref<128x40xf32, #tpu.memory_space<vmem>>
    %dma_wait3A_263 = arith.constant 0 : i32
    %dma_wait3A_264 = tpu.memref_slice %arg8[%dma_wait3A_257, %dma_wait3A_263] : memref<80x128xi32, #tpu.memory_space<vmem>> -> memref<1x128xi32, #tpu.memory_space<vmem>>
    %dma_wait3A_265 = tpu.memref_squeeze %dma_wait3A_264 : memref<1x128xi32, #tpu.memory_space<vmem>> -> memref<128xi32, #tpu.memory_space<vmem>>
    %dma_wait3A_266 = arith.constant 0 : i32
    %dma_wait3A_267 = arith.constant 0 : i32
    %dma_wait3A_268 = tpu.memref_slice %arg11[%dma_wait3A_266, %dma_wait3A_267] : memref<10240x40xf32, #tpu.memory_space<vmem_shared>> -> memref<10240x40xf32, #tpu.memory_space<vmem_shared>>
    %dma_wait3A_269 = tpu.memref_slice %arg13[%dma_wait3A_258] : memref<10x!tpu.dma_semaphore, #tpu.memory_space<semaphore_mem>> -> memref<1x!tpu.dma_semaphore, #tpu.memory_space<semaphore_mem>>
    %dma_wait3A_270 = tpu.memref_squeeze %dma_wait3A_269 : memref<1x!tpu.dma_semaphore, #tpu.memory_space<semaphore_mem>> -> memref<!tpu.dma_semaphore, #tpu.memory_space<semaphore_mem>>
    tpu.wait_indirect_dma semaphore(%dma_wait3A_270 : memref<!tpu.dma_semaphore, #tpu.memory_space<semaphore_mem>>) src(%dma_wait3A_262 : memref<128x40xf32, #tpu.memory_space<vmem>>) dst(%dma_wait3A_268 : memref<10240x40xf32, #tpu.memory_space<vmem_shared>>)
    %dma_wait3A_271 = arith.constant 8 : i32
    %dma_wait3A_272 = arith.constant 0 : i32
    %dma_wait3A_273 = arith.constant 8 : i32
    %dma_wait3A_274 = arith.constant 0 : i32
    %dma_wait3A_275 = arith.constant 0 : i32
    %dma_wait3A_276 = tpu.memref_slice %arg9[%dma_wait3A_271, %dma_wait3A_274, %dma_wait3A_275] : memref<10x128x40xf32, #tpu.memory_space<vmem>> -> memref<1x128x40xf32, #tpu.memory_space<vmem>>
    %dma_wait3A_277 = tpu.memref_squeeze %dma_wait3A_276 : memref<1x128x40xf32, #tpu.memory_space<vmem>> -> memref<128x40xf32, #tpu.memory_space<vmem>>
    %dma_wait3A_278 = arith.constant 0 : i32
    %dma_wait3A_279 = tpu.memref_slice %arg8[%dma_wait3A_272, %dma_wait3A_278] : memref<80x128xi32, #tpu.memory_space<vmem>> -> memref<1x128xi32, #tpu.memory_space<vmem>>
    %dma_wait3A_280 = tpu.memref_squeeze %dma_wait3A_279 : memref<1x128xi32, #tpu.memory_space<vmem>> -> memref<128xi32, #tpu.memory_space<vmem>>
    %dma_wait3A_281 = arith.constant 0 : i32
    %dma_wait3A_282 = arith.constant 0 : i32
    %dma_wait3A_283 = tpu.memref_slice %arg11[%dma_wait3A_281, %dma_wait3A_282] : memref<10240x40xf32, #tpu.memory_space<vmem_shared>> -> memref<10240x40xf32, #tpu.memory_space<vmem_shared>>
    %dma_wait3A_284 = tpu.memref_slice %arg13[%dma_wait3A_273] : memref<10x!tpu.dma_semaphore, #tpu.memory_space<semaphore_mem>> -> memref<1x!tpu.dma_semaphore, #tpu.memory_space<semaphore_mem>>
    %dma_wait3A_285 = tpu.memref_squeeze %dma_wait3A_284 : memref<1x!tpu.dma_semaphore, #tpu.memory_space<semaphore_mem>> -> memref<!tpu.dma_semaphore, #tpu.memory_space<semaphore_mem>>
    tpu.wait_indirect_dma semaphore(%dma_wait3A_285 : memref<!tpu.dma_semaphore, #tpu.memory_space<semaphore_mem>>) src(%dma_wait3A_277 : memref<128x40xf32, #tpu.memory_space<vmem>>) dst(%dma_wait3A_283 : memref<10240x40xf32, #tpu.memory_space<vmem_shared>>)
    %dma_wait3A_286 = arith.constant 9 : i32
    %dma_wait3A_287 = arith.constant 0 : i32
    %dma_wait3A_288 = arith.constant 9 : i32
    %dma_wait3A_289 = arith.constant 0 : i32
    %dma_wait3A_290 = arith.constant 0 : i32
    %dma_wait3A_291 = tpu.memref_slice %arg9[%dma_wait3A_286, %dma_wait3A_289, %dma_wait3A_290] : memref<10x128x40xf32, #tpu.memory_space<vmem>> -> memref<1x128x40xf32, #tpu.memory_space<vmem>>
    %dma_wait3A_292 = tpu.memref_squeeze %dma_wait3A_291 : memref<1x128x40xf32, #tpu.memory_space<vmem>> -> memref<128x40xf32, #tpu.memory_space<vmem>>
    %dma_wait3A_293 = arith.constant 0 : i32
    %dma_wait3A_294 = tpu.memref_slice %arg8[%dma_wait3A_287, %dma_wait3A_293] : memref<80x128xi32, #tpu.memory_space<vmem>> -> memref<1x128xi32, #tpu.memory_space<vmem>>
    %dma_wait3A_295 = tpu.memref_squeeze %dma_wait3A_294 : memref<1x128xi32, #tpu.memory_space<vmem>> -> memref<128xi32, #tpu.memory_space<vmem>>
    %dma_wait3A_296 = arith.constant 0 : i32
    %dma_wait3A_297 = arith.constant 0 : i32
    %dma_wait3A_298 = tpu.memref_slice %arg11[%dma_wait3A_296, %dma_wait3A_297] : memref<10240x40xf32, #tpu.memory_space<vmem_shared>> -> memref<10240x40xf32, #tpu.memory_space<vmem_shared>>
    %dma_wait3A_299 = tpu.memref_slice %arg13[%dma_wait3A_288] : memref<10x!tpu.dma_semaphore, #tpu.memory_space<semaphore_mem>> -> memref<1x!tpu.dma_semaphore, #tpu.memory_space<semaphore_mem>>
    %dma_wait3A_300 = tpu.memref_squeeze %dma_wait3A_299 : memref<1x!tpu.dma_semaphore, #tpu.memory_space<semaphore_mem>> -> memref<!tpu.dma_semaphore, #tpu.memory_space<semaphore_mem>>
    tpu.wait_indirect_dma semaphore(%dma_wait3A_300 : memref<!tpu.dma_semaphore, #tpu.memory_space<semaphore_mem>>) src(%dma_wait3A_292 : memref<128x40xf32, #tpu.memory_space<vmem>>) dst(%dma_wait3A_298 : memref<10240x40xf32, #tpu.memory_space<vmem_shared>>)
    %barrier3A_301 = arith.constant 0 : index
    tpu.barrier barrier_id(%barrier3A_301)
    "tpu.region"() ({
      %run_scoped3A = tpu.sem_alloc : memref<!tpu.dma_semaphore, #tpu.memory_space<semaphore_mem>>
      %dma_start3A_302 = arith.constant 0 : i32
      %dma_start3A_303 = arith.constant 0 : i32
      %dma_start3A_304 = tpu.memref_slice %arg6[%arg0, %dma_start3A_302, %dma_start3A_303] : memref<2x10240x40xf32, #tpu.memory_space<hbm>> -> memref<1x10240x40xf32, #tpu.memory_space<hbm>>
      %dma_start3A_305 = tpu.memref_squeeze %dma_start3A_304 : memref<1x10240x40xf32, #tpu.memory_space<hbm>> -> memref<10240x40xf32, #tpu.memory_space<hbm>>
      %dma_start3A_306 = arith.constant 0 : i32
      %dma_start3A_307 = tpu.memref_slice %dma_start3A_305[%mul3A_2, %dma_start3A_306] : memref<10240x40xf32, #tpu.memory_space<hbm>> -> memref<640x40xf32, #tpu.memory_space<hbm>>
      %dma_start3A_308 = arith.constant 0 : i32
      %dma_start3A_309 = tpu.memref_slice %arg11[%mul3A_2, %dma_start3A_308] : memref<10240x40xf32, #tpu.memory_space<vmem_shared>> -> memref<640x40xf32, #tpu.memory_space<vmem_shared>>
      tpu.enqueue_dma source(%dma_start3A_309 : memref<640x40xf32, #tpu.memory_space<vmem_shared>>) target(%dma_start3A_307 : memref<640x40xf32, #tpu.memory_space<hbm>>) target_semaphore(%run_scoped3A : memref<!tpu.dma_semaphore, #tpu.memory_space<semaphore_mem>>)
      %dma_wait3A_310 = arith.constant 0 : i32
      %dma_wait3A_311 = arith.constant 0 : i32
      %dma_wait3A_312 = tpu.memref_slice %arg6[%arg0, %dma_wait3A_310, %dma_wait3A_311] : memref<2x10240x40xf32, #tpu.memory_space<hbm>> -> memref<1x10240x40xf32, #tpu.memory_space<hbm>>
      %dma_wait3A_313 = tpu.memref_squeeze %dma_wait3A_312 : memref<1x10240x40xf32, #tpu.memory_space<hbm>> -> memref<10240x40xf32, #tpu.memory_space<hbm>>
      %dma_wait3A_314 = arith.constant 0 : i32
      %dma_wait3A_315 = tpu.memref_slice %dma_wait3A_313[%mul3A_2, %dma_wait3A_314] : memref<10240x40xf32, #tpu.memory_space<hbm>> -> memref<640x40xf32, #tpu.memory_space<hbm>>
      %dma_wait3A_316 = arith.constant 0 : i32
      %dma_wait3A_317 = tpu.memref_slice %arg11[%mul3A_2, %dma_wait3A_316] : memref<10240x40xf32, #tpu.memory_space<vmem_shared>> -> memref<640x40xf32, #tpu.memory_space<vmem_shared>>
      tpu.wait_dma2 semaphore(%run_scoped3A : memref<!tpu.dma_semaphore, #tpu.memory_space<semaphore_mem>>) src(%dma_wait3A_317 : memref<640x40xf32, #tpu.memory_space<vmem_shared>>) dst(%dma_wait3A_315 : memref<640x40xf32, #tpu.memory_space<hbm>>)
      tpu.yield
    }) : () -> ()
    return
  }
}

#map = affine_map<(d0, d1) -> (0, 0, 0)>
#map1 = affine_map<(d0, d1) -> (0)>
#map2 = affine_map<(d0, d1) -> (0, 0)>
module attributes {stable_mosaic.version = 14 : i64} {
  func.func @_deg_body(%arg0: i32, %arg1: i32, %arg2: memref<32x80x128xi32, #tpu.memory_space<hbm>>, %arg3: memref<10240xf32, #tpu.memory_space<hbm>>, %arg4: memref<2x10240xf32, #tpu.memory_space<hbm>>, %arg5: memref<80x128xi32, #tpu.memory_space<vmem>>, %arg6: memref<128xf32, #tpu.memory_space<vmem>>, %arg7: memref<10240xf32, #tpu.memory_space<vmem_shared>>, %arg8: memref<!tpu.dma_semaphore, #tpu.memory_space<semaphore_mem>>) attributes {dimension_semantics = [#tpu.dimension_semantics<core_parallel>, #tpu.dimension_semantics<subcore_parallel>], iteration_bounds = array<i64: 2, 16>, scalar_prefetch = 0 : i64, scratch_operands = 4 : i64, tpu.core_type = #tpu.core_type<sc_vector_subcore>, window_params = [{transform_indices = #map}, {transform_indices = #map1}, {transform_indices = #map2}]} {
    %mul3A = arith.constant 2 : i32
    %mul3A_0 = arith.muli %arg1, %mul3A : i32
    %add3A = arith.addi %mul3A_0, %arg0 : i32
    %mul3A_1 = arith.constant 640 : i32
    %mul3A_2 = arith.muli %arg1, %mul3A_1 : i32
    %dma_start3A = tpu.memref_slice %arg7[%mul3A_2] : memref<10240xf32, #tpu.memory_space<vmem_shared>> -> memref<640xf32, #tpu.memory_space<vmem_shared>>
    %dma_start3A_3 = tpu.memref_slice %arg3[%mul3A_2] : memref<10240xf32, #tpu.memory_space<hbm>> -> memref<640xf32, #tpu.memory_space<hbm>>
    tpu.enqueue_dma source(%dma_start3A_3 : memref<640xf32, #tpu.memory_space<hbm>>) target(%dma_start3A : memref<640xf32, #tpu.memory_space<vmem_shared>>) target_semaphore(%arg8 : memref<!tpu.dma_semaphore, #tpu.memory_space<semaphore_mem>>)
    %dma_start3A_4 = arith.constant 0 : i32
    %dma_start3A_5 = arith.constant 0 : i32
    %dma_start3A_6 = tpu.memref_slice %arg2[%add3A, %dma_start3A_4, %dma_start3A_5] : memref<32x80x128xi32, #tpu.memory_space<hbm>> -> memref<1x80x128xi32, #tpu.memory_space<hbm>>
    %dma_start3A_7 = tpu.memref_squeeze %dma_start3A_6 : memref<1x80x128xi32, #tpu.memory_space<hbm>> -> memref<80x128xi32, #tpu.memory_space<hbm>>
    %dma_start3A_8 = arith.constant 0 : i32
    %dma_start3A_9 = arith.constant 0 : i32
    %dma_start3A_10 = tpu.memref_slice %arg2[%add3A, %dma_start3A_8, %dma_start3A_9] : memref<32x80x128xi32, #tpu.memory_space<hbm>> -> memref<1x80x128xi32, #tpu.memory_space<hbm>>
    %dma_start3A_11 = tpu.memref_squeeze %dma_start3A_10 : memref<1x80x128xi32, #tpu.memory_space<hbm>> -> memref<80x128xi32, #tpu.memory_space<hbm>>
    tpu.enqueue_dma source(%dma_start3A_11 : memref<80x128xi32, #tpu.memory_space<hbm>>) target(%arg5 : memref<80x128xi32, #tpu.memory_space<vmem>>) target_semaphore(%arg8 : memref<!tpu.dma_semaphore, #tpu.memory_space<semaphore_mem>>)
    %scan3A = arith.constant 0 : i32
    %scan3A_12 = arith.constant 8 : i32
    %scan3A_13 = arith.addi %scan3A, %scan3A_12 : i32
    %scan3A_14 = arith.constant 1 : i32
    scf.for %scan3A_31 = %scan3A to %scan3A_13 step %scan3A_14  : i32 {
      %mul3A_32 = arith.constant 16 : i32
      %mul3A_33 = arith.muli %scan3A_31, %mul3A_32 : i32
      %add3A_34 = arith.constant 0 : i32
      %add3A_35 = arith.addi %add3A_34, %mul3A_33 : i32
      %broadcast_in_dim3A = arith.constant 1.000000e+00 : f32
      %broadcast_in_dim3A_36 = vector.broadcast %broadcast_in_dim3A : f32 to vector<16xf32>
      %swap3A = arith.index_cast %add3A_35 : i32 to index
      %swap3A_37 = tpu.vector_load %arg6[%swap3A] {strides = array<i32>} : memref<128xf32, #tpu.memory_space<vmem>>, vector<16xf32>,
      %swap3A_38 = vector.shape_cast %swap3A_37 : vector<16xf32> to vector<16xf32>
      %swap3A_39 = vector.shape_cast %broadcast_in_dim3A_36 : vector<16xf32> to vector<16xf32>
      tpu.vector_store %arg6[%swap3A], %swap3A_39 {strides = array<i32>} : memref<128xf32, #tpu.memory_space<vmem>>, vector<16xf32>,
    }
    %scan3A_15 = arith.constant 8 : i32
    %dma_wait3A = tpu.memref_slice %arg7[%mul3A_2] : memref<10240xf32, #tpu.memory_space<vmem_shared>> -> memref<640xf32, #tpu.memory_space<vmem_shared>>
    %dma_wait3A_16 = tpu.memref_slice %arg3[%mul3A_2] : memref<10240xf32, #tpu.memory_space<hbm>> -> memref<640xf32, #tpu.memory_space<hbm>>
    tpu.wait_dma2 semaphore(%arg8 : memref<!tpu.dma_semaphore, #tpu.memory_space<semaphore_mem>>) src(%dma_wait3A_16 : memref<640xf32, #tpu.memory_space<hbm>>) dst(%dma_wait3A : memref<640xf32, #tpu.memory_space<vmem_shared>>)
    %dma_wait3A_17 = arith.constant 0 : i32
    %dma_wait3A_18 = arith.constant 0 : i32
    %dma_wait3A_19 = tpu.memref_slice %arg2[%add3A, %dma_wait3A_17, %dma_wait3A_18] : memref<32x80x128xi32, #tpu.memory_space<hbm>> -> memref<1x80x128xi32, #tpu.memory_space<hbm>>
    %dma_wait3A_20 = tpu.memref_squeeze %dma_wait3A_19 : memref<1x80x128xi32, #tpu.memory_space<hbm>> -> memref<80x128xi32, #tpu.memory_space<hbm>>
    %dma_wait3A_21 = arith.constant 0 : i32
    %dma_wait3A_22 = arith.constant 0 : i32
    %dma_wait3A_23 = tpu.memref_slice %arg2[%add3A, %dma_wait3A_21, %dma_wait3A_22] : memref<32x80x128xi32, #tpu.memory_space<hbm>> -> memref<1x80x128xi32, #tpu.memory_space<hbm>>
    %dma_wait3A_24 = tpu.memref_squeeze %dma_wait3A_23 : memref<1x80x128xi32, #tpu.memory_space<hbm>> -> memref<80x128xi32, #tpu.memory_space<hbm>>
    tpu.wait_dma2 semaphore(%arg8 : memref<!tpu.dma_semaphore, #tpu.memory_space<semaphore_mem>>) src(%dma_wait3A_24 : memref<80x128xi32, #tpu.memory_space<hbm>>) dst(%arg5 : memref<80x128xi32, #tpu.memory_space<vmem>>)
    %barrier3A = arith.constant 0 : index
    tpu.barrier barrier_id(%barrier3A)
    %scan3A_25 = arith.constant 0 : i32
    %scan3A_26 = arith.constant 4 : i32
    %scan3A_27 = arith.addi %scan3A_25, %scan3A_26 : i32
    %scan3A_28 = arith.constant 1 : i32
    scf.for %scan3A_31 = %scan3A_25 to %scan3A_27 step %scan3A_28  : i32 {
      %mul3A_32 = arith.constant 20 : i32
      %mul3A_33 = arith.muli %scan3A_31, %mul3A_32 : i32
      %add3A_34 = arith.constant 0 : i32
      %add3A_35 = arith.addi %add3A_34, %mul3A_33 : i32
      %add3A_36 = arith.constant 0 : i32
      %add3A_37 = arith.addi %add3A_35, %add3A_36 : i32
      %dma_start3A_38 = arith.constant 0 : i32
      %dma_start3A_39 = tpu.memref_slice %arg5[%add3A_37, %dma_start3A_38] : memref<80x128xi32, #tpu.memory_space<vmem>> -> memref<1x128xi32, #tpu.memory_space<vmem>>
      %dma_start3A_40 = tpu.memref_squeeze %dma_start3A_39 : memref<1x128xi32, #tpu.memory_space<vmem>> -> memref<128xi32, #tpu.memory_space<vmem>>
      %dma_start3A_41 = arith.constant 0 : i32
      %dma_start3A_42 = tpu.memref_slice %arg7[%dma_start3A_41] : memref<10240xf32, #tpu.memory_space<vmem_shared>> -> memref<10240xf32, #tpu.memory_space<vmem_shared>>
      tpu.enqueue_indirect_dma source(%arg6 : memref<128xf32, #tpu.memory_space<vmem>>) target(%dma_start3A_42 : memref<10240xf32, #tpu.memory_space<vmem_shared>>) offsets(%dma_start3A_40 : memref<128xi32, #tpu.memory_space<vmem>>) semaphore(%arg8 : memref<!tpu.dma_semaphore, #tpu.memory_space<semaphore_mem>>) {add = true}
      %add3A_43 = arith.constant 1 : i32
      %add3A_44 = arith.addi %add3A_35, %add3A_43 : i32
      %dma_start3A_45 = arith.constant 0 : i32
      %dma_start3A_46 = tpu.memref_slice %arg5[%add3A_44, %dma_start3A_45] : memref<80x128xi32, #tpu.memory_space<vmem>> -> memref<1x128xi32, #tpu.memory_space<vmem>>
      %dma_start3A_47 = tpu.memref_squeeze %dma_start3A_46 : memref<1x128xi32, #tpu.memory_space<vmem>> -> memref<128xi32, #tpu.memory_space<vmem>>
      %dma_start3A_48 = arith.constant 0 : i32
      %dma_start3A_49 = tpu.memref_slice %arg7[%dma_start3A_48] : memref<10240xf32, #tpu.memory_space<vmem_shared>> -> memref<10240xf32, #tpu.memory_space<vmem_shared>>
      tpu.enqueue_indirect_dma source(%arg6 : memref<128xf32, #tpu.memory_space<vmem>>) target(%dma_start3A_49 : memref<10240xf32, #tpu.memory_space<vmem_shared>>) offsets(%dma_start3A_47 : memref<128xi32, #tpu.memory_space<vmem>>) semaphore(%arg8 : memref<!tpu.dma_semaphore, #tpu.memory_space<semaphore_mem>>) {add = true}
      %add3A_50 = arith.constant 2 : i32
      %add3A_51 = arith.addi %add3A_35, %add3A_50 : i32
      %dma_start3A_52 = arith.constant 0 : i32
      %dma_start3A_53 = tpu.memref_slice %arg5[%add3A_51, %dma_start3A_52] : memref<80x128xi32, #tpu.memory_space<vmem>> -> memref<1x128xi32, #tpu.memory_space<vmem>>
      %dma_start3A_54 = tpu.memref_squeeze %dma_start3A_53 : memref<1x128xi32, #tpu.memory_space<vmem>> -> memref<128xi32, #tpu.memory_space<vmem>>
      %dma_start3A_55 = arith.constant 0 : i32
      %dma_start3A_56 = tpu.memref_slice %arg7[%dma_start3A_55] : memref<10240xf32, #tpu.memory_space<vmem_shared>> -> memref<10240xf32, #tpu.memory_space<vmem_shared>>
      tpu.enqueue_indirect_dma source(%arg6 : memref<128xf32, #tpu.memory_space<vmem>>) target(%dma_start3A_56 : memref<10240xf32, #tpu.memory_space<vmem_shared>>) offsets(%dma_start3A_54 : memref<128xi32, #tpu.memory_space<vmem>>) semaphore(%arg8 : memref<!tpu.dma_semaphore, #tpu.memory_space<semaphore_mem>>) {add = true}
      %add3A_57 = arith.constant 3 : i32
      %add3A_58 = arith.addi %add3A_35, %add3A_57 : i32
      %dma_start3A_59 = arith.constant 0 : i32
      %dma_start3A_60 = tpu.memref_slice %arg5[%add3A_58, %dma_start3A_59] : memref<80x128xi32, #tpu.memory_space<vmem>> -> memref<1x128xi32, #tpu.memory_space<vmem>>
      %dma_start3A_61 = tpu.memref_squeeze %dma_start3A_60 : memref<1x128xi32, #tpu.memory_space<vmem>> -> memref<128xi32, #tpu.memory_space<vmem>>
      %dma_start3A_62 = arith.constant 0 : i32
      %dma_start3A_63 = tpu.memref_slice %arg7[%dma_start3A_62] : memref<10240xf32, #tpu.memory_space<vmem_shared>> -> memref<10240xf32, #tpu.memory_space<vmem_shared>>
      tpu.enqueue_indirect_dma source(%arg6 : memref<128xf32, #tpu.memory_space<vmem>>) target(%dma_start3A_63 : memref<10240xf32, #tpu.memory_space<vmem_shared>>) offsets(%dma_start3A_61 : memref<128xi32, #tpu.memory_space<vmem>>) semaphore(%arg8 : memref<!tpu.dma_semaphore, #tpu.memory_space<semaphore_mem>>) {add = true}
      %add3A_64 = arith.constant 4 : i32
      %add3A_65 = arith.addi %add3A_35, %add3A_64 : i32
      %dma_start3A_66 = arith.constant 0 : i32
      %dma_start3A_67 = tpu.memref_slice %arg5[%add3A_65, %dma_start3A_66] : memref<80x128xi32, #tpu.memory_space<vmem>> -> memref<1x128xi32, #tpu.memory_space<vmem>>
      %dma_start3A_68 = tpu.memref_squeeze %dma_start3A_67 : memref<1x128xi32, #tpu.memory_space<vmem>> -> memref<128xi32, #tpu.memory_space<vmem>>
      %dma_start3A_69 = arith.constant 0 : i32
      %dma_start3A_70 = tpu.memref_slice %arg7[%dma_start3A_69] : memref<10240xf32, #tpu.memory_space<vmem_shared>> -> memref<10240xf32, #tpu.memory_space<vmem_shared>>
      tpu.enqueue_indirect_dma source(%arg6 : memref<128xf32, #tpu.memory_space<vmem>>) target(%dma_start3A_70 : memref<10240xf32, #tpu.memory_space<vmem_shared>>) offsets(%dma_start3A_68 : memref<128xi32, #tpu.memory_space<vmem>>) semaphore(%arg8 : memref<!tpu.dma_semaphore, #tpu.memory_space<semaphore_mem>>) {add = true}
      %add3A_71 = arith.constant 5 : i32
      %add3A_72 = arith.addi %add3A_35, %add3A_71 : i32
      %dma_start3A_73 = arith.constant 0 : i32
      %dma_start3A_74 = tpu.memref_slice %arg5[%add3A_72, %dma_start3A_73] : memref<80x128xi32, #tpu.memory_space<vmem>> -> memref<1x128xi32, #tpu.memory_space<vmem>>
      %dma_start3A_75 = tpu.memref_squeeze %dma_start3A_74 : memref<1x128xi32, #tpu.memory_space<vmem>> -> memref<128xi32, #tpu.memory_space<vmem>>
      %dma_start3A_76 = arith.constant 0 : i32
      %dma_start3A_77 = tpu.memref_slice %arg7[%dma_start3A_76] : memref<10240xf32, #tpu.memory_space<vmem_shared>> -> memref<10240xf32, #tpu.memory_space<vmem_shared>>
      tpu.enqueue_indirect_dma source(%arg6 : memref<128xf32, #tpu.memory_space<vmem>>) target(%dma_start3A_77 : memref<10240xf32, #tpu.memory_space<vmem_shared>>) offsets(%dma_start3A_75 : memref<128xi32, #tpu.memory_space<vmem>>) semaphore(%arg8 : memref<!tpu.dma_semaphore, #tpu.memory_space<semaphore_mem>>) {add = true}
      %add3A_78 = arith.constant 6 : i32
      %add3A_79 = arith.addi %add3A_35, %add3A_78 : i32
      %dma_start3A_80 = arith.constant 0 : i32
      %dma_start3A_81 = tpu.memref_slice %arg5[%add3A_79, %dma_start3A_80] : memref<80x128xi32, #tpu.memory_space<vmem>> -> memref<1x128xi32, #tpu.memory_space<vmem>>
      %dma_start3A_82 = tpu.memref_squeeze %dma_start3A_81 : memref<1x128xi32, #tpu.memory_space<vmem>> -> memref<128xi32, #tpu.memory_space<vmem>>
      %dma_start3A_83 = arith.constant 0 : i32
      %dma_start3A_84 = tpu.memref_slice %arg7[%dma_start3A_83] : memref<10240xf32, #tpu.memory_space<vmem_shared>> -> memref<10240xf32, #tpu.memory_space<vmem_shared>>
      tpu.enqueue_indirect_dma source(%arg6 : memref<128xf32, #tpu.memory_space<vmem>>) target(%dma_start3A_84 : memref<10240xf32, #tpu.memory_space<vmem_shared>>) offsets(%dma_start3A_82 : memref<128xi32, #tpu.memory_space<vmem>>) semaphore(%arg8 : memref<!tpu.dma_semaphore, #tpu.memory_space<semaphore_mem>>) {add = true}
      %add3A_85 = arith.constant 7 : i32
      %add3A_86 = arith.addi %add3A_35, %add3A_85 : i32
      %dma_start3A_87 = arith.constant 0 : i32
      %dma_start3A_88 = tpu.memref_slice %arg5[%add3A_86, %dma_start3A_87] : memref<80x128xi32, #tpu.memory_space<vmem>> -> memref<1x128xi32, #tpu.memory_space<vmem>>
      %dma_start3A_89 = tpu.memref_squeeze %dma_start3A_88 : memref<1x128xi32, #tpu.memory_space<vmem>> -> memref<128xi32, #tpu.memory_space<vmem>>
      %dma_start3A_90 = arith.constant 0 : i32
      %dma_start3A_91 = tpu.memref_slice %arg7[%dma_start3A_90] : memref<10240xf32, #tpu.memory_space<vmem_shared>> -> memref<10240xf32, #tpu.memory_space<vmem_shared>>
      tpu.enqueue_indirect_dma source(%arg6 : memref<128xf32, #tpu.memory_space<vmem>>) target(%dma_start3A_91 : memref<10240xf32, #tpu.memory_space<vmem_shared>>) offsets(%dma_start3A_89 : memref<128xi32, #tpu.memory_space<vmem>>) semaphore(%arg8 : memref<!tpu.dma_semaphore, #tpu.memory_space<semaphore_mem>>) {add = true}
      %add3A_92 = arith.constant 8 : i32
      %add3A_93 = arith.addi %add3A_35, %add3A_92 : i32
      %dma_start3A_94 = arith.constant 0 : i32
      %dma_start3A_95 = tpu.memref_slice %arg5[%add3A_93, %dma_start3A_94] : memref<80x128xi32, #tpu.memory_space<vmem>> -> memref<1x128xi32, #tpu.memory_space<vmem>>
      %dma_start3A_96 = tpu.memref_squeeze %dma_start3A_95 : memref<1x128xi32, #tpu.memory_space<vmem>> -> memref<128xi32, #tpu.memory_space<vmem>>
      %dma_start3A_97 = arith.constant 0 : i32
      %dma_start3A_98 = tpu.memref_slice %arg7[%dma_start3A_97] : memref<10240xf32, #tpu.memory_space<vmem_shared>> -> memref<10240xf32, #tpu.memory_space<vmem_shared>>
      tpu.enqueue_indirect_dma source(%arg6 : memref<128xf32, #tpu.memory_space<vmem>>) target(%dma_start3A_98 : memref<10240xf32, #tpu.memory_space<vmem_shared>>) offsets(%dma_start3A_96 : memref<128xi32, #tpu.memory_space<vmem>>) semaphore(%arg8 : memref<!tpu.dma_semaphore, #tpu.memory_space<semaphore_mem>>) {add = true}
      %add3A_99 = arith.constant 9 : i32
      %add3A_100 = arith.addi %add3A_35, %add3A_99 : i32
      %dma_start3A_101 = arith.constant 0 : i32
      %dma_start3A_102 = tpu.memref_slice %arg5[%add3A_100, %dma_start3A_101] : memref<80x128xi32, #tpu.memory_space<vmem>> -> memref<1x128xi32, #tpu.memory_space<vmem>>
      %dma_start3A_103 = tpu.memref_squeeze %dma_start3A_102 : memref<1x128xi32, #tpu.memory_space<vmem>> -> memref<128xi32, #tpu.memory_space<vmem>>
      %dma_start3A_104 = arith.constant 0 : i32
      %dma_start3A_105 = tpu.memref_slice %arg7[%dma_start3A_104] : memref<10240xf32, #tpu.memory_space<vmem_shared>> -> memref<10240xf32, #tpu.memory_space<vmem_shared>>
      tpu.enqueue_indirect_dma source(%arg6 : memref<128xf32, #tpu.memory_space<vmem>>) target(%dma_start3A_105 : memref<10240xf32, #tpu.memory_space<vmem_shared>>) offsets(%dma_start3A_103 : memref<128xi32, #tpu.memory_space<vmem>>) semaphore(%arg8 : memref<!tpu.dma_semaphore, #tpu.memory_space<semaphore_mem>>) {add = true}
      %add3A_106 = arith.constant 10 : i32
      %add3A_107 = arith.addi %add3A_35, %add3A_106 : i32
      %dma_start3A_108 = arith.constant 0 : i32
      %dma_start3A_109 = tpu.memref_slice %arg5[%add3A_107, %dma_start3A_108] : memref<80x128xi32, #tpu.memory_space<vmem>> -> memref<1x128xi32, #tpu.memory_space<vmem>>
      %dma_start3A_110 = tpu.memref_squeeze %dma_start3A_109 : memref<1x128xi32, #tpu.memory_space<vmem>> -> memref<128xi32, #tpu.memory_space<vmem>>
      %dma_start3A_111 = arith.constant 0 : i32
      %dma_start3A_112 = tpu.memref_slice %arg7[%dma_start3A_111] : memref<10240xf32, #tpu.memory_space<vmem_shared>> -> memref<10240xf32, #tpu.memory_space<vmem_shared>>
      tpu.enqueue_indirect_dma source(%arg6 : memref<128xf32, #tpu.memory_space<vmem>>) target(%dma_start3A_112 : memref<10240xf32, #tpu.memory_space<vmem_shared>>) offsets(%dma_start3A_110 : memref<128xi32, #tpu.memory_space<vmem>>) semaphore(%arg8 : memref<!tpu.dma_semaphore, #tpu.memory_space<semaphore_mem>>) {add = true}
      %add3A_113 = arith.constant 11 : i32
      %add3A_114 = arith.addi %add3A_35, %add3A_113 : i32
      %dma_start3A_115 = arith.constant 0 : i32
      %dma_start3A_116 = tpu.memref_slice %arg5[%add3A_114, %dma_start3A_115] : memref<80x128xi32, #tpu.memory_space<vmem>> -> memref<1x128xi32, #tpu.memory_space<vmem>>
      %dma_start3A_117 = tpu.memref_squeeze %dma_start3A_116 : memref<1x128xi32, #tpu.memory_space<vmem>> -> memref<128xi32, #tpu.memory_space<vmem>>
      %dma_start3A_118 = arith.constant 0 : i32
      %dma_start3A_119 = tpu.memref_slice %arg7[%dma_start3A_118] : memref<10240xf32, #tpu.memory_space<vmem_shared>> -> memref<10240xf32, #tpu.memory_space<vmem_shared>>
      tpu.enqueue_indirect_dma source(%arg6 : memref<128xf32, #tpu.memory_space<vmem>>) target(%dma_start3A_119 : memref<10240xf32, #tpu.memory_space<vmem_shared>>) offsets(%dma_start3A_117 : memref<128xi32, #tpu.memory_space<vmem>>) semaphore(%arg8 : memref<!tpu.dma_semaphore, #tpu.memory_space<semaphore_mem>>) {add = true}
      %add3A_120 = arith.constant 12 : i32
      %add3A_121 = arith.addi %add3A_35, %add3A_120 : i32
      %dma_start3A_122 = arith.constant 0 : i32
      %dma_start3A_123 = tpu.memref_slice %arg5[%add3A_121, %dma_start3A_122] : memref<80x128xi32, #tpu.memory_space<vmem>> -> memref<1x128xi32, #tpu.memory_space<vmem>>
      %dma_start3A_124 = tpu.memref_squeeze %dma_start3A_123 : memref<1x128xi32, #tpu.memory_space<vmem>> -> memref<128xi32, #tpu.memory_space<vmem>>
      %dma_start3A_125 = arith.constant 0 : i32
      %dma_start3A_126 = tpu.memref_slice %arg7[%dma_start3A_125] : memref<10240xf32, #tpu.memory_space<vmem_shared>> -> memref<10240xf32, #tpu.memory_space<vmem_shared>>
      tpu.enqueue_indirect_dma source(%arg6 : memref<128xf32, #tpu.memory_space<vmem>>) target(%dma_start3A_126 : memref<10240xf32, #tpu.memory_space<vmem_shared>>) offsets(%dma_start3A_124 : memref<128xi32, #tpu.memory_space<vmem>>) semaphore(%arg8 : memref<!tpu.dma_semaphore, #tpu.memory_space<semaphore_mem>>) {add = true}
      %add3A_127 = arith.constant 13 : i32
      %add3A_128 = arith.addi %add3A_35, %add3A_127 : i32
      %dma_start3A_129 = arith.constant 0 : i32
      %dma_start3A_130 = tpu.memref_slice %arg5[%add3A_128, %dma_start3A_129] : memref<80x128xi32, #tpu.memory_space<vmem>> -> memref<1x128xi32, #tpu.memory_space<vmem>>
      %dma_start3A_131 = tpu.memref_squeeze %dma_start3A_130 : memref<1x128xi32, #tpu.memory_space<vmem>> -> memref<128xi32, #tpu.memory_space<vmem>>
      %dma_start3A_132 = arith.constant 0 : i32
      %dma_start3A_133 = tpu.memref_slice %arg7[%dma_start3A_132] : memref<10240xf32, #tpu.memory_space<vmem_shared>> -> memref<10240xf32, #tpu.memory_space<vmem_shared>>
      tpu.enqueue_indirect_dma source(%arg6 : memref<128xf32, #tpu.memory_space<vmem>>) target(%dma_start3A_133 : memref<10240xf32, #tpu.memory_space<vmem_shared>>) offsets(%dma_start3A_131 : memref<128xi32, #tpu.memory_space<vmem>>) semaphore(%arg8 : memref<!tpu.dma_semaphore, #tpu.memory_space<semaphore_mem>>) {add = true}
      %add3A_134 = arith.constant 14 : i32
      %add3A_135 = arith.addi %add3A_35, %add3A_134 : i32
      %dma_start3A_136 = arith.constant 0 : i32
      %dma_start3A_137 = tpu.memref_slice %arg5[%add3A_135, %dma_start3A_136] : memref<80x128xi32, #tpu.memory_space<vmem>> -> memref<1x128xi32, #tpu.memory_space<vmem>>
      %dma_start3A_138 = tpu.memref_squeeze %dma_start3A_137 : memref<1x128xi32, #tpu.memory_space<vmem>> -> memref<128xi32, #tpu.memory_space<vmem>>
      %dma_start3A_139 = arith.constant 0 : i32
      %dma_start3A_140 = tpu.memref_slice %arg7[%dma_start3A_139] : memref<10240xf32, #tpu.memory_space<vmem_shared>> -> memref<10240xf32, #tpu.memory_space<vmem_shared>>
      tpu.enqueue_indirect_dma source(%arg6 : memref<128xf32, #tpu.memory_space<vmem>>) target(%dma_start3A_140 : memref<10240xf32, #tpu.memory_space<vmem_shared>>) offsets(%dma_start3A_138 : memref<128xi32, #tpu.memory_space<vmem>>) semaphore(%arg8 : memref<!tpu.dma_semaphore, #tpu.memory_space<semaphore_mem>>) {add = true}
      %add3A_141 = arith.constant 15 : i32
      %add3A_142 = arith.addi %add3A_35, %add3A_141 : i32
      %dma_start3A_143 = arith.constant 0 : i32
      %dma_start3A_144 = tpu.memref_slice %arg5[%add3A_142, %dma_start3A_143] : memref<80x128xi32, #tpu.memory_space<vmem>> -> memref<1x128xi32, #tpu.memory_space<vmem>>
      %dma_start3A_145 = tpu.memref_squeeze %dma_start3A_144 : memref<1x128xi32, #tpu.memory_space<vmem>> -> memref<128xi32, #tpu.memory_space<vmem>>
      %dma_start3A_146 = arith.constant 0 : i32
      %dma_start3A_147 = tpu.memref_slice %arg7[%dma_start3A_146] : memref<10240xf32, #tpu.memory_space<vmem_shared>> -> memref<10240xf32, #tpu.memory_space<vmem_shared>>
      tpu.enqueue_indirect_dma source(%arg6 : memref<128xf32, #tpu.memory_space<vmem>>) target(%dma_start3A_147 : memref<10240xf32, #tpu.memory_space<vmem_shared>>) offsets(%dma_start3A_145 : memref<128xi32, #tpu.memory_space<vmem>>) semaphore(%arg8 : memref<!tpu.dma_semaphore, #tpu.memory_space<semaphore_mem>>) {add = true}
      %add3A_148 = arith.constant 16 : i32
      %add3A_149 = arith.addi %add3A_35, %add3A_148 : i32
      %dma_start3A_150 = arith.constant 0 : i32
      %dma_start3A_151 = tpu.memref_slice %arg5[%add3A_149, %dma_start3A_150] : memref<80x128xi32, #tpu.memory_space<vmem>> -> memref<1x128xi32, #tpu.memory_space<vmem>>
      %dma_start3A_152 = tpu.memref_squeeze %dma_start3A_151 : memref<1x128xi32, #tpu.memory_space<vmem>> -> memref<128xi32, #tpu.memory_space<vmem>>
      %dma_start3A_153 = arith.constant 0 : i32
      %dma_start3A_154 = tpu.memref_slice %arg7[%dma_start3A_153] : memref<10240xf32, #tpu.memory_space<vmem_shared>> -> memref<10240xf32, #tpu.memory_space<vmem_shared>>
      tpu.enqueue_indirect_dma source(%arg6 : memref<128xf32, #tpu.memory_space<vmem>>) target(%dma_start3A_154 : memref<10240xf32, #tpu.memory_space<vmem_shared>>) offsets(%dma_start3A_152 : memref<128xi32, #tpu.memory_space<vmem>>) semaphore(%arg8 : memref<!tpu.dma_semaphore, #tpu.memory_space<semaphore_mem>>) {add = true}
      %add3A_155 = arith.constant 17 : i32
      %add3A_156 = arith.addi %add3A_35, %add3A_155 : i32
      %dma_start3A_157 = arith.constant 0 : i32
      %dma_start3A_158 = tpu.memref_slice %arg5[%add3A_156, %dma_start3A_157] : memref<80x128xi32, #tpu.memory_space<vmem>> -> memref<1x128xi32, #tpu.memory_space<vmem>>
      %dma_start3A_159 = tpu.memref_squeeze %dma_start3A_158 : memref<1x128xi32, #tpu.memory_space<vmem>> -> memref<128xi32, #tpu.memory_space<vmem>>
      %dma_start3A_160 = arith.constant 0 : i32
      %dma_start3A_161 = tpu.memref_slice %arg7[%dma_start3A_160] : memref<10240xf32, #tpu.memory_space<vmem_shared>> -> memref<10240xf32, #tpu.memory_space<vmem_shared>>
      tpu.enqueue_indirect_dma source(%arg6 : memref<128xf32, #tpu.memory_space<vmem>>) target(%dma_start3A_161 : memref<10240xf32, #tpu.memory_space<vmem_shared>>) offsets(%dma_start3A_159 : memref<128xi32, #tpu.memory_space<vmem>>) semaphore(%arg8 : memref<!tpu.dma_semaphore, #tpu.memory_space<semaphore_mem>>) {add = true}
      %add3A_162 = arith.constant 18 : i32
      %add3A_163 = arith.addi %add3A_35, %add3A_162 : i32
      %dma_start3A_164 = arith.constant 0 : i32
      %dma_start3A_165 = tpu.memref_slice %arg5[%add3A_163, %dma_start3A_164] : memref<80x128xi32, #tpu.memory_space<vmem>> -> memref<1x128xi32, #tpu.memory_space<vmem>>
      %dma_start3A_166 = tpu.memref_squeeze %dma_start3A_165 : memref<1x128xi32, #tpu.memory_space<vmem>> -> memref<128xi32, #tpu.memory_space<vmem>>
      %dma_start3A_167 = arith.constant 0 : i32
      %dma_start3A_168 = tpu.memref_slice %arg7[%dma_start3A_167] : memref<10240xf32, #tpu.memory_space<vmem_shared>> -> memref<10240xf32, #tpu.memory_space<vmem_shared>>
      tpu.enqueue_indirect_dma source(%arg6 : memref<128xf32, #tpu.memory_space<vmem>>) target(%dma_start3A_168 : memref<10240xf32, #tpu.memory_space<vmem_shared>>) offsets(%dma_start3A_166 : memref<128xi32, #tpu.memory_space<vmem>>) semaphore(%arg8 : memref<!tpu.dma_semaphore, #tpu.memory_space<semaphore_mem>>) {add = true}
      %add3A_169 = arith.constant 19 : i32
      %add3A_170 = arith.addi %add3A_35, %add3A_169 : i32
      %dma_start3A_171 = arith.constant 0 : i32
      %dma_start3A_172 = tpu.memref_slice %arg5[%add3A_170, %dma_start3A_171] : memref<80x128xi32, #tpu.memory_space<vmem>> -> memref<1x128xi32, #tpu.memory_space<vmem>>
      %dma_start3A_173 = tpu.memref_squeeze %dma_start3A_172 : memref<1x128xi32, #tpu.memory_space<vmem>> -> memref<128xi32, #tpu.memory_space<vmem>>
      %dma_start3A_174 = arith.constant 0 : i32
      %dma_start3A_175 = tpu.memref_slice %arg7[%dma_start3A_174] : memref<10240xf32, #tpu.memory_space<vmem_shared>> -> memref<10240xf32, #tpu.memory_space<vmem_shared>>
      tpu.enqueue_indirect_dma source(%arg6 : memref<128xf32, #tpu.memory_space<vmem>>) target(%dma_start3A_175 : memref<10240xf32, #tpu.memory_space<vmem_shared>>) offsets(%dma_start3A_173 : memref<128xi32, #tpu.memory_space<vmem>>) semaphore(%arg8 : memref<!tpu.dma_semaphore, #tpu.memory_space<semaphore_mem>>) {add = true}
      %add3A_176 = arith.constant 0 : i32
      %add3A_177 = arith.addi %add3A_35, %add3A_176 : i32
      %dma_wait3A_178 = arith.constant 0 : i32
      %dma_wait3A_179 = tpu.memref_slice %arg5[%add3A_177, %dma_wait3A_178] : memref<80x128xi32, #tpu.memory_space<vmem>> -> memref<1x128xi32, #tpu.memory_space<vmem>>
      %dma_wait3A_180 = tpu.memref_squeeze %dma_wait3A_179 : memref<1x128xi32, #tpu.memory_space<vmem>> -> memref<128xi32, #tpu.memory_space<vmem>>
      %dma_wait3A_181 = arith.constant 0 : i32
      %dma_wait3A_182 = tpu.memref_slice %arg7[%dma_wait3A_181] : memref<10240xf32, #tpu.memory_space<vmem_shared>> -> memref<10240xf32, #tpu.memory_space<vmem_shared>>
      tpu.wait_indirect_dma semaphore(%arg8 : memref<!tpu.dma_semaphore, #tpu.memory_space<semaphore_mem>>) src(%arg6 : memref<128xf32, #tpu.memory_space<vmem>>) dst(%dma_wait3A_182 : memref<10240xf32, #tpu.memory_space<vmem_shared>>)
      %add3A_183 = arith.constant 1 : i32
      %add3A_184 = arith.addi %add3A_35, %add3A_183 : i32
      %dma_wait3A_185 = arith.constant 0 : i32
      %dma_wait3A_186 = tpu.memref_slice %arg5[%add3A_184, %dma_wait3A_185] : memref<80x128xi32, #tpu.memory_space<vmem>> -> memref<1x128xi32, #tpu.memory_space<vmem>>
      %dma_wait3A_187 = tpu.memref_squeeze %dma_wait3A_186 : memref<1x128xi32, #tpu.memory_space<vmem>> -> memref<128xi32, #tpu.memory_space<vmem>>
      %dma_wait3A_188 = arith.constant 0 : i32
      %dma_wait3A_189 = tpu.memref_slice %arg7[%dma_wait3A_188] : memref<10240xf32, #tpu.memory_space<vmem_shared>> -> memref<10240xf32, #tpu.memory_space<vmem_shared>>
      tpu.wait_indirect_dma semaphore(%arg8 : memref<!tpu.dma_semaphore, #tpu.memory_space<semaphore_mem>>) src(%arg6 : memref<128xf32, #tpu.memory_space<vmem>>) dst(%dma_wait3A_189 : memref<10240xf32, #tpu.memory_space<vmem_shared>>)
      %add3A_190 = arith.constant 2 : i32
      %add3A_191 = arith.addi %add3A_35, %add3A_190 : i32
      %dma_wait3A_192 = arith.constant 0 : i32
      %dma_wait3A_193 = tpu.memref_slice %arg5[%add3A_191, %dma_wait3A_192] : memref<80x128xi32, #tpu.memory_space<vmem>> -> memref<1x128xi32, #tpu.memory_space<vmem>>
      %dma_wait3A_194 = tpu.memref_squeeze %dma_wait3A_193 : memref<1x128xi32, #tpu.memory_space<vmem>> -> memref<128xi32, #tpu.memory_space<vmem>>
      %dma_wait3A_195 = arith.constant 0 : i32
      %dma_wait3A_196 = tpu.memref_slice %arg7[%dma_wait3A_195] : memref<10240xf32, #tpu.memory_space<vmem_shared>> -> memref<10240xf32, #tpu.memory_space<vmem_shared>>
      tpu.wait_indirect_dma semaphore(%arg8 : memref<!tpu.dma_semaphore, #tpu.memory_space<semaphore_mem>>) src(%arg6 : memref<128xf32, #tpu.memory_space<vmem>>) dst(%dma_wait3A_196 : memref<10240xf32, #tpu.memory_space<vmem_shared>>)
      %add3A_197 = arith.constant 3 : i32
      %add3A_198 = arith.addi %add3A_35, %add3A_197 : i32
      %dma_wait3A_199 = arith.constant 0 : i32
      %dma_wait3A_200 = tpu.memref_slice %arg5[%add3A_198, %dma_wait3A_199] : memref<80x128xi32, #tpu.memory_space<vmem>> -> memref<1x128xi32, #tpu.memory_space<vmem>>
      %dma_wait3A_201 = tpu.memref_squeeze %dma_wait3A_200 : memref<1x128xi32, #tpu.memory_space<vmem>> -> memref<128xi32, #tpu.memory_space<vmem>>
      %dma_wait3A_202 = arith.constant 0 : i32
      %dma_wait3A_203 = tpu.memref_slice %arg7[%dma_wait3A_202] : memref<10240xf32, #tpu.memory_space<vmem_shared>> -> memref<10240xf32, #tpu.memory_space<vmem_shared>>
      tpu.wait_indirect_dma semaphore(%arg8 : memref<!tpu.dma_semaphore, #tpu.memory_space<semaphore_mem>>) src(%arg6 : memref<128xf32, #tpu.memory_space<vmem>>) dst(%dma_wait3A_203 : memref<10240xf32, #tpu.memory_space<vmem_shared>>)
      %add3A_204 = arith.constant 4 : i32
      %add3A_205 = arith.addi %add3A_35, %add3A_204 : i32
      %dma_wait3A_206 = arith.constant 0 : i32
      %dma_wait3A_207 = tpu.memref_slice %arg5[%add3A_205, %dma_wait3A_206] : memref<80x128xi32, #tpu.memory_space<vmem>> -> memref<1x128xi32, #tpu.memory_space<vmem>>
      %dma_wait3A_208 = tpu.memref_squeeze %dma_wait3A_207 : memref<1x128xi32, #tpu.memory_space<vmem>> -> memref<128xi32, #tpu.memory_space<vmem>>
      %dma_wait3A_209 = arith.constant 0 : i32
      %dma_wait3A_210 = tpu.memref_slice %arg7[%dma_wait3A_209] : memref<10240xf32, #tpu.memory_space<vmem_shared>> -> memref<10240xf32, #tpu.memory_space<vmem_shared>>
      tpu.wait_indirect_dma semaphore(%arg8 : memref<!tpu.dma_semaphore, #tpu.memory_space<semaphore_mem>>) src(%arg6 : memref<128xf32, #tpu.memory_space<vmem>>) dst(%dma_wait3A_210 : memref<10240xf32, #tpu.memory_space<vmem_shared>>)
      %add3A_211 = arith.constant 5 : i32
      %add3A_212 = arith.addi %add3A_35, %add3A_211 : i32
      %dma_wait3A_213 = arith.constant 0 : i32
      %dma_wait3A_214 = tpu.memref_slice %arg5[%add3A_212, %dma_wait3A_213] : memref<80x128xi32, #tpu.memory_space<vmem>> -> memref<1x128xi32, #tpu.memory_space<vmem>>
      %dma_wait3A_215 = tpu.memref_squeeze %dma_wait3A_214 : memref<1x128xi32, #tpu.memory_space<vmem>> -> memref<128xi32, #tpu.memory_space<vmem>>
      %dma_wait3A_216 = arith.constant 0 : i32
      %dma_wait3A_217 = tpu.memref_slice %arg7[%dma_wait3A_216] : memref<10240xf32, #tpu.memory_space<vmem_shared>> -> memref<10240xf32, #tpu.memory_space<vmem_shared>>
      tpu.wait_indirect_dma semaphore(%arg8 : memref<!tpu.dma_semaphore, #tpu.memory_space<semaphore_mem>>) src(%arg6 : memref<128xf32, #tpu.memory_space<vmem>>) dst(%dma_wait3A_217 : memref<10240xf32, #tpu.memory_space<vmem_shared>>)
      %add3A_218 = arith.constant 6 : i32
      %add3A_219 = arith.addi %add3A_35, %add3A_218 : i32
      %dma_wait3A_220 = arith.constant 0 : i32
      %dma_wait3A_221 = tpu.memref_slice %arg5[%add3A_219, %dma_wait3A_220] : memref<80x128xi32, #tpu.memory_space<vmem>> -> memref<1x128xi32, #tpu.memory_space<vmem>>
      %dma_wait3A_222 = tpu.memref_squeeze %dma_wait3A_221 : memref<1x128xi32, #tpu.memory_space<vmem>> -> memref<128xi32, #tpu.memory_space<vmem>>
      %dma_wait3A_223 = arith.constant 0 : i32
      %dma_wait3A_224 = tpu.memref_slice %arg7[%dma_wait3A_223] : memref<10240xf32, #tpu.memory_space<vmem_shared>> -> memref<10240xf32, #tpu.memory_space<vmem_shared>>
      tpu.wait_indirect_dma semaphore(%arg8 : memref<!tpu.dma_semaphore, #tpu.memory_space<semaphore_mem>>) src(%arg6 : memref<128xf32, #tpu.memory_space<vmem>>) dst(%dma_wait3A_224 : memref<10240xf32, #tpu.memory_space<vmem_shared>>)
      %add3A_225 = arith.constant 7 : i32
      %add3A_226 = arith.addi %add3A_35, %add3A_225 : i32
      %dma_wait3A_227 = arith.constant 0 : i32
      %dma_wait3A_228 = tpu.memref_slice %arg5[%add3A_226, %dma_wait3A_227] : memref<80x128xi32, #tpu.memory_space<vmem>> -> memref<1x128xi32, #tpu.memory_space<vmem>>
      %dma_wait3A_229 = tpu.memref_squeeze %dma_wait3A_228 : memref<1x128xi32, #tpu.memory_space<vmem>> -> memref<128xi32, #tpu.memory_space<vmem>>
      %dma_wait3A_230 = arith.constant 0 : i32
      %dma_wait3A_231 = tpu.memref_slice %arg7[%dma_wait3A_230] : memref<10240xf32, #tpu.memory_space<vmem_shared>> -> memref<10240xf32, #tpu.memory_space<vmem_shared>>
      tpu.wait_indirect_dma semaphore(%arg8 : memref<!tpu.dma_semaphore, #tpu.memory_space<semaphore_mem>>) src(%arg6 : memref<128xf32, #tpu.memory_space<vmem>>) dst(%dma_wait3A_231 : memref<10240xf32, #tpu.memory_space<vmem_shared>>)
      %add3A_232 = arith.constant 8 : i32
      %add3A_233 = arith.addi %add3A_35, %add3A_232 : i32
      %dma_wait3A_234 = arith.constant 0 : i32
      %dma_wait3A_235 = tpu.memref_slice %arg5[%add3A_233, %dma_wait3A_234] : memref<80x128xi32, #tpu.memory_space<vmem>> -> memref<1x128xi32, #tpu.memory_space<vmem>>
      %dma_wait3A_236 = tpu.memref_squeeze %dma_wait3A_235 : memref<1x128xi32, #tpu.memory_space<vmem>> -> memref<128xi32, #tpu.memory_space<vmem>>
      %dma_wait3A_237 = arith.constant 0 : i32
      %dma_wait3A_238 = tpu.memref_slice %arg7[%dma_wait3A_237] : memref<10240xf32, #tpu.memory_space<vmem_shared>> -> memref<10240xf32, #tpu.memory_space<vmem_shared>>
      tpu.wait_indirect_dma semaphore(%arg8 : memref<!tpu.dma_semaphore, #tpu.memory_space<semaphore_mem>>) src(%arg6 : memref<128xf32, #tpu.memory_space<vmem>>) dst(%dma_wait3A_238 : memref<10240xf32, #tpu.memory_space<vmem_shared>>)
      %add3A_239 = arith.constant 9 : i32
      %add3A_240 = arith.addi %add3A_35, %add3A_239 : i32
      %dma_wait3A_241 = arith.constant 0 : i32
      %dma_wait3A_242 = tpu.memref_slice %arg5[%add3A_240, %dma_wait3A_241] : memref<80x128xi32, #tpu.memory_space<vmem>> -> memref<1x128xi32, #tpu.memory_space<vmem>>
      %dma_wait3A_243 = tpu.memref_squeeze %dma_wait3A_242 : memref<1x128xi32, #tpu.memory_space<vmem>> -> memref<128xi32, #tpu.memory_space<vmem>>
      %dma_wait3A_244 = arith.constant 0 : i32
      %dma_wait3A_245 = tpu.memref_slice %arg7[%dma_wait3A_244] : memref<10240xf32, #tpu.memory_space<vmem_shared>> -> memref<10240xf32, #tpu.memory_space<vmem_shared>>
      tpu.wait_indirect_dma semaphore(%arg8 : memref<!tpu.dma_semaphore, #tpu.memory_space<semaphore_mem>>) src(%arg6 : memref<128xf32, #tpu.memory_space<vmem>>) dst(%dma_wait3A_245 : memref<10240xf32, #tpu.memory_space<vmem_shared>>)
      %add3A_246 = arith.constant 10 : i32
      %add3A_247 = arith.addi %add3A_35, %add3A_246 : i32
      %dma_wait3A_248 = arith.constant 0 : i32
      %dma_wait3A_249 = tpu.memref_slice %arg5[%add3A_247, %dma_wait3A_248] : memref<80x128xi32, #tpu.memory_space<vmem>> -> memref<1x128xi32, #tpu.memory_space<vmem>>
      %dma_wait3A_250 = tpu.memref_squeeze %dma_wait3A_249 : memref<1x128xi32, #tpu.memory_space<vmem>> -> memref<128xi32, #tpu.memory_space<vmem>>
      %dma_wait3A_251 = arith.constant 0 : i32
      %dma_wait3A_252 = tpu.memref_slice %arg7[%dma_wait3A_251] : memref<10240xf32, #tpu.memory_space<vmem_shared>> -> memref<10240xf32, #tpu.memory_space<vmem_shared>>
      tpu.wait_indirect_dma semaphore(%arg8 : memref<!tpu.dma_semaphore, #tpu.memory_space<semaphore_mem>>) src(%arg6 : memref<128xf32, #tpu.memory_space<vmem>>) dst(%dma_wait3A_252 : memref<10240xf32, #tpu.memory_space<vmem_shared>>)
      %add3A_253 = arith.constant 11 : i32
      %add3A_254 = arith.addi %add3A_35, %add3A_253 : i32
      %dma_wait3A_255 = arith.constant 0 : i32
      %dma_wait3A_256 = tpu.memref_slice %arg5[%add3A_254, %dma_wait3A_255] : memref<80x128xi32, #tpu.memory_space<vmem>> -> memref<1x128xi32, #tpu.memory_space<vmem>>
      %dma_wait3A_257 = tpu.memref_squeeze %dma_wait3A_256 : memref<1x128xi32, #tpu.memory_space<vmem>> -> memref<128xi32, #tpu.memory_space<vmem>>
      %dma_wait3A_258 = arith.constant 0 : i32
      %dma_wait3A_259 = tpu.memref_slice %arg7[%dma_wait3A_258] : memref<10240xf32, #tpu.memory_space<vmem_shared>> -> memref<10240xf32, #tpu.memory_space<vmem_shared>>
      tpu.wait_indirect_dma semaphore(%arg8 : memref<!tpu.dma_semaphore, #tpu.memory_space<semaphore_mem>>) src(%arg6 : memref<128xf32, #tpu.memory_space<vmem>>) dst(%dma_wait3A_259 : memref<10240xf32, #tpu.memory_space<vmem_shared>>)
      %add3A_260 = arith.constant 12 : i32
      %add3A_261 = arith.addi %add3A_35, %add3A_260 : i32
      %dma_wait3A_262 = arith.constant 0 : i32
      %dma_wait3A_263 = tpu.memref_slice %arg5[%add3A_261, %dma_wait3A_262] : memref<80x128xi32, #tpu.memory_space<vmem>> -> memref<1x128xi32, #tpu.memory_space<vmem>>
      %dma_wait3A_264 = tpu.memref_squeeze %dma_wait3A_263 : memref<1x128xi32, #tpu.memory_space<vmem>> -> memref<128xi32, #tpu.memory_space<vmem>>
      %dma_wait3A_265 = arith.constant 0 : i32
      %dma_wait3A_266 = tpu.memref_slice %arg7[%dma_wait3A_265] : memref<10240xf32, #tpu.memory_space<vmem_shared>> -> memref<10240xf32, #tpu.memory_space<vmem_shared>>
      tpu.wait_indirect_dma semaphore(%arg8 : memref<!tpu.dma_semaphore, #tpu.memory_space<semaphore_mem>>) src(%arg6 : memref<128xf32, #tpu.memory_space<vmem>>) dst(%dma_wait3A_266 : memref<10240xf32, #tpu.memory_space<vmem_shared>>)
      %add3A_267 = arith.constant 13 : i32
      %add3A_268 = arith.addi %add3A_35, %add3A_267 : i32
      %dma_wait3A_269 = arith.constant 0 : i32
      %dma_wait3A_270 = tpu.memref_slice %arg5[%add3A_268, %dma_wait3A_269] : memref<80x128xi32, #tpu.memory_space<vmem>> -> memref<1x128xi32, #tpu.memory_space<vmem>>
      %dma_wait3A_271 = tpu.memref_squeeze %dma_wait3A_270 : memref<1x128xi32, #tpu.memory_space<vmem>> -> memref<128xi32, #tpu.memory_space<vmem>>
      %dma_wait3A_272 = arith.constant 0 : i32
      %dma_wait3A_273 = tpu.memref_slice %arg7[%dma_wait3A_272] : memref<10240xf32, #tpu.memory_space<vmem_shared>> -> memref<10240xf32, #tpu.memory_space<vmem_shared>>
      tpu.wait_indirect_dma semaphore(%arg8 : memref<!tpu.dma_semaphore, #tpu.memory_space<semaphore_mem>>) src(%arg6 : memref<128xf32, #tpu.memory_space<vmem>>) dst(%dma_wait3A_273 : memref<10240xf32, #tpu.memory_space<vmem_shared>>)
      %add3A_274 = arith.constant 14 : i32
      %add3A_275 = arith.addi %add3A_35, %add3A_274 : i32
      %dma_wait3A_276 = arith.constant 0 : i32
      %dma_wait3A_277 = tpu.memref_slice %arg5[%add3A_275, %dma_wait3A_276] : memref<80x128xi32, #tpu.memory_space<vmem>> -> memref<1x128xi32, #tpu.memory_space<vmem>>
      %dma_wait3A_278 = tpu.memref_squeeze %dma_wait3A_277 : memref<1x128xi32, #tpu.memory_space<vmem>> -> memref<128xi32, #tpu.memory_space<vmem>>
      %dma_wait3A_279 = arith.constant 0 : i32
      %dma_wait3A_280 = tpu.memref_slice %arg7[%dma_wait3A_279] : memref<10240xf32, #tpu.memory_space<vmem_shared>> -> memref<10240xf32, #tpu.memory_space<vmem_shared>>
      tpu.wait_indirect_dma semaphore(%arg8 : memref<!tpu.dma_semaphore, #tpu.memory_space<semaphore_mem>>) src(%arg6 : memref<128xf32, #tpu.memory_space<vmem>>) dst(%dma_wait3A_280 : memref<10240xf32, #tpu.memory_space<vmem_shared>>)
      %add3A_281 = arith.constant 15 : i32
      %add3A_282 = arith.addi %add3A_35, %add3A_281 : i32
      %dma_wait3A_283 = arith.constant 0 : i32
      %dma_wait3A_284 = tpu.memref_slice %arg5[%add3A_282, %dma_wait3A_283] : memref<80x128xi32, #tpu.memory_space<vmem>> -> memref<1x128xi32, #tpu.memory_space<vmem>>
      %dma_wait3A_285 = tpu.memref_squeeze %dma_wait3A_284 : memref<1x128xi32, #tpu.memory_space<vmem>> -> memref<128xi32, #tpu.memory_space<vmem>>
      %dma_wait3A_286 = arith.constant 0 : i32
      %dma_wait3A_287 = tpu.memref_slice %arg7[%dma_wait3A_286] : memref<10240xf32, #tpu.memory_space<vmem_shared>> -> memref<10240xf32, #tpu.memory_space<vmem_shared>>
      tpu.wait_indirect_dma semaphore(%arg8 : memref<!tpu.dma_semaphore, #tpu.memory_space<semaphore_mem>>) src(%arg6 : memref<128xf32, #tpu.memory_space<vmem>>) dst(%dma_wait3A_287 : memref<10240xf32, #tpu.memory_space<vmem_shared>>)
      %add3A_288 = arith.constant 16 : i32
      %add3A_289 = arith.addi %add3A_35, %add3A_288 : i32
      %dma_wait3A_290 = arith.constant 0 : i32
      %dma_wait3A_291 = tpu.memref_slice %arg5[%add3A_289, %dma_wait3A_290] : memref<80x128xi32, #tpu.memory_space<vmem>> -> memref<1x128xi32, #tpu.memory_space<vmem>>
      %dma_wait3A_292 = tpu.memref_squeeze %dma_wait3A_291 : memref<1x128xi32, #tpu.memory_space<vmem>> -> memref<128xi32, #tpu.memory_space<vmem>>
      %dma_wait3A_293 = arith.constant 0 : i32
      %dma_wait3A_294 = tpu.memref_slice %arg7[%dma_wait3A_293] : memref<10240xf32, #tpu.memory_space<vmem_shared>> -> memref<10240xf32, #tpu.memory_space<vmem_shared>>
      tpu.wait_indirect_dma semaphore(%arg8 : memref<!tpu.dma_semaphore, #tpu.memory_space<semaphore_mem>>) src(%arg6 : memref<128xf32, #tpu.memory_space<vmem>>) dst(%dma_wait3A_294 : memref<10240xf32, #tpu.memory_space<vmem_shared>>)
      %add3A_295 = arith.constant 17 : i32
      %add3A_296 = arith.addi %add3A_35, %add3A_295 : i32
      %dma_wait3A_297 = arith.constant 0 : i32
      %dma_wait3A_298 = tpu.memref_slice %arg5[%add3A_296, %dma_wait3A_297] : memref<80x128xi32, #tpu.memory_space<vmem>> -> memref<1x128xi32, #tpu.memory_space<vmem>>
      %dma_wait3A_299 = tpu.memref_squeeze %dma_wait3A_298 : memref<1x128xi32, #tpu.memory_space<vmem>> -> memref<128xi32, #tpu.memory_space<vmem>>
      %dma_wait3A_300 = arith.constant 0 : i32
      %dma_wait3A_301 = tpu.memref_slice %arg7[%dma_wait3A_300] : memref<10240xf32, #tpu.memory_space<vmem_shared>> -> memref<10240xf32, #tpu.memory_space<vmem_shared>>
      tpu.wait_indirect_dma semaphore(%arg8 : memref<!tpu.dma_semaphore, #tpu.memory_space<semaphore_mem>>) src(%arg6 : memref<128xf32, #tpu.memory_space<vmem>>) dst(%dma_wait3A_301 : memref<10240xf32, #tpu.memory_space<vmem_shared>>)
      %add3A_302 = arith.constant 18 : i32
      %add3A_303 = arith.addi %add3A_35, %add3A_302 : i32
      %dma_wait3A_304 = arith.constant 0 : i32
      %dma_wait3A_305 = tpu.memref_slice %arg5[%add3A_303, %dma_wait3A_304] : memref<80x128xi32, #tpu.memory_space<vmem>> -> memref<1x128xi32, #tpu.memory_space<vmem>>
      %dma_wait3A_306 = tpu.memref_squeeze %dma_wait3A_305 : memref<1x128xi32, #tpu.memory_space<vmem>> -> memref<128xi32, #tpu.memory_space<vmem>>
      %dma_wait3A_307 = arith.constant 0 : i32
      %dma_wait3A_308 = tpu.memref_slice %arg7[%dma_wait3A_307] : memref<10240xf32, #tpu.memory_space<vmem_shared>> -> memref<10240xf32, #tpu.memory_space<vmem_shared>>
      tpu.wait_indirect_dma semaphore(%arg8 : memref<!tpu.dma_semaphore, #tpu.memory_space<semaphore_mem>>) src(%arg6 : memref<128xf32, #tpu.memory_space<vmem>>) dst(%dma_wait3A_308 : memref<10240xf32, #tpu.memory_space<vmem_shared>>)
      %add3A_309 = arith.constant 19 : i32
      %add3A_310 = arith.addi %add3A_35, %add3A_309 : i32
      %dma_wait3A_311 = arith.constant 0 : i32
      %dma_wait3A_312 = tpu.memref_slice %arg5[%add3A_310, %dma_wait3A_311] : memref<80x128xi32, #tpu.memory_space<vmem>> -> memref<1x128xi32, #tpu.memory_space<vmem>>
      %dma_wait3A_313 = tpu.memref_squeeze %dma_wait3A_312 : memref<1x128xi32, #tpu.memory_space<vmem>> -> memref<128xi32, #tpu.memory_space<vmem>>
      %dma_wait3A_314 = arith.constant 0 : i32
      %dma_wait3A_315 = tpu.memref_slice %arg7[%dma_wait3A_314] : memref<10240xf32, #tpu.memory_space<vmem_shared>> -> memref<10240xf32, #tpu.memory_space<vmem_shared>>
      tpu.wait_indirect_dma semaphore(%arg8 : memref<!tpu.dma_semaphore, #tpu.memory_space<semaphore_mem>>) src(%arg6 : memref<128xf32, #tpu.memory_space<vmem>>) dst(%dma_wait3A_315 : memref<10240xf32, #tpu.memory_space<vmem_shared>>)
    }
    %scan3A_29 = arith.constant 4 : i32
    %barrier3A_30 = arith.constant 0 : index
    tpu.barrier barrier_id(%barrier3A_30)
    "tpu.region"() ({
      %run_scoped3A = tpu.sem_alloc : memref<!tpu.dma_semaphore, #tpu.memory_space<semaphore_mem>>
      %dma_start3A_31 = arith.constant 0 : i32
      %dma_start3A_32 = tpu.memref_slice %arg4[%arg0, %dma_start3A_31] : memref<2x10240xf32, #tpu.memory_space<hbm>> -> memref<1x10240xf32, #tpu.memory_space<hbm>>
      %dma_start3A_33 = tpu.memref_squeeze %dma_start3A_32 : memref<1x10240xf32, #tpu.memory_space<hbm>> -> memref<10240xf32, #tpu.memory_space<hbm>>
      %dma_start3A_34 = tpu.memref_slice %dma_start3A_33[%mul3A_2] : memref<10240xf32, #tpu.memory_space<hbm>> -> memref<640xf32, #tpu.memory_space<hbm>>
      %dma_start3A_35 = tpu.memref_slice %arg7[%mul3A_2] : memref<10240xf32, #tpu.memory_space<vmem_shared>> -> memref<640xf32, #tpu.memory_space<vmem_shared>>
      tpu.enqueue_dma source(%dma_start3A_35 : memref<640xf32, #tpu.memory_space<vmem_shared>>) target(%dma_start3A_34 : memref<640xf32, #tpu.memory_space<hbm>>) target_semaphore(%run_scoped3A : memref<!tpu.dma_semaphore, #tpu.memory_space<semaphore_mem>>)
      %dma_wait3A_36 = arith.constant 0 : i32
      %dma_wait3A_37 = tpu.memref_slice %arg4[%arg0, %dma_wait3A_36] : memref<2x10240xf32, #tpu.memory_space<hbm>> -> memref<1x10240xf32, #tpu.memory_space<hbm>>
      %dma_wait3A_38 = tpu.memref_squeeze %dma_wait3A_37 : memref<1x10240xf32, #tpu.memory_space<hbm>> -> memref<10240xf32, #tpu.memory_space<hbm>>
      %dma_wait3A_39 = tpu.memref_slice %dma_wait3A_38[%mul3A_2] : memref<10240xf32, #tpu.memory_space<hbm>> -> memref<640xf32, #tpu.memory_space<hbm>>
      %dma_wait3A_40 = tpu.memref_slice %arg7[%mul3A_2] : memref<10240xf32, #tpu.memory_space<vmem_shared>> -> memref<640xf32, #tpu.memory_space<vmem_shared>>
      tpu.wait_dma2 semaphore(%run_scoped3A : memref<!tpu.dma_semaphore, #tpu.memory_space<semaphore_mem>>) src(%dma_wait3A_40 : memref<640xf32, #tpu.memory_space<vmem_shared>>) dst(%dma_wait3A_39 : memref<640xf32, #tpu.memory_space<hbm>>)
      tpu.yield
    }) : () -> ()
    return
  }
}

#map = affine_map<(d0, d1) -> (0, 0)>
#map1 = affine_map<(d0, d1) -> (0, 0, 0)>
module attributes {stable_mosaic.version = 14 : i64} {
  func.func @_scatter_body(%arg0: i32, %arg1: i32, %arg2: memref<10240x16xf32, #tpu.memory_space<hbm>>, %arg3: memref<10240x16xf32, #tpu.memory_space<hbm>>, %arg4: memref<32x80x128xi32, #tpu.memory_space<hbm>>, %arg5: memref<32x80x128xi32, #tpu.memory_space<hbm>>, %arg6: memref<2x10240x16xf32, #tpu.memory_space<hbm>>, %arg7: memref<80x128xi32, #tpu.memory_space<vmem>>, %arg8: memref<80x128xi32, #tpu.memory_space<vmem>>, %arg9: memref<10x128x16xf32, #tpu.memory_space<vmem>>, %arg10: memref<10240x16xf32, #tpu.memory_space<vmem_shared>>, %arg11: memref<10240x16xf32, #tpu.memory_space<vmem_shared>>, %arg12: memref<10x!tpu.dma_semaphore, #tpu.memory_space<semaphore_mem>>, %arg13: memref<10x!tpu.dma_semaphore, #tpu.memory_space<semaphore_mem>>) attributes {dimension_semantics = [#tpu.dimension_semantics<core_parallel>, #tpu.dimension_semantics<subcore_parallel>], iteration_bounds = array<i64: 2, 16>, scalar_prefetch = 0 : i64, scratch_operands = 7 : i64, tpu.core_type = #tpu.core_type<sc_vector_subcore>, window_params = [{transform_indices = #map}, {transform_indices = #map}, {transform_indices = #map1}, {transform_indices = #map1}, {transform_indices = #map1}]} {
    %mul3A = arith.constant 2 : i32
    %mul3A_0 = arith.muli %arg1, %mul3A : i32
    %add3A = arith.addi %mul3A_0, %arg0 : i32
    %mul3A_1 = arith.constant 640 : i32
    %mul3A_2 = arith.muli %arg1, %mul3A_1 : i32
    %dma_start3A = arith.constant 0 : i32
    %dma_start3A_3 = tpu.memref_slice %arg13[%dma_start3A] : memref<10x!tpu.dma_semaphore, #tpu.memory_space<semaphore_mem>> -> memref<1x!tpu.dma_semaphore, #tpu.memory_space<semaphore_mem>>
    %dma_start3A_4 = tpu.memref_squeeze %dma_start3A_3 : memref<1x!tpu.dma_semaphore, #tpu.memory_space<semaphore_mem>> -> memref<!tpu.dma_semaphore, #tpu.memory_space<semaphore_mem>>
    %dma_start3A_5 = arith.constant 0 : i32
    %dma_start3A_6 = tpu.memref_slice %arg10[%mul3A_2, %dma_start3A_5] : memref<10240x16xf32, #tpu.memory_space<vmem_shared>> -> memref<640x16xf32, #tpu.memory_space<vmem_shared>>
    %dma_start3A_7 = arith.constant 0 : i32
    %dma_start3A_8 = tpu.memref_slice %arg2[%mul3A_2, %dma_start3A_7] : memref<10240x16xf32, #tpu.memory_space<hbm>> -> memref<640x16xf32, #tpu.memory_space<hbm>>
    tpu.enqueue_dma source(%dma_start3A_8 : memref<640x16xf32, #tpu.memory_space<hbm>>) target(%dma_start3A_6 : memref<640x16xf32, #tpu.memory_space<vmem_shared>>) target_semaphore(%dma_start3A_4 : memref<!tpu.dma_semaphore, #tpu.memory_space<semaphore_mem>>)
    %eq3A = arith.constant 0 : i32
    %eq3A_9 = arith.cmpi eq, %arg0, %eq3A : i32
    %convert_element_type3A = arith.extui %eq3A_9 : i1 to i32
    %cond3A = arith.constant 0 : i32
    %cond3A_10 = arith.cmpi ne, %convert_element_type3A, %cond3A : i32
    scf.if %cond3A_10 {
      %dma_start3A_302 = arith.constant 1 : i32
      %dma_start3A_303 = tpu.memref_slice %arg13[%dma_start3A_302] : memref<10x!tpu.dma_semaphore, #tpu.memory_space<semaphore_mem>> -> memref<1x!tpu.dma_semaphore, #tpu.memory_space<semaphore_mem>>
      %dma_start3A_304 = tpu.memref_squeeze %dma_start3A_303 : memref<1x!tpu.dma_semaphore, #tpu.memory_space<semaphore_mem>> -> memref<!tpu.dma_semaphore, #tpu.memory_space<semaphore_mem>>
      %dma_start3A_305 = arith.constant 0 : i32
      %dma_start3A_306 = tpu.memref_slice %arg11[%mul3A_2, %dma_start3A_305] : memref<10240x16xf32, #tpu.memory_space<vmem_shared>> -> memref<640x16xf32, #tpu.memory_space<vmem_shared>>
      %dma_start3A_307 = arith.constant 0 : i32
      %dma_start3A_308 = tpu.memref_slice %arg2[%mul3A_2, %dma_start3A_307] : memref<10240x16xf32, #tpu.memory_space<hbm>> -> memref<640x16xf32, #tpu.memory_space<hbm>>
      tpu.enqueue_dma source(%dma_start3A_308 : memref<640x16xf32, #tpu.memory_space<hbm>>) target(%dma_start3A_306 : memref<640x16xf32, #tpu.memory_space<vmem_shared>>) target_semaphore(%dma_start3A_304 : memref<!tpu.dma_semaphore, #tpu.memory_space<semaphore_mem>>)
    } else {
    }
    %ne3A = arith.constant 0 : i32
    %ne3A_11 = arith.cmpi ne, %arg0, %ne3A : i32
    %convert_element_type3A_12 = arith.extui %ne3A_11 : i1 to i32
    %cond3A_13 = arith.constant 0 : i32
    %cond3A_14 = arith.cmpi ne, %convert_element_type3A_12, %cond3A_13 : i32
    scf.if %cond3A_14 {
      %dma_start3A_302 = arith.constant 1 : i32
      %dma_start3A_303 = tpu.memref_slice %arg13[%dma_start3A_302] : memref<10x!tpu.dma_semaphore, #tpu.memory_space<semaphore_mem>> -> memref<1x!tpu.dma_semaphore, #tpu.memory_space<semaphore_mem>>
      %dma_start3A_304 = tpu.memref_squeeze %dma_start3A_303 : memref<1x!tpu.dma_semaphore, #tpu.memory_space<semaphore_mem>> -> memref<!tpu.dma_semaphore, #tpu.memory_space<semaphore_mem>>
      %dma_start3A_305 = arith.constant 0 : i32
      %dma_start3A_306 = tpu.memref_slice %arg11[%mul3A_2, %dma_start3A_305] : memref<10240x16xf32, #tpu.memory_space<vmem_shared>> -> memref<640x16xf32, #tpu.memory_space<vmem_shared>>
      %dma_start3A_307 = arith.constant 0 : i32
      %dma_start3A_308 = tpu.memref_slice %arg3[%mul3A_2, %dma_start3A_307] : memref<10240x16xf32, #tpu.memory_space<hbm>> -> memref<640x16xf32, #tpu.memory_space<hbm>>
      tpu.enqueue_dma source(%dma_start3A_308 : memref<640x16xf32, #tpu.memory_space<hbm>>) target(%dma_start3A_306 : memref<640x16xf32, #tpu.memory_space<vmem_shared>>) target_semaphore(%dma_start3A_304 : memref<!tpu.dma_semaphore, #tpu.memory_space<semaphore_mem>>)
    } else {
    }
    %dma_start3A_15 = arith.constant 2 : i32
    %dma_start3A_16 = arith.constant 0 : i32
    %dma_start3A_17 = arith.constant 0 : i32
    %dma_start3A_18 = tpu.memref_slice %arg4[%add3A, %dma_start3A_16, %dma_start3A_17] : memref<32x80x128xi32, #tpu.memory_space<hbm>> -> memref<1x80x128xi32, #tpu.memory_space<hbm>>
    %dma_start3A_19 = tpu.memref_squeeze %dma_start3A_18 : memref<1x80x128xi32, #tpu.memory_space<hbm>> -> memref<80x128xi32, #tpu.memory_space<hbm>>
    %dma_start3A_20 = tpu.memref_slice %arg13[%dma_start3A_15] : memref<10x!tpu.dma_semaphore, #tpu.memory_space<semaphore_mem>> -> memref<1x!tpu.dma_semaphore, #tpu.memory_space<semaphore_mem>>
    %dma_start3A_21 = tpu.memref_squeeze %dma_start3A_20 : memref<1x!tpu.dma_semaphore, #tpu.memory_space<semaphore_mem>> -> memref<!tpu.dma_semaphore, #tpu.memory_space<semaphore_mem>>
    %dma_start3A_22 = arith.constant 0 : i32
    %dma_start3A_23 = arith.constant 0 : i32
    %dma_start3A_24 = tpu.memref_slice %arg4[%add3A, %dma_start3A_22, %dma_start3A_23] : memref<32x80x128xi32, #tpu.memory_space<hbm>> -> memref<1x80x128xi32, #tpu.memory_space<hbm>>
    %dma_start3A_25 = tpu.memref_squeeze %dma_start3A_24 : memref<1x80x128xi32, #tpu.memory_space<hbm>> -> memref<80x128xi32, #tpu.memory_space<hbm>>
    tpu.enqueue_dma source(%dma_start3A_25 : memref<80x128xi32, #tpu.memory_space<hbm>>) target(%arg7 : memref<80x128xi32, #tpu.memory_space<vmem>>) target_semaphore(%dma_start3A_21 : memref<!tpu.dma_semaphore, #tpu.memory_space<semaphore_mem>>)
    %dma_start3A_26 = arith.constant 3 : i32
    %dma_start3A_27 = arith.constant 0 : i32
    %dma_start3A_28 = arith.constant 0 : i32
    %dma_start3A_29 = tpu.memref_slice %arg5[%add3A, %dma_start3A_27, %dma_start3A_28] : memref<32x80x128xi32, #tpu.memory_space<hbm>> -> memref<1x80x128xi32, #tpu.memory_space<hbm>>
    %dma_start3A_30 = tpu.memref_squeeze %dma_start3A_29 : memref<1x80x128xi32, #tpu.memory_space<hbm>> -> memref<80x128xi32, #tpu.memory_space<hbm>>
    %dma_start3A_31 = tpu.memref_slice %arg13[%dma_start3A_26] : memref<10x!tpu.dma_semaphore, #tpu.memory_space<semaphore_mem>> -> memref<1x!tpu.dma_semaphore, #tpu.memory_space<semaphore_mem>>
    %dma_start3A_32 = tpu.memref_squeeze %dma_start3A_31 : memref<1x!tpu.dma_semaphore, #tpu.memory_space<semaphore_mem>> -> memref<!tpu.dma_semaphore, #tpu.memory_space<semaphore_mem>>
    %dma_start3A_33 = arith.constant 0 : i32
    %dma_start3A_34 = arith.constant 0 : i32
    %dma_start3A_35 = tpu.memref_slice %arg5[%add3A, %dma_start3A_33, %dma_start3A_34] : memref<32x80x128xi32, #tpu.memory_space<hbm>> -> memref<1x80x128xi32, #tpu.memory_space<hbm>>
    %dma_start3A_36 = tpu.memref_squeeze %dma_start3A_35 : memref<1x80x128xi32, #tpu.memory_space<hbm>> -> memref<80x128xi32, #tpu.memory_space<hbm>>
    tpu.enqueue_dma source(%dma_start3A_36 : memref<80x128xi32, #tpu.memory_space<hbm>>) target(%arg8 : memref<80x128xi32, #tpu.memory_space<vmem>>) target_semaphore(%dma_start3A_32 : memref<!tpu.dma_semaphore, #tpu.memory_space<semaphore_mem>>)
    %dma_wait3A = arith.constant 0 : i32
    %dma_wait3A_37 = tpu.memref_slice %arg13[%dma_wait3A] : memref<10x!tpu.dma_semaphore, #tpu.memory_space<semaphore_mem>> -> memref<1x!tpu.dma_semaphore, #tpu.memory_space<semaphore_mem>>
    %dma_wait3A_38 = tpu.memref_squeeze %dma_wait3A_37 : memref<1x!tpu.dma_semaphore, #tpu.memory_space<semaphore_mem>> -> memref<!tpu.dma_semaphore, #tpu.memory_space<semaphore_mem>>
    %dma_wait3A_39 = arith.constant 0 : i32
    %dma_wait3A_40 = tpu.memref_slice %arg10[%mul3A_2, %dma_wait3A_39] : memref<10240x16xf32, #tpu.memory_space<vmem_shared>> -> memref<640x16xf32, #tpu.memory_space<vmem_shared>>
    %dma_wait3A_41 = arith.constant 0 : i32
    %dma_wait3A_42 = tpu.memref_slice %arg2[%mul3A_2, %dma_wait3A_41] : memref<10240x16xf32, #tpu.memory_space<hbm>> -> memref<640x16xf32, #tpu.memory_space<hbm>>
    tpu.wait_dma2 semaphore(%dma_wait3A_38 : memref<!tpu.dma_semaphore, #tpu.memory_space<semaphore_mem>>) src(%dma_wait3A_42 : memref<640x16xf32, #tpu.memory_space<hbm>>) dst(%dma_wait3A_40 : memref<640x16xf32, #tpu.memory_space<vmem_shared>>)
    %dma_wait3A_43 = arith.constant 1 : i32
    %dma_wait3A_44 = tpu.memref_slice %arg13[%dma_wait3A_43] : memref<10x!tpu.dma_semaphore, #tpu.memory_space<semaphore_mem>> -> memref<1x!tpu.dma_semaphore, #tpu.memory_space<semaphore_mem>>
    %dma_wait3A_45 = tpu.memref_squeeze %dma_wait3A_44 : memref<1x!tpu.dma_semaphore, #tpu.memory_space<semaphore_mem>> -> memref<!tpu.dma_semaphore, #tpu.memory_space<semaphore_mem>>
    %dma_wait3A_46 = arith.constant 0 : i32
    %dma_wait3A_47 = tpu.memref_slice %arg11[%mul3A_2, %dma_wait3A_46] : memref<10240x16xf32, #tpu.memory_space<vmem_shared>> -> memref<640x16xf32, #tpu.memory_space<vmem_shared>>
    %dma_wait3A_48 = arith.constant 0 : i32
    %dma_wait3A_49 = tpu.memref_slice %arg3[%mul3A_2, %dma_wait3A_48] : memref<10240x16xf32, #tpu.memory_space<hbm>> -> memref<640x16xf32, #tpu.memory_space<hbm>>
    tpu.wait_dma2 semaphore(%dma_wait3A_45 : memref<!tpu.dma_semaphore, #tpu.memory_space<semaphore_mem>>) src(%dma_wait3A_49 : memref<640x16xf32, #tpu.memory_space<hbm>>) dst(%dma_wait3A_47 : memref<640x16xf32, #tpu.memory_space<vmem_shared>>)
    %dma_wait3A_50 = arith.constant 2 : i32
    %dma_wait3A_51 = arith.constant 0 : i32
    %dma_wait3A_52 = arith.constant 0 : i32
    %dma_wait3A_53 = tpu.memref_slice %arg4[%add3A, %dma_wait3A_51, %dma_wait3A_52] : memref<32x80x128xi32, #tpu.memory_space<hbm>> -> memref<1x80x128xi32, #tpu.memory_space<hbm>>
    %dma_wait3A_54 = tpu.memref_squeeze %dma_wait3A_53 : memref<1x80x128xi32, #tpu.memory_space<hbm>> -> memref<80x128xi32, #tpu.memory_space<hbm>>
    %dma_wait3A_55 = tpu.memref_slice %arg13[%dma_wait3A_50] : memref<10x!tpu.dma_semaphore, #tpu.memory_space<semaphore_mem>> -> memref<1x!tpu.dma_semaphore, #tpu.memory_space<semaphore_mem>>
    %dma_wait3A_56 = tpu.memref_squeeze %dma_wait3A_55 : memref<1x!tpu.dma_semaphore, #tpu.memory_space<semaphore_mem>> -> memref<!tpu.dma_semaphore, #tpu.memory_space<semaphore_mem>>
    %dma_wait3A_57 = arith.constant 0 : i32
    %dma_wait3A_58 = arith.constant 0 : i32
    %dma_wait3A_59 = tpu.memref_slice %arg4[%add3A, %dma_wait3A_57, %dma_wait3A_58] : memref<32x80x128xi32, #tpu.memory_space<hbm>> -> memref<1x80x128xi32, #tpu.memory_space<hbm>>
    %dma_wait3A_60 = tpu.memref_squeeze %dma_wait3A_59 : memref<1x80x128xi32, #tpu.memory_space<hbm>> -> memref<80x128xi32, #tpu.memory_space<hbm>>
    tpu.wait_dma2 semaphore(%dma_wait3A_56 : memref<!tpu.dma_semaphore, #tpu.memory_space<semaphore_mem>>) src(%dma_wait3A_60 : memref<80x128xi32, #tpu.memory_space<hbm>>) dst(%arg7 : memref<80x128xi32, #tpu.memory_space<vmem>>)
    %dma_wait3A_61 = arith.constant 3 : i32
    %dma_wait3A_62 = arith.constant 0 : i32
    %dma_wait3A_63 = arith.constant 0 : i32
    %dma_wait3A_64 = tpu.memref_slice %arg5[%add3A, %dma_wait3A_62, %dma_wait3A_63] : memref<32x80x128xi32, #tpu.memory_space<hbm>> -> memref<1x80x128xi32, #tpu.memory_space<hbm>>
    %dma_wait3A_65 = tpu.memref_squeeze %dma_wait3A_64 : memref<1x80x128xi32, #tpu.memory_space<hbm>> -> memref<80x128xi32, #tpu.memory_space<hbm>>
    %dma_wait3A_66 = tpu.memref_slice %arg13[%dma_wait3A_61] : memref<10x!tpu.dma_semaphore, #tpu.memory_space<semaphore_mem>> -> memref<1x!tpu.dma_semaphore, #tpu.memory_space<semaphore_mem>>
    %dma_wait3A_67 = tpu.memref_squeeze %dma_wait3A_66 : memref<1x!tpu.dma_semaphore, #tpu.memory_space<semaphore_mem>> -> memref<!tpu.dma_semaphore, #tpu.memory_space<semaphore_mem>>
    %dma_wait3A_68 = arith.constant 0 : i32
    %dma_wait3A_69 = arith.constant 0 : i32
    %dma_wait3A_70 = tpu.memref_slice %arg5[%add3A, %dma_wait3A_68, %dma_wait3A_69] : memref<32x80x128xi32, #tpu.memory_space<hbm>> -> memref<1x80x128xi32, #tpu.memory_space<hbm>>
    %dma_wait3A_71 = tpu.memref_squeeze %dma_wait3A_70 : memref<1x80x128xi32, #tpu.memory_space<hbm>> -> memref<80x128xi32, #tpu.memory_space<hbm>>
    tpu.wait_dma2 semaphore(%dma_wait3A_67 : memref<!tpu.dma_semaphore, #tpu.memory_space<semaphore_mem>>) src(%dma_wait3A_71 : memref<80x128xi32, #tpu.memory_space<hbm>>) dst(%arg8 : memref<80x128xi32, #tpu.memory_space<vmem>>)
    %barrier3A = arith.constant 0 : index
    tpu.barrier barrier_id(%barrier3A)
    %dma_start3A_72 = arith.constant 0 : i32
    %dma_start3A_73 = arith.constant 0 : i32
    %dma_start3A_74 = arith.constant 0 : i32
    %dma_start3A_75 = arith.constant 0 : i32
    %dma_start3A_76 = arith.constant 0 : i32
    %dma_start3A_77 = tpu.memref_slice %arg9[%dma_start3A_73, %dma_start3A_75, %dma_start3A_76] : memref<10x128x16xf32, #tpu.memory_space<vmem>> -> memref<1x128x16xf32, #tpu.memory_space<vmem>>
    %dma_start3A_78 = tpu.memref_squeeze %dma_start3A_77 : memref<1x128x16xf32, #tpu.memory_space<vmem>> -> memref<128x16xf32, #tpu.memory_space<vmem>>
    %dma_start3A_79 = arith.constant 0 : i32
    %dma_start3A_80 = tpu.memref_slice %arg7[%dma_start3A_72, %dma_start3A_79] : memref<80x128xi32, #tpu.memory_space<vmem>> -> memref<1x128xi32, #tpu.memory_space<vmem>>
    %dma_start3A_81 = tpu.memref_squeeze %dma_start3A_80 : memref<1x128xi32, #tpu.memory_space<vmem>> -> memref<128xi32, #tpu.memory_space<vmem>>
    %dma_start3A_82 = arith.constant 0 : i32
    %dma_start3A_83 = arith.constant 0 : i32
    %dma_start3A_84 = tpu.memref_slice %arg10[%dma_start3A_82, %dma_start3A_83] : memref<10240x16xf32, #tpu.memory_space<vmem_shared>> -> memref<10240x16xf32, #tpu.memory_space<vmem_shared>>
    %dma_start3A_85 = tpu.memref_slice %arg12[%dma_start3A_74] : memref<10x!tpu.dma_semaphore, #tpu.memory_space<semaphore_mem>> -> memref<1x!tpu.dma_semaphore, #tpu.memory_space<semaphore_mem>>
    %dma_start3A_86 = tpu.memref_squeeze %dma_start3A_85 : memref<1x!tpu.dma_semaphore, #tpu.memory_space<semaphore_mem>> -> memref<!tpu.dma_semaphore, #tpu.memory_space<semaphore_mem>>
    tpu.enqueue_indirect_dma source(%dma_start3A_84 : memref<10240x16xf32, #tpu.memory_space<vmem_shared>>) target(%dma_start3A_78 : memref<128x16xf32, #tpu.memory_space<vmem>>) offsets(%dma_start3A_81 : memref<128xi32, #tpu.memory_space<vmem>>) semaphore(%dma_start3A_86 : memref<!tpu.dma_semaphore, #tpu.memory_space<semaphore_mem>>)
    %dma_start3A_87 = arith.constant 1 : i32
    %dma_start3A_88 = arith.constant 1 : i32
    %dma_start3A_89 = arith.constant 1 : i32
    %dma_start3A_90 = arith.constant 0 : i32
    %dma_start3A_91 = arith.constant 0 : i32
    %dma_start3A_92 = tpu.memref_slice %arg9[%dma_start3A_88, %dma_start3A_90, %dma_start3A_91] : memref<10x128x16xf32, #tpu.memory_space<vmem>> -> memref<1x128x16xf32, #tpu.memory_space<vmem>>
    %dma_start3A_93 = tpu.memref_squeeze %dma_start3A_92 : memref<1x128x16xf32, #tpu.memory_space<vmem>> -> memref<128x16xf32, #tpu.memory_space<vmem>>
    %dma_start3A_94 = arith.constant 0 : i32
    %dma_start3A_95 = tpu.memref_slice %arg7[%dma_start3A_87, %dma_start3A_94] : memref<80x128xi32, #tpu.memory_space<vmem>> -> memref<1x128xi32, #tpu.memory_space<vmem>>
    %dma_start3A_96 = tpu.memref_squeeze %dma_start3A_95 : memref<1x128xi32, #tpu.memory_space<vmem>> -> memref<128xi32, #tpu.memory_space<vmem>>
    %dma_start3A_97 = arith.constant 0 : i32
    %dma_start3A_98 = arith.constant 0 : i32
    %dma_start3A_99 = tpu.memref_slice %arg10[%dma_start3A_97, %dma_start3A_98] : memref<10240x16xf32, #tpu.memory_space<vmem_shared>> -> memref<10240x16xf32, #tpu.memory_space<vmem_shared>>
    %dma_start3A_100 = tpu.memref_slice %arg12[%dma_start3A_89] : memref<10x!tpu.dma_semaphore, #tpu.memory_space<semaphore_mem>> -> memref<1x!tpu.dma_semaphore, #tpu.memory_space<semaphore_mem>>
    %dma_start3A_101 = tpu.memref_squeeze %dma_start3A_100 : memref<1x!tpu.dma_semaphore, #tpu.memory_space<semaphore_mem>> -> memref<!tpu.dma_semaphore, #tpu.memory_space<semaphore_mem>>
    tpu.enqueue_indirect_dma source(%dma_start3A_99 : memref<10240x16xf32, #tpu.memory_space<vmem_shared>>) target(%dma_start3A_93 : memref<128x16xf32, #tpu.memory_space<vmem>>) offsets(%dma_start3A_96 : memref<128xi32, #tpu.memory_space<vmem>>) semaphore(%dma_start3A_101 : memref<!tpu.dma_semaphore, #tpu.memory_space<semaphore_mem>>)
    %dma_start3A_102 = arith.constant 2 : i32
    %dma_start3A_103 = arith.constant 2 : i32
    %dma_start3A_104 = arith.constant 2 : i32
    %dma_start3A_105 = arith.constant 0 : i32
    %dma_start3A_106 = arith.constant 0 : i32
    %dma_start3A_107 = tpu.memref_slice %arg9[%dma_start3A_103, %dma_start3A_105, %dma_start3A_106] : memref<10x128x16xf32, #tpu.memory_space<vmem>> -> memref<1x128x16xf32, #tpu.memory_space<vmem>>
    %dma_start3A_108 = tpu.memref_squeeze %dma_start3A_107 : memref<1x128x16xf32, #tpu.memory_space<vmem>> -> memref<128x16xf32, #tpu.memory_space<vmem>>
    %dma_start3A_109 = arith.constant 0 : i32
    %dma_start3A_110 = tpu.memref_slice %arg7[%dma_start3A_102, %dma_start3A_109] : memref<80x128xi32, #tpu.memory_space<vmem>> -> memref<1x128xi32, #tpu.memory_space<vmem>>
    %dma_start3A_111 = tpu.memref_squeeze %dma_start3A_110 : memref<1x128xi32, #tpu.memory_space<vmem>> -> memref<128xi32, #tpu.memory_space<vmem>>
    %dma_start3A_112 = arith.constant 0 : i32
    %dma_start3A_113 = arith.constant 0 : i32
    %dma_start3A_114 = tpu.memref_slice %arg10[%dma_start3A_112, %dma_start3A_113] : memref<10240x16xf32, #tpu.memory_space<vmem_shared>> -> memref<10240x16xf32, #tpu.memory_space<vmem_shared>>
    %dma_start3A_115 = tpu.memref_slice %arg12[%dma_start3A_104] : memref<10x!tpu.dma_semaphore, #tpu.memory_space<semaphore_mem>> -> memref<1x!tpu.dma_semaphore, #tpu.memory_space<semaphore_mem>>
    %dma_start3A_116 = tpu.memref_squeeze %dma_start3A_115 : memref<1x!tpu.dma_semaphore, #tpu.memory_space<semaphore_mem>> -> memref<!tpu.dma_semaphore, #tpu.memory_space<semaphore_mem>>
    tpu.enqueue_indirect_dma source(%dma_start3A_114 : memref<10240x16xf32, #tpu.memory_space<vmem_shared>>) target(%dma_start3A_108 : memref<128x16xf32, #tpu.memory_space<vmem>>) offsets(%dma_start3A_111 : memref<128xi32, #tpu.memory_space<vmem>>) semaphore(%dma_start3A_116 : memref<!tpu.dma_semaphore, #tpu.memory_space<semaphore_mem>>)
    %dma_start3A_117 = arith.constant 3 : i32
    %dma_start3A_118 = arith.constant 3 : i32
    %dma_start3A_119 = arith.constant 3 : i32
    %dma_start3A_120 = arith.constant 0 : i32
    %dma_start3A_121 = arith.constant 0 : i32
    %dma_start3A_122 = tpu.memref_slice %arg9[%dma_start3A_118, %dma_start3A_120, %dma_start3A_121] : memref<10x128x16xf32, #tpu.memory_space<vmem>> -> memref<1x128x16xf32, #tpu.memory_space<vmem>>
    %dma_start3A_123 = tpu.memref_squeeze %dma_start3A_122 : memref<1x128x16xf32, #tpu.memory_space<vmem>> -> memref<128x16xf32, #tpu.memory_space<vmem>>
    %dma_start3A_124 = arith.constant 0 : i32
    %dma_start3A_125 = tpu.memref_slice %arg7[%dma_start3A_117, %dma_start3A_124] : memref<80x128xi32, #tpu.memory_space<vmem>> -> memref<1x128xi32, #tpu.memory_space<vmem>>
    %dma_start3A_126 = tpu.memref_squeeze %dma_start3A_125 : memref<1x128xi32, #tpu.memory_space<vmem>> -> memref<128xi32, #tpu.memory_space<vmem>>
    %dma_start3A_127 = arith.constant 0 : i32
    %dma_start3A_128 = arith.constant 0 : i32
    %dma_start3A_129 = tpu.memref_slice %arg10[%dma_start3A_127, %dma_start3A_128] : memref<10240x16xf32, #tpu.memory_space<vmem_shared>> -> memref<10240x16xf32, #tpu.memory_space<vmem_shared>>
    %dma_start3A_130 = tpu.memref_slice %arg12[%dma_start3A_119] : memref<10x!tpu.dma_semaphore, #tpu.memory_space<semaphore_mem>> -> memref<1x!tpu.dma_semaphore, #tpu.memory_space<semaphore_mem>>
    %dma_start3A_131 = tpu.memref_squeeze %dma_start3A_130 : memref<1x!tpu.dma_semaphore, #tpu.memory_space<semaphore_mem>> -> memref<!tpu.dma_semaphore, #tpu.memory_space<semaphore_mem>>
    tpu.enqueue_indirect_dma source(%dma_start3A_129 : memref<10240x16xf32, #tpu.memory_space<vmem_shared>>) target(%dma_start3A_123 : memref<128x16xf32, #tpu.memory_space<vmem>>) offsets(%dma_start3A_126 : memref<128xi32, #tpu.memory_space<vmem>>) semaphore(%dma_start3A_131 : memref<!tpu.dma_semaphore, #tpu.memory_space<semaphore_mem>>)
    %dma_start3A_132 = arith.constant 4 : i32
    %dma_start3A_133 = arith.constant 4 : i32
    %dma_start3A_134 = arith.constant 4 : i32
    %dma_start3A_135 = arith.constant 0 : i32
    %dma_start3A_136 = arith.constant 0 : i32
    %dma_start3A_137 = tpu.memref_slice %arg9[%dma_start3A_133, %dma_start3A_135, %dma_start3A_136] : memref<10x128x16xf32, #tpu.memory_space<vmem>> -> memref<1x128x16xf32, #tpu.memory_space<vmem>>
    %dma_start3A_138 = tpu.memref_squeeze %dma_start3A_137 : memref<1x128x16xf32, #tpu.memory_space<vmem>> -> memref<128x16xf32, #tpu.memory_space<vmem>>
    %dma_start3A_139 = arith.constant 0 : i32
    %dma_start3A_140 = tpu.memref_slice %arg7[%dma_start3A_132, %dma_start3A_139] : memref<80x128xi32, #tpu.memory_space<vmem>> -> memref<1x128xi32, #tpu.memory_space<vmem>>
    %dma_start3A_141 = tpu.memref_squeeze %dma_start3A_140 : memref<1x128xi32, #tpu.memory_space<vmem>> -> memref<128xi32, #tpu.memory_space<vmem>>
    %dma_start3A_142 = arith.constant 0 : i32
    %dma_start3A_143 = arith.constant 0 : i32
    %dma_start3A_144 = tpu.memref_slice %arg10[%dma_start3A_142, %dma_start3A_143] : memref<10240x16xf32, #tpu.memory_space<vmem_shared>> -> memref<10240x16xf32, #tpu.memory_space<vmem_shared>>
    %dma_start3A_145 = tpu.memref_slice %arg12[%dma_start3A_134] : memref<10x!tpu.dma_semaphore, #tpu.memory_space<semaphore_mem>> -> memref<1x!tpu.dma_semaphore, #tpu.memory_space<semaphore_mem>>
    %dma_start3A_146 = tpu.memref_squeeze %dma_start3A_145 : memref<1x!tpu.dma_semaphore, #tpu.memory_space<semaphore_mem>> -> memref<!tpu.dma_semaphore, #tpu.memory_space<semaphore_mem>>
    tpu.enqueue_indirect_dma source(%dma_start3A_144 : memref<10240x16xf32, #tpu.memory_space<vmem_shared>>) target(%dma_start3A_138 : memref<128x16xf32, #tpu.memory_space<vmem>>) offsets(%dma_start3A_141 : memref<128xi32, #tpu.memory_space<vmem>>) semaphore(%dma_start3A_146 : memref<!tpu.dma_semaphore, #tpu.memory_space<semaphore_mem>>)
    %scan3A = arith.constant 0 : i32
    %scan3A_147 = arith.constant 8 : i32
    %scan3A_148 = arith.addi %scan3A, %scan3A_147 : i32
    %scan3A_149 = arith.constant 1 : i32
    scf.for %scan3A_302 = %scan3A to %scan3A_148 step %scan3A_149  : i32 {
      %mul3A_303 = arith.constant 10 : i32
      %mul3A_304 = arith.muli %scan3A_302, %mul3A_303 : i32
      %add3A_305 = arith.constant 0 : i32
      %add3A_306 = arith.addi %add3A_305, %mul3A_304 : i32
      %add3A_307 = arith.constant 0 : i32
      %add3A_308 = arith.addi %add3A_306, %add3A_307 : i32
      %add3A_309 = arith.constant 5 : i32
      %add3A_310 = arith.addi %add3A_308, %add3A_309 : i32
      %lt3A = arith.constant 80 : i32
      %lt3A_311 = arith.cmpi slt, %add3A_310, %lt3A : i32
      %convert_element_type3A_312 = arith.extui %lt3A_311 : i1 to i32
      %cond3A_313 = arith.constant 0 : i32
      %cond3A_314 = arith.cmpi ne, %convert_element_type3A_312, %cond3A_313 : i32
      scf.if %cond3A_314 {
        %ge3A = arith.constant 10 : i32
        %ge3A_676 = arith.cmpi sge, %add3A_310, %ge3A : i32
        %convert_element_type3A_677 = arith.extui %ge3A_676 : i1 to i32
        %cond3A_678 = arith.constant 0 : i32
        %cond3A_679 = arith.cmpi ne, %convert_element_type3A_677, %cond3A_678 : i32
        scf.if %cond3A_679 {
          %sub3A = arith.constant 10 : i32
          %sub3A_694 = arith.subi %add3A_310, %sub3A : i32
          %dma_wait3A_695 = arith.constant 5 : i32
          %dma_wait3A_696 = arith.constant 5 : i32
          %dma_wait3A_697 = arith.constant 0 : i32
          %dma_wait3A_698 = arith.constant 0 : i32
          %dma_wait3A_699 = tpu.memref_slice %arg9[%dma_wait3A_695, %dma_wait3A_697, %dma_wait3A_698] : memref<10x128x16xf32, #tpu.memory_space<vmem>> -> memref<1x128x16xf32, #tpu.memory_space<vmem>>
          %dma_wait3A_700 = tpu.memref_squeeze %dma_wait3A_699 : memref<1x128x16xf32, #tpu.memory_space<vmem>> -> memref<128x16xf32, #tpu.memory_space<vmem>>
          %dma_wait3A_701 = arith.constant 0 : i32
          %dma_wait3A_702 = tpu.memref_slice %arg8[%sub3A_694, %dma_wait3A_701] : memref<80x128xi32, #tpu.memory_space<vmem>> -> memref<1x128xi32, #tpu.memory_space<vmem>>
          %dma_wait3A_703 = tpu.memref_squeeze %dma_wait3A_702 : memref<1x128xi32, #tpu.memory_space<vmem>> -> memref<128xi32, #tpu.memory_space<vmem>>
          %dma_wait3A_704 = arith.constant 0 : i32
          %dma_wait3A_705 = arith.constant 0 : i32
          %dma_wait3A_706 = tpu.memref_slice %arg11[%dma_wait3A_704, %dma_wait3A_705] : memref<10240x16xf32, #tpu.memory_space<vmem_shared>> -> memref<10240x16xf32, #tpu.memory_space<vmem_shared>>
          %dma_wait3A_707 = tpu.memref_slice %arg13[%dma_wait3A_696] : memref<10x!tpu.dma_semaphore, #tpu.memory_space<semaphore_mem>> -> memref<1x!tpu.dma_semaphore, #tpu.memory_space<semaphore_mem>>
          %dma_wait3A_708 = tpu.memref_squeeze %dma_wait3A_707 : memref<1x!tpu.dma_semaphore, #tpu.memory_space<semaphore_mem>> -> memref<!tpu.dma_semaphore, #tpu.memory_space<semaphore_mem>>
          tpu.wait_indirect_dma semaphore(%dma_wait3A_708 : memref<!tpu.dma_semaphore, #tpu.memory_space<semaphore_mem>>) src(%dma_wait3A_700 : memref<128x16xf32, #tpu.memory_space<vmem>>) dst(%dma_wait3A_706 : memref<10240x16xf32, #tpu.memory_space<vmem_shared>>)
        } else {
        }
        %dma_start3A_680 = arith.constant 5 : i32
        %dma_start3A_681 = arith.constant 5 : i32
        %dma_start3A_682 = arith.constant 0 : i32
        %dma_start3A_683 = arith.constant 0 : i32
        %dma_start3A_684 = tpu.memref_slice %arg9[%dma_start3A_680, %dma_start3A_682, %dma_start3A_683] : memref<10x128x16xf32, #tpu.memory_space<vmem>> -> memref<1x128x16xf32, #tpu.memory_space<vmem>>
        %dma_start3A_685 = tpu.memref_squeeze %dma_start3A_684 : memref<1x128x16xf32, #tpu.memory_space<vmem>> -> memref<128x16xf32, #tpu.memory_space<vmem>>
        %dma_start3A_686 = arith.constant 0 : i32
        %dma_start3A_687 = tpu.memref_slice %arg7[%add3A_310, %dma_start3A_686] : memref<80x128xi32, #tpu.memory_space<vmem>> -> memref<1x128xi32, #tpu.memory_space<vmem>>
        %dma_start3A_688 = tpu.memref_squeeze %dma_start3A_687 : memref<1x128xi32, #tpu.memory_space<vmem>> -> memref<128xi32, #tpu.memory_space<vmem>>
        %dma_start3A_689 = arith.constant 0 : i32
        %dma_start3A_690 = arith.constant 0 : i32
        %dma_start3A_691 = tpu.memref_slice %arg10[%dma_start3A_689, %dma_start3A_690] : memref<10240x16xf32, #tpu.memory_space<vmem_shared>> -> memref<10240x16xf32, #tpu.memory_space<vmem_shared>>
        %dma_start3A_692 = tpu.memref_slice %arg12[%dma_start3A_681] : memref<10x!tpu.dma_semaphore, #tpu.memory_space<semaphore_mem>> -> memref<1x!tpu.dma_semaphore, #tpu.memory_space<semaphore_mem>>
        %dma_start3A_693 = tpu.memref_squeeze %dma_start3A_692 : memref<1x!tpu.dma_semaphore, #tpu.memory_space<semaphore_mem>> -> memref<!tpu.dma_semaphore, #tpu.memory_space<semaphore_mem>>
        tpu.enqueue_indirect_dma source(%dma_start3A_691 : memref<10240x16xf32, #tpu.memory_space<vmem_shared>>) target(%dma_start3A_685 : memref<128x16xf32, #tpu.memory_space<vmem>>) offsets(%dma_start3A_688 : memref<128xi32, #tpu.memory_space<vmem>>) semaphore(%dma_start3A_693 : memref<!tpu.dma_semaphore, #tpu.memory_space<semaphore_mem>>)
      } else {
      }
      %dma_wait3A_315 = arith.constant 0 : i32
      %dma_wait3A_316 = arith.constant 0 : i32
      %dma_wait3A_317 = arith.constant 0 : i32
      %dma_wait3A_318 = arith.constant 0 : i32
      %dma_wait3A_319 = tpu.memref_slice %arg9[%dma_wait3A_315, %dma_wait3A_317, %dma_wait3A_318] : memref<10x128x16xf32, #tpu.memory_space<vmem>> -> memref<1x128x16xf32, #tpu.memory_space<vmem>>
      %dma_wait3A_320 = tpu.memref_squeeze %dma_wait3A_319 : memref<1x128x16xf32, #tpu.memory_space<vmem>> -> memref<128x16xf32, #tpu.memory_space<vmem>>
      %dma_wait3A_321 = arith.constant 0 : i32
      %dma_wait3A_322 = tpu.memref_slice %arg7[%add3A_308, %dma_wait3A_321] : memref<80x128xi32, #tpu.memory_space<vmem>> -> memref<1x128xi32, #tpu.memory_space<vmem>>
      %dma_wait3A_323 = tpu.memref_squeeze %dma_wait3A_322 : memref<1x128xi32, #tpu.memory_space<vmem>> -> memref<128xi32, #tpu.memory_space<vmem>>
      %dma_wait3A_324 = arith.constant 0 : i32
      %dma_wait3A_325 = arith.constant 0 : i32
      %dma_wait3A_326 = tpu.memref_slice %arg10[%dma_wait3A_324, %dma_wait3A_325] : memref<10240x16xf32, #tpu.memory_space<vmem_shared>> -> memref<10240x16xf32, #tpu.memory_space<vmem_shared>>
      %dma_wait3A_327 = tpu.memref_slice %arg12[%dma_wait3A_316] : memref<10x!tpu.dma_semaphore, #tpu.memory_space<semaphore_mem>> -> memref<1x!tpu.dma_semaphore, #tpu.memory_space<semaphore_mem>>
      %dma_wait3A_328 = tpu.memref_squeeze %dma_wait3A_327 : memref<1x!tpu.dma_semaphore, #tpu.memory_space<semaphore_mem>> -> memref<!tpu.dma_semaphore, #tpu.memory_space<semaphore_mem>>
      tpu.wait_indirect_dma semaphore(%dma_wait3A_328 : memref<!tpu.dma_semaphore, #tpu.memory_space<semaphore_mem>>) src(%dma_wait3A_326 : memref<10240x16xf32, #tpu.memory_space<vmem_shared>>) dst(%dma_wait3A_320 : memref<128x16xf32, #tpu.memory_space<vmem>>)
      %dma_start3A_329 = arith.constant 0 : i32
      %dma_start3A_330 = arith.constant 0 : i32
      %dma_start3A_331 = arith.constant 0 : i32
      %dma_start3A_332 = arith.constant 0 : i32
      %dma_start3A_333 = tpu.memref_slice %arg9[%dma_start3A_329, %dma_start3A_331, %dma_start3A_332] : memref<10x128x16xf32, #tpu.memory_space<vmem>> -> memref<1x128x16xf32, #tpu.memory_space<vmem>>
      %dma_start3A_334 = tpu.memref_squeeze %dma_start3A_333 : memref<1x128x16xf32, #tpu.memory_space<vmem>> -> memref<128x16xf32, #tpu.memory_space<vmem>>
      %dma_start3A_335 = arith.constant 0 : i32
      %dma_start3A_336 = tpu.memref_slice %arg8[%add3A_308, %dma_start3A_335] : memref<80x128xi32, #tpu.memory_space<vmem>> -> memref<1x128xi32, #tpu.memory_space<vmem>>
      %dma_start3A_337 = tpu.memref_squeeze %dma_start3A_336 : memref<1x128xi32, #tpu.memory_space<vmem>> -> memref<128xi32, #tpu.memory_space<vmem>>
      %dma_start3A_338 = arith.constant 0 : i32
      %dma_start3A_339 = arith.constant 0 : i32
      %dma_start3A_340 = tpu.memref_slice %arg11[%dma_start3A_338, %dma_start3A_339] : memref<10240x16xf32, #tpu.memory_space<vmem_shared>> -> memref<10240x16xf32, #tpu.memory_space<vmem_shared>>
      %dma_start3A_341 = tpu.memref_slice %arg13[%dma_start3A_330] : memref<10x!tpu.dma_semaphore, #tpu.memory_space<semaphore_mem>> -> memref<1x!tpu.dma_semaphore, #tpu.memory_space<semaphore_mem>>
      %dma_start3A_342 = tpu.memref_squeeze %dma_start3A_341 : memref<1x!tpu.dma_semaphore, #tpu.memory_space<semaphore_mem>> -> memref<!tpu.dma_semaphore, #tpu.memory_space<semaphore_mem>>
      tpu.enqueue_indirect_dma source(%dma_start3A_334 : memref<128x16xf32, #tpu.memory_space<vmem>>) target(%dma_start3A_340 : memref<10240x16xf32, #tpu.memory_space<vmem_shared>>) offsets(%dma_start3A_337 : memref<128xi32, #tpu.memory_space<vmem>>) semaphore(%dma_start3A_342 : memref<!tpu.dma_semaphore, #tpu.memory_space<semaphore_mem>>) {add = true}
      %add3A_343 = arith.constant 1 : i32
      %add3A_344 = arith.addi %add3A_306, %add3A_343 : i32
      %add3A_345 = arith.constant 5 : i32
      %add3A_346 = arith.addi %add3A_344, %add3A_345 : i32
      %lt3A_347 = arith.constant 80 : i32
      %lt3A_348 = arith.cmpi slt, %add3A_346, %lt3A_347 : i32
      %convert_element_type3A_349 = arith.extui %lt3A_348 : i1 to i32
      %cond3A_350 = arith.constant 0 : i32
      %cond3A_351 = arith.cmpi ne, %convert_element_type3A_349, %cond3A_350 : i32
      scf.if %cond3A_351 {
        %ge3A = arith.constant 10 : i32
        %ge3A_676 = arith.cmpi sge, %add3A_346, %ge3A : i32
        %convert_element_type3A_677 = arith.extui %ge3A_676 : i1 to i32
        %cond3A_678 = arith.constant 0 : i32
        %cond3A_679 = arith.cmpi ne, %convert_element_type3A_677, %cond3A_678 : i32
        scf.if %cond3A_679 {
          %sub3A = arith.constant 10 : i32
          %sub3A_694 = arith.subi %add3A_346, %sub3A : i32
          %dma_wait3A_695 = arith.constant 6 : i32
          %dma_wait3A_696 = arith.constant 6 : i32
          %dma_wait3A_697 = arith.constant 0 : i32
          %dma_wait3A_698 = arith.constant 0 : i32
          %dma_wait3A_699 = tpu.memref_slice %arg9[%dma_wait3A_695, %dma_wait3A_697, %dma_wait3A_698] : memref<10x128x16xf32, #tpu.memory_space<vmem>> -> memref<1x128x16xf32, #tpu.memory_space<vmem>>
          %dma_wait3A_700 = tpu.memref_squeeze %dma_wait3A_699 : memref<1x128x16xf32, #tpu.memory_space<vmem>> -> memref<128x16xf32, #tpu.memory_space<vmem>>
          %dma_wait3A_701 = arith.constant 0 : i32
          %dma_wait3A_702 = tpu.memref_slice %arg8[%sub3A_694, %dma_wait3A_701] : memref<80x128xi32, #tpu.memory_space<vmem>> -> memref<1x128xi32, #tpu.memory_space<vmem>>
          %dma_wait3A_703 = tpu.memref_squeeze %dma_wait3A_702 : memref<1x128xi32, #tpu.memory_space<vmem>> -> memref<128xi32, #tpu.memory_space<vmem>>
          %dma_wait3A_704 = arith.constant 0 : i32
          %dma_wait3A_705 = arith.constant 0 : i32
          %dma_wait3A_706 = tpu.memref_slice %arg11[%dma_wait3A_704, %dma_wait3A_705] : memref<10240x16xf32, #tpu.memory_space<vmem_shared>> -> memref<10240x16xf32, #tpu.memory_space<vmem_shared>>
          %dma_wait3A_707 = tpu.memref_slice %arg13[%dma_wait3A_696] : memref<10x!tpu.dma_semaphore, #tpu.memory_space<semaphore_mem>> -> memref<1x!tpu.dma_semaphore, #tpu.memory_space<semaphore_mem>>
          %dma_wait3A_708 = tpu.memref_squeeze %dma_wait3A_707 : memref<1x!tpu.dma_semaphore, #tpu.memory_space<semaphore_mem>> -> memref<!tpu.dma_semaphore, #tpu.memory_space<semaphore_mem>>
          tpu.wait_indirect_dma semaphore(%dma_wait3A_708 : memref<!tpu.dma_semaphore, #tpu.memory_space<semaphore_mem>>) src(%dma_wait3A_700 : memref<128x16xf32, #tpu.memory_space<vmem>>) dst(%dma_wait3A_706 : memref<10240x16xf32, #tpu.memory_space<vmem_shared>>)
        } else {
        }
        %dma_start3A_680 = arith.constant 6 : i32
        %dma_start3A_681 = arith.constant 6 : i32
        %dma_start3A_682 = arith.constant 0 : i32
        %dma_start3A_683 = arith.constant 0 : i32
        %dma_start3A_684 = tpu.memref_slice %arg9[%dma_start3A_680, %dma_start3A_682, %dma_start3A_683] : memref<10x128x16xf32, #tpu.memory_space<vmem>> -> memref<1x128x16xf32, #tpu.memory_space<vmem>>
        %dma_start3A_685 = tpu.memref_squeeze %dma_start3A_684 : memref<1x128x16xf32, #tpu.memory_space<vmem>> -> memref<128x16xf32, #tpu.memory_space<vmem>>
        %dma_start3A_686 = arith.constant 0 : i32
        %dma_start3A_687 = tpu.memref_slice %arg7[%add3A_346, %dma_start3A_686] : memref<80x128xi32, #tpu.memory_space<vmem>> -> memref<1x128xi32, #tpu.memory_space<vmem>>
        %dma_start3A_688 = tpu.memref_squeeze %dma_start3A_687 : memref<1x128xi32, #tpu.memory_space<vmem>> -> memref<128xi32, #tpu.memory_space<vmem>>
        %dma_start3A_689 = arith.constant 0 : i32
        %dma_start3A_690 = arith.constant 0 : i32
        %dma_start3A_691 = tpu.memref_slice %arg10[%dma_start3A_689, %dma_start3A_690] : memref<10240x16xf32, #tpu.memory_space<vmem_shared>> -> memref<10240x16xf32, #tpu.memory_space<vmem_shared>>
        %dma_start3A_692 = tpu.memref_slice %arg12[%dma_start3A_681] : memref<10x!tpu.dma_semaphore, #tpu.memory_space<semaphore_mem>> -> memref<1x!tpu.dma_semaphore, #tpu.memory_space<semaphore_mem>>
        %dma_start3A_693 = tpu.memref_squeeze %dma_start3A_692 : memref<1x!tpu.dma_semaphore, #tpu.memory_space<semaphore_mem>> -> memref<!tpu.dma_semaphore, #tpu.memory_space<semaphore_mem>>
        tpu.enqueue_indirect_dma source(%dma_start3A_691 : memref<10240x16xf32, #tpu.memory_space<vmem_shared>>) target(%dma_start3A_685 : memref<128x16xf32, #tpu.memory_space<vmem>>) offsets(%dma_start3A_688 : memref<128xi32, #tpu.memory_space<vmem>>) semaphore(%dma_start3A_693 : memref<!tpu.dma_semaphore, #tpu.memory_space<semaphore_mem>>)
      } else {
      }
      %dma_wait3A_352 = arith.constant 1 : i32
      %dma_wait3A_353 = arith.constant 1 : i32
      %dma_wait3A_354 = arith.constant 0 : i32
      %dma_wait3A_355 = arith.constant 0 : i32
      %dma_wait3A_356 = tpu.memref_slice %arg9[%dma_wait3A_352, %dma_wait3A_354, %dma_wait3A_355] : memref<10x128x16xf32, #tpu.memory_space<vmem>> -> memref<1x128x16xf32, #tpu.memory_space<vmem>>
      %dma_wait3A_357 = tpu.memref_squeeze %dma_wait3A_356 : memref<1x128x16xf32, #tpu.memory_space<vmem>> -> memref<128x16xf32, #tpu.memory_space<vmem>>
      %dma_wait3A_358 = arith.constant 0 : i32
      %dma_wait3A_359 = tpu.memref_slice %arg7[%add3A_344, %dma_wait3A_358] : memref<80x128xi32, #tpu.memory_space<vmem>> -> memref<1x128xi32, #tpu.memory_space<vmem>>
      %dma_wait3A_360 = tpu.memref_squeeze %dma_wait3A_359 : memref<1x128xi32, #tpu.memory_space<vmem>> -> memref<128xi32, #tpu.memory_space<vmem>>
      %dma_wait3A_361 = arith.constant 0 : i32
      %dma_wait3A_362 = arith.constant 0 : i32
      %dma_wait3A_363 = tpu.memref_slice %arg10[%dma_wait3A_361, %dma_wait3A_362] : memref<10240x16xf32, #tpu.memory_space<vmem_shared>> -> memref<10240x16xf32, #tpu.memory_space<vmem_shared>>
      %dma_wait3A_364 = tpu.memref_slice %arg12[%dma_wait3A_353] : memref<10x!tpu.dma_semaphore, #tpu.memory_space<semaphore_mem>> -> memref<1x!tpu.dma_semaphore, #tpu.memory_space<semaphore_mem>>
      %dma_wait3A_365 = tpu.memref_squeeze %dma_wait3A_364 : memref<1x!tpu.dma_semaphore, #tpu.memory_space<semaphore_mem>> -> memref<!tpu.dma_semaphore, #tpu.memory_space<semaphore_mem>>
      tpu.wait_indirect_dma semaphore(%dma_wait3A_365 : memref<!tpu.dma_semaphore, #tpu.memory_space<semaphore_mem>>) src(%dma_wait3A_363 : memref<10240x16xf32, #tpu.memory_space<vmem_shared>>) dst(%dma_wait3A_357 : memref<128x16xf32, #tpu.memory_space<vmem>>)
      %dma_start3A_366 = arith.constant 1 : i32
      %dma_start3A_367 = arith.constant 1 : i32
      %dma_start3A_368 = arith.constant 0 : i32
      %dma_start3A_369 = arith.constant 0 : i32
      %dma_start3A_370 = tpu.memref_slice %arg9[%dma_start3A_366, %dma_start3A_368, %dma_start3A_369] : memref<10x128x16xf32, #tpu.memory_space<vmem>> -> memref<1x128x16xf32, #tpu.memory_space<vmem>>
      %dma_start3A_371 = tpu.memref_squeeze %dma_start3A_370 : memref<1x128x16xf32, #tpu.memory_space<vmem>> -> memref<128x16xf32, #tpu.memory_space<vmem>>
      %dma_start3A_372 = arith.constant 0 : i32
      %dma_start3A_373 = tpu.memref_slice %arg8[%add3A_344, %dma_start3A_372] : memref<80x128xi32, #tpu.memory_space<vmem>> -> memref<1x128xi32, #tpu.memory_space<vmem>>
      %dma_start3A_374 = tpu.memref_squeeze %dma_start3A_373 : memref<1x128xi32, #tpu.memory_space<vmem>> -> memref<128xi32, #tpu.memory_space<vmem>>
      %dma_start3A_375 = arith.constant 0 : i32
      %dma_start3A_376 = arith.constant 0 : i32
      %dma_start3A_377 = tpu.memref_slice %arg11[%dma_start3A_375, %dma_start3A_376] : memref<10240x16xf32, #tpu.memory_space<vmem_shared>> -> memref<10240x16xf32, #tpu.memory_space<vmem_shared>>
      %dma_start3A_378 = tpu.memref_slice %arg13[%dma_start3A_367] : memref<10x!tpu.dma_semaphore, #tpu.memory_space<semaphore_mem>> -> memref<1x!tpu.dma_semaphore, #tpu.memory_space<semaphore_mem>>
      %dma_start3A_379 = tpu.memref_squeeze %dma_start3A_378 : memref<1x!tpu.dma_semaphore, #tpu.memory_space<semaphore_mem>> -> memref<!tpu.dma_semaphore, #tpu.memory_space<semaphore_mem>>
      tpu.enqueue_indirect_dma source(%dma_start3A_371 : memref<128x16xf32, #tpu.memory_space<vmem>>) target(%dma_start3A_377 : memref<10240x16xf32, #tpu.memory_space<vmem_shared>>) offsets(%dma_start3A_374 : memref<128xi32, #tpu.memory_space<vmem>>) semaphore(%dma_start3A_379 : memref<!tpu.dma_semaphore, #tpu.memory_space<semaphore_mem>>) {add = true}
      %add3A_380 = arith.constant 2 : i32
      %add3A_381 = arith.addi %add3A_306, %add3A_380 : i32
      %add3A_382 = arith.constant 5 : i32
      %add3A_383 = arith.addi %add3A_381, %add3A_382 : i32
      %lt3A_384 = arith.constant 80 : i32
      %lt3A_385 = arith.cmpi slt, %add3A_383, %lt3A_384 : i32
      %convert_element_type3A_386 = arith.extui %lt3A_385 : i1 to i32
      %cond3A_387 = arith.constant 0 : i32
      %cond3A_388 = arith.cmpi ne, %convert_element_type3A_386, %cond3A_387 : i32
      scf.if %cond3A_388 {
        %ge3A = arith.constant 10 : i32
        %ge3A_676 = arith.cmpi sge, %add3A_383, %ge3A : i32
        %convert_element_type3A_677 = arith.extui %ge3A_676 : i1 to i32
        %cond3A_678 = arith.constant 0 : i32
        %cond3A_679 = arith.cmpi ne, %convert_element_type3A_677, %cond3A_678 : i32
        scf.if %cond3A_679 {
          %sub3A = arith.constant 10 : i32
          %sub3A_694 = arith.subi %add3A_383, %sub3A : i32
          %dma_wait3A_695 = arith.constant 7 : i32
          %dma_wait3A_696 = arith.constant 7 : i32
          %dma_wait3A_697 = arith.constant 0 : i32
          %dma_wait3A_698 = arith.constant 0 : i32
          %dma_wait3A_699 = tpu.memref_slice %arg9[%dma_wait3A_695, %dma_wait3A_697, %dma_wait3A_698] : memref<10x128x16xf32, #tpu.memory_space<vmem>> -> memref<1x128x16xf32, #tpu.memory_space<vmem>>
          %dma_wait3A_700 = tpu.memref_squeeze %dma_wait3A_699 : memref<1x128x16xf32, #tpu.memory_space<vmem>> -> memref<128x16xf32, #tpu.memory_space<vmem>>
          %dma_wait3A_701 = arith.constant 0 : i32
          %dma_wait3A_702 = tpu.memref_slice %arg8[%sub3A_694, %dma_wait3A_701] : memref<80x128xi32, #tpu.memory_space<vmem>> -> memref<1x128xi32, #tpu.memory_space<vmem>>
          %dma_wait3A_703 = tpu.memref_squeeze %dma_wait3A_702 : memref<1x128xi32, #tpu.memory_space<vmem>> -> memref<128xi32, #tpu.memory_space<vmem>>
          %dma_wait3A_704 = arith.constant 0 : i32
          %dma_wait3A_705 = arith.constant 0 : i32
          %dma_wait3A_706 = tpu.memref_slice %arg11[%dma_wait3A_704, %dma_wait3A_705] : memref<10240x16xf32, #tpu.memory_space<vmem_shared>> -> memref<10240x16xf32, #tpu.memory_space<vmem_shared>>
          %dma_wait3A_707 = tpu.memref_slice %arg13[%dma_wait3A_696] : memref<10x!tpu.dma_semaphore, #tpu.memory_space<semaphore_mem>> -> memref<1x!tpu.dma_semaphore, #tpu.memory_space<semaphore_mem>>
          %dma_wait3A_708 = tpu.memref_squeeze %dma_wait3A_707 : memref<1x!tpu.dma_semaphore, #tpu.memory_space<semaphore_mem>> -> memref<!tpu.dma_semaphore, #tpu.memory_space<semaphore_mem>>
          tpu.wait_indirect_dma semaphore(%dma_wait3A_708 : memref<!tpu.dma_semaphore, #tpu.memory_space<semaphore_mem>>) src(%dma_wait3A_700 : memref<128x16xf32, #tpu.memory_space<vmem>>) dst(%dma_wait3A_706 : memref<10240x16xf32, #tpu.memory_space<vmem_shared>>)
        } else {
        }
        %dma_start3A_680 = arith.constant 7 : i32
        %dma_start3A_681 = arith.constant 7 : i32
        %dma_start3A_682 = arith.constant 0 : i32
        %dma_start3A_683 = arith.constant 0 : i32
        %dma_start3A_684 = tpu.memref_slice %arg9[%dma_start3A_680, %dma_start3A_682, %dma_start3A_683] : memref<10x128x16xf32, #tpu.memory_space<vmem>> -> memref<1x128x16xf32, #tpu.memory_space<vmem>>
        %dma_start3A_685 = tpu.memref_squeeze %dma_start3A_684 : memref<1x128x16xf32, #tpu.memory_space<vmem>> -> memref<128x16xf32, #tpu.memory_space<vmem>>
        %dma_start3A_686 = arith.constant 0 : i32
        %dma_start3A_687 = tpu.memref_slice %arg7[%add3A_383, %dma_start3A_686] : memref<80x128xi32, #tpu.memory_space<vmem>> -> memref<1x128xi32, #tpu.memory_space<vmem>>
        %dma_start3A_688 = tpu.memref_squeeze %dma_start3A_687 : memref<1x128xi32, #tpu.memory_space<vmem>> -> memref<128xi32, #tpu.memory_space<vmem>>
        %dma_start3A_689 = arith.constant 0 : i32
        %dma_start3A_690 = arith.constant 0 : i32
        %dma_start3A_691 = tpu.memref_slice %arg10[%dma_start3A_689, %dma_start3A_690] : memref<10240x16xf32, #tpu.memory_space<vmem_shared>> -> memref<10240x16xf32, #tpu.memory_space<vmem_shared>>
        %dma_start3A_692 = tpu.memref_slice %arg12[%dma_start3A_681] : memref<10x!tpu.dma_semaphore, #tpu.memory_space<semaphore_mem>> -> memref<1x!tpu.dma_semaphore, #tpu.memory_space<semaphore_mem>>
        %dma_start3A_693 = tpu.memref_squeeze %dma_start3A_692 : memref<1x!tpu.dma_semaphore, #tpu.memory_space<semaphore_mem>> -> memref<!tpu.dma_semaphore, #tpu.memory_space<semaphore_mem>>
        tpu.enqueue_indirect_dma source(%dma_start3A_691 : memref<10240x16xf32, #tpu.memory_space<vmem_shared>>) target(%dma_start3A_685 : memref<128x16xf32, #tpu.memory_space<vmem>>) offsets(%dma_start3A_688 : memref<128xi32, #tpu.memory_space<vmem>>) semaphore(%dma_start3A_693 : memref<!tpu.dma_semaphore, #tpu.memory_space<semaphore_mem>>)
      } else {
      }
      %dma_wait3A_389 = arith.constant 2 : i32
      %dma_wait3A_390 = arith.constant 2 : i32
      %dma_wait3A_391 = arith.constant 0 : i32
      %dma_wait3A_392 = arith.constant 0 : i32
      %dma_wait3A_393 = tpu.memref_slice %arg9[%dma_wait3A_389, %dma_wait3A_391, %dma_wait3A_392] : memref<10x128x16xf32, #tpu.memory_space<vmem>> -> memref<1x128x16xf32, #tpu.memory_space<vmem>>
      %dma_wait3A_394 = tpu.memref_squeeze %dma_wait3A_393 : memref<1x128x16xf32, #tpu.memory_space<vmem>> -> memref<128x16xf32, #tpu.memory_space<vmem>>
      %dma_wait3A_395 = arith.constant 0 : i32
      %dma_wait3A_396 = tpu.memref_slice %arg7[%add3A_381, %dma_wait3A_395] : memref<80x128xi32, #tpu.memory_space<vmem>> -> memref<1x128xi32, #tpu.memory_space<vmem>>
      %dma_wait3A_397 = tpu.memref_squeeze %dma_wait3A_396 : memref<1x128xi32, #tpu.memory_space<vmem>> -> memref<128xi32, #tpu.memory_space<vmem>>
      %dma_wait3A_398 = arith.constant 0 : i32
      %dma_wait3A_399 = arith.constant 0 : i32
      %dma_wait3A_400 = tpu.memref_slice %arg10[%dma_wait3A_398, %dma_wait3A_399] : memref<10240x16xf32, #tpu.memory_space<vmem_shared>> -> memref<10240x16xf32, #tpu.memory_space<vmem_shared>>
      %dma_wait3A_401 = tpu.memref_slice %arg12[%dma_wait3A_390] : memref<10x!tpu.dma_semaphore, #tpu.memory_space<semaphore_mem>> -> memref<1x!tpu.dma_semaphore, #tpu.memory_space<semaphore_mem>>
      %dma_wait3A_402 = tpu.memref_squeeze %dma_wait3A_401 : memref<1x!tpu.dma_semaphore, #tpu.memory_space<semaphore_mem>> -> memref<!tpu.dma_semaphore, #tpu.memory_space<semaphore_mem>>
      tpu.wait_indirect_dma semaphore(%dma_wait3A_402 : memref<!tpu.dma_semaphore, #tpu.memory_space<semaphore_mem>>) src(%dma_wait3A_400 : memref<10240x16xf32, #tpu.memory_space<vmem_shared>>) dst(%dma_wait3A_394 : memref<128x16xf32, #tpu.memory_space<vmem>>)
      %dma_start3A_403 = arith.constant 2 : i32
      %dma_start3A_404 = arith.constant 2 : i32
      %dma_start3A_405 = arith.constant 0 : i32
      %dma_start3A_406 = arith.constant 0 : i32
      %dma_start3A_407 = tpu.memref_slice %arg9[%dma_start3A_403, %dma_start3A_405, %dma_start3A_406] : memref<10x128x16xf32, #tpu.memory_space<vmem>> -> memref<1x128x16xf32, #tpu.memory_space<vmem>>
      %dma_start3A_408 = tpu.memref_squeeze %dma_start3A_407 : memref<1x128x16xf32, #tpu.memory_space<vmem>> -> memref<128x16xf32, #tpu.memory_space<vmem>>
      %dma_start3A_409 = arith.constant 0 : i32
      %dma_start3A_410 = tpu.memref_slice %arg8[%add3A_381, %dma_start3A_409] : memref<80x128xi32, #tpu.memory_space<vmem>> -> memref<1x128xi32, #tpu.memory_space<vmem>>
      %dma_start3A_411 = tpu.memref_squeeze %dma_start3A_410 : memref<1x128xi32, #tpu.memory_space<vmem>> -> memref<128xi32, #tpu.memory_space<vmem>>
      %dma_start3A_412 = arith.constant 0 : i32
      %dma_start3A_413 = arith.constant 0 : i32
      %dma_start3A_414 = tpu.memref_slice %arg11[%dma_start3A_412, %dma_start3A_413] : memref<10240x16xf32, #tpu.memory_space<vmem_shared>> -> memref<10240x16xf32, #tpu.memory_space<vmem_shared>>
      %dma_start3A_415 = tpu.memref_slice %arg13[%dma_start3A_404] : memref<10x!tpu.dma_semaphore, #tpu.memory_space<semaphore_mem>> -> memref<1x!tpu.dma_semaphore, #tpu.memory_space<semaphore_mem>>
      %dma_start3A_416 = tpu.memref_squeeze %dma_start3A_415 : memref<1x!tpu.dma_semaphore, #tpu.memory_space<semaphore_mem>> -> memref<!tpu.dma_semaphore, #tpu.memory_space<semaphore_mem>>
      tpu.enqueue_indirect_dma source(%dma_start3A_408 : memref<128x16xf32, #tpu.memory_space<vmem>>) target(%dma_start3A_414 : memref<10240x16xf32, #tpu.memory_space<vmem_shared>>) offsets(%dma_start3A_411 : memref<128xi32, #tpu.memory_space<vmem>>) semaphore(%dma_start3A_416 : memref<!tpu.dma_semaphore, #tpu.memory_space<semaphore_mem>>) {add = true}
      %add3A_417 = arith.constant 3 : i32
      %add3A_418 = arith.addi %add3A_306, %add3A_417 : i32
      %add3A_419 = arith.constant 5 : i32
      %add3A_420 = arith.addi %add3A_418, %add3A_419 : i32
      %lt3A_421 = arith.constant 80 : i32
      %lt3A_422 = arith.cmpi slt, %add3A_420, %lt3A_421 : i32
      %convert_element_type3A_423 = arith.extui %lt3A_422 : i1 to i32
      %cond3A_424 = arith.constant 0 : i32
      %cond3A_425 = arith.cmpi ne, %convert_element_type3A_423, %cond3A_424 : i32
      scf.if %cond3A_425 {
        %ge3A = arith.constant 10 : i32
        %ge3A_676 = arith.cmpi sge, %add3A_420, %ge3A : i32
        %convert_element_type3A_677 = arith.extui %ge3A_676 : i1 to i32
        %cond3A_678 = arith.constant 0 : i32
        %cond3A_679 = arith.cmpi ne, %convert_element_type3A_677, %cond3A_678 : i32
        scf.if %cond3A_679 {
          %sub3A = arith.constant 10 : i32
          %sub3A_694 = arith.subi %add3A_420, %sub3A : i32
          %dma_wait3A_695 = arith.constant 8 : i32
          %dma_wait3A_696 = arith.constant 8 : i32
          %dma_wait3A_697 = arith.constant 0 : i32
          %dma_wait3A_698 = arith.constant 0 : i32
          %dma_wait3A_699 = tpu.memref_slice %arg9[%dma_wait3A_695, %dma_wait3A_697, %dma_wait3A_698] : memref<10x128x16xf32, #tpu.memory_space<vmem>> -> memref<1x128x16xf32, #tpu.memory_space<vmem>>
          %dma_wait3A_700 = tpu.memref_squeeze %dma_wait3A_699 : memref<1x128x16xf32, #tpu.memory_space<vmem>> -> memref<128x16xf32, #tpu.memory_space<vmem>>
          %dma_wait3A_701 = arith.constant 0 : i32
          %dma_wait3A_702 = tpu.memref_slice %arg8[%sub3A_694, %dma_wait3A_701] : memref<80x128xi32, #tpu.memory_space<vmem>> -> memref<1x128xi32, #tpu.memory_space<vmem>>
          %dma_wait3A_703 = tpu.memref_squeeze %dma_wait3A_702 : memref<1x128xi32, #tpu.memory_space<vmem>> -> memref<128xi32, #tpu.memory_space<vmem>>
          %dma_wait3A_704 = arith.constant 0 : i32
          %dma_wait3A_705 = arith.constant 0 : i32
          %dma_wait3A_706 = tpu.memref_slice %arg11[%dma_wait3A_704, %dma_wait3A_705] : memref<10240x16xf32, #tpu.memory_space<vmem_shared>> -> memref<10240x16xf32, #tpu.memory_space<vmem_shared>>
          %dma_wait3A_707 = tpu.memref_slice %arg13[%dma_wait3A_696] : memref<10x!tpu.dma_semaphore, #tpu.memory_space<semaphore_mem>> -> memref<1x!tpu.dma_semaphore, #tpu.memory_space<semaphore_mem>>
          %dma_wait3A_708 = tpu.memref_squeeze %dma_wait3A_707 : memref<1x!tpu.dma_semaphore, #tpu.memory_space<semaphore_mem>> -> memref<!tpu.dma_semaphore, #tpu.memory_space<semaphore_mem>>
          tpu.wait_indirect_dma semaphore(%dma_wait3A_708 : memref<!tpu.dma_semaphore, #tpu.memory_space<semaphore_mem>>) src(%dma_wait3A_700 : memref<128x16xf32, #tpu.memory_space<vmem>>) dst(%dma_wait3A_706 : memref<10240x16xf32, #tpu.memory_space<vmem_shared>>)
        } else {
        }
        %dma_start3A_680 = arith.constant 8 : i32
        %dma_start3A_681 = arith.constant 8 : i32
        %dma_start3A_682 = arith.constant 0 : i32
        %dma_start3A_683 = arith.constant 0 : i32
        %dma_start3A_684 = tpu.memref_slice %arg9[%dma_start3A_680, %dma_start3A_682, %dma_start3A_683] : memref<10x128x16xf32, #tpu.memory_space<vmem>> -> memref<1x128x16xf32, #tpu.memory_space<vmem>>
        %dma_start3A_685 = tpu.memref_squeeze %dma_start3A_684 : memref<1x128x16xf32, #tpu.memory_space<vmem>> -> memref<128x16xf32, #tpu.memory_space<vmem>>
        %dma_start3A_686 = arith.constant 0 : i32
        %dma_start3A_687 = tpu.memref_slice %arg7[%add3A_420, %dma_start3A_686] : memref<80x128xi32, #tpu.memory_space<vmem>> -> memref<1x128xi32, #tpu.memory_space<vmem>>
        %dma_start3A_688 = tpu.memref_squeeze %dma_start3A_687 : memref<1x128xi32, #tpu.memory_space<vmem>> -> memref<128xi32, #tpu.memory_space<vmem>>
        %dma_start3A_689 = arith.constant 0 : i32
        %dma_start3A_690 = arith.constant 0 : i32
        %dma_start3A_691 = tpu.memref_slice %arg10[%dma_start3A_689, %dma_start3A_690] : memref<10240x16xf32, #tpu.memory_space<vmem_shared>> -> memref<10240x16xf32, #tpu.memory_space<vmem_shared>>
        %dma_start3A_692 = tpu.memref_slice %arg12[%dma_start3A_681] : memref<10x!tpu.dma_semaphore, #tpu.memory_space<semaphore_mem>> -> memref<1x!tpu.dma_semaphore, #tpu.memory_space<semaphore_mem>>
        %dma_start3A_693 = tpu.memref_squeeze %dma_start3A_692 : memref<1x!tpu.dma_semaphore, #tpu.memory_space<semaphore_mem>> -> memref<!tpu.dma_semaphore, #tpu.memory_space<semaphore_mem>>
        tpu.enqueue_indirect_dma source(%dma_start3A_691 : memref<10240x16xf32, #tpu.memory_space<vmem_shared>>) target(%dma_start3A_685 : memref<128x16xf32, #tpu.memory_space<vmem>>) offsets(%dma_start3A_688 : memref<128xi32, #tpu.memory_space<vmem>>) semaphore(%dma_start3A_693 : memref<!tpu.dma_semaphore, #tpu.memory_space<semaphore_mem>>)
      } else {
      }
      %dma_wait3A_426 = arith.constant 3 : i32
      %dma_wait3A_427 = arith.constant 3 : i32
      %dma_wait3A_428 = arith.constant 0 : i32
      %dma_wait3A_429 = arith.constant 0 : i32
      %dma_wait3A_430 = tpu.memref_slice %arg9[%dma_wait3A_426, %dma_wait3A_428, %dma_wait3A_429] : memref<10x128x16xf32, #tpu.memory_space<vmem>> -> memref<1x128x16xf32, #tpu.memory_space<vmem>>
      %dma_wait3A_431 = tpu.memref_squeeze %dma_wait3A_430 : memref<1x128x16xf32, #tpu.memory_space<vmem>> -> memref<128x16xf32, #tpu.memory_space<vmem>>
      %dma_wait3A_432 = arith.constant 0 : i32
      %dma_wait3A_433 = tpu.memref_slice %arg7[%add3A_418, %dma_wait3A_432] : memref<80x128xi32, #tpu.memory_space<vmem>> -> memref<1x128xi32, #tpu.memory_space<vmem>>
      %dma_wait3A_434 = tpu.memref_squeeze %dma_wait3A_433 : memref<1x128xi32, #tpu.memory_space<vmem>> -> memref<128xi32, #tpu.memory_space<vmem>>
      %dma_wait3A_435 = arith.constant 0 : i32
      %dma_wait3A_436 = arith.constant 0 : i32
      %dma_wait3A_437 = tpu.memref_slice %arg10[%dma_wait3A_435, %dma_wait3A_436] : memref<10240x16xf32, #tpu.memory_space<vmem_shared>> -> memref<10240x16xf32, #tpu.memory_space<vmem_shared>>
      %dma_wait3A_438 = tpu.memref_slice %arg12[%dma_wait3A_427] : memref<10x!tpu.dma_semaphore, #tpu.memory_space<semaphore_mem>> -> memref<1x!tpu.dma_semaphore, #tpu.memory_space<semaphore_mem>>
      %dma_wait3A_439 = tpu.memref_squeeze %dma_wait3A_438 : memref<1x!tpu.dma_semaphore, #tpu.memory_space<semaphore_mem>> -> memref<!tpu.dma_semaphore, #tpu.memory_space<semaphore_mem>>
      tpu.wait_indirect_dma semaphore(%dma_wait3A_439 : memref<!tpu.dma_semaphore, #tpu.memory_space<semaphore_mem>>) src(%dma_wait3A_437 : memref<10240x16xf32, #tpu.memory_space<vmem_shared>>) dst(%dma_wait3A_431 : memref<128x16xf32, #tpu.memory_space<vmem>>)
      %dma_start3A_440 = arith.constant 3 : i32
      %dma_start3A_441 = arith.constant 3 : i32
      %dma_start3A_442 = arith.constant 0 : i32
      %dma_start3A_443 = arith.constant 0 : i32
      %dma_start3A_444 = tpu.memref_slice %arg9[%dma_start3A_440, %dma_start3A_442, %dma_start3A_443] : memref<10x128x16xf32, #tpu.memory_space<vmem>> -> memref<1x128x16xf32, #tpu.memory_space<vmem>>
      %dma_start3A_445 = tpu.memref_squeeze %dma_start3A_444 : memref<1x128x16xf32, #tpu.memory_space<vmem>> -> memref<128x16xf32, #tpu.memory_space<vmem>>
      %dma_start3A_446 = arith.constant 0 : i32
      %dma_start3A_447 = tpu.memref_slice %arg8[%add3A_418, %dma_start3A_446] : memref<80x128xi32, #tpu.memory_space<vmem>> -> memref<1x128xi32, #tpu.memory_space<vmem>>
      %dma_start3A_448 = tpu.memref_squeeze %dma_start3A_447 : memref<1x128xi32, #tpu.memory_space<vmem>> -> memref<128xi32, #tpu.memory_space<vmem>>
      %dma_start3A_449 = arith.constant 0 : i32
      %dma_start3A_450 = arith.constant 0 : i32
      %dma_start3A_451 = tpu.memref_slice %arg11[%dma_start3A_449, %dma_start3A_450] : memref<10240x16xf32, #tpu.memory_space<vmem_shared>> -> memref<10240x16xf32, #tpu.memory_space<vmem_shared>>
      %dma_start3A_452 = tpu.memref_slice %arg13[%dma_start3A_441] : memref<10x!tpu.dma_semaphore, #tpu.memory_space<semaphore_mem>> -> memref<1x!tpu.dma_semaphore, #tpu.memory_space<semaphore_mem>>
      %dma_start3A_453 = tpu.memref_squeeze %dma_start3A_452 : memref<1x!tpu.dma_semaphore, #tpu.memory_space<semaphore_mem>> -> memref<!tpu.dma_semaphore, #tpu.memory_space<semaphore_mem>>
      tpu.enqueue_indirect_dma source(%dma_start3A_445 : memref<128x16xf32, #tpu.memory_space<vmem>>) target(%dma_start3A_451 : memref<10240x16xf32, #tpu.memory_space<vmem_shared>>) offsets(%dma_start3A_448 : memref<128xi32, #tpu.memory_space<vmem>>) semaphore(%dma_start3A_453 : memref<!tpu.dma_semaphore, #tpu.memory_space<semaphore_mem>>) {add = true}
      %add3A_454 = arith.constant 4 : i32
      %add3A_455 = arith.addi %add3A_306, %add3A_454 : i32
      %add3A_456 = arith.constant 5 : i32
      %add3A_457 = arith.addi %add3A_455, %add3A_456 : i32
      %lt3A_458 = arith.constant 80 : i32
      %lt3A_459 = arith.cmpi slt, %add3A_457, %lt3A_458 : i32
      %convert_element_type3A_460 = arith.extui %lt3A_459 : i1 to i32
      %cond3A_461 = arith.constant 0 : i32
      %cond3A_462 = arith.cmpi ne, %convert_element_type3A_460, %cond3A_461 : i32
      scf.if %cond3A_462 {
        %ge3A = arith.constant 10 : i32
        %ge3A_676 = arith.cmpi sge, %add3A_457, %ge3A : i32
        %convert_element_type3A_677 = arith.extui %ge3A_676 : i1 to i32
        %cond3A_678 = arith.constant 0 : i32
        %cond3A_679 = arith.cmpi ne, %convert_element_type3A_677, %cond3A_678 : i32
        scf.if %cond3A_679 {
          %sub3A = arith.constant 10 : i32
          %sub3A_694 = arith.subi %add3A_457, %sub3A : i32
          %dma_wait3A_695 = arith.constant 9 : i32
          %dma_wait3A_696 = arith.constant 9 : i32
          %dma_wait3A_697 = arith.constant 0 : i32
          %dma_wait3A_698 = arith.constant 0 : i32
          %dma_wait3A_699 = tpu.memref_slice %arg9[%dma_wait3A_695, %dma_wait3A_697, %dma_wait3A_698] : memref<10x128x16xf32, #tpu.memory_space<vmem>> -> memref<1x128x16xf32, #tpu.memory_space<vmem>>
          %dma_wait3A_700 = tpu.memref_squeeze %dma_wait3A_699 : memref<1x128x16xf32, #tpu.memory_space<vmem>> -> memref<128x16xf32, #tpu.memory_space<vmem>>
          %dma_wait3A_701 = arith.constant 0 : i32
          %dma_wait3A_702 = tpu.memref_slice %arg8[%sub3A_694, %dma_wait3A_701] : memref<80x128xi32, #tpu.memory_space<vmem>> -> memref<1x128xi32, #tpu.memory_space<vmem>>
          %dma_wait3A_703 = tpu.memref_squeeze %dma_wait3A_702 : memref<1x128xi32, #tpu.memory_space<vmem>> -> memref<128xi32, #tpu.memory_space<vmem>>
          %dma_wait3A_704 = arith.constant 0 : i32
          %dma_wait3A_705 = arith.constant 0 : i32
          %dma_wait3A_706 = tpu.memref_slice %arg11[%dma_wait3A_704, %dma_wait3A_705] : memref<10240x16xf32, #tpu.memory_space<vmem_shared>> -> memref<10240x16xf32, #tpu.memory_space<vmem_shared>>
          %dma_wait3A_707 = tpu.memref_slice %arg13[%dma_wait3A_696] : memref<10x!tpu.dma_semaphore, #tpu.memory_space<semaphore_mem>> -> memref<1x!tpu.dma_semaphore, #tpu.memory_space<semaphore_mem>>
          %dma_wait3A_708 = tpu.memref_squeeze %dma_wait3A_707 : memref<1x!tpu.dma_semaphore, #tpu.memory_space<semaphore_mem>> -> memref<!tpu.dma_semaphore, #tpu.memory_space<semaphore_mem>>
          tpu.wait_indirect_dma semaphore(%dma_wait3A_708 : memref<!tpu.dma_semaphore, #tpu.memory_space<semaphore_mem>>) src(%dma_wait3A_700 : memref<128x16xf32, #tpu.memory_space<vmem>>) dst(%dma_wait3A_706 : memref<10240x16xf32, #tpu.memory_space<vmem_shared>>)
        } else {
        }
        %dma_start3A_680 = arith.constant 9 : i32
        %dma_start3A_681 = arith.constant 9 : i32
        %dma_start3A_682 = arith.constant 0 : i32
        %dma_start3A_683 = arith.constant 0 : i32
        %dma_start3A_684 = tpu.memref_slice %arg9[%dma_start3A_680, %dma_start3A_682, %dma_start3A_683] : memref<10x128x16xf32, #tpu.memory_space<vmem>> -> memref<1x128x16xf32, #tpu.memory_space<vmem>>
        %dma_start3A_685 = tpu.memref_squeeze %dma_start3A_684 : memref<1x128x16xf32, #tpu.memory_space<vmem>> -> memref<128x16xf32, #tpu.memory_space<vmem>>
        %dma_start3A_686 = arith.constant 0 : i32
        %dma_start3A_687 = tpu.memref_slice %arg7[%add3A_457, %dma_start3A_686] : memref<80x128xi32, #tpu.memory_space<vmem>> -> memref<1x128xi32, #tpu.memory_space<vmem>>
        %dma_start3A_688 = tpu.memref_squeeze %dma_start3A_687 : memref<1x128xi32, #tpu.memory_space<vmem>> -> memref<128xi32, #tpu.memory_space<vmem>>
        %dma_start3A_689 = arith.constant 0 : i32
        %dma_start3A_690 = arith.constant 0 : i32
        %dma_start3A_691 = tpu.memref_slice %arg10[%dma_start3A_689, %dma_start3A_690] : memref<10240x16xf32, #tpu.memory_space<vmem_shared>> -> memref<10240x16xf32, #tpu.memory_space<vmem_shared>>
        %dma_start3A_692 = tpu.memref_slice %arg12[%dma_start3A_681] : memref<10x!tpu.dma_semaphore, #tpu.memory_space<semaphore_mem>> -> memref<1x!tpu.dma_semaphore, #tpu.memory_space<semaphore_mem>>
        %dma_start3A_693 = tpu.memref_squeeze %dma_start3A_692 : memref<1x!tpu.dma_semaphore, #tpu.memory_space<semaphore_mem>> -> memref<!tpu.dma_semaphore, #tpu.memory_space<semaphore_mem>>
        tpu.enqueue_indirect_dma source(%dma_start3A_691 : memref<10240x16xf32, #tpu.memory_space<vmem_shared>>) target(%dma_start3A_685 : memref<128x16xf32, #tpu.memory_space<vmem>>) offsets(%dma_start3A_688 : memref<128xi32, #tpu.memory_space<vmem>>) semaphore(%dma_start3A_693 : memref<!tpu.dma_semaphore, #tpu.memory_space<semaphore_mem>>)
      } else {
      }
      %dma_wait3A_463 = arith.constant 4 : i32
      %dma_wait3A_464 = arith.constant 4 : i32
      %dma_wait3A_465 = arith.constant 0 : i32
      %dma_wait3A_466 = arith.constant 0 : i32
      %dma_wait3A_467 = tpu.memref_slice %arg9[%dma_wait3A_463, %dma_wait3A_465, %dma_wait3A_466] : memref<10x128x16xf32, #tpu.memory_space<vmem>> -> memref<1x128x16xf32, #tpu.memory_space<vmem>>
      %dma_wait3A_468 = tpu.memref_squeeze %dma_wait3A_467 : memref<1x128x16xf32, #tpu.memory_space<vmem>> -> memref<128x16xf32, #tpu.memory_space<vmem>>
      %dma_wait3A_469 = arith.constant 0 : i32
      %dma_wait3A_470 = tpu.memref_slice %arg7[%add3A_455, %dma_wait3A_469] : memref<80x128xi32, #tpu.memory_space<vmem>> -> memref<1x128xi32, #tpu.memory_space<vmem>>
      %dma_wait3A_471 = tpu.memref_squeeze %dma_wait3A_470 : memref<1x128xi32, #tpu.memory_space<vmem>> -> memref<128xi32, #tpu.memory_space<vmem>>
      %dma_wait3A_472 = arith.constant 0 : i32
      %dma_wait3A_473 = arith.constant 0 : i32
      %dma_wait3A_474 = tpu.memref_slice %arg10[%dma_wait3A_472, %dma_wait3A_473] : memref<10240x16xf32, #tpu.memory_space<vmem_shared>> -> memref<10240x16xf32, #tpu.memory_space<vmem_shared>>
      %dma_wait3A_475 = tpu.memref_slice %arg12[%dma_wait3A_464] : memref<10x!tpu.dma_semaphore, #tpu.memory_space<semaphore_mem>> -> memref<1x!tpu.dma_semaphore, #tpu.memory_space<semaphore_mem>>
      %dma_wait3A_476 = tpu.memref_squeeze %dma_wait3A_475 : memref<1x!tpu.dma_semaphore, #tpu.memory_space<semaphore_mem>> -> memref<!tpu.dma_semaphore, #tpu.memory_space<semaphore_mem>>
      tpu.wait_indirect_dma semaphore(%dma_wait3A_476 : memref<!tpu.dma_semaphore, #tpu.memory_space<semaphore_mem>>) src(%dma_wait3A_474 : memref<10240x16xf32, #tpu.memory_space<vmem_shared>>) dst(%dma_wait3A_468 : memref<128x16xf32, #tpu.memory_space<vmem>>)
      %dma_start3A_477 = arith.constant 4 : i32
      %dma_start3A_478 = arith.constant 4 : i32
      %dma_start3A_479 = arith.constant 0 : i32
      %dma_start3A_480 = arith.constant 0 : i32
      %dma_start3A_481 = tpu.memref_slice %arg9[%dma_start3A_477, %dma_start3A_479, %dma_start3A_480] : memref<10x128x16xf32, #tpu.memory_space<vmem>> -> memref<1x128x16xf32, #tpu.memory_space<vmem>>
      %dma_start3A_482 = tpu.memref_squeeze %dma_start3A_481 : memref<1x128x16xf32, #tpu.memory_space<vmem>> -> memref<128x16xf32, #tpu.memory_space<vmem>>
      %dma_start3A_483 = arith.constant 0 : i32
      %dma_start3A_484 = tpu.memref_slice %arg8[%add3A_455, %dma_start3A_483] : memref<80x128xi32, #tpu.memory_space<vmem>> -> memref<1x128xi32, #tpu.memory_space<vmem>>
      %dma_start3A_485 = tpu.memref_squeeze %dma_start3A_484 : memref<1x128xi32, #tpu.memory_space<vmem>> -> memref<128xi32, #tpu.memory_space<vmem>>
      %dma_start3A_486 = arith.constant 0 : i32
      %dma_start3A_487 = arith.constant 0 : i32
      %dma_start3A_488 = tpu.memref_slice %arg11[%dma_start3A_486, %dma_start3A_487] : memref<10240x16xf32, #tpu.memory_space<vmem_shared>> -> memref<10240x16xf32, #tpu.memory_space<vmem_shared>>
      %dma_start3A_489 = tpu.memref_slice %arg13[%dma_start3A_478] : memref<10x!tpu.dma_semaphore, #tpu.memory_space<semaphore_mem>> -> memref<1x!tpu.dma_semaphore, #tpu.memory_space<semaphore_mem>>
      %dma_start3A_490 = tpu.memref_squeeze %dma_start3A_489 : memref<1x!tpu.dma_semaphore, #tpu.memory_space<semaphore_mem>> -> memref<!tpu.dma_semaphore, #tpu.memory_space<semaphore_mem>>
      tpu.enqueue_indirect_dma source(%dma_start3A_482 : memref<128x16xf32, #tpu.memory_space<vmem>>) target(%dma_start3A_488 : memref<10240x16xf32, #tpu.memory_space<vmem_shared>>) offsets(%dma_start3A_485 : memref<128xi32, #tpu.memory_space<vmem>>) semaphore(%dma_start3A_490 : memref<!tpu.dma_semaphore, #tpu.memory_space<semaphore_mem>>) {add = true}
      %add3A_491 = arith.constant 5 : i32
      %add3A_492 = arith.addi %add3A_306, %add3A_491 : i32
      %add3A_493 = arith.constant 5 : i32
      %add3A_494 = arith.addi %add3A_492, %add3A_493 : i32
      %lt3A_495 = arith.constant 80 : i32
      %lt3A_496 = arith.cmpi slt, %add3A_494, %lt3A_495 : i32
      %convert_element_type3A_497 = arith.extui %lt3A_496 : i1 to i32
      %cond3A_498 = arith.constant 0 : i32
      %cond3A_499 = arith.cmpi ne, %convert_element_type3A_497, %cond3A_498 : i32
      scf.if %cond3A_499 {
        %ge3A = arith.constant 10 : i32
        %ge3A_676 = arith.cmpi sge, %add3A_494, %ge3A : i32
        %convert_element_type3A_677 = arith.extui %ge3A_676 : i1 to i32
        %cond3A_678 = arith.constant 0 : i32
        %cond3A_679 = arith.cmpi ne, %convert_element_type3A_677, %cond3A_678 : i32
        scf.if %cond3A_679 {
          %sub3A = arith.constant 10 : i32
          %sub3A_694 = arith.subi %add3A_494, %sub3A : i32
          %dma_wait3A_695 = arith.constant 0 : i32
          %dma_wait3A_696 = arith.constant 0 : i32
          %dma_wait3A_697 = arith.constant 0 : i32
          %dma_wait3A_698 = arith.constant 0 : i32
          %dma_wait3A_699 = tpu.memref_slice %arg9[%dma_wait3A_695, %dma_wait3A_697, %dma_wait3A_698] : memref<10x128x16xf32, #tpu.memory_space<vmem>> -> memref<1x128x16xf32, #tpu.memory_space<vmem>>
          %dma_wait3A_700 = tpu.memref_squeeze %dma_wait3A_699 : memref<1x128x16xf32, #tpu.memory_space<vmem>> -> memref<128x16xf32, #tpu.memory_space<vmem>>
          %dma_wait3A_701 = arith.constant 0 : i32
          %dma_wait3A_702 = tpu.memref_slice %arg8[%sub3A_694, %dma_wait3A_701] : memref<80x128xi32, #tpu.memory_space<vmem>> -> memref<1x128xi32, #tpu.memory_space<vmem>>
          %dma_wait3A_703 = tpu.memref_squeeze %dma_wait3A_702 : memref<1x128xi32, #tpu.memory_space<vmem>> -> memref<128xi32, #tpu.memory_space<vmem>>
          %dma_wait3A_704 = arith.constant 0 : i32
          %dma_wait3A_705 = arith.constant 0 : i32
          %dma_wait3A_706 = tpu.memref_slice %arg11[%dma_wait3A_704, %dma_wait3A_705] : memref<10240x16xf32, #tpu.memory_space<vmem_shared>> -> memref<10240x16xf32, #tpu.memory_space<vmem_shared>>
          %dma_wait3A_707 = tpu.memref_slice %arg13[%dma_wait3A_696] : memref<10x!tpu.dma_semaphore, #tpu.memory_space<semaphore_mem>> -> memref<1x!tpu.dma_semaphore, #tpu.memory_space<semaphore_mem>>
          %dma_wait3A_708 = tpu.memref_squeeze %dma_wait3A_707 : memref<1x!tpu.dma_semaphore, #tpu.memory_space<semaphore_mem>> -> memref<!tpu.dma_semaphore, #tpu.memory_space<semaphore_mem>>
          tpu.wait_indirect_dma semaphore(%dma_wait3A_708 : memref<!tpu.dma_semaphore, #tpu.memory_space<semaphore_mem>>) src(%dma_wait3A_700 : memref<128x16xf32, #tpu.memory_space<vmem>>) dst(%dma_wait3A_706 : memref<10240x16xf32, #tpu.memory_space<vmem_shared>>)
        } else {
        }
        %dma_start3A_680 = arith.constant 0 : i32
        %dma_start3A_681 = arith.constant 0 : i32
        %dma_start3A_682 = arith.constant 0 : i32
        %dma_start3A_683 = arith.constant 0 : i32
        %dma_start3A_684 = tpu.memref_slice %arg9[%dma_start3A_680, %dma_start3A_682, %dma_start3A_683] : memref<10x128x16xf32, #tpu.memory_space<vmem>> -> memref<1x128x16xf32, #tpu.memory_space<vmem>>
        %dma_start3A_685 = tpu.memref_squeeze %dma_start3A_684 : memref<1x128x16xf32, #tpu.memory_space<vmem>> -> memref<128x16xf32, #tpu.memory_space<vmem>>
        %dma_start3A_686 = arith.constant 0 : i32
        %dma_start3A_687 = tpu.memref_slice %arg7[%add3A_494, %dma_start3A_686] : memref<80x128xi32, #tpu.memory_space<vmem>> -> memref<1x128xi32, #tpu.memory_space<vmem>>
        %dma_start3A_688 = tpu.memref_squeeze %dma_start3A_687 : memref<1x128xi32, #tpu.memory_space<vmem>> -> memref<128xi32, #tpu.memory_space<vmem>>
        %dma_start3A_689 = arith.constant 0 : i32
        %dma_start3A_690 = arith.constant 0 : i32
        %dma_start3A_691 = tpu.memref_slice %arg10[%dma_start3A_689, %dma_start3A_690] : memref<10240x16xf32, #tpu.memory_space<vmem_shared>> -> memref<10240x16xf32, #tpu.memory_space<vmem_shared>>
        %dma_start3A_692 = tpu.memref_slice %arg12[%dma_start3A_681] : memref<10x!tpu.dma_semaphore, #tpu.memory_space<semaphore_mem>> -> memref<1x!tpu.dma_semaphore, #tpu.memory_space<semaphore_mem>>
        %dma_start3A_693 = tpu.memref_squeeze %dma_start3A_692 : memref<1x!tpu.dma_semaphore, #tpu.memory_space<semaphore_mem>> -> memref<!tpu.dma_semaphore, #tpu.memory_space<semaphore_mem>>
        tpu.enqueue_indirect_dma source(%dma_start3A_691 : memref<10240x16xf32, #tpu.memory_space<vmem_shared>>) target(%dma_start3A_685 : memref<128x16xf32, #tpu.memory_space<vmem>>) offsets(%dma_start3A_688 : memref<128xi32, #tpu.memory_space<vmem>>) semaphore(%dma_start3A_693 : memref<!tpu.dma_semaphore, #tpu.memory_space<semaphore_mem>>)
      } else {
      }
      %dma_wait3A_500 = arith.constant 5 : i32
      %dma_wait3A_501 = arith.constant 5 : i32
      %dma_wait3A_502 = arith.constant 0 : i32
      %dma_wait3A_503 = arith.constant 0 : i32
      %dma_wait3A_504 = tpu.memref_slice %arg9[%dma_wait3A_500, %dma_wait3A_502, %dma_wait3A_503] : memref<10x128x16xf32, #tpu.memory_space<vmem>> -> memref<1x128x16xf32, #tpu.memory_space<vmem>>
      %dma_wait3A_505 = tpu.memref_squeeze %dma_wait3A_504 : memref<1x128x16xf32, #tpu.memory_space<vmem>> -> memref<128x16xf32, #tpu.memory_space<vmem>>
      %dma_wait3A_506 = arith.constant 0 : i32
      %dma_wait3A_507 = tpu.memref_slice %arg7[%add3A_492, %dma_wait3A_506] : memref<80x128xi32, #tpu.memory_space<vmem>> -> memref<1x128xi32, #tpu.memory_space<vmem>>
      %dma_wait3A_508 = tpu.memref_squeeze %dma_wait3A_507 : memref<1x128xi32, #tpu.memory_space<vmem>> -> memref<128xi32, #tpu.memory_space<vmem>>
      %dma_wait3A_509 = arith.constant 0 : i32
      %dma_wait3A_510 = arith.constant 0 : i32
      %dma_wait3A_511 = tpu.memref_slice %arg10[%dma_wait3A_509, %dma_wait3A_510] : memref<10240x16xf32, #tpu.memory_space<vmem_shared>> -> memref<10240x16xf32, #tpu.memory_space<vmem_shared>>
      %dma_wait3A_512 = tpu.memref_slice %arg12[%dma_wait3A_501] : memref<10x!tpu.dma_semaphore, #tpu.memory_space<semaphore_mem>> -> memref<1x!tpu.dma_semaphore, #tpu.memory_space<semaphore_mem>>
      %dma_wait3A_513 = tpu.memref_squeeze %dma_wait3A_512 : memref<1x!tpu.dma_semaphore, #tpu.memory_space<semaphore_mem>> -> memref<!tpu.dma_semaphore, #tpu.memory_space<semaphore_mem>>
      tpu.wait_indirect_dma semaphore(%dma_wait3A_513 : memref<!tpu.dma_semaphore, #tpu.memory_space<semaphore_mem>>) src(%dma_wait3A_511 : memref<10240x16xf32, #tpu.memory_space<vmem_shared>>) dst(%dma_wait3A_505 : memref<128x16xf32, #tpu.memory_space<vmem>>)
      %dma_start3A_514 = arith.constant 5 : i32
      %dma_start3A_515 = arith.constant 5 : i32
      %dma_start3A_516 = arith.constant 0 : i32
      %dma_start3A_517 = arith.constant 0 : i32
      %dma_start3A_518 = tpu.memref_slice %arg9[%dma_start3A_514, %dma_start3A_516, %dma_start3A_517] : memref<10x128x16xf32, #tpu.memory_space<vmem>> -> memref<1x128x16xf32, #tpu.memory_space<vmem>>
      %dma_start3A_519 = tpu.memref_squeeze %dma_start3A_518 : memref<1x128x16xf32, #tpu.memory_space<vmem>> -> memref<128x16xf32, #tpu.memory_space<vmem>>
      %dma_start3A_520 = arith.constant 0 : i32
      %dma_start3A_521 = tpu.memref_slice %arg8[%add3A_492, %dma_start3A_520] : memref<80x128xi32, #tpu.memory_space<vmem>> -> memref<1x128xi32, #tpu.memory_space<vmem>>
      %dma_start3A_522 = tpu.memref_squeeze %dma_start3A_521 : memref<1x128xi32, #tpu.memory_space<vmem>> -> memref<128xi32, #tpu.memory_space<vmem>>
      %dma_start3A_523 = arith.constant 0 : i32
      %dma_start3A_524 = arith.constant 0 : i32
      %dma_start3A_525 = tpu.memref_slice %arg11[%dma_start3A_523, %dma_start3A_524] : memref<10240x16xf32, #tpu.memory_space<vmem_shared>> -> memref<10240x16xf32, #tpu.memory_space<vmem_shared>>
      %dma_start3A_526 = tpu.memref_slice %arg13[%dma_start3A_515] : memref<10x!tpu.dma_semaphore, #tpu.memory_space<semaphore_mem>> -> memref<1x!tpu.dma_semaphore, #tpu.memory_space<semaphore_mem>>
      %dma_start3A_527 = tpu.memref_squeeze %dma_start3A_526 : memref<1x!tpu.dma_semaphore, #tpu.memory_space<semaphore_mem>> -> memref<!tpu.dma_semaphore, #tpu.memory_space<semaphore_mem>>
      tpu.enqueue_indirect_dma source(%dma_start3A_519 : memref<128x16xf32, #tpu.memory_space<vmem>>) target(%dma_start3A_525 : memref<10240x16xf32, #tpu.memory_space<vmem_shared>>) offsets(%dma_start3A_522 : memref<128xi32, #tpu.memory_space<vmem>>) semaphore(%dma_start3A_527 : memref<!tpu.dma_semaphore, #tpu.memory_space<semaphore_mem>>) {add = true}
      %add3A_528 = arith.constant 6 : i32
      %add3A_529 = arith.addi %add3A_306, %add3A_528 : i32
      %add3A_530 = arith.constant 5 : i32
      %add3A_531 = arith.addi %add3A_529, %add3A_530 : i32
      %lt3A_532 = arith.constant 80 : i32
      %lt3A_533 = arith.cmpi slt, %add3A_531, %lt3A_532 : i32
      %convert_element_type3A_534 = arith.extui %lt3A_533 : i1 to i32
      %cond3A_535 = arith.constant 0 : i32
      %cond3A_536 = arith.cmpi ne, %convert_element_type3A_534, %cond3A_535 : i32
      scf.if %cond3A_536 {
        %ge3A = arith.constant 10 : i32
        %ge3A_676 = arith.cmpi sge, %add3A_531, %ge3A : i32
        %convert_element_type3A_677 = arith.extui %ge3A_676 : i1 to i32
        %cond3A_678 = arith.constant 0 : i32
        %cond3A_679 = arith.cmpi ne, %convert_element_type3A_677, %cond3A_678 : i32
        scf.if %cond3A_679 {
          %sub3A = arith.constant 10 : i32
          %sub3A_694 = arith.subi %add3A_531, %sub3A : i32
          %dma_wait3A_695 = arith.constant 1 : i32
          %dma_wait3A_696 = arith.constant 1 : i32
          %dma_wait3A_697 = arith.constant 0 : i32
          %dma_wait3A_698 = arith.constant 0 : i32
          %dma_wait3A_699 = tpu.memref_slice %arg9[%dma_wait3A_695, %dma_wait3A_697, %dma_wait3A_698] : memref<10x128x16xf32, #tpu.memory_space<vmem>> -> memref<1x128x16xf32, #tpu.memory_space<vmem>>
          %dma_wait3A_700 = tpu.memref_squeeze %dma_wait3A_699 : memref<1x128x16xf32, #tpu.memory_space<vmem>> -> memref<128x16xf32, #tpu.memory_space<vmem>>
          %dma_wait3A_701 = arith.constant 0 : i32
          %dma_wait3A_702 = tpu.memref_slice %arg8[%sub3A_694, %dma_wait3A_701] : memref<80x128xi32, #tpu.memory_space<vmem>> -> memref<1x128xi32, #tpu.memory_space<vmem>>
          %dma_wait3A_703 = tpu.memref_squeeze %dma_wait3A_702 : memref<1x128xi32, #tpu.memory_space<vmem>> -> memref<128xi32, #tpu.memory_space<vmem>>
          %dma_wait3A_704 = arith.constant 0 : i32
          %dma_wait3A_705 = arith.constant 0 : i32
          %dma_wait3A_706 = tpu.memref_slice %arg11[%dma_wait3A_704, %dma_wait3A_705] : memref<10240x16xf32, #tpu.memory_space<vmem_shared>> -> memref<10240x16xf32, #tpu.memory_space<vmem_shared>>
          %dma_wait3A_707 = tpu.memref_slice %arg13[%dma_wait3A_696] : memref<10x!tpu.dma_semaphore, #tpu.memory_space<semaphore_mem>> -> memref<1x!tpu.dma_semaphore, #tpu.memory_space<semaphore_mem>>
          %dma_wait3A_708 = tpu.memref_squeeze %dma_wait3A_707 : memref<1x!tpu.dma_semaphore, #tpu.memory_space<semaphore_mem>> -> memref<!tpu.dma_semaphore, #tpu.memory_space<semaphore_mem>>
          tpu.wait_indirect_dma semaphore(%dma_wait3A_708 : memref<!tpu.dma_semaphore, #tpu.memory_space<semaphore_mem>>) src(%dma_wait3A_700 : memref<128x16xf32, #tpu.memory_space<vmem>>) dst(%dma_wait3A_706 : memref<10240x16xf32, #tpu.memory_space<vmem_shared>>)
        } else {
        }
        %dma_start3A_680 = arith.constant 1 : i32
        %dma_start3A_681 = arith.constant 1 : i32
        %dma_start3A_682 = arith.constant 0 : i32
        %dma_start3A_683 = arith.constant 0 : i32
        %dma_start3A_684 = tpu.memref_slice %arg9[%dma_start3A_680, %dma_start3A_682, %dma_start3A_683] : memref<10x128x16xf32, #tpu.memory_space<vmem>> -> memref<1x128x16xf32, #tpu.memory_space<vmem>>
        %dma_start3A_685 = tpu.memref_squeeze %dma_start3A_684 : memref<1x128x16xf32, #tpu.memory_space<vmem>> -> memref<128x16xf32, #tpu.memory_space<vmem>>
        %dma_start3A_686 = arith.constant 0 : i32
        %dma_start3A_687 = tpu.memref_slice %arg7[%add3A_531, %dma_start3A_686] : memref<80x128xi32, #tpu.memory_space<vmem>> -> memref<1x128xi32, #tpu.memory_space<vmem>>
        %dma_start3A_688 = tpu.memref_squeeze %dma_start3A_687 : memref<1x128xi32, #tpu.memory_space<vmem>> -> memref<128xi32, #tpu.memory_space<vmem>>
        %dma_start3A_689 = arith.constant 0 : i32
        %dma_start3A_690 = arith.constant 0 : i32
        %dma_start3A_691 = tpu.memref_slice %arg10[%dma_start3A_689, %dma_start3A_690] : memref<10240x16xf32, #tpu.memory_space<vmem_shared>> -> memref<10240x16xf32, #tpu.memory_space<vmem_shared>>
        %dma_start3A_692 = tpu.memref_slice %arg12[%dma_start3A_681] : memref<10x!tpu.dma_semaphore, #tpu.memory_space<semaphore_mem>> -> memref<1x!tpu.dma_semaphore, #tpu.memory_space<semaphore_mem>>
        %dma_start3A_693 = tpu.memref_squeeze %dma_start3A_692 : memref<1x!tpu.dma_semaphore, #tpu.memory_space<semaphore_mem>> -> memref<!tpu.dma_semaphore, #tpu.memory_space<semaphore_mem>>
        tpu.enqueue_indirect_dma source(%dma_start3A_691 : memref<10240x16xf32, #tpu.memory_space<vmem_shared>>) target(%dma_start3A_685 : memref<128x16xf32, #tpu.memory_space<vmem>>) offsets(%dma_start3A_688 : memref<128xi32, #tpu.memory_space<vmem>>) semaphore(%dma_start3A_693 : memref<!tpu.dma_semaphore, #tpu.memory_space<semaphore_mem>>)
      } else {
      }
      %dma_wait3A_537 = arith.constant 6 : i32
      %dma_wait3A_538 = arith.constant 6 : i32
      %dma_wait3A_539 = arith.constant 0 : i32
      %dma_wait3A_540 = arith.constant 0 : i32
      %dma_wait3A_541 = tpu.memref_slice %arg9[%dma_wait3A_537, %dma_wait3A_539, %dma_wait3A_540] : memref<10x128x16xf32, #tpu.memory_space<vmem>> -> memref<1x128x16xf32, #tpu.memory_space<vmem>>
      %dma_wait3A_542 = tpu.memref_squeeze %dma_wait3A_541 : memref<1x128x16xf32, #tpu.memory_space<vmem>> -> memref<128x16xf32, #tpu.memory_space<vmem>>
      %dma_wait3A_543 = arith.constant 0 : i32
      %dma_wait3A_544 = tpu.memref_slice %arg7[%add3A_529, %dma_wait3A_543] : memref<80x128xi32, #tpu.memory_space<vmem>> -> memref<1x128xi32, #tpu.memory_space<vmem>>
      %dma_wait3A_545 = tpu.memref_squeeze %dma_wait3A_544 : memref<1x128xi32, #tpu.memory_space<vmem>> -> memref<128xi32, #tpu.memory_space<vmem>>
      %dma_wait3A_546 = arith.constant 0 : i32
      %dma_wait3A_547 = arith.constant 0 : i32
      %dma_wait3A_548 = tpu.memref_slice %arg10[%dma_wait3A_546, %dma_wait3A_547] : memref<10240x16xf32, #tpu.memory_space<vmem_shared>> -> memref<10240x16xf32, #tpu.memory_space<vmem_shared>>
      %dma_wait3A_549 = tpu.memref_slice %arg12[%dma_wait3A_538] : memref<10x!tpu.dma_semaphore, #tpu.memory_space<semaphore_mem>> -> memref<1x!tpu.dma_semaphore, #tpu.memory_space<semaphore_mem>>
      %dma_wait3A_550 = tpu.memref_squeeze %dma_wait3A_549 : memref<1x!tpu.dma_semaphore, #tpu.memory_space<semaphore_mem>> -> memref<!tpu.dma_semaphore, #tpu.memory_space<semaphore_mem>>
      tpu.wait_indirect_dma semaphore(%dma_wait3A_550 : memref<!tpu.dma_semaphore, #tpu.memory_space<semaphore_mem>>) src(%dma_wait3A_548 : memref<10240x16xf32, #tpu.memory_space<vmem_shared>>) dst(%dma_wait3A_542 : memref<128x16xf32, #tpu.memory_space<vmem>>)
      %dma_start3A_551 = arith.constant 6 : i32
      %dma_start3A_552 = arith.constant 6 : i32
      %dma_start3A_553 = arith.constant 0 : i32
      %dma_start3A_554 = arith.constant 0 : i32
      %dma_start3A_555 = tpu.memref_slice %arg9[%dma_start3A_551, %dma_start3A_553, %dma_start3A_554] : memref<10x128x16xf32, #tpu.memory_space<vmem>> -> memref<1x128x16xf32, #tpu.memory_space<vmem>>
      %dma_start3A_556 = tpu.memref_squeeze %dma_start3A_555 : memref<1x128x16xf32, #tpu.memory_space<vmem>> -> memref<128x16xf32, #tpu.memory_space<vmem>>
      %dma_start3A_557 = arith.constant 0 : i32
      %dma_start3A_558 = tpu.memref_slice %arg8[%add3A_529, %dma_start3A_557] : memref<80x128xi32, #tpu.memory_space<vmem>> -> memref<1x128xi32, #tpu.memory_space<vmem>>
      %dma_start3A_559 = tpu.memref_squeeze %dma_start3A_558 : memref<1x128xi32, #tpu.memory_space<vmem>> -> memref<128xi32, #tpu.memory_space<vmem>>
      %dma_start3A_560 = arith.constant 0 : i32
      %dma_start3A_561 = arith.constant 0 : i32
      %dma_start3A_562 = tpu.memref_slice %arg11[%dma_start3A_560, %dma_start3A_561] : memref<10240x16xf32, #tpu.memory_space<vmem_shared>> -> memref<10240x16xf32, #tpu.memory_space<vmem_shared>>
      %dma_start3A_563 = tpu.memref_slice %arg13[%dma_start3A_552] : memref<10x!tpu.dma_semaphore, #tpu.memory_space<semaphore_mem>> -> memref<1x!tpu.dma_semaphore, #tpu.memory_space<semaphore_mem>>
      %dma_start3A_564 = tpu.memref_squeeze %dma_start3A_563 : memref<1x!tpu.dma_semaphore, #tpu.memory_space<semaphore_mem>> -> memref<!tpu.dma_semaphore, #tpu.memory_space<semaphore_mem>>
      tpu.enqueue_indirect_dma source(%dma_start3A_556 : memref<128x16xf32, #tpu.memory_space<vmem>>) target(%dma_start3A_562 : memref<10240x16xf32, #tpu.memory_space<vmem_shared>>) offsets(%dma_start3A_559 : memref<128xi32, #tpu.memory_space<vmem>>) semaphore(%dma_start3A_564 : memref<!tpu.dma_semaphore, #tpu.memory_space<semaphore_mem>>) {add = true}
      %add3A_565 = arith.constant 7 : i32
      %add3A_566 = arith.addi %add3A_306, %add3A_565 : i32
      %add3A_567 = arith.constant 5 : i32
      %add3A_568 = arith.addi %add3A_566, %add3A_567 : i32
      %lt3A_569 = arith.constant 80 : i32
      %lt3A_570 = arith.cmpi slt, %add3A_568, %lt3A_569 : i32
      %convert_element_type3A_571 = arith.extui %lt3A_570 : i1 to i32
      %cond3A_572 = arith.constant 0 : i32
      %cond3A_573 = arith.cmpi ne, %convert_element_type3A_571, %cond3A_572 : i32
      scf.if %cond3A_573 {
        %ge3A = arith.constant 10 : i32
        %ge3A_676 = arith.cmpi sge, %add3A_568, %ge3A : i32
        %convert_element_type3A_677 = arith.extui %ge3A_676 : i1 to i32
        %cond3A_678 = arith.constant 0 : i32
        %cond3A_679 = arith.cmpi ne, %convert_element_type3A_677, %cond3A_678 : i32
        scf.if %cond3A_679 {
          %sub3A = arith.constant 10 : i32
          %sub3A_694 = arith.subi %add3A_568, %sub3A : i32
          %dma_wait3A_695 = arith.constant 2 : i32
          %dma_wait3A_696 = arith.constant 2 : i32
          %dma_wait3A_697 = arith.constant 0 : i32
          %dma_wait3A_698 = arith.constant 0 : i32
          %dma_wait3A_699 = tpu.memref_slice %arg9[%dma_wait3A_695, %dma_wait3A_697, %dma_wait3A_698] : memref<10x128x16xf32, #tpu.memory_space<vmem>> -> memref<1x128x16xf32, #tpu.memory_space<vmem>>
          %dma_wait3A_700 = tpu.memref_squeeze %dma_wait3A_699 : memref<1x128x16xf32, #tpu.memory_space<vmem>> -> memref<128x16xf32, #tpu.memory_space<vmem>>
          %dma_wait3A_701 = arith.constant 0 : i32
          %dma_wait3A_702 = tpu.memref_slice %arg8[%sub3A_694, %dma_wait3A_701] : memref<80x128xi32, #tpu.memory_space<vmem>> -> memref<1x128xi32, #tpu.memory_space<vmem>>
          %dma_wait3A_703 = tpu.memref_squeeze %dma_wait3A_702 : memref<1x128xi32, #tpu.memory_space<vmem>> -> memref<128xi32, #tpu.memory_space<vmem>>
          %dma_wait3A_704 = arith.constant 0 : i32
          %dma_wait3A_705 = arith.constant 0 : i32
          %dma_wait3A_706 = tpu.memref_slice %arg11[%dma_wait3A_704, %dma_wait3A_705] : memref<10240x16xf32, #tpu.memory_space<vmem_shared>> -> memref<10240x16xf32, #tpu.memory_space<vmem_shared>>
          %dma_wait3A_707 = tpu.memref_slice %arg13[%dma_wait3A_696] : memref<10x!tpu.dma_semaphore, #tpu.memory_space<semaphore_mem>> -> memref<1x!tpu.dma_semaphore, #tpu.memory_space<semaphore_mem>>
          %dma_wait3A_708 = tpu.memref_squeeze %dma_wait3A_707 : memref<1x!tpu.dma_semaphore, #tpu.memory_space<semaphore_mem>> -> memref<!tpu.dma_semaphore, #tpu.memory_space<semaphore_mem>>
          tpu.wait_indirect_dma semaphore(%dma_wait3A_708 : memref<!tpu.dma_semaphore, #tpu.memory_space<semaphore_mem>>) src(%dma_wait3A_700 : memref<128x16xf32, #tpu.memory_space<vmem>>) dst(%dma_wait3A_706 : memref<10240x16xf32, #tpu.memory_space<vmem_shared>>)
        } else {
        }
        %dma_start3A_680 = arith.constant 2 : i32
        %dma_start3A_681 = arith.constant 2 : i32
        %dma_start3A_682 = arith.constant 0 : i32
        %dma_start3A_683 = arith.constant 0 : i32
        %dma_start3A_684 = tpu.memref_slice %arg9[%dma_start3A_680, %dma_start3A_682, %dma_start3A_683] : memref<10x128x16xf32, #tpu.memory_space<vmem>> -> memref<1x128x16xf32, #tpu.memory_space<vmem>>
        %dma_start3A_685 = tpu.memref_squeeze %dma_start3A_684 : memref<1x128x16xf32, #tpu.memory_space<vmem>> -> memref<128x16xf32, #tpu.memory_space<vmem>>
        %dma_start3A_686 = arith.constant 0 : i32
        %dma_start3A_687 = tpu.memref_slice %arg7[%add3A_568, %dma_start3A_686] : memref<80x128xi32, #tpu.memory_space<vmem>> -> memref<1x128xi32, #tpu.memory_space<vmem>>
        %dma_start3A_688 = tpu.memref_squeeze %dma_start3A_687 : memref<1x128xi32, #tpu.memory_space<vmem>> -> memref<128xi32, #tpu.memory_space<vmem>>
        %dma_start3A_689 = arith.constant 0 : i32
        %dma_start3A_690 = arith.constant 0 : i32
        %dma_start3A_691 = tpu.memref_slice %arg10[%dma_start3A_689, %dma_start3A_690] : memref<10240x16xf32, #tpu.memory_space<vmem_shared>> -> memref<10240x16xf32, #tpu.memory_space<vmem_shared>>
        %dma_start3A_692 = tpu.memref_slice %arg12[%dma_start3A_681] : memref<10x!tpu.dma_semaphore, #tpu.memory_space<semaphore_mem>> -> memref<1x!tpu.dma_semaphore, #tpu.memory_space<semaphore_mem>>
        %dma_start3A_693 = tpu.memref_squeeze %dma_start3A_692 : memref<1x!tpu.dma_semaphore, #tpu.memory_space<semaphore_mem>> -> memref<!tpu.dma_semaphore, #tpu.memory_space<semaphore_mem>>
        tpu.enqueue_indirect_dma source(%dma_start3A_691 : memref<10240x16xf32, #tpu.memory_space<vmem_shared>>) target(%dma_start3A_685 : memref<128x16xf32, #tpu.memory_space<vmem>>) offsets(%dma_start3A_688 : memref<128xi32, #tpu.memory_space<vmem>>) semaphore(%dma_start3A_693 : memref<!tpu.dma_semaphore, #tpu.memory_space<semaphore_mem>>)
      } else {
      }
      %dma_wait3A_574 = arith.constant 7 : i32
      %dma_wait3A_575 = arith.constant 7 : i32
      %dma_wait3A_576 = arith.constant 0 : i32
      %dma_wait3A_577 = arith.constant 0 : i32
      %dma_wait3A_578 = tpu.memref_slice %arg9[%dma_wait3A_574, %dma_wait3A_576, %dma_wait3A_577] : memref<10x128x16xf32, #tpu.memory_space<vmem>> -> memref<1x128x16xf32, #tpu.memory_space<vmem>>
      %dma_wait3A_579 = tpu.memref_squeeze %dma_wait3A_578 : memref<1x128x16xf32, #tpu.memory_space<vmem>> -> memref<128x16xf32, #tpu.memory_space<vmem>>
      %dma_wait3A_580 = arith.constant 0 : i32
      %dma_wait3A_581 = tpu.memref_slice %arg7[%add3A_566, %dma_wait3A_580] : memref<80x128xi32, #tpu.memory_space<vmem>> -> memref<1x128xi32, #tpu.memory_space<vmem>>
      %dma_wait3A_582 = tpu.memref_squeeze %dma_wait3A_581 : memref<1x128xi32, #tpu.memory_space<vmem>> -> memref<128xi32, #tpu.memory_space<vmem>>
      %dma_wait3A_583 = arith.constant 0 : i32
      %dma_wait3A_584 = arith.constant 0 : i32
      %dma_wait3A_585 = tpu.memref_slice %arg10[%dma_wait3A_583, %dma_wait3A_584] : memref<10240x16xf32, #tpu.memory_space<vmem_shared>> -> memref<10240x16xf32, #tpu.memory_space<vmem_shared>>
      %dma_wait3A_586 = tpu.memref_slice %arg12[%dma_wait3A_575] : memref<10x!tpu.dma_semaphore, #tpu.memory_space<semaphore_mem>> -> memref<1x!tpu.dma_semaphore, #tpu.memory_space<semaphore_mem>>
      %dma_wait3A_587 = tpu.memref_squeeze %dma_wait3A_586 : memref<1x!tpu.dma_semaphore, #tpu.memory_space<semaphore_mem>> -> memref<!tpu.dma_semaphore, #tpu.memory_space<semaphore_mem>>
      tpu.wait_indirect_dma semaphore(%dma_wait3A_587 : memref<!tpu.dma_semaphore, #tpu.memory_space<semaphore_mem>>) src(%dma_wait3A_585 : memref<10240x16xf32, #tpu.memory_space<vmem_shared>>) dst(%dma_wait3A_579 : memref<128x16xf32, #tpu.memory_space<vmem>>)
      %dma_start3A_588 = arith.constant 7 : i32
      %dma_start3A_589 = arith.constant 7 : i32
      %dma_start3A_590 = arith.constant 0 : i32
      %dma_start3A_591 = arith.constant 0 : i32
      %dma_start3A_592 = tpu.memref_slice %arg9[%dma_start3A_588, %dma_start3A_590, %dma_start3A_591] : memref<10x128x16xf32, #tpu.memory_space<vmem>> -> memref<1x128x16xf32, #tpu.memory_space<vmem>>
      %dma_start3A_593 = tpu.memref_squeeze %dma_start3A_592 : memref<1x128x16xf32, #tpu.memory_space<vmem>> -> memref<128x16xf32, #tpu.memory_space<vmem>>
      %dma_start3A_594 = arith.constant 0 : i32
      %dma_start3A_595 = tpu.memref_slice %arg8[%add3A_566, %dma_start3A_594] : memref<80x128xi32, #tpu.memory_space<vmem>> -> memref<1x128xi32, #tpu.memory_space<vmem>>
      %dma_start3A_596 = tpu.memref_squeeze %dma_start3A_595 : memref<1x128xi32, #tpu.memory_space<vmem>> -> memref<128xi32, #tpu.memory_space<vmem>>
      %dma_start3A_597 = arith.constant 0 : i32
      %dma_start3A_598 = arith.constant 0 : i32
      %dma_start3A_599 = tpu.memref_slice %arg11[%dma_start3A_597, %dma_start3A_598] : memref<10240x16xf32, #tpu.memory_space<vmem_shared>> -> memref<10240x16xf32, #tpu.memory_space<vmem_shared>>
      %dma_start3A_600 = tpu.memref_slice %arg13[%dma_start3A_589] : memref<10x!tpu.dma_semaphore, #tpu.memory_space<semaphore_mem>> -> memref<1x!tpu.dma_semaphore, #tpu.memory_space<semaphore_mem>>
      %dma_start3A_601 = tpu.memref_squeeze %dma_start3A_600 : memref<1x!tpu.dma_semaphore, #tpu.memory_space<semaphore_mem>> -> memref<!tpu.dma_semaphore, #tpu.memory_space<semaphore_mem>>
      tpu.enqueue_indirect_dma source(%dma_start3A_593 : memref<128x16xf32, #tpu.memory_space<vmem>>) target(%dma_start3A_599 : memref<10240x16xf32, #tpu.memory_space<vmem_shared>>) offsets(%dma_start3A_596 : memref<128xi32, #tpu.memory_space<vmem>>) semaphore(%dma_start3A_601 : memref<!tpu.dma_semaphore, #tpu.memory_space<semaphore_mem>>) {add = true}
      %add3A_602 = arith.constant 8 : i32
      %add3A_603 = arith.addi %add3A_306, %add3A_602 : i32
      %add3A_604 = arith.constant 5 : i32
      %add3A_605 = arith.addi %add3A_603, %add3A_604 : i32
      %lt3A_606 = arith.constant 80 : i32
      %lt3A_607 = arith.cmpi slt, %add3A_605, %lt3A_606 : i32
      %convert_element_type3A_608 = arith.extui %lt3A_607 : i1 to i32
      %cond3A_609 = arith.constant 0 : i32
      %cond3A_610 = arith.cmpi ne, %convert_element_type3A_608, %cond3A_609 : i32
      scf.if %cond3A_610 {
        %ge3A = arith.constant 10 : i32
        %ge3A_676 = arith.cmpi sge, %add3A_605, %ge3A : i32
        %convert_element_type3A_677 = arith.extui %ge3A_676 : i1 to i32
        %cond3A_678 = arith.constant 0 : i32
        %cond3A_679 = arith.cmpi ne, %convert_element_type3A_677, %cond3A_678 : i32
        scf.if %cond3A_679 {
          %sub3A = arith.constant 10 : i32
          %sub3A_694 = arith.subi %add3A_605, %sub3A : i32
          %dma_wait3A_695 = arith.constant 3 : i32
          %dma_wait3A_696 = arith.constant 3 : i32
          %dma_wait3A_697 = arith.constant 0 : i32
          %dma_wait3A_698 = arith.constant 0 : i32
          %dma_wait3A_699 = tpu.memref_slice %arg9[%dma_wait3A_695, %dma_wait3A_697, %dma_wait3A_698] : memref<10x128x16xf32, #tpu.memory_space<vmem>> -> memref<1x128x16xf32, #tpu.memory_space<vmem>>
          %dma_wait3A_700 = tpu.memref_squeeze %dma_wait3A_699 : memref<1x128x16xf32, #tpu.memory_space<vmem>> -> memref<128x16xf32, #tpu.memory_space<vmem>>
          %dma_wait3A_701 = arith.constant 0 : i32
          %dma_wait3A_702 = tpu.memref_slice %arg8[%sub3A_694, %dma_wait3A_701] : memref<80x128xi32, #tpu.memory_space<vmem>> -> memref<1x128xi32, #tpu.memory_space<vmem>>
          %dma_wait3A_703 = tpu.memref_squeeze %dma_wait3A_702 : memref<1x128xi32, #tpu.memory_space<vmem>> -> memref<128xi32, #tpu.memory_space<vmem>>
          %dma_wait3A_704 = arith.constant 0 : i32
          %dma_wait3A_705 = arith.constant 0 : i32
          %dma_wait3A_706 = tpu.memref_slice %arg11[%dma_wait3A_704, %dma_wait3A_705] : memref<10240x16xf32, #tpu.memory_space<vmem_shared>> -> memref<10240x16xf32, #tpu.memory_space<vmem_shared>>
          %dma_wait3A_707 = tpu.memref_slice %arg13[%dma_wait3A_696] : memref<10x!tpu.dma_semaphore, #tpu.memory_space<semaphore_mem>> -> memref<1x!tpu.dma_semaphore, #tpu.memory_space<semaphore_mem>>
          %dma_wait3A_708 = tpu.memref_squeeze %dma_wait3A_707 : memref<1x!tpu.dma_semaphore, #tpu.memory_space<semaphore_mem>> -> memref<!tpu.dma_semaphore, #tpu.memory_space<semaphore_mem>>
          tpu.wait_indirect_dma semaphore(%dma_wait3A_708 : memref<!tpu.dma_semaphore, #tpu.memory_space<semaphore_mem>>) src(%dma_wait3A_700 : memref<128x16xf32, #tpu.memory_space<vmem>>) dst(%dma_wait3A_706 : memref<10240x16xf32, #tpu.memory_space<vmem_shared>>)
        } else {
        }
        %dma_start3A_680 = arith.constant 3 : i32
        %dma_start3A_681 = arith.constant 3 : i32
        %dma_start3A_682 = arith.constant 0 : i32
        %dma_start3A_683 = arith.constant 0 : i32
        %dma_start3A_684 = tpu.memref_slice %arg9[%dma_start3A_680, %dma_start3A_682, %dma_start3A_683] : memref<10x128x16xf32, #tpu.memory_space<vmem>> -> memref<1x128x16xf32, #tpu.memory_space<vmem>>
        %dma_start3A_685 = tpu.memref_squeeze %dma_start3A_684 : memref<1x128x16xf32, #tpu.memory_space<vmem>> -> memref<128x16xf32, #tpu.memory_space<vmem>>
        %dma_start3A_686 = arith.constant 0 : i32
        %dma_start3A_687 = tpu.memref_slice %arg7[%add3A_605, %dma_start3A_686] : memref<80x128xi32, #tpu.memory_space<vmem>> -> memref<1x128xi32, #tpu.memory_space<vmem>>
        %dma_start3A_688 = tpu.memref_squeeze %dma_start3A_687 : memref<1x128xi32, #tpu.memory_space<vmem>> -> memref<128xi32, #tpu.memory_space<vmem>>
        %dma_start3A_689 = arith.constant 0 : i32
        %dma_start3A_690 = arith.constant 0 : i32
        %dma_start3A_691 = tpu.memref_slice %arg10[%dma_start3A_689, %dma_start3A_690] : memref<10240x16xf32, #tpu.memory_space<vmem_shared>> -> memref<10240x16xf32, #tpu.memory_space<vmem_shared>>
        %dma_start3A_692 = tpu.memref_slice %arg12[%dma_start3A_681] : memref<10x!tpu.dma_semaphore, #tpu.memory_space<semaphore_mem>> -> memref<1x!tpu.dma_semaphore, #tpu.memory_space<semaphore_mem>>
        %dma_start3A_693 = tpu.memref_squeeze %dma_start3A_692 : memref<1x!tpu.dma_semaphore, #tpu.memory_space<semaphore_mem>> -> memref<!tpu.dma_semaphore, #tpu.memory_space<semaphore_mem>>
        tpu.enqueue_indirect_dma source(%dma_start3A_691 : memref<10240x16xf32, #tpu.memory_space<vmem_shared>>) target(%dma_start3A_685 : memref<128x16xf32, #tpu.memory_space<vmem>>) offsets(%dma_start3A_688 : memref<128xi32, #tpu.memory_space<vmem>>) semaphore(%dma_start3A_693 : memref<!tpu.dma_semaphore, #tpu.memory_space<semaphore_mem>>)
      } else {
      }
      %dma_wait3A_611 = arith.constant 8 : i32
      %dma_wait3A_612 = arith.constant 8 : i32
      %dma_wait3A_613 = arith.constant 0 : i32
      %dma_wait3A_614 = arith.constant 0 : i32
      %dma_wait3A_615 = tpu.memref_slice %arg9[%dma_wait3A_611, %dma_wait3A_613, %dma_wait3A_614] : memref<10x128x16xf32, #tpu.memory_space<vmem>> -> memref<1x128x16xf32, #tpu.memory_space<vmem>>
      %dma_wait3A_616 = tpu.memref_squeeze %dma_wait3A_615 : memref<1x128x16xf32, #tpu.memory_space<vmem>> -> memref<128x16xf32, #tpu.memory_space<vmem>>
      %dma_wait3A_617 = arith.constant 0 : i32
      %dma_wait3A_618 = tpu.memref_slice %arg7[%add3A_603, %dma_wait3A_617] : memref<80x128xi32, #tpu.memory_space<vmem>> -> memref<1x128xi32, #tpu.memory_space<vmem>>
      %dma_wait3A_619 = tpu.memref_squeeze %dma_wait3A_618 : memref<1x128xi32, #tpu.memory_space<vmem>> -> memref<128xi32, #tpu.memory_space<vmem>>
      %dma_wait3A_620 = arith.constant 0 : i32
      %dma_wait3A_621 = arith.constant 0 : i32
      %dma_wait3A_622 = tpu.memref_slice %arg10[%dma_wait3A_620, %dma_wait3A_621] : memref<10240x16xf32, #tpu.memory_space<vmem_shared>> -> memref<10240x16xf32, #tpu.memory_space<vmem_shared>>
      %dma_wait3A_623 = tpu.memref_slice %arg12[%dma_wait3A_612] : memref<10x!tpu.dma_semaphore, #tpu.memory_space<semaphore_mem>> -> memref<1x!tpu.dma_semaphore, #tpu.memory_space<semaphore_mem>>
      %dma_wait3A_624 = tpu.memref_squeeze %dma_wait3A_623 : memref<1x!tpu.dma_semaphore, #tpu.memory_space<semaphore_mem>> -> memref<!tpu.dma_semaphore, #tpu.memory_space<semaphore_mem>>
      tpu.wait_indirect_dma semaphore(%dma_wait3A_624 : memref<!tpu.dma_semaphore, #tpu.memory_space<semaphore_mem>>) src(%dma_wait3A_622 : memref<10240x16xf32, #tpu.memory_space<vmem_shared>>) dst(%dma_wait3A_616 : memref<128x16xf32, #tpu.memory_space<vmem>>)
      %dma_start3A_625 = arith.constant 8 : i32
      %dma_start3A_626 = arith.constant 8 : i32
      %dma_start3A_627 = arith.constant 0 : i32
      %dma_start3A_628 = arith.constant 0 : i32
      %dma_start3A_629 = tpu.memref_slice %arg9[%dma_start3A_625, %dma_start3A_627, %dma_start3A_628] : memref<10x128x16xf32, #tpu.memory_space<vmem>> -> memref<1x128x16xf32, #tpu.memory_space<vmem>>
      %dma_start3A_630 = tpu.memref_squeeze %dma_start3A_629 : memref<1x128x16xf32, #tpu.memory_space<vmem>> -> memref<128x16xf32, #tpu.memory_space<vmem>>
      %dma_start3A_631 = arith.constant 0 : i32
      %dma_start3A_632 = tpu.memref_slice %arg8[%add3A_603, %dma_start3A_631] : memref<80x128xi32, #tpu.memory_space<vmem>> -> memref<1x128xi32, #tpu.memory_space<vmem>>
      %dma_start3A_633 = tpu.memref_squeeze %dma_start3A_632 : memref<1x128xi32, #tpu.memory_space<vmem>> -> memref<128xi32, #tpu.memory_space<vmem>>
      %dma_start3A_634 = arith.constant 0 : i32
      %dma_start3A_635 = arith.constant 0 : i32
      %dma_start3A_636 = tpu.memref_slice %arg11[%dma_start3A_634, %dma_start3A_635] : memref<10240x16xf32, #tpu.memory_space<vmem_shared>> -> memref<10240x16xf32, #tpu.memory_space<vmem_shared>>
      %dma_start3A_637 = tpu.memref_slice %arg13[%dma_start3A_626] : memref<10x!tpu.dma_semaphore, #tpu.memory_space<semaphore_mem>> -> memref<1x!tpu.dma_semaphore, #tpu.memory_space<semaphore_mem>>
      %dma_start3A_638 = tpu.memref_squeeze %dma_start3A_637 : memref<1x!tpu.dma_semaphore, #tpu.memory_space<semaphore_mem>> -> memref<!tpu.dma_semaphore, #tpu.memory_space<semaphore_mem>>
      tpu.enqueue_indirect_dma source(%dma_start3A_630 : memref<128x16xf32, #tpu.memory_space<vmem>>) target(%dma_start3A_636 : memref<10240x16xf32, #tpu.memory_space<vmem_shared>>) offsets(%dma_start3A_633 : memref<128xi32, #tpu.memory_space<vmem>>) semaphore(%dma_start3A_638 : memref<!tpu.dma_semaphore, #tpu.memory_space<semaphore_mem>>) {add = true}
      %add3A_639 = arith.constant 9 : i32
      %add3A_640 = arith.addi %add3A_306, %add3A_639 : i32
      %add3A_641 = arith.constant 5 : i32
      %add3A_642 = arith.addi %add3A_640, %add3A_641 : i32
      %lt3A_643 = arith.constant 80 : i32
      %lt3A_644 = arith.cmpi slt, %add3A_642, %lt3A_643 : i32
      %convert_element_type3A_645 = arith.extui %lt3A_644 : i1 to i32
      %cond3A_646 = arith.constant 0 : i32
      %cond3A_647 = arith.cmpi ne, %convert_element_type3A_645, %cond3A_646 : i32
      scf.if %cond3A_647 {
        %ge3A = arith.constant 10 : i32
        %ge3A_676 = arith.cmpi sge, %add3A_642, %ge3A : i32
        %convert_element_type3A_677 = arith.extui %ge3A_676 : i1 to i32
        %cond3A_678 = arith.constant 0 : i32
        %cond3A_679 = arith.cmpi ne, %convert_element_type3A_677, %cond3A_678 : i32
        scf.if %cond3A_679 {
          %sub3A = arith.constant 10 : i32
          %sub3A_694 = arith.subi %add3A_642, %sub3A : i32
          %dma_wait3A_695 = arith.constant 4 : i32
          %dma_wait3A_696 = arith.constant 4 : i32
          %dma_wait3A_697 = arith.constant 0 : i32
          %dma_wait3A_698 = arith.constant 0 : i32
          %dma_wait3A_699 = tpu.memref_slice %arg9[%dma_wait3A_695, %dma_wait3A_697, %dma_wait3A_698] : memref<10x128x16xf32, #tpu.memory_space<vmem>> -> memref<1x128x16xf32, #tpu.memory_space<vmem>>
          %dma_wait3A_700 = tpu.memref_squeeze %dma_wait3A_699 : memref<1x128x16xf32, #tpu.memory_space<vmem>> -> memref<128x16xf32, #tpu.memory_space<vmem>>
          %dma_wait3A_701 = arith.constant 0 : i32
          %dma_wait3A_702 = tpu.memref_slice %arg8[%sub3A_694, %dma_wait3A_701] : memref<80x128xi32, #tpu.memory_space<vmem>> -> memref<1x128xi32, #tpu.memory_space<vmem>>
          %dma_wait3A_703 = tpu.memref_squeeze %dma_wait3A_702 : memref<1x128xi32, #tpu.memory_space<vmem>> -> memref<128xi32, #tpu.memory_space<vmem>>
          %dma_wait3A_704 = arith.constant 0 : i32
          %dma_wait3A_705 = arith.constant 0 : i32
          %dma_wait3A_706 = tpu.memref_slice %arg11[%dma_wait3A_704, %dma_wait3A_705] : memref<10240x16xf32, #tpu.memory_space<vmem_shared>> -> memref<10240x16xf32, #tpu.memory_space<vmem_shared>>
          %dma_wait3A_707 = tpu.memref_slice %arg13[%dma_wait3A_696] : memref<10x!tpu.dma_semaphore, #tpu.memory_space<semaphore_mem>> -> memref<1x!tpu.dma_semaphore, #tpu.memory_space<semaphore_mem>>
          %dma_wait3A_708 = tpu.memref_squeeze %dma_wait3A_707 : memref<1x!tpu.dma_semaphore, #tpu.memory_space<semaphore_mem>> -> memref<!tpu.dma_semaphore, #tpu.memory_space<semaphore_mem>>
          tpu.wait_indirect_dma semaphore(%dma_wait3A_708 : memref<!tpu.dma_semaphore, #tpu.memory_space<semaphore_mem>>) src(%dma_wait3A_700 : memref<128x16xf32, #tpu.memory_space<vmem>>) dst(%dma_wait3A_706 : memref<10240x16xf32, #tpu.memory_space<vmem_shared>>)
        } else {
        }
        %dma_start3A_680 = arith.constant 4 : i32
        %dma_start3A_681 = arith.constant 4 : i32
        %dma_start3A_682 = arith.constant 0 : i32
        %dma_start3A_683 = arith.constant 0 : i32
        %dma_start3A_684 = tpu.memref_slice %arg9[%dma_start3A_680, %dma_start3A_682, %dma_start3A_683] : memref<10x128x16xf32, #tpu.memory_space<vmem>> -> memref<1x128x16xf32, #tpu.memory_space<vmem>>
        %dma_start3A_685 = tpu.memref_squeeze %dma_start3A_684 : memref<1x128x16xf32, #tpu.memory_space<vmem>> -> memref<128x16xf32, #tpu.memory_space<vmem>>
        %dma_start3A_686 = arith.constant 0 : i32
        %dma_start3A_687 = tpu.memref_slice %arg7[%add3A_642, %dma_start3A_686] : memref<80x128xi32, #tpu.memory_space<vmem>> -> memref<1x128xi32, #tpu.memory_space<vmem>>
        %dma_start3A_688 = tpu.memref_squeeze %dma_start3A_687 : memref<1x128xi32, #tpu.memory_space<vmem>> -> memref<128xi32, #tpu.memory_space<vmem>>
        %dma_start3A_689 = arith.constant 0 : i32
        %dma_start3A_690 = arith.constant 0 : i32
        %dma_start3A_691 = tpu.memref_slice %arg10[%dma_start3A_689, %dma_start3A_690] : memref<10240x16xf32, #tpu.memory_space<vmem_shared>> -> memref<10240x16xf32, #tpu.memory_space<vmem_shared>>
        %dma_start3A_692 = tpu.memref_slice %arg12[%dma_start3A_681] : memref<10x!tpu.dma_semaphore, #tpu.memory_space<semaphore_mem>> -> memref<1x!tpu.dma_semaphore, #tpu.memory_space<semaphore_mem>>
        %dma_start3A_693 = tpu.memref_squeeze %dma_start3A_692 : memref<1x!tpu.dma_semaphore, #tpu.memory_space<semaphore_mem>> -> memref<!tpu.dma_semaphore, #tpu.memory_space<semaphore_mem>>
        tpu.enqueue_indirect_dma source(%dma_start3A_691 : memref<10240x16xf32, #tpu.memory_space<vmem_shared>>) target(%dma_start3A_685 : memref<128x16xf32, #tpu.memory_space<vmem>>) offsets(%dma_start3A_688 : memref<128xi32, #tpu.memory_space<vmem>>) semaphore(%dma_start3A_693 : memref<!tpu.dma_semaphore, #tpu.memory_space<semaphore_mem>>)
      } else {
      }
      %dma_wait3A_648 = arith.constant 9 : i32
      %dma_wait3A_649 = arith.constant 9 : i32
      %dma_wait3A_650 = arith.constant 0 : i32
      %dma_wait3A_651 = arith.constant 0 : i32
      %dma_wait3A_652 = tpu.memref_slice %arg9[%dma_wait3A_648, %dma_wait3A_650, %dma_wait3A_651] : memref<10x128x16xf32, #tpu.memory_space<vmem>> -> memref<1x128x16xf32, #tpu.memory_space<vmem>>
      %dma_wait3A_653 = tpu.memref_squeeze %dma_wait3A_652 : memref<1x128x16xf32, #tpu.memory_space<vmem>> -> memref<128x16xf32, #tpu.memory_space<vmem>>
      %dma_wait3A_654 = arith.constant 0 : i32
      %dma_wait3A_655 = tpu.memref_slice %arg7[%add3A_640, %dma_wait3A_654] : memref<80x128xi32, #tpu.memory_space<vmem>> -> memref<1x128xi32, #tpu.memory_space<vmem>>
      %dma_wait3A_656 = tpu.memref_squeeze %dma_wait3A_655 : memref<1x128xi32, #tpu.memory_space<vmem>> -> memref<128xi32, #tpu.memory_space<vmem>>
      %dma_wait3A_657 = arith.constant 0 : i32
      %dma_wait3A_658 = arith.constant 0 : i32
      %dma_wait3A_659 = tpu.memref_slice %arg10[%dma_wait3A_657, %dma_wait3A_658] : memref<10240x16xf32, #tpu.memory_space<vmem_shared>> -> memref<10240x16xf32, #tpu.memory_space<vmem_shared>>
      %dma_wait3A_660 = tpu.memref_slice %arg12[%dma_wait3A_649] : memref<10x!tpu.dma_semaphore, #tpu.memory_space<semaphore_mem>> -> memref<1x!tpu.dma_semaphore, #tpu.memory_space<semaphore_mem>>
      %dma_wait3A_661 = tpu.memref_squeeze %dma_wait3A_660 : memref<1x!tpu.dma_semaphore, #tpu.memory_space<semaphore_mem>> -> memref<!tpu.dma_semaphore, #tpu.memory_space<semaphore_mem>>
      tpu.wait_indirect_dma semaphore(%dma_wait3A_661 : memref<!tpu.dma_semaphore, #tpu.memory_space<semaphore_mem>>) src(%dma_wait3A_659 : memref<10240x16xf32, #tpu.memory_space<vmem_shared>>) dst(%dma_wait3A_653 : memref<128x16xf32, #tpu.memory_space<vmem>>)
      %dma_start3A_662 = arith.constant 9 : i32
      %dma_start3A_663 = arith.constant 9 : i32
      %dma_start3A_664 = arith.constant 0 : i32
      %dma_start3A_665 = arith.constant 0 : i32
      %dma_start3A_666 = tpu.memref_slice %arg9[%dma_start3A_662, %dma_start3A_664, %dma_start3A_665] : memref<10x128x16xf32, #tpu.memory_space<vmem>> -> memref<1x128x16xf32, #tpu.memory_space<vmem>>
      %dma_start3A_667 = tpu.memref_squeeze %dma_start3A_666 : memref<1x128x16xf32, #tpu.memory_space<vmem>> -> memref<128x16xf32, #tpu.memory_space<vmem>>
      %dma_start3A_668 = arith.constant 0 : i32
      %dma_start3A_669 = tpu.memref_slice %arg8[%add3A_640, %dma_start3A_668] : memref<80x128xi32, #tpu.memory_space<vmem>> -> memref<1x128xi32, #tpu.memory_space<vmem>>
      %dma_start3A_670 = tpu.memref_squeeze %dma_start3A_669 : memref<1x128xi32, #tpu.memory_space<vmem>> -> memref<128xi32, #tpu.memory_space<vmem>>
      %dma_start3A_671 = arith.constant 0 : i32
      %dma_start3A_672 = arith.constant 0 : i32
      %dma_start3A_673 = tpu.memref_slice %arg11[%dma_start3A_671, %dma_start3A_672] : memref<10240x16xf32, #tpu.memory_space<vmem_shared>> -> memref<10240x16xf32, #tpu.memory_space<vmem_shared>>
      %dma_start3A_674 = tpu.memref_slice %arg13[%dma_start3A_663] : memref<10x!tpu.dma_semaphore, #tpu.memory_space<semaphore_mem>> -> memref<1x!tpu.dma_semaphore, #tpu.memory_space<semaphore_mem>>
      %dma_start3A_675 = tpu.memref_squeeze %dma_start3A_674 : memref<1x!tpu.dma_semaphore, #tpu.memory_space<semaphore_mem>> -> memref<!tpu.dma_semaphore, #tpu.memory_space<semaphore_mem>>
      tpu.enqueue_indirect_dma source(%dma_start3A_667 : memref<128x16xf32, #tpu.memory_space<vmem>>) target(%dma_start3A_673 : memref<10240x16xf32, #tpu.memory_space<vmem_shared>>) offsets(%dma_start3A_670 : memref<128xi32, #tpu.memory_space<vmem>>) semaphore(%dma_start3A_675 : memref<!tpu.dma_semaphore, #tpu.memory_space<semaphore_mem>>) {add = true}
    }
    %scan3A_150 = arith.constant 8 : i32
    %dma_wait3A_151 = arith.constant 0 : i32
    %dma_wait3A_152 = arith.constant 0 : i32
    %dma_wait3A_153 = arith.constant 0 : i32
    %dma_wait3A_154 = arith.constant 0 : i32
    %dma_wait3A_155 = arith.constant 0 : i32
    %dma_wait3A_156 = tpu.memref_slice %arg9[%dma_wait3A_151, %dma_wait3A_154, %dma_wait3A_155] : memref<10x128x16xf32, #tpu.memory_space<vmem>> -> memref<1x128x16xf32, #tpu.memory_space<vmem>>
    %dma_wait3A_157 = tpu.memref_squeeze %dma_wait3A_156 : memref<1x128x16xf32, #tpu.memory_space<vmem>> -> memref<128x16xf32, #tpu.memory_space<vmem>>
    %dma_wait3A_158 = arith.constant 0 : i32
    %dma_wait3A_159 = tpu.memref_slice %arg8[%dma_wait3A_152, %dma_wait3A_158] : memref<80x128xi32, #tpu.memory_space<vmem>> -> memref<1x128xi32, #tpu.memory_space<vmem>>
    %dma_wait3A_160 = tpu.memref_squeeze %dma_wait3A_159 : memref<1x128xi32, #tpu.memory_space<vmem>> -> memref<128xi32, #tpu.memory_space<vmem>>
    %dma_wait3A_161 = arith.constant 0 : i32
    %dma_wait3A_162 = arith.constant 0 : i32
    %dma_wait3A_163 = tpu.memref_slice %arg11[%dma_wait3A_161, %dma_wait3A_162] : memref<10240x16xf32, #tpu.memory_space<vmem_shared>> -> memref<10240x16xf32, #tpu.memory_space<vmem_shared>>
    %dma_wait3A_164 = tpu.memref_slice %arg13[%dma_wait3A_153] : memref<10x!tpu.dma_semaphore, #tpu.memory_space<semaphore_mem>> -> memref<1x!tpu.dma_semaphore, #tpu.memory_space<semaphore_mem>>
    %dma_wait3A_165 = tpu.memref_squeeze %dma_wait3A_164 : memref<1x!tpu.dma_semaphore, #tpu.memory_space<semaphore_mem>> -> memref<!tpu.dma_semaphore, #tpu.memory_space<semaphore_mem>>
    tpu.wait_indirect_dma semaphore(%dma_wait3A_165 : memref<!tpu.dma_semaphore, #tpu.memory_space<semaphore_mem>>) src(%dma_wait3A_157 : memref<128x16xf32, #tpu.memory_space<vmem>>) dst(%dma_wait3A_163 : memref<10240x16xf32, #tpu.memory_space<vmem_shared>>)
    %dma_wait3A_166 = arith.constant 1 : i32
    %dma_wait3A_167 = arith.constant 0 : i32
    %dma_wait3A_168 = arith.constant 1 : i32
    %dma_wait3A_169 = arith.constant 0 : i32
    %dma_wait3A_170 = arith.constant 0 : i32
    %dma_wait3A_171 = tpu.memref_slice %arg9[%dma_wait3A_166, %dma_wait3A_169, %dma_wait3A_170] : memref<10x128x16xf32, #tpu.memory_space<vmem>> -> memref<1x128x16xf32, #tpu.memory_space<vmem>>
    %dma_wait3A_172 = tpu.memref_squeeze %dma_wait3A_171 : memref<1x128x16xf32, #tpu.memory_space<vmem>> -> memref<128x16xf32, #tpu.memory_space<vmem>>
    %dma_wait3A_173 = arith.constant 0 : i32
    %dma_wait3A_174 = tpu.memref_slice %arg8[%dma_wait3A_167, %dma_wait3A_173] : memref<80x128xi32, #tpu.memory_space<vmem>> -> memref<1x128xi32, #tpu.memory_space<vmem>>
    %dma_wait3A_175 = tpu.memref_squeeze %dma_wait3A_174 : memref<1x128xi32, #tpu.memory_space<vmem>> -> memref<128xi32, #tpu.memory_space<vmem>>
    %dma_wait3A_176 = arith.constant 0 : i32
    %dma_wait3A_177 = arith.constant 0 : i32
    %dma_wait3A_178 = tpu.memref_slice %arg11[%dma_wait3A_176, %dma_wait3A_177] : memref<10240x16xf32, #tpu.memory_space<vmem_shared>> -> memref<10240x16xf32, #tpu.memory_space<vmem_shared>>
    %dma_wait3A_179 = tpu.memref_slice %arg13[%dma_wait3A_168] : memref<10x!tpu.dma_semaphore, #tpu.memory_space<semaphore_mem>> -> memref<1x!tpu.dma_semaphore, #tpu.memory_space<semaphore_mem>>
    %dma_wait3A_180 = tpu.memref_squeeze %dma_wait3A_179 : memref<1x!tpu.dma_semaphore, #tpu.memory_space<semaphore_mem>> -> memref<!tpu.dma_semaphore, #tpu.memory_space<semaphore_mem>>
    tpu.wait_indirect_dma semaphore(%dma_wait3A_180 : memref<!tpu.dma_semaphore, #tpu.memory_space<semaphore_mem>>) src(%dma_wait3A_172 : memref<128x16xf32, #tpu.memory_space<vmem>>) dst(%dma_wait3A_178 : memref<10240x16xf32, #tpu.memory_space<vmem_shared>>)
    %dma_wait3A_181 = arith.constant 2 : i32
    %dma_wait3A_182 = arith.constant 0 : i32
    %dma_wait3A_183 = arith.constant 2 : i32
    %dma_wait3A_184 = arith.constant 0 : i32
    %dma_wait3A_185 = arith.constant 0 : i32
    %dma_wait3A_186 = tpu.memref_slice %arg9[%dma_wait3A_181, %dma_wait3A_184, %dma_wait3A_185] : memref<10x128x16xf32, #tpu.memory_space<vmem>> -> memref<1x128x16xf32, #tpu.memory_space<vmem>>
    %dma_wait3A_187 = tpu.memref_squeeze %dma_wait3A_186 : memref<1x128x16xf32, #tpu.memory_space<vmem>> -> memref<128x16xf32, #tpu.memory_space<vmem>>
    %dma_wait3A_188 = arith.constant 0 : i32
    %dma_wait3A_189 = tpu.memref_slice %arg8[%dma_wait3A_182, %dma_wait3A_188] : memref<80x128xi32, #tpu.memory_space<vmem>> -> memref<1x128xi32, #tpu.memory_space<vmem>>
    %dma_wait3A_190 = tpu.memref_squeeze %dma_wait3A_189 : memref<1x128xi32, #tpu.memory_space<vmem>> -> memref<128xi32, #tpu.memory_space<vmem>>
    %dma_wait3A_191 = arith.constant 0 : i32
    %dma_wait3A_192 = arith.constant 0 : i32
    %dma_wait3A_193 = tpu.memref_slice %arg11[%dma_wait3A_191, %dma_wait3A_192] : memref<10240x16xf32, #tpu.memory_space<vmem_shared>> -> memref<10240x16xf32, #tpu.memory_space<vmem_shared>>
    %dma_wait3A_194 = tpu.memref_slice %arg13[%dma_wait3A_183] : memref<10x!tpu.dma_semaphore, #tpu.memory_space<semaphore_mem>> -> memref<1x!tpu.dma_semaphore, #tpu.memory_space<semaphore_mem>>
    %dma_wait3A_195 = tpu.memref_squeeze %dma_wait3A_194 : memref<1x!tpu.dma_semaphore, #tpu.memory_space<semaphore_mem>> -> memref<!tpu.dma_semaphore, #tpu.memory_space<semaphore_mem>>
    tpu.wait_indirect_dma semaphore(%dma_wait3A_195 : memref<!tpu.dma_semaphore, #tpu.memory_space<semaphore_mem>>) src(%dma_wait3A_187 : memref<128x16xf32, #tpu.memory_space<vmem>>) dst(%dma_wait3A_193 : memref<10240x16xf32, #tpu.memory_space<vmem_shared>>)
    %dma_wait3A_196 = arith.constant 3 : i32
    %dma_wait3A_197 = arith.constant 0 : i32
    %dma_wait3A_198 = arith.constant 3 : i32
    %dma_wait3A_199 = arith.constant 0 : i32
    %dma_wait3A_200 = arith.constant 0 : i32
    %dma_wait3A_201 = tpu.memref_slice %arg9[%dma_wait3A_196, %dma_wait3A_199, %dma_wait3A_200] : memref<10x128x16xf32, #tpu.memory_space<vmem>> -> memref<1x128x16xf32, #tpu.memory_space<vmem>>
    %dma_wait3A_202 = tpu.memref_squeeze %dma_wait3A_201 : memref<1x128x16xf32, #tpu.memory_space<vmem>> -> memref<128x16xf32, #tpu.memory_space<vmem>>
    %dma_wait3A_203 = arith.constant 0 : i32
    %dma_wait3A_204 = tpu.memref_slice %arg8[%dma_wait3A_197, %dma_wait3A_203] : memref<80x128xi32, #tpu.memory_space<vmem>> -> memref<1x128xi32, #tpu.memory_space<vmem>>
    %dma_wait3A_205 = tpu.memref_squeeze %dma_wait3A_204 : memref<1x128xi32, #tpu.memory_space<vmem>> -> memref<128xi32, #tpu.memory_space<vmem>>
    %dma_wait3A_206 = arith.constant 0 : i32
    %dma_wait3A_207 = arith.constant 0 : i32
    %dma_wait3A_208 = tpu.memref_slice %arg11[%dma_wait3A_206, %dma_wait3A_207] : memref<10240x16xf32, #tpu.memory_space<vmem_shared>> -> memref<10240x16xf32, #tpu.memory_space<vmem_shared>>
    %dma_wait3A_209 = tpu.memref_slice %arg13[%dma_wait3A_198] : memref<10x!tpu.dma_semaphore, #tpu.memory_space<semaphore_mem>> -> memref<1x!tpu.dma_semaphore, #tpu.memory_space<semaphore_mem>>
    %dma_wait3A_210 = tpu.memref_squeeze %dma_wait3A_209 : memref<1x!tpu.dma_semaphore, #tpu.memory_space<semaphore_mem>> -> memref<!tpu.dma_semaphore, #tpu.memory_space<semaphore_mem>>
    tpu.wait_indirect_dma semaphore(%dma_wait3A_210 : memref<!tpu.dma_semaphore, #tpu.memory_space<semaphore_mem>>) src(%dma_wait3A_202 : memref<128x16xf32, #tpu.memory_space<vmem>>) dst(%dma_wait3A_208 : memref<10240x16xf32, #tpu.memory_space<vmem_shared>>)
    %dma_wait3A_211 = arith.constant 4 : i32
    %dma_wait3A_212 = arith.constant 0 : i32
    %dma_wait3A_213 = arith.constant 4 : i32
    %dma_wait3A_214 = arith.constant 0 : i32
    %dma_wait3A_215 = arith.constant 0 : i32
    %dma_wait3A_216 = tpu.memref_slice %arg9[%dma_wait3A_211, %dma_wait3A_214, %dma_wait3A_215] : memref<10x128x16xf32, #tpu.memory_space<vmem>> -> memref<1x128x16xf32, #tpu.memory_space<vmem>>
    %dma_wait3A_217 = tpu.memref_squeeze %dma_wait3A_216 : memref<1x128x16xf32, #tpu.memory_space<vmem>> -> memref<128x16xf32, #tpu.memory_space<vmem>>
    %dma_wait3A_218 = arith.constant 0 : i32
    %dma_wait3A_219 = tpu.memref_slice %arg8[%dma_wait3A_212, %dma_wait3A_218] : memref<80x128xi32, #tpu.memory_space<vmem>> -> memref<1x128xi32, #tpu.memory_space<vmem>>
    %dma_wait3A_220 = tpu.memref_squeeze %dma_wait3A_219 : memref<1x128xi32, #tpu.memory_space<vmem>> -> memref<128xi32, #tpu.memory_space<vmem>>
    %dma_wait3A_221 = arith.constant 0 : i32
    %dma_wait3A_222 = arith.constant 0 : i32
    %dma_wait3A_223 = tpu.memref_slice %arg11[%dma_wait3A_221, %dma_wait3A_222] : memref<10240x16xf32, #tpu.memory_space<vmem_shared>> -> memref<10240x16xf32, #tpu.memory_space<vmem_shared>>
    %dma_wait3A_224 = tpu.memref_slice %arg13[%dma_wait3A_213] : memref<10x!tpu.dma_semaphore, #tpu.memory_space<semaphore_mem>> -> memref<1x!tpu.dma_semaphore, #tpu.memory_space<semaphore_mem>>
    %dma_wait3A_225 = tpu.memref_squeeze %dma_wait3A_224 : memref<1x!tpu.dma_semaphore, #tpu.memory_space<semaphore_mem>> -> memref<!tpu.dma_semaphore, #tpu.memory_space<semaphore_mem>>
    tpu.wait_indirect_dma semaphore(%dma_wait3A_225 : memref<!tpu.dma_semaphore, #tpu.memory_space<semaphore_mem>>) src(%dma_wait3A_217 : memref<128x16xf32, #tpu.memory_space<vmem>>) dst(%dma_wait3A_223 : memref<10240x16xf32, #tpu.memory_space<vmem_shared>>)
    %dma_wait3A_226 = arith.constant 5 : i32
    %dma_wait3A_227 = arith.constant 0 : i32
    %dma_wait3A_228 = arith.constant 5 : i32
    %dma_wait3A_229 = arith.constant 0 : i32
    %dma_wait3A_230 = arith.constant 0 : i32
    %dma_wait3A_231 = tpu.memref_slice %arg9[%dma_wait3A_226, %dma_wait3A_229, %dma_wait3A_230] : memref<10x128x16xf32, #tpu.memory_space<vmem>> -> memref<1x128x16xf32, #tpu.memory_space<vmem>>
    %dma_wait3A_232 = tpu.memref_squeeze %dma_wait3A_231 : memref<1x128x16xf32, #tpu.memory_space<vmem>> -> memref<128x16xf32, #tpu.memory_space<vmem>>
    %dma_wait3A_233 = arith.constant 0 : i32
    %dma_wait3A_234 = tpu.memref_slice %arg8[%dma_wait3A_227, %dma_wait3A_233] : memref<80x128xi32, #tpu.memory_space<vmem>> -> memref<1x128xi32, #tpu.memory_space<vmem>>
    %dma_wait3A_235 = tpu.memref_squeeze %dma_wait3A_234 : memref<1x128xi32, #tpu.memory_space<vmem>> -> memref<128xi32, #tpu.memory_space<vmem>>
    %dma_wait3A_236 = arith.constant 0 : i32
    %dma_wait3A_237 = arith.constant 0 : i32
    %dma_wait3A_238 = tpu.memref_slice %arg11[%dma_wait3A_236, %dma_wait3A_237] : memref<10240x16xf32, #tpu.memory_space<vmem_shared>> -> memref<10240x16xf32, #tpu.memory_space<vmem_shared>>
    %dma_wait3A_239 = tpu.memref_slice %arg13[%dma_wait3A_228] : memref<10x!tpu.dma_semaphore, #tpu.memory_space<semaphore_mem>> -> memref<1x!tpu.dma_semaphore, #tpu.memory_space<semaphore_mem>>
    %dma_wait3A_240 = tpu.memref_squeeze %dma_wait3A_239 : memref<1x!tpu.dma_semaphore, #tpu.memory_space<semaphore_mem>> -> memref<!tpu.dma_semaphore, #tpu.memory_space<semaphore_mem>>
    tpu.wait_indirect_dma semaphore(%dma_wait3A_240 : memref<!tpu.dma_semaphore, #tpu.memory_space<semaphore_mem>>) src(%dma_wait3A_232 : memref<128x16xf32, #tpu.memory_space<vmem>>) dst(%dma_wait3A_238 : memref<10240x16xf32, #tpu.memory_space<vmem_shared>>)
    %dma_wait3A_241 = arith.constant 6 : i32
    %dma_wait3A_242 = arith.constant 0 : i32
    %dma_wait3A_243 = arith.constant 6 : i32
    %dma_wait3A_244 = arith.constant 0 : i32
    %dma_wait3A_245 = arith.constant 0 : i32
    %dma_wait3A_246 = tpu.memref_slice %arg9[%dma_wait3A_241, %dma_wait3A_244, %dma_wait3A_245] : memref<10x128x16xf32, #tpu.memory_space<vmem>> -> memref<1x128x16xf32, #tpu.memory_space<vmem>>
    %dma_wait3A_247 = tpu.memref_squeeze %dma_wait3A_246 : memref<1x128x16xf32, #tpu.memory_space<vmem>> -> memref<128x16xf32, #tpu.memory_space<vmem>>
    %dma_wait3A_248 = arith.constant 0 : i32
    %dma_wait3A_249 = tpu.memref_slice %arg8[%dma_wait3A_242, %dma_wait3A_248] : memref<80x128xi32, #tpu.memory_space<vmem>> -> memref<1x128xi32, #tpu.memory_space<vmem>>
    %dma_wait3A_250 = tpu.memref_squeeze %dma_wait3A_249 : memref<1x128xi32, #tpu.memory_space<vmem>> -> memref<128xi32, #tpu.memory_space<vmem>>
    %dma_wait3A_251 = arith.constant 0 : i32
    %dma_wait3A_252 = arith.constant 0 : i32
    %dma_wait3A_253 = tpu.memref_slice %arg11[%dma_wait3A_251, %dma_wait3A_252] : memref<10240x16xf32, #tpu.memory_space<vmem_shared>> -> memref<10240x16xf32, #tpu.memory_space<vmem_shared>>
    %dma_wait3A_254 = tpu.memref_slice %arg13[%dma_wait3A_243] : memref<10x!tpu.dma_semaphore, #tpu.memory_space<semaphore_mem>> -> memref<1x!tpu.dma_semaphore, #tpu.memory_space<semaphore_mem>>
    %dma_wait3A_255 = tpu.memref_squeeze %dma_wait3A_254 : memref<1x!tpu.dma_semaphore, #tpu.memory_space<semaphore_mem>> -> memref<!tpu.dma_semaphore, #tpu.memory_space<semaphore_mem>>
    tpu.wait_indirect_dma semaphore(%dma_wait3A_255 : memref<!tpu.dma_semaphore, #tpu.memory_space<semaphore_mem>>) src(%dma_wait3A_247 : memref<128x16xf32, #tpu.memory_space<vmem>>) dst(%dma_wait3A_253 : memref<10240x16xf32, #tpu.memory_space<vmem_shared>>)
    %dma_wait3A_256 = arith.constant 7 : i32
    %dma_wait3A_257 = arith.constant 0 : i32
    %dma_wait3A_258 = arith.constant 7 : i32
    %dma_wait3A_259 = arith.constant 0 : i32
    %dma_wait3A_260 = arith.constant 0 : i32
    %dma_wait3A_261 = tpu.memref_slice %arg9[%dma_wait3A_256, %dma_wait3A_259, %dma_wait3A_260] : memref<10x128x16xf32, #tpu.memory_space<vmem>> -> memref<1x128x16xf32, #tpu.memory_space<vmem>>
    %dma_wait3A_262 = tpu.memref_squeeze %dma_wait3A_261 : memref<1x128x16xf32, #tpu.memory_space<vmem>> -> memref<128x16xf32, #tpu.memory_space<vmem>>
    %dma_wait3A_263 = arith.constant 0 : i32
    %dma_wait3A_264 = tpu.memref_slice %arg8[%dma_wait3A_257, %dma_wait3A_263] : memref<80x128xi32, #tpu.memory_space<vmem>> -> memref<1x128xi32, #tpu.memory_space<vmem>>
    %dma_wait3A_265 = tpu.memref_squeeze %dma_wait3A_264 : memref<1x128xi32, #tpu.memory_space<vmem>> -> memref<128xi32, #tpu.memory_space<vmem>>
    %dma_wait3A_266 = arith.constant 0 : i32
    %dma_wait3A_267 = arith.constant 0 : i32
    %dma_wait3A_268 = tpu.memref_slice %arg11[%dma_wait3A_266, %dma_wait3A_267] : memref<10240x16xf32, #tpu.memory_space<vmem_shared>> -> memref<10240x16xf32, #tpu.memory_space<vmem_shared>>
    %dma_wait3A_269 = tpu.memref_slice %arg13[%dma_wait3A_258] : memref<10x!tpu.dma_semaphore, #tpu.memory_space<semaphore_mem>> -> memref<1x!tpu.dma_semaphore, #tpu.memory_space<semaphore_mem>>
    %dma_wait3A_270 = tpu.memref_squeeze %dma_wait3A_269 : memref<1x!tpu.dma_semaphore, #tpu.memory_space<semaphore_mem>> -> memref<!tpu.dma_semaphore, #tpu.memory_space<semaphore_mem>>
    tpu.wait_indirect_dma semaphore(%dma_wait3A_270 : memref<!tpu.dma_semaphore, #tpu.memory_space<semaphore_mem>>) src(%dma_wait3A_262 : memref<128x16xf32, #tpu.memory_space<vmem>>) dst(%dma_wait3A_268 : memref<10240x16xf32, #tpu.memory_space<vmem_shared>>)
    %dma_wait3A_271 = arith.constant 8 : i32
    %dma_wait3A_272 = arith.constant 0 : i32
    %dma_wait3A_273 = arith.constant 8 : i32
    %dma_wait3A_274 = arith.constant 0 : i32
    %dma_wait3A_275 = arith.constant 0 : i32
    %dma_wait3A_276 = tpu.memref_slice %arg9[%dma_wait3A_271, %dma_wait3A_274, %dma_wait3A_275] : memref<10x128x16xf32, #tpu.memory_space<vmem>> -> memref<1x128x16xf32, #tpu.memory_space<vmem>>
    %dma_wait3A_277 = tpu.memref_squeeze %dma_wait3A_276 : memref<1x128x16xf32, #tpu.memory_space<vmem>> -> memref<128x16xf32, #tpu.memory_space<vmem>>
    %dma_wait3A_278 = arith.constant 0 : i32
    %dma_wait3A_279 = tpu.memref_slice %arg8[%dma_wait3A_272, %dma_wait3A_278] : memref<80x128xi32, #tpu.memory_space<vmem>> -> memref<1x128xi32, #tpu.memory_space<vmem>>
    %dma_wait3A_280 = tpu.memref_squeeze %dma_wait3A_279 : memref<1x128xi32, #tpu.memory_space<vmem>> -> memref<128xi32, #tpu.memory_space<vmem>>
    %dma_wait3A_281 = arith.constant 0 : i32
    %dma_wait3A_282 = arith.constant 0 : i32
    %dma_wait3A_283 = tpu.memref_slice %arg11[%dma_wait3A_281, %dma_wait3A_282] : memref<10240x16xf32, #tpu.memory_space<vmem_shared>> -> memref<10240x16xf32, #tpu.memory_space<vmem_shared>>
    %dma_wait3A_284 = tpu.memref_slice %arg13[%dma_wait3A_273] : memref<10x!tpu.dma_semaphore, #tpu.memory_space<semaphore_mem>> -> memref<1x!tpu.dma_semaphore, #tpu.memory_space<semaphore_mem>>
    %dma_wait3A_285 = tpu.memref_squeeze %dma_wait3A_284 : memref<1x!tpu.dma_semaphore, #tpu.memory_space<semaphore_mem>> -> memref<!tpu.dma_semaphore, #tpu.memory_space<semaphore_mem>>
    tpu.wait_indirect_dma semaphore(%dma_wait3A_285 : memref<!tpu.dma_semaphore, #tpu.memory_space<semaphore_mem>>) src(%dma_wait3A_277 : memref<128x16xf32, #tpu.memory_space<vmem>>) dst(%dma_wait3A_283 : memref<10240x16xf32, #tpu.memory_space<vmem_shared>>)
    %dma_wait3A_286 = arith.constant 9 : i32
    %dma_wait3A_287 = arith.constant 0 : i32
    %dma_wait3A_288 = arith.constant 9 : i32
    %dma_wait3A_289 = arith.constant 0 : i32
    %dma_wait3A_290 = arith.constant 0 : i32
    %dma_wait3A_291 = tpu.memref_slice %arg9[%dma_wait3A_286, %dma_wait3A_289, %dma_wait3A_290] : memref<10x128x16xf32, #tpu.memory_space<vmem>> -> memref<1x128x16xf32, #tpu.memory_space<vmem>>
    %dma_wait3A_292 = tpu.memref_squeeze %dma_wait3A_291 : memref<1x128x16xf32, #tpu.memory_space<vmem>> -> memref<128x16xf32, #tpu.memory_space<vmem>>
    %dma_wait3A_293 = arith.constant 0 : i32
    %dma_wait3A_294 = tpu.memref_slice %arg8[%dma_wait3A_287, %dma_wait3A_293] : memref<80x128xi32, #tpu.memory_space<vmem>> -> memref<1x128xi32, #tpu.memory_space<vmem>>
    %dma_wait3A_295 = tpu.memref_squeeze %dma_wait3A_294 : memref<1x128xi32, #tpu.memory_space<vmem>> -> memref<128xi32, #tpu.memory_space<vmem>>
    %dma_wait3A_296 = arith.constant 0 : i32
    %dma_wait3A_297 = arith.constant 0 : i32
    %dma_wait3A_298 = tpu.memref_slice %arg11[%dma_wait3A_296, %dma_wait3A_297] : memref<10240x16xf32, #tpu.memory_space<vmem_shared>> -> memref<10240x16xf32, #tpu.memory_space<vmem_shared>>
    %dma_wait3A_299 = tpu.memref_slice %arg13[%dma_wait3A_288] : memref<10x!tpu.dma_semaphore, #tpu.memory_space<semaphore_mem>> -> memref<1x!tpu.dma_semaphore, #tpu.memory_space<semaphore_mem>>
    %dma_wait3A_300 = tpu.memref_squeeze %dma_wait3A_299 : memref<1x!tpu.dma_semaphore, #tpu.memory_space<semaphore_mem>> -> memref<!tpu.dma_semaphore, #tpu.memory_space<semaphore_mem>>
    tpu.wait_indirect_dma semaphore(%dma_wait3A_300 : memref<!tpu.dma_semaphore, #tpu.memory_space<semaphore_mem>>) src(%dma_wait3A_292 : memref<128x16xf32, #tpu.memory_space<vmem>>) dst(%dma_wait3A_298 : memref<10240x16xf32, #tpu.memory_space<vmem_shared>>)
    %barrier3A_301 = arith.constant 0 : index
    tpu.barrier barrier_id(%barrier3A_301)
    "tpu.region"() ({
      %run_scoped3A = tpu.sem_alloc : memref<!tpu.dma_semaphore, #tpu.memory_space<semaphore_mem>>
      %dma_start3A_302 = arith.constant 0 : i32
      %dma_start3A_303 = arith.constant 0 : i32
      %dma_start3A_304 = tpu.memref_slice %arg6[%arg0, %dma_start3A_302, %dma_start3A_303] : memref<2x10240x16xf32, #tpu.memory_space<hbm>> -> memref<1x10240x16xf32, #tpu.memory_space<hbm>>
      %dma_start3A_305 = tpu.memref_squeeze %dma_start3A_304 : memref<1x10240x16xf32, #tpu.memory_space<hbm>> -> memref<10240x16xf32, #tpu.memory_space<hbm>>
      %dma_start3A_306 = arith.constant 0 : i32
      %dma_start3A_307 = tpu.memref_slice %dma_start3A_305[%mul3A_2, %dma_start3A_306] : memref<10240x16xf32, #tpu.memory_space<hbm>> -> memref<640x16xf32, #tpu.memory_space<hbm>>
      %dma_start3A_308 = arith.constant 0 : i32
      %dma_start3A_309 = tpu.memref_slice %arg11[%mul3A_2, %dma_start3A_308] : memref<10240x16xf32, #tpu.memory_space<vmem_shared>> -> memref<640x16xf32, #tpu.memory_space<vmem_shared>>
      tpu.enqueue_dma source(%dma_start3A_309 : memref<640x16xf32, #tpu.memory_space<vmem_shared>>) target(%dma_start3A_307 : memref<640x16xf32, #tpu.memory_space<hbm>>) target_semaphore(%run_scoped3A : memref<!tpu.dma_semaphore, #tpu.memory_space<semaphore_mem>>)
      %dma_wait3A_310 = arith.constant 0 : i32
      %dma_wait3A_311 = arith.constant 0 : i32
      %dma_wait3A_312 = tpu.memref_slice %arg6[%arg0, %dma_wait3A_310, %dma_wait3A_311] : memref<2x10240x16xf32, #tpu.memory_space<hbm>> -> memref<1x10240x16xf32, #tpu.memory_space<hbm>>
      %dma_wait3A_313 = tpu.memref_squeeze %dma_wait3A_312 : memref<1x10240x16xf32, #tpu.memory_space<hbm>> -> memref<10240x16xf32, #tpu.memory_space<hbm>>
      %dma_wait3A_314 = arith.constant 0 : i32
      %dma_wait3A_315 = tpu.memref_slice %dma_wait3A_313[%mul3A_2, %dma_wait3A_314] : memref<10240x16xf32, #tpu.memory_space<hbm>> -> memref<640x16xf32, #tpu.memory_space<hbm>>
      %dma_wait3A_316 = arith.constant 0 : i32
      %dma_wait3A_317 = tpu.memref_slice %arg11[%mul3A_2, %dma_wait3A_316] : memref<10240x16xf32, #tpu.memory_space<vmem_shared>> -> memref<640x16xf32, #tpu.memory_space<vmem_shared>>
      tpu.wait_dma2 semaphore(%run_scoped3A : memref<!tpu.dma_semaphore, #tpu.memory_space<semaphore_mem>>) src(%dma_wait3A_317 : memref<640x16xf32, #tpu.memory_space<vmem_shared>>) dst(%dma_wait3A_315 : memref<640x16xf32, #tpu.memory_space<hbm>>)
      tpu.yield
    }) : () -> ()
    return
  }
}

module attributes {stable_mosaic.version = 14 : i64} {
  func.func @_scale_body(%arg0: i32, %arg1: memref<1024x1xf32, #tpu.memory_space<vmem>>, %arg2: memref<1024x1xf32, #tpu.memory_space<vmem>>, %arg3: memref<1024x128xf32, #tpu.memory_space<vmem>>, %arg4: memref<128x16xf32, #tpu.memory_space<vmem>>, %arg5: memref<1024x16xf32, #tpu.memory_space<vmem>>, %arg6: memref<1024x1xf32, #tpu.memory_space<vmem>>) attributes {dimension_semantics = [#tpu.dimension_semantics<arbitrary>], iteration_bounds = array<i64: 10>, scalar_prefetch = 0 : i64, scratch_operands = 0 : i64, tpu.core_type = #tpu.core_type<tc>, window_params = [{transform_indices = @transform_0, window_bounds = array<i64: 1024, 1>}, {transform_indices = @transform_1, window_bounds = array<i64: 1024, 1>}, {transform_indices = @transform_2, window_bounds = array<i64: 1024, 128>}, {pipeline_mode = #tpu.pipeline_mode<synchronous>, transform_indices = @transform_3, window_bounds = array<i64: 128, 16>}, {transform_indices = @transform_4, window_bounds = array<i64: 1024, 16>}, {transform_indices = @transform_5, window_bounds = array<i64: 1024, 1>}]} {
    %get3A = arith.constant 0 : index
    %get3A_0 = arith.constant 0 : index
    %get3A_1 = vector.load %arg1[%get3A, %get3A_0] : memref<1024x1xf32, #tpu.memory_space<vmem>>, vector<1024x1xf32>
    %get3A_2 = arith.constant 0 : index
    %get3A_3 = arith.constant 0 : index
    %get3A_4 = vector.load %arg2[%get3A_2, %get3A_3] : memref<1024x1xf32, #tpu.memory_space<vmem>>, vector<1024x1xf32>
    %add3A = arith.addf %get3A_1, %get3A_4 : vector<1024x1xf32>
    %add3A_5 = arith.constant 1.000000e+00 : f32
    %add3A_6 = vector.broadcast %add3A_5 : f32 to vector<1024x1xf32>
    %add3A_7 = arith.addf %add3A, %add3A_6 : vector<1024x1xf32>
    %rsqrt3A = math.rsqrt %add3A_7 : vector<1024x1xf32>
    %swap3A = arith.constant 0 : index
    %swap3A_8 = arith.constant 0 : index
    %swap3A_9 = vector.load %arg6[%swap3A, %swap3A_8] : memref<1024x1xf32, #tpu.memory_space<vmem>>, vector<1024x1xf32>
    tpu.vector_store %arg6[%swap3A, %swap3A_8], %rsqrt3A {strides = array<i32>} : memref<1024x1xf32, #tpu.memory_space<vmem>>, vector<1024x1xf32>,
    %get3A_10 = arith.constant 0 : index
    %get3A_11 = arith.constant 0 : index
    %get3A_12 = vector.load %arg3[%get3A_10, %get3A_11] : memref<1024x128xf32, #tpu.memory_space<vmem>>, vector<1024x128xf32>
    %get3A_13 = arith.constant 0 : index
    %get3A_14 = arith.constant 0 : index
    %get3A_15 = vector.load %arg4[%get3A_13, %get3A_14] : memref<128x16xf32, #tpu.memory_space<vmem>>, vector<128x16xf32>
    %dot_general3A = arith.constant dense<0.000000e+00> : vector<1024x16xf32>
    %dot_general3A_16 = tpu.matmul %get3A_12, %get3A_15, %dot_general3A {dimension_numbers = #tpu.dot_dimension_numbers<[1], [0], [0], [1], [0, 0, 1, 1], [], []>, transpose_lhs_hint = false} : vector<1024x128xf32>, vector<128x16xf32>, vector<1024x16xf32> -> vector<1024x16xf32>
    %mul3A = vector.broadcast %rsqrt3A : vector<1024x1xf32> to vector<1024x16xf32>
    %mul3A_17 = arith.mulf %dot_general3A_16, %mul3A : vector<1024x16xf32>
    %swap3A_18 = arith.constant 0 : index
    %swap3A_19 = arith.constant 0 : index
    %swap3A_20 = vector.load %arg5[%swap3A_18, %swap3A_19] : memref<1024x16xf32, #tpu.memory_space<vmem>>, vector<1024x16xf32>
    tpu.vector_store %arg5[%swap3A_18, %swap3A_19], %mul3A_17 {strides = array<i32>} : memref<1024x16xf32, #tpu.memory_space<vmem>>, vector<1024x16xf32>,
    return
  }
  func.func @transform_0(%arg0: i32) -> (i32, i32) {
    %c0_i32 = arith.constant 0 : i32
    %c0_i32_0 = arith.constant 0 : i32
    return %arg0, %c0_i32 : i32, i32
  }
  func.func @transform_1(%arg0: i32) -> (i32, i32) {
    %c0_i32 = arith.constant 0 : i32
    %c0_i32_0 = arith.constant 0 : i32
    return %arg0, %c0_i32 : i32, i32
  }
  func.func @transform_2(%arg0: i32) -> (i32, i32) {
    %c0_i32 = arith.constant 0 : i32
    %c0_i32_0 = arith.constant 0 : i32
    return %arg0, %c0_i32 : i32, i32
  }
  func.func @transform_3(%arg0: i32) -> (i32, i32) {
    %c0_i32 = arith.constant 0 : i32
    %c0_i32_0 = arith.constant 0 : i32
    %c0_i32_1 = arith.constant 0 : i32
    return %c0_i32, %c0_i32_0 : i32, i32
  }
  func.func @transform_4(%arg0: i32) -> (i32, i32) {
    %c0_i32 = arith.constant 0 : i32
    %c0_i32_0 = arith.constant 0 : i32
    return %arg0, %c0_i32 : i32, i32
  }
  func.func @transform_5(%arg0: i32) -> (i32, i32) {
    %c0_i32 = arith.constant 0 : i32
    %c0_i32_0 = arith.constant 0 : i32
    return %arg0, %c0_i32 : i32, i32
  }
}

module attributes {stable_mosaic.version = 14 : i64} {
  func.func @_mid_body(%arg0: i32, %arg1: memref<1024x16xf32, #tpu.memory_space<vmem>>, %arg2: memref<1024x16xf32, #tpu.memory_space<vmem>>, %arg3: memref<1024x1xf32, #tpu.memory_space<vmem>>, %arg4: memref<1x16xf32, #tpu.memory_space<vmem>>, %arg5: memref<16x40xf32, #tpu.memory_space<vmem>>, %arg6: memref<1024x40xf32, #tpu.memory_space<vmem>>) attributes {dimension_semantics = [#tpu.dimension_semantics<arbitrary>], iteration_bounds = array<i64: 10>, scalar_prefetch = 0 : i64, scratch_operands = 0 : i64, tpu.core_type = #tpu.core_type<tc>, window_params = [{transform_indices = @transform_0, window_bounds = array<i64: 1024, 16>}, {transform_indices = @transform_1, window_bounds = array<i64: 1024, 16>}, {transform_indices = @transform_2, window_bounds = array<i64: 1024, 1>}, {pipeline_mode = #tpu.pipeline_mode<synchronous>, transform_indices = @transform_3, window_bounds = array<i64: 1, 16>}, {pipeline_mode = #tpu.pipeline_mode<synchronous>, transform_indices = @transform_4, window_bounds = array<i64: 16, 40>}, {transform_indices = @transform_5, window_bounds = array<i64: 1024, 40>}]} {
    %get3A = arith.constant 0 : index
    %get3A_0 = arith.constant 0 : index
    %get3A_1 = vector.load %arg3[%get3A, %get3A_0] : memref<1024x1xf32, #tpu.memory_space<vmem>>, vector<1024x1xf32>
    %get3A_2 = arith.constant 0 : index
    %get3A_3 = arith.constant 0 : index
    %get3A_4 = vector.load %arg1[%get3A_2, %get3A_3] : memref<1024x16xf32, #tpu.memory_space<vmem>>, vector<1024x16xf32>
    %get3A_5 = arith.constant 0 : index
    %get3A_6 = arith.constant 0 : index
    %get3A_7 = vector.load %arg2[%get3A_5, %get3A_6] : memref<1024x16xf32, #tpu.memory_space<vmem>>, vector<1024x16xf32>
    %add3A = arith.addf %get3A_4, %get3A_7 : vector<1024x16xf32>
    %mul3A = vector.broadcast %get3A_1 : vector<1024x1xf32> to vector<1024x16xf32>
    %mul3A_8 = arith.mulf %add3A, %mul3A : vector<1024x16xf32>
    %get3A_9 = arith.constant 0 : index
    %get3A_10 = arith.constant 0 : index
    %get3A_11 = vector.load %arg4[%get3A_9, %get3A_10] : memref<1x16xf32, #tpu.memory_space<vmem>>, vector<1x16xf32>
    %add3A_12 = vector.broadcast %get3A_11 : vector<1x16xf32> to vector<1024x16xf32>
    %add3A_13 = arith.addf %mul3A_8, %add3A_12 : vector<1024x16xf32>
    %max3A = arith.constant 0.000000e+00 : f32
    %max3A_14 = vector.broadcast %max3A : f32 to vector<1024x16xf32>
    %max3A_15 = arith.maximumf %add3A_13, %max3A_14 : vector<1024x16xf32>
    %get3A_16 = arith.constant 0 : index
    %get3A_17 = arith.constant 0 : index
    %get3A_18 = vector.load %arg5[%get3A_16, %get3A_17] : memref<16x40xf32, #tpu.memory_space<vmem>>, vector<16x40xf32>
    %dot_general3A = arith.constant dense<0.000000e+00> : vector<1024x40xf32>
    %dot_general3A_19 = tpu.matmul %max3A_15, %get3A_18, %dot_general3A {dimension_numbers = #tpu.dot_dimension_numbers<[1], [0], [0], [1], [0, 0, 1, 1], [], []>, transpose_lhs_hint = false} : vector<1024x16xf32>, vector<16x40xf32>, vector<1024x40xf32> -> vector<1024x40xf32>
    %mul3A_20 = vector.broadcast %get3A_1 : vector<1024x1xf32> to vector<1024x40xf32>
    %mul3A_21 = arith.mulf %dot_general3A_19, %mul3A_20 : vector<1024x40xf32>
    %swap3A = arith.constant 0 : index
    %swap3A_22 = arith.constant 0 : index
    %swap3A_23 = vector.load %arg6[%swap3A, %swap3A_22] : memref<1024x40xf32, #tpu.memory_space<vmem>>, vector<1024x40xf32>
    tpu.vector_store %arg6[%swap3A, %swap3A_22], %mul3A_21 {strides = array<i32>} : memref<1024x40xf32, #tpu.memory_space<vmem>>, vector<1024x40xf32>,
    return
  }
  func.func @transform_0(%arg0: i32) -> (i32, i32) {
    %c0_i32 = arith.constant 0 : i32
    %c0_i32_0 = arith.constant 0 : i32
    return %arg0, %c0_i32 : i32, i32
  }
  func.func @transform_1(%arg0: i32) -> (i32, i32) {
    %c0_i32 = arith.constant 0 : i32
    %c0_i32_0 = arith.constant 0 : i32
    return %arg0, %c0_i32 : i32, i32
  }
  func.func @transform_2(%arg0: i32) -> (i32, i32) {
    %c0_i32 = arith.constant 0 : i32
    %c0_i32_0 = arith.constant 0 : i32
    return %arg0, %c0_i32 : i32, i32
  }
  func.func @transform_3(%arg0: i32) -> (i32, i32) {
    %c0_i32 = arith.constant 0 : i32
    %c0_i32_0 = arith.constant 0 : i32
    %c0_i32_1 = arith.constant 0 : i32
    return %c0_i32, %c0_i32_0 : i32, i32
  }
  func.func @transform_4(%arg0: i32) -> (i32, i32) {
    %c0_i32 = arith.constant 0 : i32
    %c0_i32_0 = arith.constant 0 : i32
    %c0_i32_1 = arith.constant 0 : i32
    return %c0_i32, %c0_i32_0 : i32, i32
  }
  func.func @transform_5(%arg0: i32) -> (i32, i32) {
    %c0_i32 = arith.constant 0 : i32
    %c0_i32_0 = arith.constant 0 : i32
    return %arg0, %c0_i32 : i32, i32
  }
}

module attributes {stable_mosaic.version = 14 : i64} {
  func.func @_fin_body(%arg0: i32, %arg1: memref<1000x40xf32, #tpu.memory_space<vmem>>, %arg2: memref<1000x40xf32, #tpu.memory_space<vmem>>, %arg3: memref<1000x1xf32, #tpu.memory_space<vmem>>, %arg4: memref<1x40xf32, #tpu.memory_space<vmem>>, %arg5: memref<1000x40xf32, #tpu.memory_space<vmem>>) attributes {dimension_semantics = [#tpu.dimension_semantics<arbitrary>], iteration_bounds = array<i64: 10>, scalar_prefetch = 0 : i64, scratch_operands = 0 : i64, tpu.core_type = #tpu.core_type<tc>, window_params = [{transform_indices = @transform_0, window_bounds = array<i64: 1000, 40>}, {transform_indices = @transform_1, window_bounds = array<i64: 1000, 40>}, {transform_indices = @transform_2, window_bounds = array<i64: 1000, 1>}, {pipeline_mode = #tpu.pipeline_mode<synchronous>, transform_indices = @transform_3, window_bounds = array<i64: 1, 40>}, {transform_indices = @transform_4, window_bounds = array<i64: 1000, 40>}]} {
    %get3A = arith.constant 0 : index
    %get3A_0 = arith.constant 0 : index
    %get3A_1 = vector.load %arg1[%get3A, %get3A_0] : memref<1000x40xf32, #tpu.memory_space<vmem>>, vector<1000x40xf32>
    %get3A_2 = arith.constant 0 : index
    %get3A_3 = arith.constant 0 : index
    %get3A_4 = vector.load %arg2[%get3A_2, %get3A_3] : memref<1000x40xf32, #tpu.memory_space<vmem>>, vector<1000x40xf32>
    %add3A = arith.addf %get3A_1, %get3A_4 : vector<1000x40xf32>
    %get3A_5 = arith.constant 0 : index
    %get3A_6 = arith.constant 0 : index
    %get3A_7 = vector.load %arg3[%get3A_5, %get3A_6] : memref<1000x1xf32, #tpu.memory_space<vmem>>, vector<1000x1xf32>
    %mul3A = vector.broadcast %get3A_7 : vector<1000x1xf32> to vector<1000x40xf32>
    %mul3A_8 = arith.mulf %add3A, %mul3A : vector<1000x40xf32>
    %get3A_9 = arith.constant 0 : index
    %get3A_10 = arith.constant 0 : index
    %get3A_11 = vector.load %arg4[%get3A_9, %get3A_10] : memref<1x40xf32, #tpu.memory_space<vmem>>, vector<1x40xf32>
    %add3A_12 = vector.broadcast %get3A_11 : vector<1x40xf32> to vector<1000x40xf32>
    %add3A_13 = arith.addf %mul3A_8, %add3A_12 : vector<1000x40xf32>
    %reduce_max3A = arith.constant dense<0xFF800000> : vector<1000xf32>
    %reduce_max3A_14 = vector.multi_reduction <maximumf>, %add3A_13, %reduce_max3A [1] : vector<1000x40xf32> to vector<1000xf32>
    %broadcast_in_dim3A = vector.shape_cast %reduce_max3A_14 : vector<1000xf32> to vector<1000x1xf32>
    %sub3A = vector.broadcast %broadcast_in_dim3A : vector<1000x1xf32> to vector<1000x40xf32>
    %sub3A_15 = arith.subf %add3A_13, %sub3A : vector<1000x40xf32>
    %exp3A = math.exp %sub3A_15 : vector<1000x40xf32>
    %reduce_sum3A = arith.constant dense<0.000000e+00> : vector<1000xf32>
    %reduce_sum3A_16 = vector.multi_reduction <add>, %exp3A, %reduce_sum3A [1] : vector<1000x40xf32> to vector<1000xf32>
    %broadcast_in_dim3A_17 = vector.shape_cast %reduce_sum3A_16 : vector<1000xf32> to vector<1000x1xf32>
    %log3A = math.log %broadcast_in_dim3A_17 : vector<1000x1xf32>
    %sub3A_18 = vector.broadcast %broadcast_in_dim3A : vector<1000x1xf32> to vector<1000x40xf32>
    %sub3A_19 = arith.subf %add3A_13, %sub3A_18 : vector<1000x40xf32>
    %sub3A_20 = vector.broadcast %log3A : vector<1000x1xf32> to vector<1000x40xf32>
    %sub3A_21 = arith.subf %sub3A_19, %sub3A_20 : vector<1000x40xf32>
    %swap3A = arith.constant 0 : index
    %swap3A_22 = arith.constant 0 : index
    %swap3A_23 = vector.load %arg5[%swap3A, %swap3A_22] : memref<1000x40xf32, #tpu.memory_space<vmem>>, vector<1000x40xf32>
    tpu.vector_store %arg5[%swap3A, %swap3A_22], %sub3A_21 {strides = array<i32>} : memref<1000x40xf32, #tpu.memory_space<vmem>>, vector<1000x40xf32>,
    return
  }
  func.func @transform_0(%arg0: i32) -> (i32, i32) {
    %c0_i32 = arith.constant 0 : i32
    %c0_i32_0 = arith.constant 0 : i32
    return %arg0, %c0_i32 : i32, i32
  }
  func.func @transform_1(%arg0: i32) -> (i32, i32) {
    %c0_i32 = arith.constant 0 : i32
    %c0_i32_0 = arith.constant 0 : i32
    return %arg0, %c0_i32 : i32, i32
  }
  func.func @transform_2(%arg0: i32) -> (i32, i32) {
    %c0_i32 = arith.constant 0 : i32
    %c0_i32_0 = arith.constant 0 : i32
    return %arg0, %c0_i32 : i32, i32
  }
  func.func @transform_3(%arg0: i32) -> (i32, i32) {
    %c0_i32 = arith.constant 0 : i32
    %c0_i32_0 = arith.constant 0 : i32
    %c0_i32_1 = arith.constant 0 : i32
    return %c0_i32, %c0_i32_0 : i32, i32
  }
  func.func @transform_4(%arg0: i32) -> (i32, i32) {
    %c0_i32 = arith.constant 0 : i32
    %c0_i32_0 = arith.constant 0 : i32
    return %arg0, %c0_i32 : i32, i32
  }
}

</mosaic_0001>

<sc_bundles>
// kernel: kernel.11.cloned.1.call-start
scs
__scs_entry_jumppad:
0x0: {  	(pc) =	sbr.rel $0x88, $3  }
0x1: {  	(tag) =	ssettag $0x0;
	lr =	simm.s32 $0x1  }
0x2: {  	[smem:$0x3F9B] =	sst lr;
	_ =	strace $0xD0000000  }
0x3: {  	_ = 	snop  }
0x4: {  	_ = 	snop  }
0x5: {  	_ = 	snop  }
0x6: {  	_ = 	snop  }
0x7: {  	_ = 	snop  }
__scs_overlays_trampoline_lowered:
0x8: {  	[smem:$0x3FAA] =	sst s0  }
0x9: {  	[smem:$0x3FAB] =	sst s1  }
0xa: {  	[smem:$0x3FAC] =	sst s2  }
0xb: {  	[smem:$0x3FAD] =	sst s3  }
0xc: {  	[smem:$0x3FAE] =	sst s4  }
0xd: {  	[smem:$0x3FAF] =	sst s5  }
0xe: {  	[smem:$0x3FB0] =	sst s6  }
0xf: {  	[smem:$0x3FB1] =	sst s7  }
0x10: {  	[smem:$0x3FB2] =	sst s8  }
0x11: {  	[smem:$0x3FB3] =	sst s9;
	s0 =	simm.s32 @!p0 $0x0  }
0x12: {  	s1 =	sld [smem:$0x3F99];
	s0 =	simm.s32 @p0 $0x1  }
0x13: {  	[smem:$0x3FB4] =	sst s0;
	s0 =	simm.s32 @!p1 $0x0  }
0x14: {  	s2 =	sld [smem:$0x3F98];
	s0 =	simm.s32 @p1 $0x1  }
0x15: {  	[smem:$0x3FB5] =	sst s0;
	s0 =	simm.s32 @!p2 $0x0  }
0x16: {  	s3 =	sld [smem:$0x3FDB];
	s0 =	simm.s32 @p2 $0x1  }
0x17: {  	s4 =	simm.s32 $0x1BF5;
	[smem:$0x3FB7] =	sst s0  }
0x18: {  	s0 =	sld [smem:$0x3F9A];
	_ =	swait.ge [sflag:s4], $0x0  }
0x19: {  	s7 =	sld [smem:$0x3F9B]  }
0x1a: {  	s8 =	sadd.s32 $0xFFFFE003, lr  }
0x1b: {  	s9 =	sadd.s32 $0xFFFFFEF7, lr;
	s5 =	simm.s32 $0xFFFFFFFF;
	p2 =	slt.u32 s8, $0xFFFFF086  }
0x1c: {  	p1 =	slt.u32 s9, $0xF7A;
	s5 =	simm.s32 @!p2 $0x0  }
0x1d: {  	s5 =	simm.s32 @p1 $0x1;
	p0 =	seq.s32 s7, s2  }
0x1e: {  	s7 =	smul.u32 @!p0 $0xF7A, s2;
	p2 =	seq.s32 @!p0 s5, $0x0  }
0x1f: {  	s9 =	smul.u32 $0xF7A, s1;
	s8 =	simm.s32 @!p0 $0x1BF5;
	p2 =	por !p2, p0  }
0x20: {  	[sflag:s8] =	ssyncset.s32 @!p0 $0xFFFFF086;
	s6 =	sadd.s32 @!p0 s3, s7;
	s7 =	simm.s32 @!p0 $0x108  }
0x21: {  	s3 =	sadd.s32 s3, s9;
	s6 =	sadd.s32 @!p0 $0x88, s6;
	s7 =	simm.s32 @p2 $0x1082  }
0x22: {  	[simem:s7], [sflag:s8] =	dma.local @!p0 [hbm:s6], $0xF7A  }
0x23: {  	s9 =	sor.u32 $0xD0000000, s2;
	s6 =	simm.s32 $0x108;
	_ =	swait.ge @!p0 [sflag:s8], $0x0  }
0x24: {  	s3 =	sadd.s32 $0x88, s3;
	s6 =	simm.s32 @!p1 $0x1082;
	[sflag:s4] =	ssyncset.s32 $0xFFFFF086  }
0x25: {  	[simem:s6], [sflag:s4] =	dma.local [hbm:s3], $0xF7A  }
0x26: {  	[smem:$0x3F9B] =	sst s1;
	(tag) =	ssettag s2;
	_ =	strace s9  }
0x27: {  	s1 =	sld [smem:$0x3FAB]  }
0x28: {  	s2 =	sld [smem:$0x3FAC]  }
0x29: {  	s4 =	sld [smem:$0x3FAE]  }
0x2a: {  	p0 =	seq.s32 s5, $0x0;
	s5 =	sld [smem:$0x3FAF]  }
0x2b: {  	s6 =	sld [smem:$0x3FB0]  }
0x2c: {  	s7 =	sld [smem:$0x3FB1]  }
0x2d: {  	s3 =	simm.s32 $0x108;
	s8 =	sld [smem:$0x3FB2]  }
0x2e: {  	s3 =	simm.s32 @!p0 $0x1082;
	s9 =	sld [smem:$0x3FB3]  }
0x2f: {  	lr =	sadd.s32 s0, s3;
	s0 =	sld [smem:$0x3FAA]  }
0x30: {  	s3 =	sld [smem:$0x3FAD]  }
0x31: {  	[smem:$0x3FB6] =	sst s10  }
0x32: {  	s10 =	sld [smem:$0x3FB4];
	_ =	sdelay $0x3  }
0x33: {  	p0 =	seq.s32 s10, $0x1;
	s10 =	sld [smem:$0x3FB6];
	_ =	sdelay $0x3  }
0x34: {  	[smem:$0x3FB6] =	sst s10  }
0x35: {  	s10 =	sld [smem:$0x3FB5];
	_ =	sdelay $0x3  }
0x36: {  	p1 =	seq.s32 s10, $0x1;
	s10 =	sld [smem:$0x3FB6];
	_ =	sdelay $0x3  }
0x37: {  	[smem:$0x3FB6] =	sst s10  }
0x38: {  	s10 =	sld [smem:$0x3FB7]  }
0x39: {  	_ = 	snop;
	(pc) =	sbr.ind lr, $3  }
0x3a: {  	_ = 	snop  }
0x3b: {  	_ = 	snop  }
0x3c: {  	p2 =	seq.s32 s10, $0x1;
	s10 =	sld [smem:$0x3FB6]  }
0x3d: {  	_ =	shalt  }
0x3e: {  	_ =	shalt  }
0x3f: {  	_ =	shalt  }
0x40: {  	_ =	shalt  }
0x41: {  	_ =	shalt  }
0x42: {  	_ =	shalt  }
0x43: {  	_ =	shalt  }
0x44: {  	_ =	shalt  }
0x45: {  	_ =	shalt  }
0x46: {  	_ =	shalt  }
0x47: {  	_ =	shalt  }
0x48: {  	_ =	shalt  }
0x49: {  	_ =	shalt  }
0x4a: {  	_ =	shalt  }
0x4b: {  	_ =	shalt  }
0x4c: {  	_ =	shalt  }
0x4d: {  	_ =	shalt  }
0x4e: {  	_ =	shalt  }
0x4f: {  	_ =	shalt  }
0x50: {  	_ =	shalt  }
0x51: {  	_ =	shalt  }
0x52: {  	_ =	shalt  }
0x53: {  	_ =	shalt  }
0x54: {  	_ =	shalt  }
0x55: {  	_ =	shalt  }
0x56: {  	_ =	shalt  }
0x57: {  	_ =	shalt  }
0x58: {  	_ =	shalt  }
0x59: {  	_ =	shalt  }
0x5a: {  	_ =	shalt  }
0x5b: {  	_ =	shalt  }
0x5c: {  	_ =	shalt  }
0x5d: {  	_ =	shalt  }
0x5e: {  	_ =	shalt  }
0x5f: {  	_ =	shalt  }
0x60: {  	_ =	shalt  }
0x61: {  	_ =	shalt  }
0x62: {  	_ =	shalt  }
0x63: {  	_ =	shalt  }
0x64: {  	_ =	shalt  }
0x65: {  	_ =	shalt  }
0x66: {  	_ =	shalt  }
0x67: {  	_ =	shalt  }
0x68: {  	_ =	shalt  }
0x69: {  	_ =	shalt  }
0x6a: {  	_ =	shalt  }
0x6b: {  	_ =	shalt  }
0x6c: {  	_ =	shalt  }
0x6d: {  	_ =	shalt  }
0x6e: {  	_ =	shalt  }
0x6f: {  	_ =	shalt  }
0x70: {  	_ =	shalt  }
0x71: {  	_ =	shalt  }
0x72: {  	_ =	shalt  }
0x73: {  	_ =	shalt  }
0x74: {  	_ =	shalt  }
0x75: {  	_ =	shalt  }
0x76: {  	_ =	shalt  }
0x77: {  	_ =	shalt  }
0x78: {  	_ =	shalt  }
0x79: {  	_ =	shalt  }
0x7a: {  	_ =	shalt  }
0x7b: {  	_ =	shalt  }
0x7c: {  	_ =	shalt  }
0x7d: {  	_ =	shalt  }
0x7e: {  	_ =	shalt  }
0x7f: {  	_ =	shalt  }
0x80: {  	_ =	shalt  }
0x81: {  	_ =	shalt  }
0x82: {  	_ =	shalt  }
0x83: {  	_ =	shalt  }
0x84: {  	_ =	shalt  }
0x85: {  	_ =	shalt  }
0x86: {  	_ =	shalt  }
0x87: {  	_ =	shalt  }
.Lfunc_end0:
.L_simem_size_0:
called_computation.1_lowered:
.L_overlay_start_0:
0x88: {  	s2 =	sld [smem:$0x3FD9]  }
0x89: {  	s3 =	sld [smem:$0x3FFE];
	_ =	sdelay $0x1  }
0x8a: {  	s1 =	srdreg.scid  }
0x8b: {  	s0 =	sand.u32 $0x1, s1  }
0x8c: {  	s17 =	sshll.u32 s0, $0xA;
	s2 =	sadd.s32 s3, s2  }
0x8d: {  	s2 =	sadd.s32 s2, s17  }
0x8e: {  	[smem:$0x3FC2] =	sst s2  }
0x8f: {  	_ = 	snop  }
0x90: {  	s2 =	sld [smem:$0x3FD0];
	(tm) =	ssettm $0x1  }
0x91: {  	s18 =	sld [smem:$0x3FFB];
	_ =	sdelay $0x3  }
0x92: {  	_ =	strace s18  }
0x93: {  	s3 =	sld [smem:$0x3FFC];
	_ =	sdelay $0x3  }
0x94: {  	_ =	strace s3  }
0x95: {  	s3 =	sld [smem:$0x3FFD];
	_ =	sdelay $0x3  }
0x96: {  	_ =	strace s3  }
0x97: {  	_ =	strace $0x8FFFFFFF  }
0x98: {  	s19 =	sld [smem:$0x3FDB];
	_ =	sdelay $0x1  }
0x99: {  	s4 =	simm.s32 $_scs_section_size  }
0x9a: {  	s5 =	simm.s32 $_size__tile_overlayer_lowered;
	s6 =	simm.s32 $_tile_overlayer_lowered  }
0x9b: {  	s22 =	simm.s32 $0x1BFF;
	s21 =	sshll.u32 s6, $0x1;
	s3 =	sadd.s32 s4, s19  }
0x9c: {  	s7 =	simm.s32 $0x0;
	s20 =	sshll.u32 s5, $0x1;
	s5 =	sadd.s32 s21, s3  }
0x9d: {  	[timem:s7], [sflag:s22] =	dma.local [hbm:s5], s20  }
0x9e: {  	_ =	swait.ge [sflag:s22], s20  }
0x9f: {  	s4 =	ssub.s32 $0x0, s20;
	[sflag:s22] =	ssyncset.done $0x0  }
0xa0: {  	[sflag:s22] =	ssyncadd.s32 s4;
	_ =	sdelay $0x1  }
0xa1: {  	s23 =	simm.s32 $0x1B8B  }
0xa2: {  	_ =	swait.ge [sflag:s23], $0x1  }
0xa3: {  	[sflag:s23] =	ssyncset.done $0x0  }
0xa4: {  	s25 =	simm.s32 $0x1B8E;
	s24 =	sld [smem:$0x3FFE];
	[sflag:s23] =	ssyncadd.s32 $0xFFFFFFFF  }
0xa5: {  	s26 =	simm.s32 $execute0_lowered;
	[smem:$0x3FD2] =	sst s25  }
0xa6: {  	s5 =	sshll.u32 s26, $0x1;
	_ =	strace $0x80000049;
	[dreg:$0x1] =	wrdreg $0xFFFFFFFF  }
0xa7: {  	s28 =	simm.s32 $_size_execute0_lowered;
	s3 =	sadd.s32 s3, s5;
	[dreg:$0x0] =	wrdreg $0x0  }
0xa8: {  	s5 =	sshll.u32 s28, $0x1;
	[dreg:$0x2] =	wrdreg s3  }
0xa9: {  	[dreg:$0x3] =	wrdreg s5  }
0xaa: {  	[dreg:$0x4] =	wrdreg $0xC0  }
0xab: {  	_ =	task [dreg:s7], $0x5FFFF  }
0xac: {  	[dreg:$0x1] =	wrdreg $0xFFFFFFFF  }
0xad: {  	[dreg:$0x0] =	wrdreg $0x60  }
0xae: {  	[dreg:$0x2] =	wrdreg s24  }
0xaf: {  	[dreg:$0x3] =	wrdreg s2  }
0xb0: {  	[dreg:$0x4] =	wrdreg $0xA0000  }
0xb1: {  	[dreg:$0x5] =	wrdreg $0xC8000  }
0xb2: {  	[dreg:$0x6] =	wrdreg $0x9  }
0xb3: {  	_ =	task.clear_ibuf [dreg:s7], $0x7FFFF;
	_ =	strace $0x90000049  }
0xb4: {  	s29 =	simm.s32 $0x9;
	_ =	strace $0x8000004B  }
0xb5: {  	_ =	swait.ge [sflag:s29], $0x1  }
0xb6: {  	[sflag:s29] =	ssyncadd.s32 $0xFFFFFFFF  }
0xb7: {  	_ =	strace $0x9000004B  }
0xb8: {  	_ =	sfence  }
0xb9: {  	s30 =	sld [smem:$0x0];
	_ =	sdelay $0x2  }
0xba: {  	s31 =	sshll.u32 s1, $0xD;
	s1 =	sshrl.u32 s1, $0x2  }
0xbb: {  	s3 =	sand.u32 $0x4000, s31;
	s1 =	sadd.s32 s1, s30  }
0xbc: {  	s0 =	sor.u32 s3, s0;
	s1 =	sshll.u32 s1, $0x11  }
0xbd: {  	s0 =	sor.u32 s1, s0  }
0xbe: {  	s0 =	sadd.s32 $0x8F2B, s0  }
0xbf: {  	[sflag:s0] =	ssyncadd.remote.s32 $0x1  }
0xc0: {  	_ =	sfence.sel $0xFFFF  }
0xc1: {  	[dreg:$0x0] =	wrdreg $0xFFFFFFFF;
	(pc) =	sbr.abs _section_cstart, $3  }
0xc2: {  	[dreg:$0x1] =	wrdreg $0xFFFFFFFF  }
0xc3: {  	_ =	task.clear_ibuf [dreg:s7], $0x2FFFF;
	_ =	strace $0x9FFFFFFF  }
0xc4: {  	(tm) =	ssettm $0x7FFFFFFF  }
0xc5: {  	_ =	shalt  }
tec
execute0_lowered:
.L_overlay_start_1:
0x0: {  	(tag) =	ssettag $0x1  }
0x1: {  	s0 =	rddreg [dreg:$0x0]  }
0x2: {  	s1 =	rddreg [dreg:$0x1];
	s12 =	stileid.u32  }
0x3: {  	s3 =	srdreg.scid;
	s2 =	rddreg [dreg:$0x2];
	s7 =	simm.s32 $0x0  }
0x4: {  	s16 =	simm.s32 $0xE;
	s25 =	simm.s32 $0x7800;
	s26 =	simm.s32 $0x8800  }
0x5: {  	s31 =	simm.s32 $0x1;
	s15 =	simm.s32 $0x3;
	s29 =	simm.s32 $0x9800  }
0x6: {  	s28 =	simm.s32 $0x5000;
	s30 =	simm.s32 $0x5800;
	s4 =	sand.u32 $0x1, s3  }
0x7: {  	s5 =	sshll.u32 s12, $0x1;
	s3 =	rddreg [dreg:$0x3];
	s6 =	smul.u32 $0x2800, s12  }
0x8: {  	[smem:$0x7FF] =	sst s7;
	s12 =	sshll.u32 s12, $0x6;
	s7 =	simm.s32 $0x5  }
0x9: {  	s5 =	sor.u32 s4, s5;
	s8 =	smul.u32 $0x5000, s4;
	_ =	strace $0x8000004A  }
0xa: {  	s10 =	ssub.s32 $0x2, s4;
	s14 =	sor.u32 $0x1C0B, s12;
	[dreg:$0x7] =	wrdreg s12  }
0xb: {  	p0 =	seq.s32 s4, $0x0;
	s24 =	sor.u32 $0x1C0C, s12;
	[dreg:$0x5] =	wrdreg s25  }
0xc: {  	s12 =	simm.s32 $0xB;
	[dreg:$0x6] =	wrdreg s26;
	s26 =	simm.s32 $0x4  }
0xd: {  	s5 =	smul.u32 $0x500, s5;
	s19 =	sshrl.u32 s6, $0x3;
	s20 =	sshrl.u32 s10, $0x1  }
0xe: {  	s21 =	sadd.s32 s6, s2;
	[dreg:$0x9] =	wrdreg s14;
	s6 =	sadd.s32 s6, s3  }
0xf: {  	[dreg:$0xf] =	wrdreg s24;
	s14 =	simm.s32 $0xD;
	s9 =	sadd.s32 s19, s0  }
0x10: {  	s23 =	sshrl.u32 s21, $0x3;
	s11 =	sadd.s32 s5, s0;
	s0 =	sadd.s32 s8, s0  }
0x11: {  	s8 =	ssub.s32 s10, s20;
	s13 =	sadd.s32 $0x1600, s9;
	s9 =	sadd.s32 $0x6600, s9  }
0x12: {  	s1 =	sadd.s32 s1, s5;
	[dreg:$0xe] =	wrdreg s23;
	s20 =	simm.s32 $0x80  }
0x13: {  	s23 =	simm.s32 $0x9000;
	s10 =	simm.s32 $0x9;
	[dreg:$0xc] =	wrdreg s1  }
0x14: {  	s11 =	sadd.s32 $0x2A600, s11;
	s0 =	sadd.s32 $0xB600, s0;
	[dreg:$0x8] =	wrdreg s13  }
0x15: {  	s22 =	smax.u32 s8, $0x1;
	s9 =	smov.u32 @p0 s13;
	[dreg:$0xb] =	wrdreg s11  }
0x16: {  	s8 =	sshrl.u32 s6, $0x3;
	s13 =	simm.s32 $0xC;
	[dreg:$0xd] =	wrdreg s22  }
0x17: {  	s1 =	simm.s32 $0x8000;
	s6 =	simm.s32 $0x0;
	[dreg:$0xa] =	wrdreg s9  }
0x18: {  	s0 =	sadd.s32 s19, s0;
	s9 =	simm.s32 $0x7;
	[dreg:$0x10] =	wrdreg s8  }
0x19: {  	s11 =	simm.s32 $0xA;
	[dreg:$0x11] =	wrdreg s0;
	s0 =	simm.s32 $0x2  }
.LBB2_1:
0x1a: {  	[dreg:$0x12] =	wrdreg s6  }
0x1b: {  	s4 =	rddreg [dreg:$0x8]  }
0x1c: {  	s5 =	rddreg [dreg:$0x9]  }
0x1d: {  	s21 =	rddreg [dreg:$0xe]  }
0x1e: {  	[spmem:s21], [sflag:s5] =	dma.local [hbm:s4], $0x500  }
0x1f: {  	s4 =	rddreg [dreg:$0xa]  }
0x20: {  	s5 =	rddreg [dreg:$0xf]  }
0x21: {  	[spmem:s8], [sflag:s5] =	dma.local [hbm:s4], $0x500  }
0x22: {  	s22 =	simm.s32 $0x0;
	s5 =	rddreg [dreg:$0xb]  }
0x23: {  	[tilespmem:s22], [sflag:$0xD] =	stream.linear.gather [hbm4b:s5+s22], $0x2800, $0x38;
	[tilespmem:$0xF000] =	vst v63  }
0x24: {  	s25 =	simm.s32 $0x2800;
	s24 =	rddreg [dreg:$0xc]  }
0x25: {  	[tilespmem:s25], [sflag:$0xE] =	stream.linear.gather [hbm4b:s24+s22], $0x2800, $0x38;
	[tilespmem:$0xF000] =	vst v63  }
0x26: {  	_ =	swait.ge [sflag:s12], $0x500  }
0x27: {  	[sflag:s12] =	ssyncset.done $0x0  }
0x28: {  	[sflag:s12] =	ssyncadd.s32 $0xFFFFFB00  }
0x29: {  	_ =	swait.ge [sflag:s13], $0x500  }
0x2a: {  	[sflag:s13] =	ssyncset.done $0x0  }
0x2b: {  	[sflag:s13] =	ssyncadd.s32 $0xFFFFFB00  }
0x2c: {  	_ =	swait.ge [sflag:s14], $0x2800  }
0x2d: {  	[sflag:s14] =	ssyncset.done $0x0  }
0x2e: {  	[sflag:s14] =	ssyncadd.s32 $0xFFFFD800  }
0x2f: {  	_ =	swait.ge [sflag:s16], $0x2800  }
0x30: {  	[sflag:s16] =	ssyncset.done $0x0  }
0x31: {  	[sflag:s16] =	ssyncadd.s32 $0xFFFFD800  }
0x32: {  	s8 =	simm.s32 $0x5000;
	[bflag:$0x0] =	sbarrier.arrive $0xFFFF  }
0x33: {  	[tilespmem:s8], [sflag:$0x1] =	stream.indirect.gather [spmem:s2], $0x10, s22, s20, $0xb8;
	[tilespmem:$0xF000] =	vst v63  }
0x34: {  	s16 =	simm.s32 $0x5800  }
0x35: {  	[tilespmem:s16], [sflag:$0x2] =	stream.indirect.gather [spmem:s2], $0x10, s20, s20, $0xb8;
	[tilespmem:$0xF000] =	vst v63  }
0x36: {  	s17 =	simm.s32 $0x100;
	s12 =	simm.s32 $0x6000  }
0x37: {  	[tilespmem:s12], [sflag:$0x3] =	stream.indirect.gather [spmem:s2], $0x10, s17, s20, $0xb8;
	[tilespmem:$0xF000] =	vst v63  }
0x38: {  	s18 =	simm.s32 $0x180;
	p0 =	por $0x1, $0x1;
	s13 =	simm.s32 $0x6800  }
0x39: {  	[tilespmem:s13], [sflag:$0x4] =	stream.indirect.gather [spmem:s2], $0x10, s18, s20, $0xb8;
	[tilespmem:$0xF000] =	vst v63  }
0x3a: {  	s19 =	simm.s32 $0x200;
	s4 =	simm.s32 @!p0 $0x10;
	s14 =	simm.s32 $0x7000  }
0x3b: {  	[tilespmem:s14], [sflag:$0x5] =	stream.indirect.gather [spmem:s2], $0x10, s19, s20, $0xb8;
	[tilespmem:$0xF000] =	vst v63  }
0x3c: {  	_ =	swait.ge @!p0 [sflag:s4], $0x800  }
0x3d: {  	[sflag:s4] =	ssyncset.done @!p0 $0x0  }
0x3e: {  	s22 =	simm.s32 $0x280;
	s21 =	rddreg [dreg:$0x5];
	[sflag:s4] =	ssyncadd.s32 @!p0 $0xFFFFF800  }
0x3f: {  	[tilespmem:s21], [sflag:$0x6] =	stream.indirect.gather [spmem:s2], $0x10, s22, s20, $0xb8;
	[tilespmem:$0xF000] =	vst v63  }
0x40: {  	_ =	swait.ge [sflag:s31], $0x800  }
0x41: {  	[sflag:s31] =	ssyncset.done $0x0  }
0x42: {  	s5 =	simm.s32 @!p0 $0x11;
	s24 =	simm.s32 $0x2800;
	[sflag:s31] =	ssyncadd.s32 $0xFFFFF800  }
0x43: {  	[spmem:s3] =	stream.indirect.scatter.add.f32 [tilespmem:s8], [sflag:$0xB], $0x10, s24, s20, $0xb8;
	[tilespmem:$0xF000] =	vst v63  }
0x44: {  	_ =	swait.ge @!p0 [sflag:s5], $0x800  }
0x45: {  	[sflag:s5] =	ssyncset.done @!p0 $0x0  }
0x46: {  	s25 =	simm.s32 $0x300;
	[sflag:s5] =	ssyncadd.s32 @!p0 $0xFFFFF800  }
0x47: {  	[tilespmem:s1], [sflag:$0x7] =	stream.indirect.gather [spmem:s2], $0x10, s25, s20, $0xb8;
	[tilespmem:$0xF000] =	vst v63  }
0x48: {  	_ =	swait.ge [sflag:s0], $0x800  }
0x49: {  	[sflag:s0] =	ssyncset.done $0x0  }
0x4a: {  	s6 =	simm.s32 $0x2880;
	s5 =	simm.s32 @!p0 $0x12;
	[sflag:s0] =	ssyncadd.s32 $0xFFFFF800  }
0x4b: {  	[spmem:s3] =	stream.indirect.scatter.add.f32 [tilespmem:s16], [sflag:$0xC], $0x10, s6, s20, $0xb8;
	[tilespmem:$0xF000] =	vst v63  }
0x4c: {  	_ =	swait.ge @!p0 [sflag:s5], $0x800  }
0x4d: {  	[sflag:s5] =	ssyncset.done @!p0 $0x0  }
0x4e: {  	s16 =	simm.s32 $0x380;
	s8 =	rddreg [dreg:$0x6];
	[sflag:s5] =	ssyncadd.s32 @!p0 $0xFFFFF800  }
0x4f: {  	[tilespmem:s8], [sflag:$0x8] =	stream.indirect.gather [spmem:s2], $0x10, s16, s20, $0xb8;
	[tilespmem:$0xF000] =	vst v63  }
0x50: {  	_ =	swait.ge [sflag:s15], $0x800  }
0x51: {  	[sflag:s15] =	ssyncset.done $0x0  }
0x52: {  	s17 =	simm.s32 $0x2900;
	s5 =	simm.s32 @!p0 $0x13;
	[sflag:s15] =	ssyncadd.s32 $0xFFFFF800  }
0x53: {  	[spmem:s3] =	stream.indirect.scatter.add.f32 [tilespmem:s12], [sflag:$0xD], $0x10, s17, s20, $0xb8;
	[tilespmem:$0xF000] =	vst v63  }
0x54: {  	_ =	swait.ge @!p0 [sflag:s5], $0x800  }
0x55: {  	[sflag:s5] =	ssyncset.done @!p0 $0x0  }
0x56: {  	s18 =	simm.s32 $0x400;
	[sflag:s5] =	ssyncadd.s32 @!p0 $0xFFFFF800  }
0x57: {  	[tilespmem:s23], [sflag:$0x9] =	stream.indirect.gather [spmem:s2], $0x10, s18, s20, $0xb8;
	[tilespmem:$0xF000] =	vst v63  }
0x58: {  	_ =	swait.ge [sflag:s26], $0x800  }
0x59: {  	[sflag:s26] =	ssyncset.done $0x0  }
0x5a: {  	s19 =	simm.s32 $0x2980;
	s5 =	simm.s32 @!p0 $0x14;
	[sflag:s26] =	ssyncadd.s32 $0xFFFFF800  }
0x5b: {  	[spmem:s3] =	stream.indirect.scatter.add.f32 [tilespmem:s13], [sflag:$0xE], $0x10, s19, s20, $0xb8;
	[tilespmem:$0xF000] =	vst v63  }
0x5c: {  	_ =	swait.ge @!p0 [sflag:s5], $0x800  }
0x5d: {  	[sflag:s5] =	ssyncset.done @!p0 $0x0  }
0x5e: {  	s21 =	simm.s32 $0x480;
	[sflag:s5] =	ssyncadd.s32 @!p0 $0xFFFFF800  }
0x5f: {  	[tilespmem:s29], [sflag:$0xA] =	stream.indirect.gather [spmem:s2], $0x10, s21, s20, $0xb8;
	[tilespmem:$0xF000] =	vst v63  }
0x60: {  	_ =	swait.ge [sflag:s7], $0x800  }
0x61: {  	p0 =	por $0x0, $0x0;
	[sflag:s7] =	ssyncset.done $0x0  }
0x62: {  	s22 =	simm.s32 $0x2A00;
	s5 =	simm.s32 @p0 $0x6;
	[sflag:s7] =	ssyncadd.s32 $0xFFFFF800  }
0x63: {  	[spmem:s3] =	stream.indirect.scatter.add.f32 [tilespmem:s14], [sflag:$0xF], $0x10, s22, s20, $0xb8;
	[tilespmem:$0xF000] =	vst v63  }
0x64: {  	_ =	swait.ge @p0 [sflag:s5], $0x800  }
0x65: {  	s4 =	simm.s32 @p0 $0x2A80;
	s6 =	simm.s32 @p0 $0x80;
	[sflag:s5] =	ssyncset.done @p0 $0x0  }
0x66: {  	s8 =	simm.s32 @p0 $0x7800;
	[sflag:s5] =	ssyncadd.s32 @p0 $0xFFFFF800;
	s5 =	simm.s32 @!p0 $0xB  }
0x67: {  	[spmem:s3] =	stream.indirect.scatter.add.f32 @p0 [tilespmem:s8], [sflag:$0x10], $0x10, s4, s6, $0xb8;
	[tilespmem:$0xF000] =	vst v63  }
0x68: {  	_ =	swait.ge @!p0 [sflag:s5], $0x800  }
0x69: {  	s4 =	simm.s32 @!p0 $0x500;
	[sflag:s5] =	ssyncset.done @!p0 $0x0  }
0x6a: {  	s8 =	simm.s32 @!p0 $0x80;
	[sflag:s5] =	ssyncadd.s32 @!p0 $0xFFFFF800;
	s5 =	simm.s32 @!p0 $0x5000  }
0x6b: {  	[tilespmem:s5], [sflag:$0x1] =	stream.indirect.gather @!p0 [spmem:s2], $0x10, s4, s8, $0xb8;
	[tilespmem:$0xF000] =	vst v63  }
0x6c: {  	s4 =	simm.s32 @!p0 $0x6  }
0x6d: {  	_ =	swait.ge @!p0 [sflag:s4], $0x800  }
0x6e: {  	[sflag:s4] =	ssyncset.done @!p0 $0x0  }
0x6f: {  	s5 =	simm.s32 @!p0 $0x2A80;
	[sflag:s4] =	ssyncadd.s32 @!p0 $0xFFFFF800;
	s4 =	simm.s32 @!p0 $0x7800  }
0x70: {  	[spmem:s3] =	stream.indirect.scatter.add.f32 @!p0 [tilespmem:s4], [sflag:$0x10], $0x10, s5, s8, $0xb8;
	[tilespmem:$0xF000] =	vst v63  }
0x71: {  	s4 =	simm.s32 @!p0 $0xC  }
0x72: {  	_ =	swait.ge @!p0 [sflag:s4], $0x800  }
0x73: {  	[sflag:s4] =	ssyncset.done @!p0 $0x0  }
0x74: {  	s5 =	simm.s32 @!p0 $0x580;
	[sflag:s4] =	ssyncadd.s32 @!p0 $0xFFFFF800;
	s4 =	simm.s32 @!p0 $0x5800  }
0x75: {  	[tilespmem:s4], [sflag:$0x2] =	stream.indirect.gather @!p0 [spmem:s2], $0x10, s5, s8, $0xb8;
	[tilespmem:$0xF000] =	vst v63  }
0x76: {  	_ =	swait.ge [sflag:s9], $0x800  }
0x77: {  	[sflag:s9] =	ssyncset.done $0x0  }
0x78: {  	s24 =	simm.s32 $0x2B00;
	s5 =	simm.s32 @p0 $0x8;
	[sflag:s9] =	ssyncadd.s32 $0xFFFFF800  }
0x79: {  	[spmem:s3] =	stream.indirect.scatter.add.f32 [tilespmem:s1], [sflag:$0x11], $0x10, s24, s20, $0xb8;
	[tilespmem:$0xF000] =	vst v63  }
0x7a: {  	_ =	swait.ge @p0 [sflag:s5], $0x800  }
0x7b: {  	[sflag:s5] =	ssyncset.done @p0 $0x0  }
0x7c: {  	s4 =	simm.s32 @p0 $0x2B80;
	[sflag:s5] =	ssyncadd.s32 @p0 $0xFFFFF800;
	s5 =	simm.s32 @p0 $0x8800  }
0x7d: {  	[spmem:s3] =	stream.indirect.scatter.add.f32 @p0 [tilespmem:s5], [sflag:$0x12], $0x10, s4, s6, $0xb8;
	[tilespmem:$0xF000] =	vst v63  }
0x7e: {  	s4 =	simm.s32 @!p0 $0xD  }
0x7f: {  	_ =	swait.ge @!p0 [sflag:s4], $0x800  }
0x80: {  	[sflag:s4] =	ssyncset.done @!p0 $0x0  }
0x81: {  	s5 =	simm.s32 @!p0 $0x600;
	[sflag:s4] =	ssyncadd.s32 @!p0 $0xFFFFF800;
	s4 =	simm.s32 @!p0 $0x6000  }
0x82: {  	[tilespmem:s4], [sflag:$0x3] =	stream.indirect.gather @!p0 [spmem:s2], $0x10, s5, s8, $0xb8;
	[tilespmem:$0xF000] =	vst v63  }
0x83: {  	s4 =	simm.s32 @!p0 $0x8  }
0x84: {  	_ =	swait.ge @!p0 [sflag:s4], $0x800  }
0x85: {  	[sflag:s4] =	ssyncset.done @!p0 $0x0  }
0x86: {  	s5 =	simm.s32 @!p0 $0x2B80;
	[sflag:s4] =	ssyncadd.s32 @!p0 $0xFFFFF800;
	s4 =	simm.s32 @!p0 $0x8800  }
0x87: {  	[spmem:s3] =	stream.indirect.scatter.add.f32 @!p0 [tilespmem:s4], [sflag:$0x12], $0x10, s5, s8, $0xb8;
	[tilespmem:$0xF000] =	vst v63  }
0x88: {  	s4 =	simm.s32 @!p0 $0xE  }
0x89: {  	_ =	swait.ge @!p0 [sflag:s4], $0x800  }
0x8a: {  	[sflag:s4] =	ssyncset.done @!p0 $0x0  }
0x8b: {  	s5 =	simm.s32 @!p0 $0x680;
	[sflag:s4] =	ssyncadd.s32 @!p0 $0xFFFFF800;
	s4 =	simm.s32 @!p0 $0x6800  }
0x8c: {  	[tilespmem:s4], [sflag:$0x4] =	stream.indirect.gather @!p0 [spmem:s2], $0x10, s5, s8, $0xb8;
	[tilespmem:$0xF000] =	vst v63  }
0x8d: {  	_ =	swait.ge [sflag:s10], $0x800  }
0x8e: {  	[sflag:s10] =	ssyncset.done $0x0  }
0x8f: {  	s25 =	simm.s32 $0x2C00;
	s5 =	simm.s32 @!p0 $0xF;
	[sflag:s10] =	ssyncadd.s32 $0xFFFFF800  }
0x90: {  	[spmem:s3] =	stream.indirect.scatter.add.f32 [tilespmem:s23], [sflag:$0x13], $0x10, s25, s20, $0xb8;
	[tilespmem:$0xF000] =	vst v63  }
0x91: {  	_ =	swait.ge @!p0 [sflag:s5], $0x800  }
0x92: {  	p1 =	por $0x0, $0x0;
	s13 =	simm.s32 $0x1400;
	[sflag:s5] =	ssyncset.done @!p0 $0x0  }
0x93: {  	s4 =	simm.s32 @!p0 $0x700;
	[sflag:s5] =	ssyncadd.s32 @!p0 $0xFFFFF800;
	s5 =	simm.s32 @!p0 $0x7000  }
0x94: {  	[tilespmem:s5], [sflag:$0x5] =	stream.indirect.gather @!p0 [spmem:s2], $0x10, s4, s8, $0xb8;
	[tilespmem:$0xF000] =	vst v63  }
0x95: {  	s6 =	simm.s32 $0x2800;
	s4 =	simm.s32 $0x2C80;
	_ =	swait.ge [sflag:s11], $0x800  }
.LBB2_2:
0x96: {  	[sflag:s11] =	ssyncset.done $0x0  }
0x97: {  	s8 =	simm.s32 @!p1 $0x10;
	[sflag:s11] =	ssyncadd.s32 $0xFFFFF800  }
0x98: {  	[spmem:s3] =	stream.indirect.scatter.add.f32 [tilespmem:s29], [sflag:$0x14], $0x10, s4, s20, $0xb8;
	[tilespmem:$0xF000] =	vst v63  }
0x99: {  	_ =	swait.ge @!p1 [sflag:s8], $0x800  }
0x9a: {  	s24 =	sshra.s32 s13, $0x2;
	[sflag:s8] =	ssyncset.done @!p1 $0x0  }
0x9b: {  	s25 =	sadd.s32 $0x280, s24;
	s22 =	rddreg [dreg:$0x5];
	[sflag:s8] =	ssyncadd.s32 @!p1 $0xFFFFF800  }
0x9c: {  	[tilespmem:s22], [sflag:$0x6] =	stream.indirect.gather [spmem:s2], $0x10, s25, s20, $0xb8;
	[tilespmem:$0xF000] =	vst v63  }
0x9d: {  	_ =	swait.ge [sflag:s31], $0x800  }
0x9e: {  	[sflag:s31] =	ssyncset.done $0x0  }
0x9f: {  	s12 =	sadd.s32 $0x2800, s24;
	s8 =	simm.s32 @!p1 $0x11;
	[sflag:s31] =	ssyncadd.s32 $0xFFFFF800  }
0xa0: {  	[spmem:s3] =	stream.indirect.scatter.add.f32 [tilespmem:s28], [sflag:$0xB], $0x10, s12, s20, $0xb8;
	[tilespmem:$0xF000] =	vst v63  }
0xa1: {  	_ =	swait.ge @!p1 [sflag:s8], $0x800  }
0xa2: {  	[sflag:s8] =	ssyncset.done @!p1 $0x0  }
0xa3: {  	s14 =	sadd.s32 $0x300, s24;
	[sflag:s8] =	ssyncadd.s32 @!p1 $0xFFFFF800  }
0xa4: {  	[tilespmem:s1], [sflag:$0x7] =	stream.indirect.gather [spmem:s2], $0x10, s14, s20, $0xb8;
	[tilespmem:$0xF000] =	vst v63  }
0xa5: {  	_ =	swait.ge [sflag:s0], $0x800  }
0xa6: {  	[sflag:s0] =	ssyncset.done $0x0  }
0xa7: {  	s16 =	sadd.s32 $0x2880, s24;
	s8 =	simm.s32 @!p1 $0x12;
	[sflag:s0] =	ssyncadd.s32 $0xFFFFF800  }
0xa8: {  	[spmem:s3] =	stream.indirect.scatter.add.f32 [tilespmem:s30], [sflag:$0xC], $0x10, s16, s20, $0xb8;
	[tilespmem:$0xF000] =	vst v63  }
0xa9: {  	_ =	swait.ge @!p1 [sflag:s8], $0x800  }
0xaa: {  	[sflag:s8] =	ssyncset.done @!p1 $0x0  }
0xab: {  	s18 =	sadd.s32 $0x380, s24;
	s17 =	rddreg [dreg:$0x6];
	[sflag:s8] =	ssyncadd.s32 @!p1 $0xFFFFF800  }
0xac: {  	[tilespmem:s17], [sflag:$0x8] =	stream.indirect.gather [spmem:s2], $0x10, s18, s20, $0xb8;
	[tilespmem:$0xF000] =	vst v63  }
0xad: {  	_ =	swait.ge [sflag:s15], $0x800  }
0xae: {  	s19 =	sadd.s32 $0x2900, s24;
	[sflag:s15] =	ssyncset.done $0x0  }
0xaf: {  	s12 =	simm.s32 $0x6000;
	s8 =	simm.s32 @!p1 $0x13;
	[sflag:s15] =	ssyncadd.s32 $0xFFFFF800  }
0xb0: {  	[spmem:s3] =	stream.indirect.scatter.add.f32 [tilespmem:s12], [sflag:$0xD], $0x10, s19, s20, $0xb8;
	[tilespmem:$0xF000] =	vst v63  }
0xb1: {  	_ =	swait.ge @!p1 [sflag:s8], $0x800  }
0xb2: {  	[sflag:s8] =	ssyncset.done @!p1 $0x0  }
0xb3: {  	s21 =	sadd.s32 $0x400, s24;
	[sflag:s8] =	ssyncadd.s32 @!p1 $0xFFFFF800  }
0xb4: {  	[tilespmem:s23], [sflag:$0x9] =	stream.indirect.gather [spmem:s2], $0x10, s21, s20, $0xb8;
	[tilespmem:$0xF000] =	vst v63  }
0xb5: {  	_ =	swait.ge [sflag:s26], $0x800  }
0xb6: {  	s22 =	sadd.s32 $0x2980, s24;
	[sflag:s26] =	ssyncset.done $0x0  }
0xb7: {  	s25 =	simm.s32 $0x6800;
	s8 =	simm.s32 @!p1 $0x14;
	[sflag:s26] =	ssyncadd.s32 $0xFFFFF800  }
0xb8: {  	[spmem:s3] =	stream.indirect.scatter.add.f32 [tilespmem:s25], [sflag:$0xE], $0x10, s22, s20, $0xb8;
	[tilespmem:$0xF000] =	vst v63  }
0xb9: {  	_ =	swait.ge @!p1 [sflag:s8], $0x800  }
0xba: {  	[sflag:s8] =	ssyncset.done @!p1 $0x0  }
0xbb: {  	s12 =	sadd.s32 $0x480, s24;
	[sflag:s8] =	ssyncadd.s32 @!p1 $0xFFFFF800  }
0xbc: {  	[tilespmem:s29], [sflag:$0xA] =	stream.indirect.gather [spmem:s2], $0x10, s12, s20, $0xb8;
	[tilespmem:$0xF000] =	vst v63  }
0xbd: {  	_ =	swait.ge [sflag:s7], $0x800  }
0xbe: {  	s14 =	sadd.s32 $0x2A00, s24;
	p1 =	seq.s32 s13, $0x8C00;
	[sflag:s7] =	ssyncset.done $0x0  }
0xbf: {  	s17 =	simm.s32 $0x7000;
	s8 =	simm.s32 @p1 $0x6;
	[sflag:s7] =	ssyncadd.s32 $0xFFFFF800  }
0xc0: {  	[spmem:s3] =	stream.indirect.scatter.add.f32 [tilespmem:s17], [sflag:$0xF], $0x10, s14, s20, $0xb8;
	[tilespmem:$0xF000] =	vst v63  }
0xc1: {  	s16 =	sshra.s32 @p1 s13, $0x2;
	_ =	swait.ge @p1 [sflag:s8], $0x800  }
0xc2: {  	s18 =	simm.s32 @!p1 $0xB;
	s4 =	sadd.s32 @p1 $0x2A80, s16;
	[sflag:s8] =	ssyncset.done @p1 $0x0  }
0xc3: {  	s14 =	simm.s32 @p1 $0x80;
	s17 =	simm.s32 @p1 $0x7800;
	[sflag:s8] =	ssyncadd.s32 @p1 $0xFFFFF800  }
0xc4: {  	[spmem:s3] =	stream.indirect.scatter.add.f32 @p1 [tilespmem:s17], [sflag:$0x10], $0x10, s4, s14, $0xb8;
	[tilespmem:$0xF000] =	vst v63  }
0xc5: {  	s13 =	sshra.s32 @!p1 s13, $0x2;
	_ =	swait.ge @!p1 [sflag:s18], $0x800  }
0xc6: {  	s19 =	sadd.s32 @!p1 $0x500, s13;
	s8 =	simm.s32 @!p1 $0x80;
	[sflag:s18] =	ssyncset.done @!p1 $0x0  }
0xc7: {  	s4 =	simm.s32 @!p1 $0x5000;
	[sflag:s18] =	ssyncadd.s32 @!p1 $0xFFFFF800;
	s18 =	simm.s32 @!p1 $0x6  }
0xc8: {  	[tilespmem:s4], [sflag:$0x1] =	stream.indirect.gather @!p1 [spmem:s2], $0x10, s19, s8, $0xb8;
	[tilespmem:$0xF000] =	vst v63  }
0xc9: {  	s5 =	smov.u32 s6;
	s25 =	simm.s32 @!p1 $0x7800;
	_ =	swait.ge @!p1 [sflag:s18], $0x800  }
0xca: {  	s12 =	sadd.s32 @!p1 $0x580, s13;
	s21 =	sadd.s32 @p1 $0x2B80, s16;
	[sflag:s18] =	ssyncset.done @!p1 $0x0  }
0xcb: {  	s17 =	sadd.s32 @!p1 $0x2A80, s13;
	[sflag:s18] =	ssyncadd.s32 @!p1 $0xFFFFF800;
	s18 =	simm.s32 @!p1 $0xC  }
0xcc: {  	[spmem:s3] =	stream.indirect.scatter.add.f32 @!p1 [tilespmem:s25], [sflag:$0x10], $0x10, s17, s8, $0xb8;
	[tilespmem:$0xF000] =	vst v63  }
0xcd: {  	s22 =	sadd.s32 @!p1 $0x2B80, s13;
	s16 =	sadd.s32 @!p1 $0x680, s13;
	_ =	swait.ge @!p1 [sflag:s18], $0x800  }
0xce: {  	s19 =	sadd.s32 @!p1 $0x600, s13;
	s4 =	sadd.s32 @!p1 $0x700, s13;
	[sflag:s18] =	ssyncset.done @!p1 $0x0  }
0xcf: {  	s13 =	smov.u32 s5;
	s5 =	simm.s32 @!p1 $0x5800;
	[sflag:s18] =	ssyncadd.s32 @!p1 $0xFFFFF800  }
0xd0: {  	[tilespmem:s5], [sflag:$0x2] =	stream.indirect.gather @!p1 [spmem:s2], $0x10, s12, s8, $0xb8;
	[tilespmem:$0xF000] =	vst v63  }
0xd1: {  	_ =	swait.ge [sflag:s9], $0x800  }
0xd2: {  	[sflag:s9] =	ssyncset.done $0x0  }
0xd3: {  	s18 =	sadd.s32 $0x2B00, s24;
	s12 =	simm.s32 @p1 $0x8;
	[sflag:s9] =	ssyncadd.s32 $0xFFFFF800  }
0xd4: {  	[spmem:s3] =	stream.indirect.scatter.add.f32 [tilespmem:s1], [sflag:$0x11], $0x10, s18, s20, $0xb8;
	[tilespmem:$0xF000] =	vst v63  }
0xd5: {  	_ =	swait.ge @p1 [sflag:s12], $0x800  }
0xd6: {  	[sflag:s12] =	ssyncset.done @p1 $0x0  }
0xd7: {  	s5 =	simm.s32 @p1 $0x8800;
	[sflag:s12] =	ssyncadd.s32 @p1 $0xFFFFF800;
	s12 =	simm.s32 @!p1 $0xD  }
0xd8: {  	[spmem:s3] =	stream.indirect.scatter.add.f32 @p1 [tilespmem:s5], [sflag:$0x12], $0x10, s21, s14, $0xb8;
	[tilespmem:$0xF000] =	vst v63  }
0xd9: {  	_ =	swait.ge @!p1 [sflag:s12], $0x800  }
0xda: {  	[sflag:s12] =	ssyncset.done @!p1 $0x0  }
0xdb: {  	s5 =	simm.s32 @!p1 $0x6000;
	[sflag:s12] =	ssyncadd.s32 @!p1 $0xFFFFF800;
	s12 =	simm.s32 @!p1 $0x8  }
0xdc: {  	[tilespmem:s5], [sflag:$0x3] =	stream.indirect.gather @!p1 [spmem:s2], $0x10, s19, s8, $0xb8;
	[tilespmem:$0xF000] =	vst v63  }
0xdd: {  	_ =	swait.ge @!p1 [sflag:s12], $0x800  }
0xde: {  	[sflag:s12] =	ssyncset.done @!p1 $0x0  }
0xdf: {  	s5 =	simm.s32 @!p1 $0x8800;
	[sflag:s12] =	ssyncadd.s32 @!p1 $0xFFFFF800;
	s12 =	simm.s32 @!p1 $0xE  }
0xe0: {  	[spmem:s3] =	stream.indirect.scatter.add.f32 @!p1 [tilespmem:s5], [sflag:$0x12], $0x10, s22, s8, $0xb8;
	[tilespmem:$0xF000] =	vst v63  }
0xe1: {  	_ =	swait.ge @!p1 [sflag:s12], $0x800  }
0xe2: {  	[sflag:s12] =	ssyncset.done @!p1 $0x0  }
0xe3: {  	s5 =	simm.s32 @!p1 $0x6800;
	[sflag:s12] =	ssyncadd.s32 @!p1 $0xFFFFF800  }
0xe4: {  	[tilespmem:s5], [sflag:$0x4] =	stream.indirect.gather @!p1 [spmem:s2], $0x10, s16, s8, $0xb8;
	[tilespmem:$0xF000] =	vst v63  }
0xe5: {  	s6 =	sadd.s32 $0x1400, s6;
	_ =	swait.ge [sflag:s10], $0x800  }
0xe6: {  	p0 =	sne.s32 s6, $0xA000;
	[sflag:s10] =	ssyncset.done $0x0  }
0xe7: {  	s25 =	sadd.s32 $0x2C00, s24;
	s12 =	simm.s32 @!p1 $0xF;
	[sflag:s10] =	ssyncadd.s32 $0xFFFFF800  }
0xe8: {  	[spmem:s3] =	stream.indirect.scatter.add.f32 [tilespmem:s23], [sflag:$0x13], $0x10, s25, s20, $0xb8;
	[tilespmem:$0xF000] =	vst v63  }
.Ltmp0:
0xe9: {  	_ =	swait.ge @!p1 [sflag:s12], $0x800;
	(pc) =	sbr.rel @p0 .LBB2_2-.Ltmp0, $4  }
0xea: {  	[sflag:s12] =	ssyncset.done @!p1 $0x0  }
0xeb: {  	s5 =	simm.s32 @!p1 $0x7000;
	[sflag:s12] =	ssyncadd.s32 @!p1 $0xFFFFF800  }
0xec: {  	[tilespmem:s5], [sflag:$0x5] =	stream.indirect.gather @!p1 [spmem:s2], $0x10, s4, s8, $0xb8;
	[tilespmem:$0xF000] =	vst v63  }
0xed: {  	p1 =	seq.s32 s13, $0x0;
	s4 =	sadd.s32 $0x2C80, s24;
	_ =	swait.ge [sflag:s11], $0x800  }
0xee: {  	[sflag:s11] =	ssyncset.done $0x0  }
0xef: {  	s6 =	simm.s32 @!p1 $0x10;
	[sflag:s11] =	ssyncadd.s32 $0xFFFFF800  }
0xf0: {  	[spmem:s3] =	stream.indirect.scatter.add.f32 [tilespmem:s29], [sflag:$0x14], $0x10, s4, s20, $0xb8;
	[tilespmem:$0xF000] =	vst v63  }
0xf1: {  	_ =	swait.ge @!p1 [sflag:s6], $0x800  }
0xf2: {  	s5 =	sshra.s32 s13, $0x2;
	[sflag:s6] =	ssyncset.done @!p1 $0x0  }
0xf3: {  	s17 =	sadd.s32 $0x280, s5;
	s16 =	rddreg [dreg:$0x5];
	[sflag:s6] =	ssyncadd.s32 @!p1 $0xFFFFF800  }
0xf4: {  	[tilespmem:s16], [sflag:$0x6] =	stream.indirect.gather [spmem:s2], $0x10, s17, s20, $0xb8;
	[tilespmem:$0xF000] =	vst v63  }
0xf5: {  	_ =	swait.ge [sflag:s31], $0x800  }
0xf6: {  	[sflag:s31] =	ssyncset.done $0x0  }
0xf7: {  	s18 =	sadd.s32 $0x2800, s5;
	s6 =	simm.s32 @!p1 $0x11;
	[sflag:s31] =	ssyncadd.s32 $0xFFFFF800  }
0xf8: {  	[spmem:s3] =	stream.indirect.scatter.add.f32 [tilespmem:s28], [sflag:$0xB], $0x10, s18, s20, $0xb8;
	[tilespmem:$0xF000] =	vst v63  }
0xf9: {  	_ =	swait.ge @!p1 [sflag:s6], $0x800  }
0xfa: {  	[sflag:s6] =	ssyncset.done @!p1 $0x0  }
0xfb: {  	s19 =	sadd.s32 $0x300, s5;
	[sflag:s6] =	ssyncadd.s32 @!p1 $0xFFFFF800  }
0xfc: {  	[tilespmem:s1], [sflag:$0x7] =	stream.indirect.gather [spmem:s2], $0x10, s19, s20, $0xb8;
	[tilespmem:$0xF000] =	vst v63  }
0xfd: {  	_ =	swait.ge [sflag:s0], $0x800  }
0xfe: {  	[sflag:s0] =	ssyncset.done $0x0  }
0xff: {  	s21 =	sadd.s32 $0x2880, s5;
	s6 =	simm.s32 @!p1 $0x12;
	[sflag:s0] =	ssyncadd.s32 $0xFFFFF800  }
0x100: {  	[spmem:s3] =	stream.indirect.scatter.add.f32 [tilespmem:s30], [sflag:$0xC], $0x10, s21, s20, $0xb8;
	[tilespmem:$0xF000] =	vst v63  }
0x101: {  	_ =	swait.ge @!p1 [sflag:s6], $0x800  }
0x102: {  	[sflag:s6] =	ssyncset.done @!p1 $0x0  }
0x103: {  	s24 =	sadd.s32 $0x380, s5;
	s22 =	rddreg [dreg:$0x6];
	[sflag:s6] =	ssyncadd.s32 @!p1 $0xFFFFF800  }
0x104: {  	[tilespmem:s22], [sflag:$0x8] =	stream.indirect.gather [spmem:s2], $0x10, s24, s20, $0xb8;
	[tilespmem:$0xF000] =	vst v63  }
0x105: {  	_ =	swait.ge [sflag:s15], $0x800  }
0x106: {  	s8 =	simm.s32 $0x6000;
	[sflag:s15] =	ssyncset.done $0x0  }
0x107: {  	s25 =	sadd.s32 $0x2900, s5;
	s6 =	simm.s32 @!p1 $0x13;
	[sflag:s15] =	ssyncadd.s32 $0xFFFFF800  }
0x108: {  	[spmem:s3] =	stream.indirect.scatter.add.f32 [tilespmem:s8], [sflag:$0xD], $0x10, s25, s20, $0xb8;
	[tilespmem:$0xF000] =	vst v63  }
0x109: {  	_ =	swait.ge @!p1 [sflag:s6], $0x800  }
0x10a: {  	[sflag:s6] =	ssyncset.done @!p1 $0x0  }
0x10b: {  	s12 =	sadd.s32 $0x400, s5;
	[sflag:s6] =	ssyncadd.s32 @!p1 $0xFFFFF800  }
0x10c: {  	[tilespmem:s23], [sflag:$0x9] =	stream.indirect.gather [spmem:s2], $0x10, s12, s20, $0xb8;
	[tilespmem:$0xF000] =	vst v63  }
0x10d: {  	_ =	swait.ge [sflag:s26], $0x800  }
0x10e: {  	s14 =	sadd.s32 $0x2980, s5;
	[sflag:s26] =	ssyncset.done $0x0  }
0x10f: {  	s16 =	simm.s32 $0x6800;
	s6 =	simm.s32 @!p1 $0x14;
	[sflag:s26] =	ssyncadd.s32 $0xFFFFF800  }
0x110: {  	[spmem:s3] =	stream.indirect.scatter.add.f32 [tilespmem:s16], [sflag:$0xE], $0x10, s14, s20, $0xb8;
	[tilespmem:$0xF000] =	vst v63  }
0x111: {  	_ =	swait.ge @!p1 [sflag:s6], $0x800  }
0x112: {  	[sflag:s6] =	ssyncset.done @!p1 $0x0  }
0x113: {  	s17 =	sadd.s32 $0x480, s5;
	[sflag:s6] =	ssyncadd.s32 @!p1 $0xFFFFF800  }
0x114: {  	[tilespmem:s29], [sflag:$0xA] =	stream.indirect.gather [spmem:s2], $0x10, s17, s20, $0xb8;
	[tilespmem:$0xF000] =	vst v63  }
0x115: {  	_ =	swait.ge [sflag:s7], $0x800  }
0x116: {  	p0 =	seq.s32 s13, $0x8C00;
	s18 =	sadd.s32 $0x2A00, s5;
	[sflag:s7] =	ssyncset.done $0x0  }
0x117: {  	s19 =	simm.s32 $0x7000;
	s6 =	simm.s32 @p0 $0x6;
	[sflag:s7] =	ssyncadd.s32 $0xFFFFF800  }
0x118: {  	[spmem:s3] =	stream.indirect.scatter.add.f32 [tilespmem:s19], [sflag:$0xF], $0x10, s18, s20, $0xb8;
	[tilespmem:$0xF000] =	vst v63  }
0x119: {  	s8 =	sshra.s32 @p0 s13, $0x2;
	_ =	swait.ge @p0 [sflag:s6], $0x800  }
0x11a: {  	s4 =	sadd.s32 @p0 $0x2A80, s8;
	s12 =	simm.s32 @p0 $0x80;
	[sflag:s6] =	ssyncset.done @p0 $0x0  }
0x11b: {  	s14 =	simm.s32 @p0 $0x7800;
	[sflag:s6] =	ssyncadd.s32 @p0 $0xFFFFF800;
	s6 =	simm.s32 @!p0 $0xB  }
0x11c: {  	[spmem:s3] =	stream.indirect.scatter.add.f32 @p0 [tilespmem:s14], [sflag:$0x10], $0x10, s4, s12, $0xb8;
	[tilespmem:$0xF000] =	vst v63  }
0x11d: {  	_ =	swait.ge @!p0 [sflag:s6], $0x800  }
0x11e: {  	s4 =	sshra.s32 @!p0 s13, $0x2;
	s14 =	simm.s32 @!p0 $0x80;
	[sflag:s6] =	ssyncset.done @!p0 $0x0  }
0x11f: {  	s13 =	sadd.s32 @!p0 $0x500, s4;
	[sflag:s6] =	ssyncadd.s32 @!p0 $0xFFFFF800;
	s6 =	simm.s32 @!p0 $0x5000  }
0x120: {  	[tilespmem:s6], [sflag:$0x1] =	stream.indirect.gather @!p0 [spmem:s2], $0x10, s13, s14, $0xb8;
	[tilespmem:$0xF000] =	vst v63  }
0x121: {  	s6 =	simm.s32 @!p0 $0x6  }
0x122: {  	_ =	swait.ge @!p0 [sflag:s6], $0x800  }
0x123: {  	[sflag:s6] =	ssyncset.done @!p0 $0x0  }
0x124: {  	s13 =	sadd.s32 @!p0 $0x2A80, s4;
	[sflag:s6] =	ssyncadd.s32 @!p0 $0xFFFFF800;
	s6 =	simm.s32 @!p0 $0x7800  }
0x125: {  	[spmem:s3] =	stream.indirect.scatter.add.f32 @!p0 [tilespmem:s6], [sflag:$0x10], $0x10, s13, s14, $0xb8;
	[tilespmem:$0xF000] =	vst v63  }
0x126: {  	s6 =	simm.s32 @!p0 $0xC  }
0x127: {  	_ =	swait.ge @!p0 [sflag:s6], $0x800  }
0x128: {  	[sflag:s6] =	ssyncset.done @!p0 $0x0  }
0x129: {  	s13 =	sadd.s32 @!p0 $0x580, s4;
	[sflag:s6] =	ssyncadd.s32 @!p0 $0xFFFFF800;
	s6 =	simm.s32 @!p0 $0x5800  }
0x12a: {  	[tilespmem:s6], [sflag:$0x2] =	stream.indirect.gather @!p0 [spmem:s2], $0x10, s13, s14, $0xb8;
	[tilespmem:$0xF000] =	vst v63  }
0x12b: {  	_ =	swait.ge [sflag:s9], $0x800  }
0x12c: {  	[sflag:s9] =	ssyncset.done $0x0  }
0x12d: {  	s21 =	sadd.s32 $0x2B00, s5;
	s6 =	simm.s32 @p0 $0x8;
	[sflag:s9] =	ssyncadd.s32 $0xFFFFF800  }
0x12e: {  	[spmem:s3] =	stream.indirect.scatter.add.f32 [tilespmem:s1], [sflag:$0x11], $0x10, s21, s20, $0xb8;
	[tilespmem:$0xF000] =	vst v63  }
0x12f: {  	_ =	swait.ge @p0 [sflag:s6], $0x800  }
0x130: {  	[sflag:s6] =	ssyncset.done @p0 $0x0  }
0x131: {  	s8 =	sadd.s32 @p0 $0x2B80, s8;
	[sflag:s6] =	ssyncadd.s32 @p0 $0xFFFFF800;
	s6 =	simm.s32 @p0 $0x8800  }
0x132: {  	[spmem:s3] =	stream.indirect.scatter.add.f32 @p0 [tilespmem:s6], [sflag:$0x12], $0x10, s8, s12, $0xb8;
	[tilespmem:$0xF000] =	vst v63  }
0x133: {  	s6 =	simm.s32 @!p0 $0xD  }
0x134: {  	_ =	swait.ge @!p0 [sflag:s6], $0x800  }
0x135: {  	[sflag:s6] =	ssyncset.done @!p0 $0x0  }
0x136: {  	s8 =	sadd.s32 @!p0 $0x600, s4;
	[sflag:s6] =	ssyncadd.s32 @!p0 $0xFFFFF800;
	s6 =	simm.s32 @!p0 $0x6000  }
0x137: {  	[tilespmem:s6], [sflag:$0x3] =	stream.indirect.gather @!p0 [spmem:s2], $0x10, s8, s14, $0xb8;
	[tilespmem:$0xF000] =	vst v63  }
0x138: {  	s6 =	simm.s32 @!p0 $0x8  }
0x139: {  	_ =	swait.ge @!p0 [sflag:s6], $0x800  }
0x13a: {  	[sflag:s6] =	ssyncset.done @!p0 $0x0  }
0x13b: {  	s8 =	sadd.s32 @!p0 $0x2B80, s4;
	[sflag:s6] =	ssyncadd.s32 @!p0 $0xFFFFF800;
	s6 =	simm.s32 @!p0 $0x8800  }
0x13c: {  	[spmem:s3] =	stream.indirect.scatter.add.f32 @!p0 [tilespmem:s6], [sflag:$0x12], $0x10, s8, s14, $0xb8;
	[tilespmem:$0xF000] =	vst v63  }
0x13d: {  	s6 =	simm.s32 @!p0 $0xE  }
0x13e: {  	_ =	swait.ge @!p0 [sflag:s6], $0x800  }
0x13f: {  	[sflag:s6] =	ssyncset.done @!p0 $0x0  }
0x140: {  	s8 =	sadd.s32 @!p0 $0x680, s4;
	[sflag:s6] =	ssyncadd.s32 @!p0 $0xFFFFF800;
	s6 =	simm.s32 @!p0 $0x6800  }
0x141: {  	[tilespmem:s6], [sflag:$0x4] =	stream.indirect.gather @!p0 [spmem:s2], $0x10, s8, s14, $0xb8;
	[tilespmem:$0xF000] =	vst v63  }
0x142: {  	_ =	swait.ge [sflag:s10], $0x800  }
0x143: {  	[sflag:s10] =	ssyncset.done $0x0  }
0x144: {  	s22 =	sadd.s32 $0x2C00, s5;
	s6 =	simm.s32 @!p0 $0xF;
	[sflag:s10] =	ssyncadd.s32 $0xFFFFF800  }
0x145: {  	[spmem:s3] =	stream.indirect.scatter.add.f32 [tilespmem:s23], [sflag:$0x13], $0x10, s22, s20, $0xb8;
	[tilespmem:$0xF000] =	vst v63  }
0x146: {  	_ =	swait.ge @!p0 [sflag:s6], $0x800  }
0x147: {  	[sflag:s6] =	ssyncset.done @!p0 $0x0  }
0x148: {  	s4 =	sadd.s32 @!p0 $0x700, s4;
	[sflag:s6] =	ssyncadd.s32 @!p0 $0xFFFFF800;
	s6 =	simm.s32 @!p0 $0x7000  }
0x149: {  	[tilespmem:s6], [sflag:$0x5] =	stream.indirect.gather @!p0 [spmem:s2], $0x10, s4, s14, $0xb8;
	[tilespmem:$0xF000] =	vst v63  }
0x14a: {  	_ =	swait.ge [sflag:s11], $0x800  }
0x14b: {  	[sflag:s11] =	ssyncset.done $0x0  }
0x14c: {  	s24 =	sadd.s32 $0x2C80, s5;
	s12 =	simm.s32 $0xB;
	[sflag:s11] =	ssyncadd.s32 $0xFFFFF800  }
0x14d: {  	[spmem:s3] =	stream.indirect.scatter.add.f32 [tilespmem:s29], [sflag:$0x14], $0x10, s24, s20, $0xb8;
	[tilespmem:$0xF000] =	vst v63  }
0x14e: {  	_ =	swait.ge [sflag:s12], $0x800  }
0x14f: {  	[sflag:s12] =	ssyncset.done $0x0  }
0x150: {  	s13 =	simm.s32 $0xC;
	[sflag:s12] =	ssyncadd.s32 $0xFFFFF800  }
0x151: {  	_ =	swait.ge [sflag:s13], $0x800  }
0x152: {  	[sflag:s13] =	ssyncset.done $0x0  }
0x153: {  	s14 =	simm.s32 $0xD;
	[sflag:s13] =	ssyncadd.s32 $0xFFFFF800  }
0x154: {  	_ =	swait.ge [sflag:s14], $0x800  }
0x155: {  	[sflag:s14] =	ssyncset.done $0x0  }
0x156: {  	s16 =	simm.s32 $0xE;
	[sflag:s14] =	ssyncadd.s32 $0xFFFFF800  }
0x157: {  	_ =	swait.ge [sflag:s16], $0x800  }
0x158: {  	[sflag:s16] =	ssyncset.done $0x0  }
0x159: {  	s25 =	simm.s32 $0xF;
	[sflag:s16] =	ssyncadd.s32 $0xFFFFF800  }
0x15a: {  	_ =	swait.ge [sflag:s25], $0x800  }
0x15b: {  	[sflag:s25] =	ssyncset.done $0x0  }
0x15c: {  	s5 =	simm.s32 $0x10;
	[sflag:s25] =	ssyncadd.s32 $0xFFFFF800  }
0x15d: {  	_ =	swait.ge [sflag:s5], $0x800  }
0x15e: {  	[sflag:s5] =	ssyncset.done $0x0  }
0x15f: {  	s6 =	simm.s32 $0x11;
	[sflag:s5] =	ssyncadd.s32 $0xFFFFF800  }
0x160: {  	_ =	swait.ge [sflag:s6], $0x800  }
0x161: {  	[sflag:s6] =	ssyncset.done $0x0  }
0x162: {  	s8 =	simm.s32 $0x12;
	[sflag:s6] =	ssyncadd.s32 $0xFFFFF800  }
0x163: {  	_ =	swait.ge [sflag:s8], $0x800  }
0x164: {  	[sflag:s8] =	ssyncset.done $0x0  }
0x165: {  	s17 =	simm.s32 $0x13;
	[sflag:s8] =	ssyncadd.s32 $0xFFFFF800  }
0x166: {  	_ =	swait.ge [sflag:s17], $0x800  }
0x167: {  	[sflag:s17] =	ssyncset.done $0x0  }
0x168: {  	s18 =	simm.s32 $0x14;
	[sflag:s17] =	ssyncadd.s32 $0xFFFFF800  }
0x169: {  	_ =	swait.ge [sflag:s18], $0x800  }
0x16a: {  	[sflag:s18] =	ssyncset.done $0x0  }
0x16b: {  	[sflag:s18] =	ssyncadd.s32 $0xFFFFF800  }
0x16c: {  	[bflag:$0x0] =	sbarrier.arrive $0xFFFF  }
0x16d: {  	s19 =	rddreg [dreg:$0x7]  }
0x16e: {  	s8 =	rddreg [dreg:$0x10]  }
0x16f: {  	s22 =	simm.s32 $0x15;
	s21 =	rddreg [dreg:$0x11];
	s4 =	sor.u32 $0x1C15, s19  }
0x170: {  	[hbm:s21], [sflag:s4] =	dma.local [spmem:s8], $0x500  }
0x171: {  	_ =	swait.ge [sflag:s22], $0x500  }
0x172: {  	s24 =	rddreg [dreg:$0x12]  }
0x173: {  	s25 =	rddreg [dreg:$0xd];
	s6 =	sadd.s32 $0x1, s24  }
0x174: {  	p0 =	sne.s32 s6, s25  }
.Ltmp1:
0x175: {  	_ = 	snop;
	(pc) =	sbr.rel @p0 .LBB2_1-.Ltmp1, $3  }
0x176: {  	_ =	sdelay $0x1  }
0x177: {  	[sflag:s22] =	ssyncset.done $0x0  }
0x178: {  	[sflag:s22] =	ssyncadd.s32 $0xFFFFFB00  }
0x179: {  	_ =	sfence.sel $0x180000  }
0x17a: {  	[bflag:$0x0] =	sbarrier.arrive $0xFFFF  }
0x17b: {  	_ =	strace $0x9000004A  }
0x17c: {  	s0 =	stileid.u32;
	[bflag:$0x2] =	sbarrier.arrive $0xFFFF  }
0x17d: {  	p0 =	sne.s32 s0, $0x0;
	s0 =	rddreg [dreg:$0x4]  }
0x17e: {  	s0 =	sadd.s32 @!p0 $0x100000, s0  }
0x17f: {  	[sflag:s0] =	ssyncadd.tile.s32 @!p0 $0x1;
	_ =	shalt  }
.Lfunc_end2:
_tile_overlayer_lowered:
.L_overlay_start_2:
0x180: {  	(tag) =	ssettag $0x2  }
0x181: {  	s0 =	rddreg [dreg:$0x0];
	s2 =	stileid.u32  }
0x182: {  	s1 =	rddreg [dreg:$0x1];
	p0 =	sne.s32 s2, $0x0  }
0x183: {  	s3 =	rddreg [dreg:$0x2];
	[bflag:$0x3] =	sbarrier.arrive $0xFFFF;
	s2 =	simm.s32 @!p0 $0x1C15  }
0x184: {  	[timem:s3], [sflag:s2] =	dma.local @!p0 [hbm:s0], s1  }
0x185: {  	s0 =	simm.s32 @!p0 $0x15  }
0x186: {  	_ =	swait.ge @!p0 [sflag:s0], s1  }
0x187: {  	s1 =	ssub.s32 @!p0 $0x0, s1;
	[sflag:s0] =	ssyncset.done @!p0 $0x0  }
0x188: {  	[sflag:s0] =	ssyncadd.s32 @!p0 s1  }
0x189: {  	[bflag:$0x3] =	sbarrier.arrive $0xFFFF  }
0x18a: {  	_ =	shalt  }

// kernel: kernel.14.cloned.1.call-start
scs
__scs_entry_jumppad:
0x0: {  	(pc) =	sbr.rel $0x88, $3  }
0x1: {  	(tag) =	ssettag $0x0;
	lr =	simm.s32 $0x1  }
0x2: {  	[smem:$0x3F9B] =	sst lr;
	_ =	strace $0xD0000000  }
0x3: {  	_ = 	snop  }
0x4: {  	_ = 	snop  }
0x5: {  	_ = 	snop  }
0x6: {  	_ = 	snop  }
0x7: {  	_ = 	snop  }
__scs_overlays_trampoline_lowered:
0x8: {  	[smem:$0x3FAA] =	sst s0  }
0x9: {  	[smem:$0x3FAB] =	sst s1  }
0xa: {  	[smem:$0x3FAC] =	sst s2  }
0xb: {  	[smem:$0x3FAD] =	sst s3  }
0xc: {  	[smem:$0x3FAE] =	sst s4  }
0xd: {  	[smem:$0x3FAF] =	sst s5  }
0xe: {  	[smem:$0x3FB0] =	sst s6  }
0xf: {  	[smem:$0x3FB1] =	sst s7  }
0x10: {  	[smem:$0x3FB2] =	sst s8  }
0x11: {  	[smem:$0x3FB3] =	sst s9;
	s0 =	simm.s32 @!p0 $0x0  }
0x12: {  	s1 =	sld [smem:$0x3F99];
	s0 =	simm.s32 @p0 $0x1  }
0x13: {  	[smem:$0x3FB4] =	sst s0;
	s0 =	simm.s32 @!p1 $0x0  }
0x14: {  	s2 =	sld [smem:$0x3F98];
	s0 =	simm.s32 @p1 $0x1  }
0x15: {  	[smem:$0x3FB5] =	sst s0;
	s0 =	simm.s32 @!p2 $0x0  }
0x16: {  	s3 =	sld [smem:$0x3FDB];
	s0 =	simm.s32 @p2 $0x1  }
0x17: {  	s4 =	simm.s32 $0x1BF5;
	[smem:$0x3FB7] =	sst s0  }
0x18: {  	s0 =	sld [smem:$0x3F9A];
	_ =	swait.ge [sflag:s4], $0x0  }
0x19: {  	s7 =	sld [smem:$0x3F9B]  }
0x1a: {  	s8 =	sadd.s32 $0xFFFFE003, lr  }
0x1b: {  	s9 =	sadd.s32 $0xFFFFFEF7, lr;
	s5 =	simm.s32 $0xFFFFFFFF;
	p2 =	slt.u32 s8, $0xFFFFF086  }
0x1c: {  	p1 =	slt.u32 s9, $0xF7A;
	s5 =	simm.s32 @!p2 $0x0  }
0x1d: {  	s5 =	simm.s32 @p1 $0x1;
	p0 =	seq.s32 s7, s2  }
0x1e: {  	s7 =	smul.u32 @!p0 $0xF7A, s2;
	p2 =	seq.s32 @!p0 s5, $0x0  }
0x1f: {  	s9 =	smul.u32 $0xF7A, s1;
	s8 =	simm.s32 @!p0 $0x1BF5;
	p2 =	por !p2, p0  }
0x20: {  	[sflag:s8] =	ssyncset.s32 @!p0 $0xFFFFF086;
	s6 =	sadd.s32 @!p0 s3, s7;
	s7 =	simm.s32 @!p0 $0x108  }
0x21: {  	s3 =	sadd.s32 s3, s9;
	s6 =	sadd.s32 @!p0 $0x88, s6;
	s7 =	simm.s32 @p2 $0x1082  }
0x22: {  	[simem:s7], [sflag:s8] =	dma.local @!p0 [hbm:s6], $0xF7A  }
0x23: {  	s9 =	sor.u32 $0xD0000000, s2;
	s6 =	simm.s32 $0x108;
	_ =	swait.ge @!p0 [sflag:s8], $0x0  }
0x24: {  	s3 =	sadd.s32 $0x88, s3;
	s6 =	simm.s32 @!p1 $0x1082;
	[sflag:s4] =	ssyncset.s32 $0xFFFFF086  }
0x25: {  	[simem:s6], [sflag:s4] =	dma.local [hbm:s3], $0xF7A  }
0x26: {  	[smem:$0x3F9B] =	sst s1;
	(tag) =	ssettag s2;
	_ =	strace s9  }
0x27: {  	s1 =	sld [smem:$0x3FAB]  }
0x28: {  	s2 =	sld [smem:$0x3FAC]  }
0x29: {  	s4 =	sld [smem:$0x3FAE]  }
0x2a: {  	p0 =	seq.s32 s5, $0x0;
	s5 =	sld [smem:$0x3FAF]  }
0x2b: {  	s6 =	sld [smem:$0x3FB0]  }
0x2c: {  	s7 =	sld [smem:$0x3FB1]  }
0x2d: {  	s3 =	simm.s32 $0x108;
	s8 =	sld [smem:$0x3FB2]  }
0x2e: {  	s3 =	simm.s32 @!p0 $0x1082;
	s9 =	sld [smem:$0x3FB3]  }
0x2f: {  	lr =	sadd.s32 s0, s3;
	s0 =	sld [smem:$0x3FAA]  }
0x30: {  	s3 =	sld [smem:$0x3FAD]  }
0x31: {  	[smem:$0x3FB6] =	sst s10  }
0x32: {  	s10 =	sld [smem:$0x3FB4];
	_ =	sdelay $0x3  }
0x33: {  	p0 =	seq.s32 s10, $0x1;
	s10 =	sld [smem:$0x3FB6];
	_ =	sdelay $0x3  }
0x34: {  	[smem:$0x3FB6] =	sst s10  }
0x35: {  	s10 =	sld [smem:$0x3FB5];
	_ =	sdelay $0x3  }
0x36: {  	p1 =	seq.s32 s10, $0x1;
	s10 =	sld [smem:$0x3FB6];
	_ =	sdelay $0x3  }
0x37: {  	[smem:$0x3FB6] =	sst s10  }
0x38: {  	s10 =	sld [smem:$0x3FB7]  }
0x39: {  	_ = 	snop;
	(pc) =	sbr.ind lr, $3  }
0x3a: {  	_ = 	snop  }
0x3b: {  	_ = 	snop  }
0x3c: {  	p2 =	seq.s32 s10, $0x1;
	s10 =	sld [smem:$0x3FB6]  }
0x3d: {  	_ =	shalt  }
0x3e: {  	_ =	shalt  }
0x3f: {  	_ =	shalt  }
0x40: {  	_ =	shalt  }
0x41: {  	_ =	shalt  }
0x42: {  	_ =	shalt  }
0x43: {  	_ =	shalt  }
0x44: {  	_ =	shalt  }
0x45: {  	_ =	shalt  }
0x46: {  	_ =	shalt  }
0x47: {  	_ =	shalt  }
0x48: {  	_ =	shalt  }
0x49: {  	_ =	shalt  }
0x4a: {  	_ =	shalt  }
0x4b: {  	_ =	shalt  }
0x4c: {  	_ =	shalt  }
0x4d: {  	_ =	shalt  }
0x4e: {  	_ =	shalt  }
0x4f: {  	_ =	shalt  }
0x50: {  	_ =	shalt  }
0x51: {  	_ =	shalt  }
0x52: {  	_ =	shalt  }
0x53: {  	_ =	shalt  }
0x54: {  	_ =	shalt  }
0x55: {  	_ =	shalt  }
0x56: {  	_ =	shalt  }
0x57: {  	_ =	shalt  }
0x58: {  	_ =	shalt  }
0x59: {  	_ =	shalt  }
0x5a: {  	_ =	shalt  }
0x5b: {  	_ =	shalt  }
0x5c: {  	_ =	shalt  }
0x5d: {  	_ =	shalt  }
0x5e: {  	_ =	shalt  }
0x5f: {  	_ =	shalt  }
0x60: {  	_ =	shalt  }
0x61: {  	_ =	shalt  }
0x62: {  	_ =	shalt  }
0x63: {  	_ =	shalt  }
0x64: {  	_ =	shalt  }
0x65: {  	_ =	shalt  }
0x66: {  	_ =	shalt  }
0x67: {  	_ =	shalt  }
0x68: {  	_ =	shalt  }
0x69: {  	_ =	shalt  }
0x6a: {  	_ =	shalt  }
0x6b: {  	_ =	shalt  }
0x6c: {  	_ =	shalt  }
0x6d: {  	_ =	shalt  }
0x6e: {  	_ =	shalt  }
0x6f: {  	_ =	shalt  }
0x70: {  	_ =	shalt  }
0x71: {  	_ =	shalt  }
0x72: {  	_ =	shalt  }
0x73: {  	_ =	shalt  }
0x74: {  	_ =	shalt  }
0x75: {  	_ =	shalt  }
0x76: {  	_ =	shalt  }
0x77: {  	_ =	shalt  }
0x78: {  	_ =	shalt  }
0x79: {  	_ =	shalt  }
0x7a: {  	_ =	shalt  }
0x7b: {  	_ =	shalt  }
0x7c: {  	_ =	shalt  }
0x7d: {  	_ =	shalt  }
0x7e: {  	_ =	shalt  }
0x7f: {  	_ =	shalt  }
0x80: {  	_ =	shalt  }
0x81: {  	_ =	shalt  }
0x82: {  	_ =	shalt  }
0x83: {  	_ =	shalt  }
0x84: {  	_ =	shalt  }
0x85: {  	_ =	shalt  }
0x86: {  	_ =	shalt  }
0x87: {  	_ =	shalt  }
.Lfunc_end0:
.L_simem_size_0:
called_computation.2_lowered:
.L_overlay_start_0:
0x88: {  	s2 =	sld [smem:$0x3FD9]  }
0x89: {  	s3 =	sld [smem:$0x3FFE];
	_ =	sdelay $0x1  }
0x8a: {  	s1 =	srdreg.scid  }
0x8b: {  	s0 =	sand.u32 $0x1, s1  }
0x8c: {  	s17 =	sshll.u32 s0, $0xA;
	s2 =	sadd.s32 s3, s2  }
0x8d: {  	s2 =	sadd.s32 s2, s17  }
0x8e: {  	[smem:$0x3FC2] =	sst s2  }
0x8f: {  	_ = 	snop  }
0x90: {  	s2 =	sld [smem:$0x3FD0];
	(tm) =	ssettm $0x1  }
0x91: {  	s18 =	sld [smem:$0x3FFB];
	_ =	sdelay $0x3  }
0x92: {  	_ =	strace s18  }
0x93: {  	s3 =	sld [smem:$0x3FFC];
	_ =	sdelay $0x3  }
0x94: {  	_ =	strace s3  }
0x95: {  	s3 =	sld [smem:$0x3FFD];
	_ =	sdelay $0x3  }
0x96: {  	_ =	strace s3  }
0x97: {  	_ =	strace $0x8FFFFFFF  }
0x98: {  	s19 =	sld [smem:$0x3FDB];
	_ =	sdelay $0x1  }
0x99: {  	s4 =	simm.s32 $_scs_section_size  }
0x9a: {  	s5 =	simm.s32 $_size__tile_overlayer_lowered;
	s6 =	simm.s32 $_tile_overlayer_lowered  }
0x9b: {  	s22 =	simm.s32 $0x1BFF;
	s21 =	sshll.u32 s6, $0x1;
	s3 =	sadd.s32 s4, s19  }
0x9c: {  	s7 =	simm.s32 $0x0;
	s20 =	sshll.u32 s5, $0x1;
	s5 =	sadd.s32 s21, s3  }
0x9d: {  	[timem:s7], [sflag:s22] =	dma.local [hbm:s5], s20  }
0x9e: {  	_ =	swait.ge [sflag:s22], s20  }
0x9f: {  	s4 =	ssub.s32 $0x0, s20;
	[sflag:s22] =	ssyncset.done $0x0  }
0xa0: {  	[sflag:s22] =	ssyncadd.s32 s4;
	_ =	sdelay $0x1  }
0xa1: {  	s23 =	simm.s32 $0x1B8B  }
0xa2: {  	_ =	swait.ge [sflag:s23], $0x1  }
0xa3: {  	[sflag:s23] =	ssyncset.done $0x0  }
0xa4: {  	s25 =	simm.s32 $0x1B8E;
	s24 =	sld [smem:$0x3FFE];
	[sflag:s23] =	ssyncadd.s32 $0xFFFFFFFF  }
0xa5: {  	s26 =	simm.s32 $execute0_lowered;
	[smem:$0x3FD2] =	sst s25  }
0xa6: {  	s5 =	sshll.u32 s26, $0x1;
	_ =	strace $0x8000004C;
	[dreg:$0x1] =	wrdreg $0xFFFFFFFF  }
0xa7: {  	s28 =	simm.s32 $_size_execute0_lowered;
	s3 =	sadd.s32 s3, s5;
	[dreg:$0x0] =	wrdreg $0x0  }
0xa8: {  	s5 =	sshll.u32 s28, $0x1;
	[dreg:$0x2] =	wrdreg s3  }
0xa9: {  	[dreg:$0x3] =	wrdreg s5  }
0xaa: {  	[dreg:$0x4] =	wrdreg $0xC0  }
0xab: {  	_ =	task [dreg:s7], $0x5FFFF  }
0xac: {  	[dreg:$0x1] =	wrdreg $0xFFFFFFFF  }
0xad: {  	[dreg:$0x0] =	wrdreg $0x60  }
0xae: {  	[dreg:$0x2] =	wrdreg s24  }
0xaf: {  	[dreg:$0x3] =	wrdreg s2  }
0xb0: {  	[dreg:$0x4] =	wrdreg $0x118000  }
0xb1: {  	[dreg:$0x5] =	wrdreg $0x17C000  }
0xb2: {  	[dreg:$0x6] =	wrdreg $0x9  }
0xb3: {  	_ =	task.clear_ibuf [dreg:s7], $0x7FFFF;
	_ =	strace $0x9000004C  }
0xb4: {  	s29 =	simm.s32 $0x9;
	_ =	strace $0x8000004E  }
0xb5: {  	_ =	swait.ge [sflag:s29], $0x1  }
0xb6: {  	[sflag:s29] =	ssyncadd.s32 $0xFFFFFFFF  }
0xb7: {  	_ =	strace $0x9000004E  }
0xb8: {  	_ =	sfence  }
0xb9: {  	s30 =	sld [smem:$0x0];
	_ =	sdelay $0x2  }
0xba: {  	s31 =	sshll.u32 s1, $0xD;
	s1 =	sshrl.u32 s1, $0x2  }
0xbb: {  	s3 =	sand.u32 $0x4000, s31;
	s1 =	sadd.s32 s1, s30  }
0xbc: {  	s0 =	sor.u32 s3, s0;
	s1 =	sshll.u32 s1, $0x11  }
0xbd: {  	s0 =	sor.u32 s1, s0  }
0xbe: {  	s0 =	sadd.s32 $0x8F2B, s0  }
0xbf: {  	[sflag:s0] =	ssyncadd.remote.s32 $0x1  }
0xc0: {  	_ =	sfence.sel $0xFFFF  }
0xc1: {  	[dreg:$0x0] =	wrdreg $0xFFFFFFFF;
	(pc) =	sbr.abs _section_cstart, $3  }
0xc2: {  	[dreg:$0x1] =	wrdreg $0xFFFFFFFF  }
0xc3: {  	_ =	task.clear_ibuf [dreg:s7], $0x2FFFF;
	_ =	strace $0x9FFFFFFF  }
0xc4: {  	(tm) =	ssettm $0x7FFFFFFF  }
0xc5: {  	_ =	shalt  }
tec
execute0_lowered:
.L_overlay_start_1:
0x0: {  	(tag) =	ssettag $0x1  }
0x1: {  	s0 =	rddreg [dreg:$0x0]  }
0x2: {  	s1 =	rddreg [dreg:$0x1];
	s12 =	stileid.u32  }
0x3: {  	s3 =	srdreg.scid;
	s2 =	rddreg [dreg:$0x2];
	s7 =	simm.s32 $0x0  }
0x4: {  	s16 =	simm.s32 $0xE;
	s25 =	simm.s32 $0xB400;
	s26 =	simm.s32 $0xDC00  }
0x5: {  	s31 =	simm.s32 $0x1;
	s15 =	simm.s32 $0x3;
	s29 =	simm.s32 $0x10400  }
0x6: {  	s28 =	simm.s32 $0x5000;
	s30 =	simm.s32 $0x6400;
	s4 =	sand.u32 $0x1, s3  }
0x7: {  	s5 =	sshll.u32 s12, $0x1;
	s3 =	rddreg [dreg:$0x3];
	s6 =	smul.u32 $0x6400, s12  }
0x8: {  	[smem:$0x7FF] =	sst s7;
	s12 =	sshll.u32 s12, $0x6;
	s7 =	simm.s32 $0x5  }
0x9: {  	s5 =	sor.u32 s4, s5;
	s8 =	smul.u32 $0xC800, s4;
	_ =	strace $0x8000004D  }
0xa: {  	s10 =	ssub.s32 $0x2, s4;
	s14 =	sor.u32 $0x1C0B, s12;
	[dreg:$0x7] =	wrdreg s12  }
0xb: {  	p0 =	seq.s32 s4, $0x0;
	s24 =	sor.u32 $0x1C0C, s12;
	[dreg:$0x5] =	wrdreg s25  }
0xc: {  	s12 =	simm.s32 $0xB;
	[dreg:$0x6] =	wrdreg s26;
	s26 =	simm.s32 $0x4  }
0xd: {  	s5 =	smul.u32 $0x500, s5;
	s19 =	sshrl.u32 s6, $0x3;
	s20 =	sshrl.u32 s10, $0x1  }
0xe: {  	s21 =	sadd.s32 s6, s2;
	[dreg:$0x9] =	wrdreg s14;
	s6 =	sadd.s32 s6, s3  }
0xf: {  	[dreg:$0xf] =	wrdreg s24;
	s14 =	simm.s32 $0xD;
	s9 =	sadd.s32 s19, s0  }
0x10: {  	s23 =	sshrl.u32 s21, $0x3;
	s11 =	sadd.s32 s5, s0;
	s0 =	sadd.s32 s8, s0  }
0x11: {  	s8 =	ssub.s32 s10, s20;
	s13 =	sadd.s32 $0x1600, s9;
	s9 =	sadd.s32 $0xDE00, s9  }
0x12: {  	s1 =	sadd.s32 s1, s5;
	[dreg:$0xe] =	wrdreg s23;
	s20 =	simm.s32 $0x80  }
0x13: {  	s23 =	simm.s32 $0xF000;
	s10 =	simm.s32 $0x9;
	[dreg:$0xc] =	wrdreg s1  }
0x14: {  	s11 =	sadd.s32 $0x2A600, s11;
	s0 =	sadd.s32 $0x34600, s0;
	[dreg:$0x8] =	wrdreg s13  }
0x15: {  	s22 =	smax.u32 s8, $0x1;
	s9 =	smov.u32 @p0 s13;
	[dreg:$0xb] =	wrdreg s11  }
0x16: {  	s8 =	sshrl.u32 s6, $0x3;
	s13 =	simm.s32 $0xC;
	[dreg:$0xd] =	wrdreg s22  }
0x17: {  	s1 =	simm.s32 $0xC800;
	s6 =	simm.s32 $0x0;
	[dreg:$0xa] =	wrdreg s9  }
0x18: {  	s0 =	sadd.s32 s19, s0;
	s9 =	simm.s32 $0x7;
	[dreg:$0x10] =	wrdreg s8  }
0x19: {  	s11 =	simm.s32 $0xA;
	[dreg:$0x11] =	wrdreg s0;
	s0 =	simm.s32 $0x2  }
.LBB2_1:
0x1a: {  	[dreg:$0x12] =	wrdreg s6  }
0x1b: {  	s4 =	rddreg [dreg:$0x8]  }
0x1c: {  	s5 =	rddreg [dreg:$0x9]  }
0x1d: {  	s21 =	rddreg [dreg:$0xe]  }
0x1e: {  	[spmem:s21], [sflag:s5] =	dma.local [hbm:s4], $0xC80  }
0x1f: {  	s4 =	rddreg [dreg:$0xa]  }
0x20: {  	s5 =	rddreg [dreg:$0xf]  }
0x21: {  	[spmem:s8], [sflag:s5] =	dma.local [hbm:s4], $0xC80  }
0x22: {  	s22 =	simm.s32 $0x0;
	s5 =	rddreg [dreg:$0xb]  }
0x23: {  	[tilespmem:s22], [sflag:$0xD] =	stream.linear.gather [hbm4b:s5+s22], $0x2800, $0x38;
	[tilespmem:$0x1E000] =	vst v63  }
0x24: {  	s25 =	simm.s32 $0x2800;
	s24 =	rddreg [dreg:$0xc]  }
0x25: {  	[tilespmem:s25], [sflag:$0xE] =	stream.linear.gather [hbm4b:s24+s22], $0x2800, $0x38;
	[tilespmem:$0x1E000] =	vst v63  }
0x26: {  	_ =	swait.ge [sflag:s12], $0xC80  }
0x27: {  	[sflag:s12] =	ssyncset.done $0x0  }
0x28: {  	[sflag:s12] =	ssyncadd.s32 $0xFFFFF380  }
0x29: {  	_ =	swait.ge [sflag:s13], $0xC80  }
0x2a: {  	[sflag:s13] =	ssyncset.done $0x0  }
0x2b: {  	[sflag:s13] =	ssyncadd.s32 $0xFFFFF380  }
0x2c: {  	_ =	swait.ge [sflag:s14], $0x2800  }
0x2d: {  	[sflag:s14] =	ssyncset.done $0x0  }
0x2e: {  	[sflag:s14] =	ssyncadd.s32 $0xFFFFD800  }
0x2f: {  	_ =	swait.ge [sflag:s16], $0x2800  }
0x30: {  	[sflag:s16] =	ssyncset.done $0x0  }
0x31: {  	[sflag:s16] =	ssyncadd.s32 $0xFFFFD800  }
0x32: {  	s8 =	simm.s32 $0x5000;
	[bflag:$0x0] =	sbarrier.arrive $0xFFFF  }
0x33: {  	[tilespmem:s8], [sflag:$0x1] =	stream.indirect.gather [spmem:s2], $0x28, s22, s20, $0xb8;
	[tilespmem:$0x1E000] =	vst v63  }
0x34: {  	s16 =	simm.s32 $0x6400  }
0x35: {  	[tilespmem:s16], [sflag:$0x2] =	stream.indirect.gather [spmem:s2], $0x28, s20, s20, $0xb8;
	[tilespmem:$0x1E000] =	vst v63  }
0x36: {  	s17 =	simm.s32 $0x100;
	s12 =	simm.s32 $0x7800  }
0x37: {  	[tilespmem:s12], [sflag:$0x3] =	stream.indirect.gather [spmem:s2], $0x28, s17, s20, $0xb8;
	[tilespmem:$0x1E000] =	vst v63  }
0x38: {  	s18 =	simm.s32 $0x180;
	p0 =	por $0x1, $0x1;
	s13 =	simm.s32 $0x8C00  }
0x39: {  	[tilespmem:s13], [sflag:$0x4] =	stream.indirect.gather [spmem:s2], $0x28, s18, s20, $0xb8;
	[tilespmem:$0x1E000] =	vst v63  }
0x3a: {  	s19 =	simm.s32 $0x200;
	s4 =	simm.s32 @!p0 $0x10;
	s14 =	simm.s32 $0xA000  }
0x3b: {  	[tilespmem:s14], [sflag:$0x5] =	stream.indirect.gather [spmem:s2], $0x28, s19, s20, $0xb8;
	[tilespmem:$0x1E000] =	vst v63  }
0x3c: {  	_ =	swait.ge @!p0 [sflag:s4], $0x1400  }
0x3d: {  	[sflag:s4] =	ssyncset.done @!p0 $0x0  }
0x3e: {  	s22 =	simm.s32 $0x280;
	s21 =	rddreg [dreg:$0x5];
	[sflag:s4] =	ssyncadd.s32 @!p0 $0xFFFFEC00  }
0x3f: {  	[tilespmem:s21], [sflag:$0x6] =	stream.indirect.gather [spmem:s2], $0x28, s22, s20, $0xb8;
	[tilespmem:$0x1E000] =	vst v63  }
0x40: {  	_ =	swait.ge [sflag:s31], $0x1400  }
0x41: {  	[sflag:s31] =	ssyncset.done $0x0  }
0x42: {  	s5 =	simm.s32 @!p0 $0x11;
	s24 =	simm.s32 $0x2800;
	[sflag:s31] =	ssyncadd.s32 $0xFFFFEC00  }
0x43: {  	[spmem:s3] =	stream.indirect.scatter.add.f32 [tilespmem:s8], [sflag:$0xB], $0x28, s24, s20, $0xb8;
	[tilespmem:$0x1E000] =	vst v63  }
0x44: {  	_ =	swait.ge @!p0 [sflag:s5], $0x1400  }
0x45: {  	[sflag:s5] =	ssyncset.done @!p0 $0x0  }
0x46: {  	s25 =	simm.s32 $0x300;
	[sflag:s5] =	ssyncadd.s32 @!p0 $0xFFFFEC00  }
0x47: {  	[tilespmem:s1], [sflag:$0x7] =	stream.indirect.gather [spmem:s2], $0x28, s25, s20, $0xb8;
	[tilespmem:$0x1E000] =	vst v63  }
0x48: {  	_ =	swait.ge [sflag:s0], $0x1400  }
0x49: {  	[sflag:s0] =	ssyncset.done $0x0  }
0x4a: {  	s6 =	simm.s32 $0x2880;
	s5 =	simm.s32 @!p0 $0x12;
	[sflag:s0] =	ssyncadd.s32 $0xFFFFEC00  }
0x4b: {  	[spmem:s3] =	stream.indirect.scatter.add.f32 [tilespmem:s16], [sflag:$0xC], $0x28, s6, s20, $0xb8;
	[tilespmem:$0x1E000] =	vst v63  }
0x4c: {  	_ =	swait.ge @!p0 [sflag:s5], $0x1400  }
0x4d: {  	[sflag:s5] =	ssyncset.done @!p0 $0x0  }
0x4e: {  	s16 =	simm.s32 $0x380;
	s8 =	rddreg [dreg:$0x6];
	[sflag:s5] =	ssyncadd.s32 @!p0 $0xFFFFEC00  }
0x4f: {  	[tilespmem:s8], [sflag:$0x8] =	stream.indirect.gather [spmem:s2], $0x28, s16, s20, $0xb8;
	[tilespmem:$0x1E000] =	vst v63  }
0x50: {  	_ =	swait.ge [sflag:s15], $0x1400  }
0x51: {  	[sflag:s15] =	ssyncset.done $0x0  }
0x52: {  	s17 =	simm.s32 $0x2900;
	s5 =	simm.s32 @!p0 $0x13;
	[sflag:s15] =	ssyncadd.s32 $0xFFFFEC00  }
0x53: {  	[spmem:s3] =	stream.indirect.scatter.add.f32 [tilespmem:s12], [sflag:$0xD], $0x28, s17, s20, $0xb8;
	[tilespmem:$0x1E000] =	vst v63  }
0x54: {  	_ =	swait.ge @!p0 [sflag:s5], $0x1400  }
0x55: {  	[sflag:s5] =	ssyncset.done @!p0 $0x0  }
0x56: {  	s18 =	simm.s32 $0x400;
	[sflag:s5] =	ssyncadd.s32 @!p0 $0xFFFFEC00  }
0x57: {  	[tilespmem:s23], [sflag:$0x9] =	stream.indirect.gather [spmem:s2], $0x28, s18, s20, $0xb8;
	[tilespmem:$0x1E000] =	vst v63  }
0x58: {  	_ =	swait.ge [sflag:s26], $0x1400  }
0x59: {  	[sflag:s26] =	ssyncset.done $0x0  }
0x5a: {  	s19 =	simm.s32 $0x2980;
	s5 =	simm.s32 @!p0 $0x14;
	[sflag:s26] =	ssyncadd.s32 $0xFFFFEC00  }
0x5b: {  	[spmem:s3] =	stream.indirect.scatter.add.f32 [tilespmem:s13], [sflag:$0xE], $0x28, s19, s20, $0xb8;
	[tilespmem:$0x1E000] =	vst v63  }
0x5c: {  	_ =	swait.ge @!p0 [sflag:s5], $0x1400  }
0x5d: {  	[sflag:s5] =	ssyncset.done @!p0 $0x0  }
0x5e: {  	s21 =	simm.s32 $0x480;
	[sflag:s5] =	ssyncadd.s32 @!p0 $0xFFFFEC00  }
0x5f: {  	[tilespmem:s29], [sflag:$0xA] =	stream.indirect.gather [spmem:s2], $0x28, s21, s20, $0xb8;
	[tilespmem:$0x1E000] =	vst v63  }
0x60: {  	_ =	swait.ge [sflag:s7], $0x1400  }
0x61: {  	p0 =	por $0x0, $0x0;
	[sflag:s7] =	ssyncset.done $0x0  }
0x62: {  	s22 =	simm.s32 $0x2A00;
	s5 =	simm.s32 @p0 $0x6;
	[sflag:s7] =	ssyncadd.s32 $0xFFFFEC00  }
0x63: {  	[spmem:s3] =	stream.indirect.scatter.add.f32 [tilespmem:s14], [sflag:$0xF], $0x28, s22, s20, $0xb8;
	[tilespmem:$0x1E000] =	vst v63  }
0x64: {  	_ =	swait.ge @p0 [sflag:s5], $0x1400  }
0x65: {  	s4 =	simm.s32 @p0 $0x2A80;
	s6 =	simm.s32 @p0 $0x80;
	[sflag:s5] =	ssyncset.done @p0 $0x0  }
0x66: {  	s8 =	simm.s32 @p0 $0xB400;
	[sflag:s5] =	ssyncadd.s32 @p0 $0xFFFFEC00;
	s5 =	simm.s32 @!p0 $0xB  }
0x67: {  	[spmem:s3] =	stream.indirect.scatter.add.f32 @p0 [tilespmem:s8], [sflag:$0x10], $0x28, s4, s6, $0xb8;
	[tilespmem:$0x1E000] =	vst v63  }
0x68: {  	_ =	swait.ge @!p0 [sflag:s5], $0x1400  }
0x69: {  	s4 =	simm.s32 @!p0 $0x500;
	[sflag:s5] =	ssyncset.done @!p0 $0x0  }
0x6a: {  	s8 =	simm.s32 @!p0 $0x80;
	[sflag:s5] =	ssyncadd.s32 @!p0 $0xFFFFEC00;
	s5 =	simm.s32 @!p0 $0x5000  }
0x6b: {  	[tilespmem:s5], [sflag:$0x1] =	stream.indirect.gather @!p0 [spmem:s2], $0x28, s4, s8, $0xb8;
	[tilespmem:$0x1E000] =	vst v63  }
0x6c: {  	s4 =	simm.s32 @!p0 $0x6  }
0x6d: {  	_ =	swait.ge @!p0 [sflag:s4], $0x1400  }
0x6e: {  	[sflag:s4] =	ssyncset.done @!p0 $0x0  }
0x6f: {  	s5 =	simm.s32 @!p0 $0x2A80;
	[sflag:s4] =	ssyncadd.s32 @!p0 $0xFFFFEC00;
	s4 =	simm.s32 @!p0 $0xB400  }
0x70: {  	[spmem:s3] =	stream.indirect.scatter.add.f32 @!p0 [tilespmem:s4], [sflag:$0x10], $0x28, s5, s8, $0xb8;
	[tilespmem:$0x1E000] =	vst v63  }
0x71: {  	s4 =	simm.s32 @!p0 $0xC  }
0x72: {  	_ =	swait.ge @!p0 [sflag:s4], $0x1400  }
0x73: {  	[sflag:s4] =	ssyncset.done @!p0 $0x0  }
0x74: {  	s5 =	simm.s32 @!p0 $0x580;
	[sflag:s4] =	ssyncadd.s32 @!p0 $0xFFFFEC00;
	s4 =	simm.s32 @!p0 $0x6400  }
0x75: {  	[tilespmem:s4], [sflag:$0x2] =	stream.indirect.gather @!p0 [spmem:s2], $0x28, s5, s8, $0xb8;
	[tilespmem:$0x1E000] =	vst v63  }
0x76: {  	_ =	swait.ge [sflag:s9], $0x1400  }
0x77: {  	[sflag:s9] =	ssyncset.done $0x0  }
0x78: {  	s24 =	simm.s32 $0x2B00;
	s5 =	simm.s32 @p0 $0x8;
	[sflag:s9] =	ssyncadd.s32 $0xFFFFEC00  }
0x79: {  	[spmem:s3] =	stream.indirect.scatter.add.f32 [tilespmem:s1], [sflag:$0x11], $0x28, s24, s20, $0xb8;
	[tilespmem:$0x1E000] =	vst v63  }
0x7a: {  	_ =	swait.ge @p0 [sflag:s5], $0x1400  }
0x7b: {  	[sflag:s5] =	ssyncset.done @p0 $0x0  }
0x7c: {  	s4 =	simm.s32 @p0 $0x2B80;
	[sflag:s5] =	ssyncadd.s32 @p0 $0xFFFFEC00;
	s5 =	simm.s32 @p0 $0xDC00  }
0x7d: {  	[spmem:s3] =	stream.indirect.scatter.add.f32 @p0 [tilespmem:s5], [sflag:$0x12], $0x28, s4, s6, $0xb8;
	[tilespmem:$0x1E000] =	vst v63  }
0x7e: {  	s4 =	simm.s32 @!p0 $0xD  }
0x7f: {  	_ =	swait.ge @!p0 [sflag:s4], $0x1400  }
0x80: {  	[sflag:s4] =	ssyncset.done @!p0 $0x0  }
0x81: {  	s5 =	simm.s32 @!p0 $0x600;
	[sflag:s4] =	ssyncadd.s32 @!p0 $0xFFFFEC00;
	s4 =	simm.s32 @!p0 $0x7800  }
0x82: {  	[tilespmem:s4], [sflag:$0x3] =	stream.indirect.gather @!p0 [spmem:s2], $0x28, s5, s8, $0xb8;
	[tilespmem:$0x1E000] =	vst v63  }
0x83: {  	s4 =	simm.s32 @!p0 $0x8  }
0x84: {  	_ =	swait.ge @!p0 [sflag:s4], $0x1400  }
0x85: {  	[sflag:s4] =	ssyncset.done @!p0 $0x0  }
0x86: {  	s5 =	simm.s32 @!p0 $0x2B80;
	[sflag:s4] =	ssyncadd.s32 @!p0 $0xFFFFEC00;
	s4 =	simm.s32 @!p0 $0xDC00  }
0x87: {  	[spmem:s3] =	stream.indirect.scatter.add.f32 @!p0 [tilespmem:s4], [sflag:$0x12], $0x28, s5, s8, $0xb8;
	[tilespmem:$0x1E000] =	vst v63  }
0x88: {  	s4 =	simm.s32 @!p0 $0xE  }
0x89: {  	_ =	swait.ge @!p0 [sflag:s4], $0x1400  }
0x8a: {  	[sflag:s4] =	ssyncset.done @!p0 $0x0  }
0x8b: {  	s5 =	simm.s32 @!p0 $0x680;
	[sflag:s4] =	ssyncadd.s32 @!p0 $0xFFFFEC00;
	s4 =	simm.s32 @!p0 $0x8C00  }
0x8c: {  	[tilespmem:s4], [sflag:$0x4] =	stream.indirect.gather @!p0 [spmem:s2], $0x28, s5, s8, $0xb8;
	[tilespmem:$0x1E000] =	vst v63  }
0x8d: {  	_ =	swait.ge [sflag:s10], $0x1400  }
0x8e: {  	[sflag:s10] =	ssyncset.done $0x0  }
0x8f: {  	s25 =	simm.s32 $0x2C00;
	s5 =	simm.s32 @!p0 $0xF;
	[sflag:s10] =	ssyncadd.s32 $0xFFFFEC00  }
0x90: {  	[spmem:s3] =	stream.indirect.scatter.add.f32 [tilespmem:s23], [sflag:$0x13], $0x28, s25, s20, $0xb8;
	[tilespmem:$0x1E000] =	vst v63  }
0x91: {  	_ =	swait.ge @!p0 [sflag:s5], $0x1400  }
0x92: {  	p1 =	por $0x0, $0x0;
	s13 =	simm.s32 $0x1400;
	[sflag:s5] =	ssyncset.done @!p0 $0x0  }
0x93: {  	s4 =	simm.s32 @!p0 $0x700;
	[sflag:s5] =	ssyncadd.s32 @!p0 $0xFFFFEC00;
	s5 =	simm.s32 @!p0 $0xA000  }
0x94: {  	[tilespmem:s5], [sflag:$0x5] =	stream.indirect.gather @!p0 [spmem:s2], $0x28, s4, s8, $0xb8;
	[tilespmem:$0x1E000] =	vst v63  }
0x95: {  	s6 =	simm.s32 $0x2800;
	s4 =	simm.s32 $0x2C80;
	_ =	swait.ge [sflag:s11], $0x1400  }
.LBB2_2:
0x96: {  	[sflag:s11] =	ssyncset.done $0x0  }
0x97: {  	s8 =	simm.s32 @!p1 $0x10;
	[sflag:s11] =	ssyncadd.s32 $0xFFFFEC00  }
0x98: {  	[spmem:s3] =	stream.indirect.scatter.add.f32 [tilespmem:s29], [sflag:$0x14], $0x28, s4, s20, $0xb8;
	[tilespmem:$0x1E000] =	vst v63  }
0x99: {  	_ =	swait.ge @!p1 [sflag:s8], $0x1400  }
0x9a: {  	s24 =	sshra.s32 s13, $0x2;
	[sflag:s8] =	ssyncset.done @!p1 $0x0  }
0x9b: {  	s25 =	sadd.s32 $0x280, s24;
	s22 =	rddreg [dreg:$0x5];
	[sflag:s8] =	ssyncadd.s32 @!p1 $0xFFFFEC00  }
0x9c: {  	[tilespmem:s22], [sflag:$0x6] =	stream.indirect.gather [spmem:s2], $0x28, s25, s20, $0xb8;
	[tilespmem:$0x1E000] =	vst v63  }
0x9d: {  	_ =	swait.ge [sflag:s31], $0x1400  }
0x9e: {  	[sflag:s31] =	ssyncset.done $0x0  }
0x9f: {  	s12 =	sadd.s32 $0x2800, s24;
	s8 =	simm.s32 @!p1 $0x11;
	[sflag:s31] =	ssyncadd.s32 $0xFFFFEC00  }
0xa0: {  	[spmem:s3] =	stream.indirect.scatter.add.f32 [tilespmem:s28], [sflag:$0xB], $0x28, s12, s20, $0xb8;
	[tilespmem:$0x1E000] =	vst v63  }
0xa1: {  	_ =	swait.ge @!p1 [sflag:s8], $0x1400  }
0xa2: {  	[sflag:s8] =	ssyncset.done @!p1 $0x0  }
0xa3: {  	s14 =	sadd.s32 $0x300, s24;
	[sflag:s8] =	ssyncadd.s32 @!p1 $0xFFFFEC00  }
0xa4: {  	[tilespmem:s1], [sflag:$0x7] =	stream.indirect.gather [spmem:s2], $0x28, s14, s20, $0xb8;
	[tilespmem:$0x1E000] =	vst v63  }
0xa5: {  	_ =	swait.ge [sflag:s0], $0x1400  }
0xa6: {  	[sflag:s0] =	ssyncset.done $0x0  }
0xa7: {  	s16 =	sadd.s32 $0x2880, s24;
	s8 =	simm.s32 @!p1 $0x12;
	[sflag:s0] =	ssyncadd.s32 $0xFFFFEC00  }
0xa8: {  	[spmem:s3] =	stream.indirect.scatter.add.f32 [tilespmem:s30], [sflag:$0xC], $0x28, s16, s20, $0xb8;
	[tilespmem:$0x1E000] =	vst v63  }
0xa9: {  	_ =	swait.ge @!p1 [sflag:s8], $0x1400  }
0xaa: {  	[sflag:s8] =	ssyncset.done @!p1 $0x0  }
0xab: {  	s18 =	sadd.s32 $0x380, s24;
	s17 =	rddreg [dreg:$0x6];
	[sflag:s8] =	ssyncadd.s32 @!p1 $0xFFFFEC00  }
0xac: {  	[tilespmem:s17], [sflag:$0x8] =	stream.indirect.gather [spmem:s2], $0x28, s18, s20, $0xb8;
	[tilespmem:$0x1E000] =	vst v63  }
0xad: {  	_ =	swait.ge [sflag:s15], $0x1400  }
0xae: {  	s19 =	sadd.s32 $0x2900, s24;
	[sflag:s15] =	ssyncset.done $0x0  }
0xaf: {  	s12 =	simm.s32 $0x7800;
	s8 =	simm.s32 @!p1 $0x13;
	[sflag:s15] =	ssyncadd.s32 $0xFFFFEC00  }
0xb0: {  	[spmem:s3] =	stream.indirect.scatter.add.f32 [tilespmem:s12], [sflag:$0xD], $0x28, s19, s20, $0xb8;
	[tilespmem:$0x1E000] =	vst v63  }
0xb1: {  	_ =	swait.ge @!p1 [sflag:s8], $0x1400  }
0xb2: {  	[sflag:s8] =	ssyncset.done @!p1 $0x0  }
0xb3: {  	s21 =	sadd.s32 $0x400, s24;
	[sflag:s8] =	ssyncadd.s32 @!p1 $0xFFFFEC00  }
0xb4: {  	[tilespmem:s23], [sflag:$0x9] =	stream.indirect.gather [spmem:s2], $0x28, s21, s20, $0xb8;
	[tilespmem:$0x1E000] =	vst v63  }
0xb5: {  	_ =	swait.ge [sflag:s26], $0x1400  }
0xb6: {  	s22 =	sadd.s32 $0x2980, s24;
	[sflag:s26] =	ssyncset.done $0x0  }
0xb7: {  	s25 =	simm.s32 $0x8C00;
	s8 =	simm.s32 @!p1 $0x14;
	[sflag:s26] =	ssyncadd.s32 $0xFFFFEC00  }
0xb8: {  	[spmem:s3] =	stream.indirect.scatter.add.f32 [tilespmem:s25], [sflag:$0xE], $0x28, s22, s20, $0xb8;
	[tilespmem:$0x1E000] =	vst v63  }
0xb9: {  	_ =	swait.ge @!p1 [sflag:s8], $0x1400  }
0xba: {  	[sflag:s8] =	ssyncset.done @!p1 $0x0  }
0xbb: {  	s12 =	sadd.s32 $0x480, s24;
	[sflag:s8] =	ssyncadd.s32 @!p1 $0xFFFFEC00  }
0xbc: {  	[tilespmem:s29], [sflag:$0xA] =	stream.indirect.gather [spmem:s2], $0x28, s12, s20, $0xb8;
	[tilespmem:$0x1E000] =	vst v63  }
0xbd: {  	_ =	swait.ge [sflag:s7], $0x1400  }
0xbe: {  	s14 =	sadd.s32 $0x2A00, s24;
	p1 =	seq.s32 s13, $0x8C00;
	[sflag:s7] =	ssyncset.done $0x0  }
0xbf: {  	s17 =	simm.s32 $0xA000;
	s8 =	simm.s32 @p1 $0x6;
	[sflag:s7] =	ssyncadd.s32 $0xFFFFEC00  }
0xc0: {  	[spmem:s3] =	stream.indirect.scatter.add.f32 [tilespmem:s17], [sflag:$0xF], $0x28, s14, s20, $0xb8;
	[tilespmem:$0x1E000] =	vst v63  }
0xc1: {  	s16 =	sshra.s32 @p1 s13, $0x2;
	_ =	swait.ge @p1 [sflag:s8], $0x1400  }
0xc2: {  	s18 =	simm.s32 @!p1 $0xB;
	s4 =	sadd.s32 @p1 $0x2A80, s16;
	[sflag:s8] =	ssyncset.done @p1 $0x0  }
0xc3: {  	s14 =	simm.s32 @p1 $0x80;
	s17 =	simm.s32 @p1 $0xB400;
	[sflag:s8] =	ssyncadd.s32 @p1 $0xFFFFEC00  }
0xc4: {  	[spmem:s3] =	stream.indirect.scatter.add.f32 @p1 [tilespmem:s17], [sflag:$0x10], $0x28, s4, s14, $0xb8;
	[tilespmem:$0x1E000] =	vst v63  }
0xc5: {  	s13 =	sshra.s32 @!p1 s13, $0x2;
	_ =	swait.ge @!p1 [sflag:s18], $0x1400  }
0xc6: {  	s19 =	sadd.s32 @!p1 $0x500, s13;
	s8 =	simm.s32 @!p1 $0x80;
	[sflag:s18] =	ssyncset.done @!p1 $0x0  }
0xc7: {  	s4 =	simm.s32 @!p1 $0x5000;
	[sflag:s18] =	ssyncadd.s32 @!p1 $0xFFFFEC00;
	s18 =	simm.s32 @!p1 $0x6  }
0xc8: {  	[tilespmem:s4], [sflag:$0x1] =	stream.indirect.gather @!p1 [spmem:s2], $0x28, s19, s8, $0xb8;
	[tilespmem:$0x1E000] =	vst v63  }
0xc9: {  	s5 =	smov.u32 s6;
	s25 =	simm.s32 @!p1 $0xB400;
	_ =	swait.ge @!p1 [sflag:s18], $0x1400  }
0xca: {  	s12 =	sadd.s32 @!p1 $0x580, s13;
	s21 =	sadd.s32 @p1 $0x2B80, s16;
	[sflag:s18] =	ssyncset.done @!p1 $0x0  }
0xcb: {  	s17 =	sadd.s32 @!p1 $0x2A80, s13;
	[sflag:s18] =	ssyncadd.s32 @!p1 $0xFFFFEC00;
	s18 =	simm.s32 @!p1 $0xC  }
0xcc: {  	[spmem:s3] =	stream.indirect.scatter.add.f32 @!p1 [tilespmem:s25], [sflag:$0x10], $0x28, s17, s8, $0xb8;
	[tilespmem:$0x1E000] =	vst v63  }
0xcd: {  	s22 =	sadd.s32 @!p1 $0x2B80, s13;
	s16 =	sadd.s32 @!p1 $0x680, s13;
	_ =	swait.ge @!p1 [sflag:s18], $0x1400  }
0xce: {  	s19 =	sadd.s32 @!p1 $0x600, s13;
	s4 =	sadd.s32 @!p1 $0x700, s13;
	[sflag:s18] =	ssyncset.done @!p1 $0x0  }
0xcf: {  	s13 =	smov.u32 s5;
	s5 =	simm.s32 @!p1 $0x6400;
	[sflag:s18] =	ssyncadd.s32 @!p1 $0xFFFFEC00  }
0xd0: {  	[tilespmem:s5], [sflag:$0x2] =	stream.indirect.gather @!p1 [spmem:s2], $0x28, s12, s8, $0xb8;
	[tilespmem:$0x1E000] =	vst v63  }
0xd1: {  	_ =	swait.ge [sflag:s9], $0x1400  }
0xd2: {  	[sflag:s9] =	ssyncset.done $0x0  }
0xd3: {  	s18 =	sadd.s32 $0x2B00, s24;
	s12 =	simm.s32 @p1 $0x8;
	[sflag:s9] =	ssyncadd.s32 $0xFFFFEC00  }
0xd4: {  	[spmem:s3] =	stream.indirect.scatter.add.f32 [tilespmem:s1], [sflag:$0x11], $0x28, s18, s20, $0xb8;
	[tilespmem:$0x1E000] =	vst v63  }
0xd5: {  	_ =	swait.ge @p1 [sflag:s12], $0x1400  }
0xd6: {  	[sflag:s12] =	ssyncset.done @p1 $0x0  }
0xd7: {  	s5 =	simm.s32 @p1 $0xDC00;
	[sflag:s12] =	ssyncadd.s32 @p1 $0xFFFFEC00;
	s12 =	simm.s32 @!p1 $0xD  }
0xd8: {  	[spmem:s3] =	stream.indirect.scatter.add.f32 @p1 [tilespmem:s5], [sflag:$0x12], $0x28, s21, s14, $0xb8;
	[tilespmem:$0x1E000] =	vst v63  }
0xd9: {  	_ =	swait.ge @!p1 [sflag:s12], $0x1400  }
0xda: {  	[sflag:s12] =	ssyncset.done @!p1 $0x0  }
0xdb: {  	s5 =	simm.s32 @!p1 $0x7800;
	[sflag:s12] =	ssyncadd.s32 @!p1 $0xFFFFEC00;
	s12 =	simm.s32 @!p1 $0x8  }
0xdc: {  	[tilespmem:s5], [sflag:$0x3] =	stream.indirect.gather @!p1 [spmem:s2], $0x28, s19, s8, $0xb8;
	[tilespmem:$0x1E000] =	vst v63  }
0xdd: {  	_ =	swait.ge @!p1 [sflag:s12], $0x1400  }
0xde: {  	[sflag:s12] =	ssyncset.done @!p1 $0x0  }
0xdf: {  	s5 =	simm.s32 @!p1 $0xDC00;
	[sflag:s12] =	ssyncadd.s32 @!p1 $0xFFFFEC00;
	s12 =	simm.s32 @!p1 $0xE  }
0xe0: {  	[spmem:s3] =	stream.indirect.scatter.add.f32 @!p1 [tilespmem:s5], [sflag:$0x12], $0x28, s22, s8, $0xb8;
	[tilespmem:$0x1E000] =	vst v63  }
0xe1: {  	_ =	swait.ge @!p1 [sflag:s12], $0x1400  }
0xe2: {  	[sflag:s12] =	ssyncset.done @!p1 $0x0  }
0xe3: {  	s5 =	simm.s32 @!p1 $0x8C00;
	[sflag:s12] =	ssyncadd.s32 @!p1 $0xFFFFEC00  }
0xe4: {  	[tilespmem:s5], [sflag:$0x4] =	stream.indirect.gather @!p1 [spmem:s2], $0x28, s16, s8, $0xb8;
	[tilespmem:$0x1E000] =	vst v63  }
0xe5: {  	s6 =	sadd.s32 $0x1400, s6;
	_ =	swait.ge [sflag:s10], $0x1400  }
0xe6: {  	p0 =	sne.s32 s6, $0xA000;
	[sflag:s10] =	ssyncset.done $0x0  }
0xe7: {  	s25 =	sadd.s32 $0x2C00, s24;
	s12 =	simm.s32 @!p1 $0xF;
	[sflag:s10] =	ssyncadd.s32 $0xFFFFEC00  }
0xe8: {  	[spmem:s3] =	stream.indirect.scatter.add.f32 [tilespmem:s23], [sflag:$0x13], $0x28, s25, s20, $0xb8;
	[tilespmem:$0x1E000] =	vst v63  }
.Ltmp0:
0xe9: {  	_ =	swait.ge @!p1 [sflag:s12], $0x1400;
	(pc) =	sbr.rel @p0 .LBB2_2-.Ltmp0, $4  }
0xea: {  	[sflag:s12] =	ssyncset.done @!p1 $0x0  }
0xeb: {  	s5 =	simm.s32 @!p1 $0xA000;
	[sflag:s12] =	ssyncadd.s32 @!p1 $0xFFFFEC00  }
0xec: {  	[tilespmem:s5], [sflag:$0x5] =	stream.indirect.gather @!p1 [spmem:s2], $0x28, s4, s8, $0xb8;
	[tilespmem:$0x1E000] =	vst v63  }
0xed: {  	p1 =	seq.s32 s13, $0x0;
	s4 =	sadd.s32 $0x2C80, s24;
	_ =	swait.ge [sflag:s11], $0x1400  }
0xee: {  	[sflag:s11] =	ssyncset.done $0x0  }
0xef: {  	s6 =	simm.s32 @!p1 $0x10;
	[sflag:s11] =	ssyncadd.s32 $0xFFFFEC00  }
0xf0: {  	[spmem:s3] =	stream.indirect.scatter.add.f32 [tilespmem:s29], [sflag:$0x14], $0x28, s4, s20, $0xb8;
	[tilespmem:$0x1E000] =	vst v63  }
0xf1: {  	_ =	swait.ge @!p1 [sflag:s6], $0x1400  }
0xf2: {  	s5 =	sshra.s32 s13, $0x2;
	[sflag:s6] =	ssyncset.done @!p1 $0x0  }
0xf3: {  	s17 =	sadd.s32 $0x280, s5;
	s16 =	rddreg [dreg:$0x5];
	[sflag:s6] =	ssyncadd.s32 @!p1 $0xFFFFEC00  }
0xf4: {  	[tilespmem:s16], [sflag:$0x6] =	stream.indirect.gather [spmem:s2], $0x28, s17, s20, $0xb8;
	[tilespmem:$0x1E000] =	vst v63  }
0xf5: {  	_ =	swait.ge [sflag:s31], $0x1400  }
0xf6: {  	[sflag:s31] =	ssyncset.done $0x0  }
0xf7: {  	s18 =	sadd.s32 $0x2800, s5;
	s6 =	simm.s32 @!p1 $0x11;
	[sflag:s31] =	ssyncadd.s32 $0xFFFFEC00  }
0xf8: {  	[spmem:s3] =	stream.indirect.scatter.add.f32 [tilespmem:s28], [sflag:$0xB], $0x28, s18, s20, $0xb8;
	[tilespmem:$0x1E000] =	vst v63  }
0xf9: {  	_ =	swait.ge @!p1 [sflag:s6], $0x1400  }
0xfa: {  	[sflag:s6] =	ssyncset.done @!p1 $0x0  }
0xfb: {  	s19 =	sadd.s32 $0x300, s5;
	[sflag:s6] =	ssyncadd.s32 @!p1 $0xFFFFEC00  }
0xfc: {  	[tilespmem:s1], [sflag:$0x7] =	stream.indirect.gather [spmem:s2], $0x28, s19, s20, $0xb8;
	[tilespmem:$0x1E000] =	vst v63  }
0xfd: {  	_ =	swait.ge [sflag:s0], $0x1400  }
0xfe: {  	[sflag:s0] =	ssyncset.done $0x0  }
0xff: {  	s21 =	sadd.s32 $0x2880, s5;
	s6 =	simm.s32 @!p1 $0x12;
	[sflag:s0] =	ssyncadd.s32 $0xFFFFEC00  }
0x100: {  	[spmem:s3] =	stream.indirect.scatter.add.f32 [tilespmem:s30], [sflag:$0xC], $0x28, s21, s20, $0xb8;
	[tilespmem:$0x1E000] =	vst v63  }
0x101: {  	_ =	swait.ge @!p1 [sflag:s6], $0x1400  }
0x102: {  	[sflag:s6] =	ssyncset.done @!p1 $0x0  }
0x103: {  	s24 =	sadd.s32 $0x380, s5;
	s22 =	rddreg [dreg:$0x6];
	[sflag:s6] =	ssyncadd.s32 @!p1 $0xFFFFEC00  }
0x104: {  	[tilespmem:s22], [sflag:$0x8] =	stream.indirect.gather [spmem:s2], $0x28, s24, s20, $0xb8;
	[tilespmem:$0x1E000] =	vst v63  }
0x105: {  	_ =	swait.ge [sflag:s15], $0x1400  }
0x106: {  	s8 =	simm.s32 $0x7800;
	[sflag:s15] =	ssyncset.done $0x0  }
0x107: {  	s25 =	sadd.s32 $0x2900, s5;
	s6 =	simm.s32 @!p1 $0x13;
	[sflag:s15] =	ssyncadd.s32 $0xFFFFEC00  }
0x108: {  	[spmem:s3] =	stream.indirect.scatter.add.f32 [tilespmem:s8], [sflag:$0xD], $0x28, s25, s20, $0xb8;
	[tilespmem:$0x1E000] =	vst v63  }
0x109: {  	_ =	swait.ge @!p1 [sflag:s6], $0x1400  }
0x10a: {  	[sflag:s6] =	ssyncset.done @!p1 $0x0  }
0x10b: {  	s12 =	sadd.s32 $0x400, s5;
	[sflag:s6] =	ssyncadd.s32 @!p1 $0xFFFFEC00  }
0x10c: {  	[tilespmem:s23], [sflag:$0x9] =	stream.indirect.gather [spmem:s2], $0x28, s12, s20, $0xb8;
	[tilespmem:$0x1E000] =	vst v63  }
0x10d: {  	_ =	swait.ge [sflag:s26], $0x1400  }
0x10e: {  	s14 =	sadd.s32 $0x2980, s5;
	[sflag:s26] =	ssyncset.done $0x0  }
0x10f: {  	s16 =	simm.s32 $0x8C00;
	s6 =	simm.s32 @!p1 $0x14;
	[sflag:s26] =	ssyncadd.s32 $0xFFFFEC00  }
0x110: {  	[spmem:s3] =	stream.indirect.scatter.add.f32 [tilespmem:s16], [sflag:$0xE], $0x28, s14, s20, $0xb8;
	[tilespmem:$0x1E000] =	vst v63  }
0x111: {  	_ =	swait.ge @!p1 [sflag:s6], $0x1400  }
0x112: {  	[sflag:s6] =	ssyncset.done @!p1 $0x0  }
0x113: {  	s17 =	sadd.s32 $0x480, s5;
	[sflag:s6] =	ssyncadd.s32 @!p1 $0xFFFFEC00  }
0x114: {  	[tilespmem:s29], [sflag:$0xA] =	stream.indirect.gather [spmem:s2], $0x28, s17, s20, $0xb8;
	[tilespmem:$0x1E000] =	vst v63  }
0x115: {  	_ =	swait.ge [sflag:s7], $0x1400  }
0x116: {  	p0 =	seq.s32 s13, $0x8C00;
	s18 =	sadd.s32 $0x2A00, s5;
	[sflag:s7] =	ssyncset.done $0x0  }
0x117: {  	s19 =	simm.s32 $0xA000;
	s6 =	simm.s32 @p0 $0x6;
	[sflag:s7] =	ssyncadd.s32 $0xFFFFEC00  }
0x118: {  	[spmem:s3] =	stream.indirect.scatter.add.f32 [tilespmem:s19], [sflag:$0xF], $0x28, s18, s20, $0xb8;
	[tilespmem:$0x1E000] =	vst v63  }
0x119: {  	s8 =	sshra.s32 @p0 s13, $0x2;
	_ =	swait.ge @p0 [sflag:s6], $0x1400  }
0x11a: {  	s4 =	sadd.s32 @p0 $0x2A80, s8;
	s12 =	simm.s32 @p0 $0x80;
	[sflag:s6] =	ssyncset.done @p0 $0x0  }
0x11b: {  	s14 =	simm.s32 @p0 $0xB400;
	[sflag:s6] =	ssyncadd.s32 @p0 $0xFFFFEC00;
	s6 =	simm.s32 @!p0 $0xB  }
0x11c: {  	[spmem:s3] =	stream.indirect.scatter.add.f32 @p0 [tilespmem:s14], [sflag:$0x10], $0x28, s4, s12, $0xb8;
	[tilespmem:$0x1E000] =	vst v63  }
0x11d: {  	_ =	swait.ge @!p0 [sflag:s6], $0x1400  }
0x11e: {  	s4 =	sshra.s32 @!p0 s13, $0x2;
	s14 =	simm.s32 @!p0 $0x80;
	[sflag:s6] =	ssyncset.done @!p0 $0x0  }
0x11f: {  	s13 =	sadd.s32 @!p0 $0x500, s4;
	[sflag:s6] =	ssyncadd.s32 @!p0 $0xFFFFEC00;
	s6 =	simm.s32 @!p0 $0x5000  }
0x120: {  	[tilespmem:s6], [sflag:$0x1] =	stream.indirect.gather @!p0 [spmem:s2], $0x28, s13, s14, $0xb8;
	[tilespmem:$0x1E000] =	vst v63  }
0x121: {  	s6 =	simm.s32 @!p0 $0x6  }
0x122: {  	_ =	swait.ge @!p0 [sflag:s6], $0x1400  }
0x123: {  	[sflag:s6] =	ssyncset.done @!p0 $0x0  }
0x124: {  	s13 =	sadd.s32 @!p0 $0x2A80, s4;
	[sflag:s6] =	ssyncadd.s32 @!p0 $0xFFFFEC00;
	s6 =	simm.s32 @!p0 $0xB400  }
0x125: {  	[spmem:s3] =	stream.indirect.scatter.add.f32 @!p0 [tilespmem:s6], [sflag:$0x10], $0x28, s13, s14, $0xb8;
	[tilespmem:$0x1E000] =	vst v63  }
0x126: {  	s6 =	simm.s32 @!p0 $0xC  }
0x127: {  	_ =	swait.ge @!p0 [sflag:s6], $0x1400  }
0x128: {  	[sflag:s6] =	ssyncset.done @!p0 $0x0  }
0x129: {  	s13 =	sadd.s32 @!p0 $0x580, s4;
	[sflag:s6] =	ssyncadd.s32 @!p0 $0xFFFFEC00;
	s6 =	simm.s32 @!p0 $0x6400  }
0x12a: {  	[tilespmem:s6], [sflag:$0x2] =	stream.indirect.gather @!p0 [spmem:s2], $0x28, s13, s14, $0xb8;
	[tilespmem:$0x1E000] =	vst v63  }
0x12b: {  	_ =	swait.ge [sflag:s9], $0x1400  }
0x12c: {  	[sflag:s9] =	ssyncset.done $0x0  }
0x12d: {  	s21 =	sadd.s32 $0x2B00, s5;
	s6 =	simm.s32 @p0 $0x8;
	[sflag:s9] =	ssyncadd.s32 $0xFFFFEC00  }
0x12e: {  	[spmem:s3] =	stream.indirect.scatter.add.f32 [tilespmem:s1], [sflag:$0x11], $0x28, s21, s20, $0xb8;
	[tilespmem:$0x1E000] =	vst v63  }
0x12f: {  	_ =	swait.ge @p0 [sflag:s6], $0x1400  }
0x130: {  	[sflag:s6] =	ssyncset.done @p0 $0x0  }
0x131: {  	s8 =	sadd.s32 @p0 $0x2B80, s8;
	[sflag:s6] =	ssyncadd.s32 @p0 $0xFFFFEC00;
	s6 =	simm.s32 @p0 $0xDC00  }
0x132: {  	[spmem:s3] =	stream.indirect.scatter.add.f32 @p0 [tilespmem:s6], [sflag:$0x12], $0x28, s8, s12, $0xb8;
	[tilespmem:$0x1E000] =	vst v63  }
0x133: {  	s6 =	simm.s32 @!p0 $0xD  }
0x134: {  	_ =	swait.ge @!p0 [sflag:s6], $0x1400  }
0x135: {  	[sflag:s6] =	ssyncset.done @!p0 $0x0  }
0x136: {  	s8 =	sadd.s32 @!p0 $0x600, s4;
	[sflag:s6] =	ssyncadd.s32 @!p0 $0xFFFFEC00;
	s6 =	simm.s32 @!p0 $0x7800  }
0x137: {  	[tilespmem:s6], [sflag:$0x3] =	stream.indirect.gather @!p0 [spmem:s2], $0x28, s8, s14, $0xb8;
	[tilespmem:$0x1E000] =	vst v63  }
0x138: {  	s6 =	simm.s32 @!p0 $0x8  }
0x139: {  	_ =	swait.ge @!p0 [sflag:s6], $0x1400  }
0x13a: {  	[sflag:s6] =	ssyncset.done @!p0 $0x0  }
0x13b: {  	s8 =	sadd.s32 @!p0 $0x2B80, s4;
	[sflag:s6] =	ssyncadd.s32 @!p0 $0xFFFFEC00;
	s6 =	simm.s32 @!p0 $0xDC00  }
0x13c: {  	[spmem:s3] =	stream.indirect.scatter.add.f32 @!p0 [tilespmem:s6], [sflag:$0x12], $0x28, s8, s14, $0xb8;
	[tilespmem:$0x1E000] =	vst v63  }
0x13d: {  	s6 =	simm.s32 @!p0 $0xE  }
0x13e: {  	_ =	swait.ge @!p0 [sflag:s6], $0x1400  }
0x13f: {  	[sflag:s6] =	ssyncset.done @!p0 $0x0  }
0x140: {  	s8 =	sadd.s32 @!p0 $0x680, s4;
	[sflag:s6] =	ssyncadd.s32 @!p0 $0xFFFFEC00;
	s6 =	simm.s32 @!p0 $0x8C00  }
0x141: {  	[tilespmem:s6], [sflag:$0x4] =	stream.indirect.gather @!p0 [spmem:s2], $0x28, s8, s14, $0xb8;
	[tilespmem:$0x1E000] =	vst v63  }
0x142: {  	_ =	swait.ge [sflag:s10], $0x1400  }
0x143: {  	[sflag:s10] =	ssyncset.done $0x0  }
0x144: {  	s22 =	sadd.s32 $0x2C00, s5;
	s6 =	simm.s32 @!p0 $0xF;
	[sflag:s10] =	ssyncadd.s32 $0xFFFFEC00  }
0x145: {  	[spmem:s3] =	stream.indirect.scatter.add.f32 [tilespmem:s23], [sflag:$0x13], $0x28, s22, s20, $0xb8;
	[tilespmem:$0x1E000] =	vst v63  }
0x146: {  	_ =	swait.ge @!p0 [sflag:s6], $0x1400  }
0x147: {  	[sflag:s6] =	ssyncset.done @!p0 $0x0  }
0x148: {  	s4 =	sadd.s32 @!p0 $0x700, s4;
	[sflag:s6] =	ssyncadd.s32 @!p0 $0xFFFFEC00;
	s6 =	simm.s32 @!p0 $0xA000  }
0x149: {  	[tilespmem:s6], [sflag:$0x5] =	stream.indirect.gather @!p0 [spmem:s2], $0x28, s4, s14, $0xb8;
	[tilespmem:$0x1E000] =	vst v63  }
0x14a: {  	_ =	swait.ge [sflag:s11], $0x1400  }
0x14b: {  	[sflag:s11] =	ssyncset.done $0x0  }
0x14c: {  	s24 =	sadd.s32 $0x2C80, s5;
	s12 =	simm.s32 $0xB;
	[sflag:s11] =	ssyncadd.s32 $0xFFFFEC00  }
0x14d: {  	[spmem:s3] =	stream.indirect.scatter.add.f32 [tilespmem:s29], [sflag:$0x14], $0x28, s24, s20, $0xb8;
	[tilespmem:$0x1E000] =	vst v63  }
0x14e: {  	_ =	swait.ge [sflag:s12], $0x1400  }
0x14f: {  	[sflag:s12] =	ssyncset.done $0x0  }
0x150: {  	s13 =	simm.s32 $0xC;
	[sflag:s12] =	ssyncadd.s32 $0xFFFFEC00  }
0x151: {  	_ =	swait.ge [sflag:s13], $0x1400  }
0x152: {  	[sflag:s13] =	ssyncset.done $0x0  }
0x153: {  	s14 =	simm.s32 $0xD;
	[sflag:s13] =	ssyncadd.s32 $0xFFFFEC00  }
0x154: {  	_ =	swait.ge [sflag:s14], $0x1400  }
0x155: {  	[sflag:s14] =	ssyncset.done $0x0  }
0x156: {  	s16 =	simm.s32 $0xE;
	[sflag:s14] =	ssyncadd.s32 $0xFFFFEC00  }
0x157: {  	_ =	swait.ge [sflag:s16], $0x1400  }
0x158: {  	[sflag:s16] =	ssyncset.done $0x0  }
0x159: {  	s25 =	simm.s32 $0xF;
	[sflag:s16] =	ssyncadd.s32 $0xFFFFEC00  }
0x15a: {  	_ =	swait.ge [sflag:s25], $0x1400  }
0x15b: {  	[sflag:s25] =	ssyncset.done $0x0  }
0x15c: {  	s5 =	simm.s32 $0x10;
	[sflag:s25] =	ssyncadd.s32 $0xFFFFEC00  }
0x15d: {  	_ =	swait.ge [sflag:s5], $0x1400  }
0x15e: {  	[sflag:s5] =	ssyncset.done $0x0  }
0x15f: {  	s6 =	simm.s32 $0x11;
	[sflag:s5] =	ssyncadd.s32 $0xFFFFEC00  }
0x160: {  	_ =	swait.ge [sflag:s6], $0x1400  }
0x161: {  	[sflag:s6] =	ssyncset.done $0x0  }
0x162: {  	s8 =	simm.s32 $0x12;
	[sflag:s6] =	ssyncadd.s32 $0xFFFFEC00  }
0x163: {  	_ =	swait.ge [sflag:s8], $0x1400  }
0x164: {  	[sflag:s8] =	ssyncset.done $0x0  }
0x165: {  	s17 =	simm.s32 $0x13;
	[sflag:s8] =	ssyncadd.s32 $0xFFFFEC00  }
0x166: {  	_ =	swait.ge [sflag:s17], $0x1400  }
0x167: {  	[sflag:s17] =	ssyncset.done $0x0  }
0x168: {  	s18 =	simm.s32 $0x14;
	[sflag:s17] =	ssyncadd.s32 $0xFFFFEC00  }
0x169: {  	_ =	swait.ge [sflag:s18], $0x1400  }
0x16a: {  	[sflag:s18] =	ssyncset.done $0x0  }
0x16b: {  	[sflag:s18] =	ssyncadd.s32 $0xFFFFEC00  }
0x16c: {  	[bflag:$0x0] =	sbarrier.arrive $0xFFFF  }
0x16d: {  	s19 =	rddreg [dreg:$0x7]  }
0x16e: {  	s8 =	rddreg [dreg:$0x10]  }
0x16f: {  	s22 =	simm.s32 $0x15;
	s21 =	rddreg [dreg:$0x11];
	s4 =	sor.u32 $0x1C15, s19  }
0x170: {  	[hbm:s21], [sflag:s4] =	dma.local [spmem:s8], $0xC80  }
0x171: {  	_ =	swait.ge [sflag:s22], $0xC80  }
0x172: {  	s24 =	rddreg [dreg:$0x12]  }
0x173: {  	s25 =	rddreg [dreg:$0xd];
	s6 =	sadd.s32 $0x1, s24  }
0x174: {  	p0 =	sne.s32 s6, s25  }
.Ltmp1:
0x175: {  	_ = 	snop;
	(pc) =	sbr.rel @p0 .LBB2_1-.Ltmp1, $3  }
0x176: {  	_ =	sdelay $0x1  }
0x177: {  	[sflag:s22] =	ssyncset.done $0x0  }
0x178: {  	[sflag:s22] =	ssyncadd.s32 $0xFFFFF380  }
0x179: {  	_ =	sfence.sel $0x180000  }
0x17a: {  	[bflag:$0x0] =	sbarrier.arrive $0xFFFF  }
0x17b: {  	_ =	strace $0x9000004D  }
0x17c: {  	s0 =	stileid.u32;
	[bflag:$0x2] =	sbarrier.arrive $0xFFFF  }
0x17d: {  	p0 =	sne.s32 s0, $0x0;
	s0 =	rddreg [dreg:$0x4]  }
0x17e: {  	s0 =	sadd.s32 @!p0 $0x100000, s0  }
0x17f: {  	[sflag:s0] =	ssyncadd.tile.s32 @!p0 $0x1;
	_ =	shalt  }
.Lfunc_end2:
_tile_overlayer_lowered:
.L_overlay_start_2:
0x180: {  	(tag) =	ssettag $0x2  }
0x181: {  	s0 =	rddreg [dreg:$0x0];
	s2 =	stileid.u32  }
0x182: {  	s1 =	rddreg [dreg:$0x1];
	p0 =	sne.s32 s2, $0x0  }
0x183: {  	s3 =	rddreg [dreg:$0x2];
	[bflag:$0x3] =	sbarrier.arrive $0xFFFF;
	s2 =	simm.s32 @!p0 $0x1C15  }
0x184: {  	[timem:s3], [sflag:s2] =	dma.local @!p0 [hbm:s0], s1  }
0x185: {  	s0 =	simm.s32 @!p0 $0x15  }
0x186: {  	_ =	swait.ge @!p0 [sflag:s0], s1  }
0x187: {  	s1 =	ssub.s32 @!p0 $0x0, s1;
	[sflag:s0] =	ssyncset.done @!p0 $0x0  }
0x188: {  	[sflag:s0] =	ssyncadd.s32 @!p0 s1  }
0x189: {  	[bflag:$0x3] =	sbarrier.arrive $0xFFFF  }
0x18a: {  	_ =	shalt  }

// kernel: kernel.8.cloned.1.call-start
scs
__scs_entry_jumppad:
0x0: {  	(pc) =	sbr.rel $0x88, $3  }
0x1: {  	(tag) =	ssettag $0x0;
	lr =	simm.s32 $0x1  }
0x2: {  	[smem:$0x3F9B] =	sst lr;
	_ =	strace $0xD0000000  }
0x3: {  	_ = 	snop  }
0x4: {  	_ = 	snop  }
0x5: {  	_ = 	snop  }
0x6: {  	_ = 	snop  }
0x7: {  	_ = 	snop  }
__scs_overlays_trampoline_lowered:
0x8: {  	[smem:$0x3FAA] =	sst s0  }
0x9: {  	[smem:$0x3FAB] =	sst s1  }
0xa: {  	[smem:$0x3FAC] =	sst s2  }
0xb: {  	[smem:$0x3FAD] =	sst s3  }
0xc: {  	[smem:$0x3FAE] =	sst s4  }
0xd: {  	[smem:$0x3FAF] =	sst s5  }
0xe: {  	[smem:$0x3FB0] =	sst s6  }
0xf: {  	[smem:$0x3FB1] =	sst s7  }
0x10: {  	[smem:$0x3FB2] =	sst s8  }
0x11: {  	[smem:$0x3FB3] =	sst s9;
	s0 =	simm.s32 @!p0 $0x0  }
0x12: {  	s1 =	sld [smem:$0x3F99];
	s0 =	simm.s32 @p0 $0x1  }
0x13: {  	[smem:$0x3FB4] =	sst s0;
	s0 =	simm.s32 @!p1 $0x0  }
0x14: {  	s2 =	sld [smem:$0x3F98];
	s0 =	simm.s32 @p1 $0x1  }
0x15: {  	[smem:$0x3FB5] =	sst s0;
	s0 =	simm.s32 @!p2 $0x0  }
0x16: {  	s3 =	sld [smem:$0x3FDB];
	s0 =	simm.s32 @p2 $0x1  }
0x17: {  	s4 =	simm.s32 $0x1BF5;
	[smem:$0x3FB7] =	sst s0  }
0x18: {  	s0 =	sld [smem:$0x3F9A];
	_ =	swait.ge [sflag:s4], $0x0  }
0x19: {  	s7 =	sld [smem:$0x3F9B]  }
0x1a: {  	s8 =	sadd.s32 $0xFFFFE003, lr  }
0x1b: {  	s9 =	sadd.s32 $0xFFFFFEF7, lr;
	s5 =	simm.s32 $0xFFFFFFFF;
	p2 =	slt.u32 s8, $0xFFFFF086  }
0x1c: {  	p1 =	slt.u32 s9, $0xF7A;
	s5 =	simm.s32 @!p2 $0x0  }
0x1d: {  	s5 =	simm.s32 @p1 $0x1;
	p0 =	seq.s32 s7, s2  }
0x1e: {  	s7 =	smul.u32 @!p0 $0xF7A, s2;
	p2 =	seq.s32 @!p0 s5, $0x0  }
0x1f: {  	s9 =	smul.u32 $0xF7A, s1;
	s8 =	simm.s32 @!p0 $0x1BF5;
	p2 =	por !p2, p0  }
0x20: {  	[sflag:s8] =	ssyncset.s32 @!p0 $0xFFFFF086;
	s6 =	sadd.s32 @!p0 s3, s7;
	s7 =	simm.s32 @!p0 $0x108  }
0x21: {  	s3 =	sadd.s32 s3, s9;
	s6 =	sadd.s32 @!p0 $0x88, s6;
	s7 =	simm.s32 @p2 $0x1082  }
0x22: {  	[simem:s7], [sflag:s8] =	dma.local @!p0 [hbm:s6], $0xF7A  }
0x23: {  	s9 =	sor.u32 $0xD0000000, s2;
	s6 =	simm.s32 $0x108;
	_ =	swait.ge @!p0 [sflag:s8], $0x0  }
0x24: {  	s3 =	sadd.s32 $0x88, s3;
	s6 =	simm.s32 @!p1 $0x1082;
	[sflag:s4] =	ssyncset.s32 $0xFFFFF086  }
0x25: {  	[simem:s6], [sflag:s4] =	dma.local [hbm:s3], $0xF7A  }
0x26: {  	[smem:$0x3F9B] =	sst s1;
	(tag) =	ssettag s2;
	_ =	strace s9  }
0x27: {  	s1 =	sld [smem:$0x3FAB]  }
0x28: {  	s2 =	sld [smem:$0x3FAC]  }
0x29: {  	s4 =	sld [smem:$0x3FAE]  }
0x2a: {  	p0 =	seq.s32 s5, $0x0;
	s5 =	sld [smem:$0x3FAF]  }
0x2b: {  	s6 =	sld [smem:$0x3FB0]  }
0x2c: {  	s7 =	sld [smem:$0x3FB1]  }
0x2d: {  	s3 =	simm.s32 $0x108;
	s8 =	sld [smem:$0x3FB2]  }
0x2e: {  	s3 =	simm.s32 @!p0 $0x1082;
	s9 =	sld [smem:$0x3FB3]  }
0x2f: {  	lr =	sadd.s32 s0, s3;
	s0 =	sld [smem:$0x3FAA]  }
0x30: {  	s3 =	sld [smem:$0x3FAD]  }
0x31: {  	[smem:$0x3FB6] =	sst s10  }
0x32: {  	s10 =	sld [smem:$0x3FB4];
	_ =	sdelay $0x3  }
0x33: {  	p0 =	seq.s32 s10, $0x1;
	s10 =	sld [smem:$0x3FB6];
	_ =	sdelay $0x3  }
0x34: {  	[smem:$0x3FB6] =	sst s10  }
0x35: {  	s10 =	sld [smem:$0x3FB5];
	_ =	sdelay $0x3  }
0x36: {  	p1 =	seq.s32 s10, $0x1;
	s10 =	sld [smem:$0x3FB6];
	_ =	sdelay $0x3  }
0x37: {  	[smem:$0x3FB6] =	sst s10  }
0x38: {  	s10 =	sld [smem:$0x3FB7]  }
0x39: {  	_ = 	snop;
	(pc) =	sbr.ind lr, $3  }
0x3a: {  	_ = 	snop  }
0x3b: {  	_ = 	snop  }
0x3c: {  	p2 =	seq.s32 s10, $0x1;
	s10 =	sld [smem:$0x3FB6]  }
0x3d: {  	_ =	shalt  }
0x3e: {  	_ =	shalt  }
0x3f: {  	_ =	shalt  }
0x40: {  	_ =	shalt  }
0x41: {  	_ =	shalt  }
0x42: {  	_ =	shalt  }
0x43: {  	_ =	shalt  }
0x44: {  	_ =	shalt  }
0x45: {  	_ =	shalt  }
0x46: {  	_ =	shalt  }
0x47: {  	_ =	shalt  }
0x48: {  	_ =	shalt  }
0x49: {  	_ =	shalt  }
0x4a: {  	_ =	shalt  }
0x4b: {  	_ =	shalt  }
0x4c: {  	_ =	shalt  }
0x4d: {  	_ =	shalt  }
0x4e: {  	_ =	shalt  }
0x4f: {  	_ =	shalt  }
0x50: {  	_ =	shalt  }
0x51: {  	_ =	shalt  }
0x52: {  	_ =	shalt  }
0x53: {  	_ =	shalt  }
0x54: {  	_ =	shalt  }
0x55: {  	_ =	shalt  }
0x56: {  	_ =	shalt  }
0x57: {  	_ =	shalt  }
0x58: {  	_ =	shalt  }
0x59: {  	_ =	shalt  }
0x5a: {  	_ =	shalt  }
0x5b: {  	_ =	shalt  }
0x5c: {  	_ =	shalt  }
0x5d: {  	_ =	shalt  }
0x5e: {  	_ =	shalt  }
0x5f: {  	_ =	shalt  }
0x60: {  	_ =	shalt  }
0x61: {  	_ =	shalt  }
0x62: {  	_ =	shalt  }
0x63: {  	_ =	shalt  }
0x64: {  	_ =	shalt  }
0x65: {  	_ =	shalt  }
0x66: {  	_ =	shalt  }
0x67: {  	_ =	shalt  }
0x68: {  	_ =	shalt  }
0x69: {  	_ =	shalt  }
0x6a: {  	_ =	shalt  }
0x6b: {  	_ =	shalt  }
0x6c: {  	_ =	shalt  }
0x6d: {  	_ =	shalt  }
0x6e: {  	_ =	shalt  }
0x6f: {  	_ =	shalt  }
0x70: {  	_ =	shalt  }
0x71: {  	_ =	shalt  }
0x72: {  	_ =	shalt  }
0x73: {  	_ =	shalt  }
0x74: {  	_ =	shalt  }
0x75: {  	_ =	shalt  }
0x76: {  	_ =	shalt  }
0x77: {  	_ =	shalt  }
0x78: {  	_ =	shalt  }
0x79: {  	_ =	shalt  }
0x7a: {  	_ =	shalt  }
0x7b: {  	_ =	shalt  }
0x7c: {  	_ =	shalt  }
0x7d: {  	_ =	shalt  }
0x7e: {  	_ =	shalt  }
0x7f: {  	_ =	shalt  }
0x80: {  	_ =	shalt  }
0x81: {  	_ =	shalt  }
0x82: {  	_ =	shalt  }
0x83: {  	_ =	shalt  }
0x84: {  	_ =	shalt  }
0x85: {  	_ =	shalt  }
0x86: {  	_ =	shalt  }
0x87: {  	_ =	shalt  }
.Lfunc_end0:
.L_simem_size_0:
called_computation_lowered:
.L_overlay_start_0:
0x88: {  	s2 =	sld [smem:$0x3FD9]  }
0x89: {  	s3 =	sld [smem:$0x3FFE];
	_ =	sdelay $0x1  }
0x8a: {  	s1 =	srdreg.scid  }
0x8b: {  	s0 =	sand.u32 $0x1, s1  }
0x8c: {  	s17 =	sshll.u32 s0, $0xA;
	s2 =	sadd.s32 s3, s2  }
0x8d: {  	s2 =	sadd.s32 s2, s17  }
0x8e: {  	[smem:$0x3FC2] =	sst s2  }
0x8f: {  	_ = 	snop  }
0x90: {  	s2 =	sld [smem:$0x3FD0];
	(tm) =	ssettm $0x1  }
0x91: {  	s18 =	sld [smem:$0x3FFB];
	_ =	sdelay $0x3  }
0x92: {  	_ =	strace s18  }
0x93: {  	s3 =	sld [smem:$0x3FFC];
	_ =	sdelay $0x3  }
0x94: {  	_ =	strace s3  }
0x95: {  	s3 =	sld [smem:$0x3FFD];
	_ =	sdelay $0x3  }
0x96: {  	_ =	strace s3  }
0x97: {  	_ =	strace $0x8FFFFFFF  }
0x98: {  	s19 =	sld [smem:$0x3FDB];
	_ =	sdelay $0x1  }
0x99: {  	s4 =	simm.s32 $_scs_section_size  }
0x9a: {  	s5 =	simm.s32 $_size__tile_overlayer_lowered;
	s6 =	simm.s32 $_tile_overlayer_lowered  }
0x9b: {  	s22 =	simm.s32 $0x1BFF;
	s21 =	sshll.u32 s6, $0x1;
	s3 =	sadd.s32 s4, s19  }
0x9c: {  	s7 =	simm.s32 $0x0;
	s20 =	sshll.u32 s5, $0x1;
	s5 =	sadd.s32 s21, s3  }
0x9d: {  	[timem:s7], [sflag:s22] =	dma.local [hbm:s5], s20  }
0x9e: {  	_ =	swait.ge [sflag:s22], s20  }
0x9f: {  	s4 =	ssub.s32 $0x0, s20;
	[sflag:s22] =	ssyncset.done $0x0  }
0xa0: {  	[sflag:s22] =	ssyncadd.s32 s4;
	_ =	sdelay $0x1  }
0xa1: {  	s23 =	simm.s32 $0x1B8B  }
0xa2: {  	_ =	swait.ge [sflag:s23], $0x1  }
0xa3: {  	[sflag:s23] =	ssyncset.done $0x0  }
0xa4: {  	s25 =	simm.s32 $0x1B8E;
	s24 =	sld [smem:$0x3FFE];
	[sflag:s23] =	ssyncadd.s32 $0xFFFFFFFF  }
0xa5: {  	s26 =	simm.s32 $execute0_lowered;
	[smem:$0x3FD2] =	sst s25  }
0xa6: {  	s5 =	sshll.u32 s26, $0x1;
	_ =	strace $0x80000046;
	[dreg:$0x1] =	wrdreg $0xFFFFFFFF  }
0xa7: {  	s28 =	simm.s32 $_size_execute0_lowered;
	s3 =	sadd.s32 s3, s5;
	[dreg:$0x0] =	wrdreg $0x0  }
0xa8: {  	s5 =	sshll.u32 s28, $0x1;
	[dreg:$0x2] =	wrdreg s3  }
0xa9: {  	[dreg:$0x3] =	wrdreg s5  }
0xaa: {  	[dreg:$0x4] =	wrdreg $0xC0  }
0xab: {  	_ =	task [dreg:s7], $0x5FFFF  }
0xac: {  	[dreg:$0x1] =	wrdreg $0xFFFFFFFF  }
0xad: {  	[dreg:$0x0] =	wrdreg $0x60  }
0xae: {  	[dreg:$0x2] =	wrdreg s2  }
0xaf: {  	[dreg:$0x3] =	wrdreg s24  }
0xb0: {  	[dreg:$0x4] =	wrdreg $0x28800  }
0xb1: {  	[dreg:$0x5] =	wrdreg $0x9  }
0xb2: {  	_ =	task.clear_ibuf [dreg:s7], $0x6FFFF;
	_ =	strace $0x90000046  }
0xb3: {  	s29 =	simm.s32 $0x9;
	_ =	strace $0x80000048  }
0xb4: {  	_ =	swait.ge [sflag:s29], $0x1  }
0xb5: {  	[sflag:s29] =	ssyncadd.s32 $0xFFFFFFFF  }
0xb6: {  	_ =	strace $0x90000048  }
0xb7: {  	_ =	sfence  }
0xb8: {  	s30 =	sld [smem:$0x0];
	_ =	sdelay $0x2  }
0xb9: {  	s31 =	sshll.u32 s1, $0xD;
	s1 =	sshrl.u32 s1, $0x2  }
0xba: {  	s3 =	sand.u32 $0x4000, s31;
	s1 =	sadd.s32 s1, s30  }
0xbb: {  	s0 =	sor.u32 s3, s0;
	s1 =	sshll.u32 s1, $0x11  }
0xbc: {  	s0 =	sor.u32 s1, s0  }
0xbd: {  	s0 =	sadd.s32 $0x8F2B, s0  }
0xbe: {  	[sflag:s0] =	ssyncadd.remote.s32 $0x1  }
0xbf: {  	_ =	sfence.sel $0xFFFF  }
0xc0: {  	[dreg:$0x0] =	wrdreg $0xFFFFFFFF;
	(pc) =	sbr.abs _section_cstart, $3  }
0xc1: {  	[dreg:$0x1] =	wrdreg $0xFFFFFFFF  }
0xc2: {  	_ =	task.clear_ibuf [dreg:s7], $0x2FFFF;
	_ =	strace $0x9FFFFFFF  }
0xc3: {  	(tm) =	ssettm $0x7FFFFFFF  }
tec
execute0_lowered:
.L_overlay_start_1:
0x0: {  	(tag) =	ssettag $0x1  }
0x1: {  	s6 =	rddreg [dreg:$0x0]  }
0x2: {  	s4 =	rddreg [dreg:$0x1]  }
0x3: {  	s2 =	rddreg [dreg:$0x2]  }
0x4: {  	s1 =	stileid.u32;
	s0 =	rddreg [dreg:$0x3];
	s3 =	simm.s32 $0x0  }
0x5: {  	s7 =	srdreg.scid;
	s15 =	simm.s32 $0x0;
	s5 =	smul.u32 $0x280, s1  }
0x6: {  	[smem:$0x7FF] =	sst s3;
	s7 =	sand.u32 $0x1, s7;
	s10 =	sshll.u32 s1, $0x1  }
0x7: {  	s31 =	sshll.u32 s1, $0x6;
	_ =	strace $0x80000047;
	s8 =	smul.u32 $0x500, s7  }
0x8: {  	s9 =	ssub.s32 $0x2, s7;
	s7 =	sor.u32 s7, s10;
	s10 =	simm.s32 $0x80  }
0x9: {  	s12 =	sshrl.u32 s5, $0x3;
	s13 =	sshrl.u32 s9, $0x1;
	s7 =	smul.u32 $0x500, s7  }
0xa: {  	s30 =	sadd.s32 s5, s2;
	s5 =	sor.u32 $0x1C01, s31;
	s11 =	sadd.s32 s12, s4  }
0xb: {  	s8 =	sadd.s32 s8, s4;
	s9 =	ssub.s32 s9, s13;
	s13 =	sor.u32 $0x1C02, s31  }
0xc: {  	s4 =	sadd.s32 $0x1600, s11;
	s6 =	sadd.s32 s6, s7;
	s14 =	sadd.s32 $0x1C00, s8  }
0xd: {  	s7 =	smax.u32 s9, $0x1;
	s8 =	sshrl.u32 s30, $0x3;
	s9 =	simm.s32 $0x1  }
0xe: {  	v0 =	vimm.f32 $1.000000000e+00;
	s11 =	simm.s32 $0x2800;
	s12 =	sadd.s32 s12, s14;
	s14 =	simm.s32 $0x2  }
.LBB2_1:
0xf: {  	[spmem:s8], [sflag:s5] =	dma.local [hbm:s4], $0x50  }
0x10: {  	[tilespmem:s3], [sflag:$0x1] =	stream.linear.gather [hbm4b:s6+s3], $0x2800, $0x38;
	[tilespmem:$0x2B00] =	vst v63  }
0x11: {  	[tilespmem:$0x2800] =	vst v0  }
0x12: {  	[tilespmem:$0x2810] =	vst v0  }
0x13: {  	[tilespmem:$0x2820] =	vst v0  }
0x14: {  	[tilespmem:$0x2830] =	vst v0  }
0x15: {  	[tilespmem:$0x2840] =	vst v0  }
0x16: {  	[tilespmem:$0x2850] =	vst v0  }
0x17: {  	[tilespmem:$0x2860] =	vst v0  }
0x18: {  	[tilespmem:$0x2870] =	vst v0  }
0x19: {  	_ =	swait.ge [sflag:s9], $0x50  }
0x1a: {  	[sflag:s9] =	ssyncset.done $0x0  }
0x1b: {  	[sflag:s9] =	ssyncadd.s32 $0xFFFFFFB0  }
0x1c: {  	_ =	swait.ge [sflag:s9], $0x2800  }
0x1d: {  	[sflag:s9] =	ssyncset.done $0x0  }
0x1e: {  	[sflag:s9] =	ssyncadd.s32 $0xFFFFD800  }
0x1f: {  	s16 =	simm.s32 $0x0;
	[bflag:$0x0] =	sbarrier.arrive $0xFFFF  }
0x20: {  	[spmem:s2] =	stream.indirect.scatter.add.f32 [tilespmem:s11], [sflag:$0x1], $0x1, s16, s10, $0xb8;
	[tilespmem:$0x2B00] =	vst v63  }
0x21: {  	s26 =	simm.s32 $0x80  }
0x22: {  	[spmem:s2] =	stream.indirect.scatter.add.f32 [tilespmem:s11], [sflag:$0x1], $0x1, s26, s10, $0xb8;
	[tilespmem:$0x2B00] =	vst v63  }
0x23: {  	s28 =	simm.s32 $0x100  }
0x24: {  	[spmem:s2] =	stream.indirect.scatter.add.f32 [tilespmem:s11], [sflag:$0x1], $0x1, s28, s10, $0xb8;
	[tilespmem:$0x2B00] =	vst v63  }
0x25: {  	s29 =	simm.s32 $0x180  }
0x26: {  	[spmem:s2] =	stream.indirect.scatter.add.f32 [tilespmem:s11], [sflag:$0x1], $0x1, s29, s10, $0xb8;
	[tilespmem:$0x2B00] =	vst v63  }
0x27: {  	s30 =	simm.s32 $0x200  }
0x28: {  	[spmem:s2] =	stream.indirect.scatter.add.f32 [tilespmem:s11], [sflag:$0x1], $0x1, s30, s10, $0xb8;
	[tilespmem:$0x2B00] =	vst v63  }
0x29: {  	s31 =	simm.s32 $0x280  }
0x2a: {  	[spmem:s2] =	stream.indirect.scatter.add.f32 [tilespmem:s11], [sflag:$0x1], $0x1, s31, s10, $0xb8;
	[tilespmem:$0x2B00] =	vst v63  }
0x2b: {  	s17 =	simm.s32 $0x300  }
0x2c: {  	[spmem:s2] =	stream.indirect.scatter.add.f32 [tilespmem:s11], [sflag:$0x1], $0x1, s17, s10, $0xb8;
	[tilespmem:$0x2B00] =	vst v63  }
0x2d: {  	s18 =	simm.s32 $0x380  }
0x2e: {  	[spmem:s2] =	stream.indirect.scatter.add.f32 [tilespmem:s11], [sflag:$0x1], $0x1, s18, s10, $0xb8;
	[tilespmem:$0x2B00] =	vst v63  }
0x2f: {  	s19 =	simm.s32 $0x400  }
0x30: {  	[spmem:s2] =	stream.indirect.scatter.add.f32 [tilespmem:s11], [sflag:$0x1], $0x1, s19, s10, $0xb8;
	[tilespmem:$0x2B00] =	vst v63  }
0x31: {  	s20 =	simm.s32 $0x480  }
0x32: {  	[spmem:s2] =	stream.indirect.scatter.add.f32 [tilespmem:s11], [sflag:$0x1], $0x1, s20, s10, $0xb8;
	[tilespmem:$0x2B00] =	vst v63  }
0x33: {  	s21 =	simm.s32 $0x500  }
0x34: {  	[spmem:s2] =	stream.indirect.scatter.add.f32 [tilespmem:s11], [sflag:$0x1], $0x1, s21, s10, $0xb8;
	[tilespmem:$0x2B00] =	vst v63  }
0x35: {  	s22 =	simm.s32 $0x580  }
0x36: {  	[spmem:s2] =	stream.indirect.scatter.add.f32 [tilespmem:s11], [sflag:$0x1], $0x1, s22, s10, $0xb8;
	[tilespmem:$0x2B00] =	vst v63  }
0x37: {  	s23 =	simm.s32 $0x600  }
0x38: {  	[spmem:s2] =	stream.indirect.scatter.add.f32 [tilespmem:s11], [sflag:$0x1], $0x1, s23, s10, $0xb8;
	[tilespmem:$0x2B00] =	vst v63  }
0x39: {  	s24 =	simm.s32 $0x680  }
0x3a: {  	[spmem:s2] =	stream.indirect.scatter.add.f32 [tilespmem:s11], [sflag:$0x1], $0x1, s24, s10, $0xb8;
	[tilespmem:$0x2B00] =	vst v63  }
0x3b: {  	s25 =	simm.s32 $0x700  }
0x3c: {  	[spmem:s2] =	stream.indirect.scatter.add.f32 [tilespmem:s11], [sflag:$0x1], $0x1, s25, s10, $0xb8;
	[tilespmem:$0x2B00] =	vst v63  }
0x3d: {  	s26 =	simm.s32 $0x780  }
0x3e: {  	[spmem:s2] =	stream.indirect.scatter.add.f32 [tilespmem:s11], [sflag:$0x1], $0x1, s26, s10, $0xb8;
	[tilespmem:$0x2B00] =	vst v63  }
0x3f: {  	s28 =	simm.s32 $0x800  }
0x40: {  	[spmem:s2] =	stream.indirect.scatter.add.f32 [tilespmem:s11], [sflag:$0x1], $0x1, s28, s10, $0xb8;
	[tilespmem:$0x2B00] =	vst v63  }
0x41: {  	s29 =	simm.s32 $0x880  }
0x42: {  	[spmem:s2] =	stream.indirect.scatter.add.f32 [tilespmem:s11], [sflag:$0x1], $0x1, s29, s10, $0xb8;
	[tilespmem:$0x2B00] =	vst v63  }
0x43: {  	s30 =	simm.s32 $0x900  }
0x44: {  	[spmem:s2] =	stream.indirect.scatter.add.f32 [tilespmem:s11], [sflag:$0x1], $0x1, s30, s10, $0xb8;
	[tilespmem:$0x2B00] =	vst v63  }
0x45: {  	s31 =	simm.s32 $0x980  }
0x46: {  	[spmem:s2] =	stream.indirect.scatter.add.f32 [tilespmem:s11], [sflag:$0x1], $0x1, s31, s10, $0xb8;
	[tilespmem:$0x2B00] =	vst v63  }
0x47: {  	_ =	swait.ge [sflag:s9], $0x80  }
0x48: {  	[sflag:s9] =	ssyncset.done $0x0  }
0x49: {  	[sflag:s9] =	ssyncadd.s32 $0xFFFFFF80  }
0x4a: {  	_ =	swait.ge [sflag:s9], $0x80  }
0x4b: {  	[sflag:s9] =	ssyncset.done $0x0  }
0x4c: {  	[sflag:s9] =	ssyncadd.s32 $0xFFFFFF80  }
0x4d: {  	_ =	swait.ge [sflag:s9], $0x80  }
0x4e: {  	[sflag:s9] =	ssyncset.done $0x0  }
0x4f: {  	[sflag:s9] =	ssyncadd.s32 $0xFFFFFF80  }
0x50: {  	_ =	swait.ge [sflag:s9], $0x80  }
0x51: {  	[sflag:s9] =	ssyncset.done $0x0  }
0x52: {  	[sflag:s9] =	ssyncadd.s32 $0xFFFFFF80  }
0x53: {  	_ =	swait.ge [sflag:s9], $0x80  }
0x54: {  	[sflag:s9] =	ssyncset.done $0x0  }
0x55: {  	[sflag:s9] =	ssyncadd.s32 $0xFFFFFF80  }
0x56: {  	_ =	swait.ge [sflag:s9], $0x80  }
0x57: {  	[sflag:s9] =	ssyncset.done $0x0  }
0x58: {  	[sflag:s9] =	ssyncadd.s32 $0xFFFFFF80  }
0x59: {  	_ =	swait.ge [sflag:s9], $0x80  }
0x5a: {  	[sflag:s9] =	ssyncset.done $0x0  }
0x5b: {  	[sflag:s9] =	ssyncadd.s32 $0xFFFFFF80  }
0x5c: {  	_ =	swait.ge [sflag:s9], $0x80  }
0x5d: {  	[sflag:s9] =	ssyncset.done $0x0  }
0x5e: {  	[sflag:s9] =	ssyncadd.s32 $0xFFFFFF80  }
0x5f: {  	_ =	swait.ge [sflag:s9], $0x80  }
0x60: {  	[sflag:s9] =	ssyncset.done $0x0  }
0x61: {  	[sflag:s9] =	ssyncadd.s32 $0xFFFFFF80  }
0x62: {  	_ =	swait.ge [sflag:s9], $0x80  }
0x63: {  	[sflag:s9] =	ssyncset.done $0x0  }
0x64: {  	[sflag:s9] =	ssyncadd.s32 $0xFFFFFF80  }
0x65: {  	_ =	swait.ge [sflag:s9], $0x80  }
0x66: {  	[sflag:s9] =	ssyncset.done $0x0  }
0x67: {  	[sflag:s9] =	ssyncadd.s32 $0xFFFFFF80  }
0x68: {  	_ =	swait.ge [sflag:s9], $0x80  }
0x69: {  	[sflag:s9] =	ssyncset.done $0x0  }
0x6a: {  	[sflag:s9] =	ssyncadd.s32 $0xFFFFFF80  }
0x6b: {  	_ =	swait.ge [sflag:s9], $0x80  }
0x6c: {  	[sflag:s9] =	ssyncset.done $0x0  }
0x6d: {  	[sflag:s9] =	ssyncadd.s32 $0xFFFFFF80  }
0x6e: {  	_ =	swait.ge [sflag:s9], $0x80  }
0x6f: {  	[sflag:s9] =	ssyncset.done $0x0  }
0x70: {  	[sflag:s9] =	ssyncadd.s32 $0xFFFFFF80  }
0x71: {  	_ =	swait.ge [sflag:s9], $0x80  }
0x72: {  	[sflag:s9] =	ssyncset.done $0x0  }
0x73: {  	[sflag:s9] =	ssyncadd.s32 $0xFFFFFF80  }
0x74: {  	_ =	swait.ge [sflag:s9], $0x80  }
0x75: {  	[sflag:s9] =	ssyncset.done $0x0  }
0x76: {  	[sflag:s9] =	ssyncadd.s32 $0xFFFFFF80  }
0x77: {  	_ =	swait.ge [sflag:s9], $0x80  }
0x78: {  	[sflag:s9] =	ssyncset.done $0x0  }
0x79: {  	[sflag:s9] =	ssyncadd.s32 $0xFFFFFF80  }
0x7a: {  	_ =	swait.ge [sflag:s9], $0x80  }
0x7b: {  	[sflag:s9] =	ssyncset.done $0x0  }
0x7c: {  	[sflag:s9] =	ssyncadd.s32 $0xFFFFFF80  }
0x7d: {  	_ =	swait.ge [sflag:s9], $0x80  }
0x7e: {  	[sflag:s9] =	ssyncset.done $0x0  }
0x7f: {  	[sflag:s9] =	ssyncadd.s32 $0xFFFFFF80  }
0x80: {  	_ =	swait.ge [sflag:s9], $0x80  }
0x81: {  	s16 =	simm.s32 $0x2800;
	s19 =	simm.s32 $0x5000;
	[sflag:s9] =	ssyncset.done $0x0  }
.LBB2_2:
0x82: {  	s18 =	sshra.s32 s16, $0x2  }
0x83: {  	[sflag:s9] =	ssyncadd.s32 $0xFFFFFF80;
	s16 =	smov.u32 s19;
	s17 =	sadd.s32 $0x2800, s19  }
0x84: {  	[spmem:s2] =	stream.indirect.scatter.add.f32 [tilespmem:s11], [sflag:$0x1], $0x1, s18, s10, $0xb8;
	[tilespmem:$0x2B00] =	vst v63  }
0x85: {  	p0 =	sne.s32 s19, $0x7800;
	s19 =	sadd.s32 $0x80, s18  }
0x86: {  	[spmem:s2] =	stream.indirect.scatter.add.f32 [tilespmem:s11], [sflag:$0x1], $0x1, s19, s10, $0xb8;
	[tilespmem:$0x2B00] =	vst v63  }
0x87: {  	s19 =	sadd.s32 $0x100, s18  }
0x88: {  	[spmem:s2] =	stream.indirect.scatter.add.f32 [tilespmem:s11], [sflag:$0x1], $0x1, s19, s10, $0xb8;
	[tilespmem:$0x2B00] =	vst v63  }
0x89: {  	s19 =	sadd.s32 $0x180, s18  }
0x8a: {  	[spmem:s2] =	stream.indirect.scatter.add.f32 [tilespmem:s11], [sflag:$0x1], $0x1, s19, s10, $0xb8;
	[tilespmem:$0x2B00] =	vst v63  }
0x8b: {  	s19 =	sadd.s32 $0x200, s18  }
0x8c: {  	[spmem:s2] =	stream.indirect.scatter.add.f32 [tilespmem:s11], [sflag:$0x1], $0x1, s19, s10, $0xb8;
	[tilespmem:$0x2B00] =	vst v63  }
0x8d: {  	s19 =	sadd.s32 $0x280, s18  }
0x8e: {  	[spmem:s2] =	stream.indirect.scatter.add.f32 [tilespmem:s11], [sflag:$0x1], $0x1, s19, s10, $0xb8;
	[tilespmem:$0x2B00] =	vst v63  }
0x8f: {  	s19 =	sadd.s32 $0x300, s18  }
0x90: {  	[spmem:s2] =	stream.indirect.scatter.add.f32 [tilespmem:s11], [sflag:$0x1], $0x1, s19, s10, $0xb8;
	[tilespmem:$0x2B00] =	vst v63  }
0x91: {  	s19 =	sadd.s32 $0x380, s18  }
0x92: {  	[spmem:s2] =	stream.indirect.scatter.add.f32 [tilespmem:s11], [sflag:$0x1], $0x1, s19, s10, $0xb8;
	[tilespmem:$0x2B00] =	vst v63  }
0x93: {  	s19 =	sadd.s32 $0x400, s18  }
0x94: {  	[spmem:s2] =	stream.indirect.scatter.add.f32 [tilespmem:s11], [sflag:$0x1], $0x1, s19, s10, $0xb8;
	[tilespmem:$0x2B00] =	vst v63  }
0x95: {  	s19 =	sadd.s32 $0x480, s18  }
0x96: {  	[spmem:s2] =	stream.indirect.scatter.add.f32 [tilespmem:s11], [sflag:$0x1], $0x1, s19, s10, $0xb8;
	[tilespmem:$0x2B00] =	vst v63  }
0x97: {  	s19 =	sadd.s32 $0x500, s18  }
0x98: {  	[spmem:s2] =	stream.indirect.scatter.add.f32 [tilespmem:s11], [sflag:$0x1], $0x1, s19, s10, $0xb8;
	[tilespmem:$0x2B00] =	vst v63  }
0x99: {  	s19 =	sadd.s32 $0x580, s18  }
0x9a: {  	[spmem:s2] =	stream.indirect.scatter.add.f32 [tilespmem:s11], [sflag:$0x1], $0x1, s19, s10, $0xb8;
	[tilespmem:$0x2B00] =	vst v63  }
0x9b: {  	s19 =	sadd.s32 $0x600, s18  }
0x9c: {  	[spmem:s2] =	stream.indirect.scatter.add.f32 [tilespmem:s11], [sflag:$0x1], $0x1, s19, s10, $0xb8;
	[tilespmem:$0x2B00] =	vst v63  }
0x9d: {  	s19 =	sadd.s32 $0x680, s18  }
0x9e: {  	[spmem:s2] =	stream.indirect.scatter.add.f32 [tilespmem:s11], [sflag:$0x1], $0x1, s19, s10, $0xb8;
	[tilespmem:$0x2B00] =	vst v63  }
0x9f: {  	s19 =	sadd.s32 $0x700, s18  }
0xa0: {  	[spmem:s2] =	stream.indirect.scatter.add.f32 [tilespmem:s11], [sflag:$0x1], $0x1, s19, s10, $0xb8;
	[tilespmem:$0x2B00] =	vst v63  }
0xa1: {  	s19 =	sadd.s32 $0x780, s18  }
0xa2: {  	[spmem:s2] =	stream.indirect.scatter.add.f32 [tilespmem:s11], [sflag:$0x1], $0x1, s19, s10, $0xb8;
	[tilespmem:$0x2B00] =	vst v63  }
0xa3: {  	s19 =	sadd.s32 $0x800, s18  }
0xa4: {  	[spmem:s2] =	stream.indirect.scatter.add.f32 [tilespmem:s11], [sflag:$0x1], $0x1, s19, s10, $0xb8;
	[tilespmem:$0x2B00] =	vst v63  }
0xa5: {  	s19 =	sadd.s32 $0x880, s18  }
0xa6: {  	[spmem:s2] =	stream.indirect.scatter.add.f32 [tilespmem:s11], [sflag:$0x1], $0x1, s19, s10, $0xb8;
	[tilespmem:$0x2B00] =	vst v63  }
0xa7: {  	s19 =	sadd.s32 $0x900, s18  }
0xa8: {  	[spmem:s2] =	stream.indirect.scatter.add.f32 [tilespmem:s11], [sflag:$0x1], $0x1, s19, s10, $0xb8;
	[tilespmem:$0x2B00] =	vst v63  }
0xa9: {  	s18 =	sadd.s32 $0x980, s18  }
0xaa: {  	[spmem:s2] =	stream.indirect.scatter.add.f32 [tilespmem:s11], [sflag:$0x1], $0x1, s18, s10, $0xb8;
	[tilespmem:$0x2B00] =	vst v63  }
0xab: {  	_ =	swait.ge [sflag:s9], $0x80  }
0xac: {  	[sflag:s9] =	ssyncset.done $0x0  }
0xad: {  	[sflag:s9] =	ssyncadd.s32 $0xFFFFFF80  }
0xae: {  	_ =	swait.ge [sflag:s9], $0x80  }
0xaf: {  	[sflag:s9] =	ssyncset.done $0x0  }
0xb0: {  	[sflag:s9] =	ssyncadd.s32 $0xFFFFFF80  }
0xb1: {  	_ =	swait.ge [sflag:s9], $0x80  }
0xb2: {  	[sflag:s9] =	ssyncset.done $0x0  }
0xb3: {  	[sflag:s9] =	ssyncadd.s32 $0xFFFFFF80  }
0xb4: {  	_ =	swait.ge [sflag:s9], $0x80  }
0xb5: {  	[sflag:s9] =	ssyncset.done $0x0  }
0xb6: {  	[sflag:s9] =	ssyncadd.s32 $0xFFFFFF80  }
0xb7: {  	_ =	swait.ge [sflag:s9], $0x80  }
0xb8: {  	[sflag:s9] =	ssyncset.done $0x0  }
0xb9: {  	[sflag:s9] =	ssyncadd.s32 $0xFFFFFF80  }
0xba: {  	_ =	swait.ge [sflag:s9], $0x80  }
0xbb: {  	[sflag:s9] =	ssyncset.done $0x0  }
0xbc: {  	[sflag:s9] =	ssyncadd.s32 $0xFFFFFF80  }
0xbd: {  	_ =	swait.ge [sflag:s9], $0x80  }
0xbe: {  	[sflag:s9] =	ssyncset.done $0x0  }
0xbf: {  	[sflag:s9] =	ssyncadd.s32 $0xFFFFFF80  }
0xc0: {  	_ =	swait.ge [sflag:s9], $0x80  }
0xc1: {  	[sflag:s9] =	ssyncset.done $0x0  }
0xc2: {  	[sflag:s9] =	ssyncadd.s32 $0xFFFFFF80  }
0xc3: {  	_ =	swait.ge [sflag:s9], $0x80  }
0xc4: {  	[sflag:s9] =	ssyncset.done $0x0  }
0xc5: {  	[sflag:s9] =	ssyncadd.s32 $0xFFFFFF80  }
0xc6: {  	_ =	swait.ge [sflag:s9], $0x80  }
0xc7: {  	[sflag:s9] =	ssyncset.done $0x0  }
0xc8: {  	[sflag:s9] =	ssyncadd.s32 $0xFFFFFF80  }
0xc9: {  	_ =	swait.ge [sflag:s9], $0x80  }
0xca: {  	[sflag:s9] =	ssyncset.done $0x0  }
0xcb: {  	[sflag:s9] =	ssyncadd.s32 $0xFFFFFF80  }
0xcc: {  	_ =	swait.ge [sflag:s9], $0x80  }
0xcd: {  	[sflag:s9] =	ssyncset.done $0x0  }
0xce: {  	[sflag:s9] =	ssyncadd.s32 $0xFFFFFF80  }
0xcf: {  	_ =	swait.ge [sflag:s9], $0x80  }
0xd0: {  	[sflag:s9] =	ssyncset.done $0x0  }
0xd1: {  	[sflag:s9] =	ssyncadd.s32 $0xFFFFFF80  }
0xd2: {  	_ =	swait.ge [sflag:s9], $0x80  }
0xd3: {  	[sflag:s9] =	ssyncset.done $0x0  }
0xd4: {  	[sflag:s9] =	ssyncadd.s32 $0xFFFFFF80  }
0xd5: {  	_ =	swait.ge [sflag:s9], $0x80  }
0xd6: {  	[sflag:s9] =	ssyncset.done $0x0  }
0xd7: {  	[sflag:s9] =	ssyncadd.s32 $0xFFFFFF80  }
0xd8: {  	_ =	swait.ge [sflag:s9], $0x80  }
0xd9: {  	[sflag:s9] =	ssyncset.done $0x0  }
0xda: {  	[sflag:s9] =	ssyncadd.s32 $0xFFFFFF80  }
0xdb: {  	_ =	swait.ge [sflag:s9], $0x80  }
0xdc: {  	[sflag:s9] =	ssyncset.done $0x0  }
0xdd: {  	[sflag:s9] =	ssyncadd.s32 $0xFFFFFF80  }
0xde: {  	_ =	swait.ge [sflag:s9], $0x80  }
0xdf: {  	[sflag:s9] =	ssyncset.done $0x0  }
0xe0: {  	[sflag:s9] =	ssyncadd.s32 $0xFFFFFF80  }
.Ltmp0:
0xe1: {  	_ =	swait.ge [sflag:s9], $0x80;
	(pc) =	sbr.rel @p0 .LBB2_2-.Ltmp0, $4  }
0xe2: {  	[sflag:s9] =	ssyncset.done $0x0  }
0xe3: {  	[sflag:s9] =	ssyncadd.s32 $0xFFFFFF80  }
0xe4: {  	_ =	swait.ge [sflag:s9], $0x80  }
0xe5: {  	s19 =	smov.u32 s17;
	[sflag:s9] =	ssyncset.done $0x0  }
0xe6: {  	s16 =	sshra.s32 s16, $0x2;
	[sflag:s9] =	ssyncadd.s32 $0xFFFFFF80  }
0xe7: {  	[spmem:s2] =	stream.indirect.scatter.add.f32 [tilespmem:s11], [sflag:$0x1], $0x1, s16, s10, $0xb8;
	[tilespmem:$0x2B00] =	vst v63  }
0xe8: {  	s17 =	sadd.s32 $0x80, s16  }
0xe9: {  	[spmem:s2] =	stream.indirect.scatter.add.f32 [tilespmem:s11], [sflag:$0x1], $0x1, s17, s10, $0xb8;
	[tilespmem:$0x2B00] =	vst v63  }
0xea: {  	s28 =	sadd.s32 $0x100, s16  }
0xeb: {  	[spmem:s2] =	stream.indirect.scatter.add.f32 [tilespmem:s11], [sflag:$0x1], $0x1, s28, s10, $0xb8;
	[tilespmem:$0x2B00] =	vst v63  }
0xec: {  	s29 =	sadd.s32 $0x180, s16  }
0xed: {  	[spmem:s2] =	stream.indirect.scatter.add.f32 [tilespmem:s11], [sflag:$0x1], $0x1, s29, s10, $0xb8;
	[tilespmem:$0x2B00] =	vst v63  }
0xee: {  	s30 =	sadd.s32 $0x200, s16  }
0xef: {  	[spmem:s2] =	stream.indirect.scatter.add.f32 [tilespmem:s11], [sflag:$0x1], $0x1, s30, s10, $0xb8;
	[tilespmem:$0x2B00] =	vst v63  }
0xf0: {  	s31 =	sadd.s32 $0x280, s16  }
0xf1: {  	[spmem:s2] =	stream.indirect.scatter.add.f32 [tilespmem:s11], [sflag:$0x1], $0x1, s31, s10, $0xb8;
	[tilespmem:$0x2B00] =	vst v63  }
0xf2: {  	s18 =	sadd.s32 $0x300, s16  }
0xf3: {  	[spmem:s2] =	stream.indirect.scatter.add.f32 [tilespmem:s11], [sflag:$0x1], $0x1, s18, s10, $0xb8;
	[tilespmem:$0x2B00] =	vst v63  }
0xf4: {  	s19 =	sadd.s32 $0x380, s16  }
0xf5: {  	[spmem:s2] =	stream.indirect.scatter.add.f32 [tilespmem:s11], [sflag:$0x1], $0x1, s19, s10, $0xb8;
	[tilespmem:$0x2B00] =	vst v63  }
0xf6: {  	s20 =	sadd.s32 $0x400, s16  }
0xf7: {  	[spmem:s2] =	stream.indirect.scatter.add.f32 [tilespmem:s11], [sflag:$0x1], $0x1, s20, s10, $0xb8;
	[tilespmem:$0x2B00] =	vst v63  }
0xf8: {  	s21 =	sadd.s32 $0x480, s16  }
0xf9: {  	[spmem:s2] =	stream.indirect.scatter.add.f32 [tilespmem:s11], [sflag:$0x1], $0x1, s21, s10, $0xb8;
	[tilespmem:$0x2B00] =	vst v63  }
0xfa: {  	s22 =	sadd.s32 $0x500, s16  }
0xfb: {  	[spmem:s2] =	stream.indirect.scatter.add.f32 [tilespmem:s11], [sflag:$0x1], $0x1, s22, s10, $0xb8;
	[tilespmem:$0x2B00] =	vst v63  }
0xfc: {  	s23 =	sadd.s32 $0x580, s16  }
0xfd: {  	[spmem:s2] =	stream.indirect.scatter.add.f32 [tilespmem:s11], [sflag:$0x1], $0x1, s23, s10, $0xb8;
	[tilespmem:$0x2B00] =	vst v63  }
0xfe: {  	s24 =	sadd.s32 $0x600, s16  }
0xff: {  	[spmem:s2] =	stream.indirect.scatter.add.f32 [tilespmem:s11], [sflag:$0x1], $0x1, s24, s10, $0xb8;
	[tilespmem:$0x2B00] =	vst v63  }
0x100: {  	s25 =	sadd.s32 $0x680, s16  }
0x101: {  	[spmem:s2] =	stream.indirect.scatter.add.f32 [tilespmem:s11], [sflag:$0x1], $0x1, s25, s10, $0xb8;
	[tilespmem:$0x2B00] =	vst v63  }
0x102: {  	s26 =	sadd.s32 $0x700, s16  }
0x103: {  	[spmem:s2] =	stream.indirect.scatter.add.f32 [tilespmem:s11], [sflag:$0x1], $0x1, s26, s10, $0xb8;
	[tilespmem:$0x2B00] =	vst v63  }
0x104: {  	s28 =	sadd.s32 $0x780, s16  }
0x105: {  	[spmem:s2] =	stream.indirect.scatter.add.f32 [tilespmem:s11], [sflag:$0x1], $0x1, s28, s10, $0xb8;
	[tilespmem:$0x2B00] =	vst v63  }
0x106: {  	s29 =	sadd.s32 $0x800, s16  }
0x107: {  	[spmem:s2] =	stream.indirect.scatter.add.f32 [tilespmem:s11], [sflag:$0x1], $0x1, s29, s10, $0xb8;
	[tilespmem:$0x2B00] =	vst v63  }
0x108: {  	s30 =	sadd.s32 $0x880, s16  }
0x109: {  	[spmem:s2] =	stream.indirect.scatter.add.f32 [tilespmem:s11], [sflag:$0x1], $0x1, s30, s10, $0xb8;
	[tilespmem:$0x2B00] =	vst v63  }
0x10a: {  	s31 =	sadd.s32 $0x900, s16  }
0x10b: {  	[spmem:s2] =	stream.indirect.scatter.add.f32 [tilespmem:s11], [sflag:$0x1], $0x1, s31, s10, $0xb8;
	[tilespmem:$0x2B00] =	vst v63  }
0x10c: {  	s16 =	sadd.s32 $0x980, s16  }
0x10d: {  	[spmem:s2] =	stream.indirect.scatter.add.f32 [tilespmem:s11], [sflag:$0x1], $0x1, s16, s10, $0xb8;
	[tilespmem:$0x2B00] =	vst v63  }
0x10e: {  	_ =	swait.ge [sflag:s9], $0x80  }
0x10f: {  	[sflag:s9] =	ssyncset.done $0x0  }
0x110: {  	[sflag:s9] =	ssyncadd.s32 $0xFFFFFF80  }
0x111: {  	_ =	swait.ge [sflag:s9], $0x80  }
0x112: {  	[sflag:s9] =	ssyncset.done $0x0  }
0x113: {  	[sflag:s9] =	ssyncadd.s32 $0xFFFFFF80  }
0x114: {  	_ =	swait.ge [sflag:s9], $0x80  }
0x115: {  	[sflag:s9] =	ssyncset.done $0x0  }
0x116: {  	[sflag:s9] =	ssyncadd.s32 $0xFFFFFF80  }
0x117: {  	_ =	swait.ge [sflag:s9], $0x80  }
0x118: {  	[sflag:s9] =	ssyncset.done $0x0  }
0x119: {  	[sflag:s9] =	ssyncadd.s32 $0xFFFFFF80  }
0x11a: {  	_ =	swait.ge [sflag:s9], $0x80  }
0x11b: {  	[sflag:s9] =	ssyncset.done $0x0  }
0x11c: {  	[sflag:s9] =	ssyncadd.s32 $0xFFFFFF80  }
0x11d: {  	_ =	swait.ge [sflag:s9], $0x80  }
0x11e: {  	[sflag:s9] =	ssyncset.done $0x0  }
0x11f: {  	[sflag:s9] =	ssyncadd.s32 $0xFFFFFF80  }
0x120: {  	_ =	swait.ge [sflag:s9], $0x80  }
0x121: {  	[sflag:s9] =	ssyncset.done $0x0  }
0x122: {  	[sflag:s9] =	ssyncadd.s32 $0xFFFFFF80  }
0x123: {  	_ =	swait.ge [sflag:s9], $0x80  }
0x124: {  	[sflag:s9] =	ssyncset.done $0x0  }
0x125: {  	[sflag:s9] =	ssyncadd.s32 $0xFFFFFF80  }
0x126: {  	_ =	swait.ge [sflag:s9], $0x80  }
0x127: {  	[sflag:s9] =	ssyncset.done $0x0  }
0x128: {  	[sflag:s9] =	ssyncadd.s32 $0xFFFFFF80  }
0x129: {  	_ =	swait.ge [sflag:s9], $0x80  }
0x12a: {  	[sflag:s9] =	ssyncset.done $0x0  }
0x12b: {  	[sflag:s9] =	ssyncadd.s32 $0xFFFFFF80  }
0x12c: {  	_ =	swait.ge [sflag:s9], $0x80  }
0x12d: {  	[sflag:s9] =	ssyncset.done $0x0  }
0x12e: {  	[sflag:s9] =	ssyncadd.s32 $0xFFFFFF80  }
0x12f: {  	_ =	swait.ge [sflag:s9], $0x80  }
0x130: {  	[sflag:s9] =	ssyncset.done $0x0  }
0x131: {  	[sflag:s9] =	ssyncadd.s32 $0xFFFFFF80  }
0x132: {  	_ =	swait.ge [sflag:s9], $0x80  }
0x133: {  	[sflag:s9] =	ssyncset.done $0x0  }
0x134: {  	[sflag:s9] =	ssyncadd.s32 $0xFFFFFF80  }
0x135: {  	_ =	swait.ge [sflag:s9], $0x80  }
0x136: {  	[sflag:s9] =	ssyncset.done $0x0  }
0x137: {  	[sflag:s9] =	ssyncadd.s32 $0xFFFFFF80  }
0x138: {  	_ =	swait.ge [sflag:s9], $0x80  }
0x139: {  	[sflag:s9] =	ssyncset.done $0x0  }
0x13a: {  	[sflag:s9] =	ssyncadd.s32 $0xFFFFFF80  }
0x13b: {  	_ =	swait.ge [sflag:s9], $0x80  }
0x13c: {  	[sflag:s9] =	ssyncset.done $0x0  }
0x13d: {  	[sflag:s9] =	ssyncadd.s32 $0xFFFFFF80  }
0x13e: {  	_ =	swait.ge [sflag:s9], $0x80  }
0x13f: {  	[sflag:s9] =	ssyncset.done $0x0  }
0x140: {  	[sflag:s9] =	ssyncadd.s32 $0xFFFFFF80  }
0x141: {  	_ =	swait.ge [sflag:s9], $0x80  }
0x142: {  	[sflag:s9] =	ssyncset.done $0x0  }
0x143: {  	[sflag:s9] =	ssyncadd.s32 $0xFFFFFF80  }
0x144: {  	_ =	swait.ge [sflag:s9], $0x80  }
0x145: {  	[sflag:s9] =	ssyncset.done $0x0  }
0x146: {  	[sflag:s9] =	ssyncadd.s32 $0xFFFFFF80  }
0x147: {  	_ =	swait.ge [sflag:s9], $0x80  }
0x148: {  	s15 =	sadd.s32 $0x1, s15;
	[sflag:s9] =	ssyncset.done $0x0  }
0x149: {  	p0 =	sne.s32 s15, s7;
	[sflag:s9] =	ssyncadd.s32 $0xFFFFFF80  }
.Ltmp1:
0x14a: {  	[bflag:$0x0] =	sbarrier.arrive $0xFFFF;
	(pc) =	sbr.rel @p0 .LBB2_1-.Ltmp1, $4  }
0x14b: {  	[hbm:s12], [sflag:s13] =	dma.local [spmem:s8], $0x50  }
0x14c: {  	_ =	swait.ge [sflag:s14], $0x50  }
0x14d: {  	[sflag:s14] =	ssyncset.done $0x0  }
0x14e: {  	[sflag:s14] =	ssyncadd.s32 $0xFFFFFFB0  }
0x14f: {  	_ =	sfence.sel $0x180000  }
0x150: {  	[bflag:$0x0] =	sbarrier.arrive $0xFFFF  }
0x151: {  	p0 =	sne.s32 s1, $0x0;
	_ =	strace $0x90000047  }
0x152: {  	s0 =	sadd.s32 @!p0 $0x100000, s0;
	[bflag:$0x2] =	sbarrier.arrive $0xFFFF  }
0x153: {  	[sflag:s0] =	ssyncadd.tile.s32 @!p0 $0x1;
	_ =	shalt  }
.Lfunc_end2:
_tile_overlayer_lowered:
.L_overlay_start_2:
0x154: {  	(tag) =	ssettag $0x2  }
0x155: {  	s0 =	rddreg [dreg:$0x0];
	s2 =	stileid.u32  }
0x156: {  	s1 =	rddreg [dreg:$0x1];
	p0 =	sne.s32 s2, $0x0  }
0x157: {  	s3 =	rddreg [dreg:$0x2];
	[bflag:$0x3] =	sbarrier.arrive $0xFFFF;
	s2 =	simm.s32 @!p0 $0x1C02  }
0x158: {  	[timem:s3], [sflag:s2] =	dma.local @!p0 [hbm:s0], s1  }
0x159: {  	s0 =	simm.s32 @!p0 $0x2  }
0x15a: {  	_ =	swait.ge @!p0 [sflag:s0], s1  }
0x15b: {  	s1 =	ssub.s32 @!p0 $0x0, s1;
	[sflag:s0] =	ssyncset.done @!p0 $0x0  }
0x15c: {  	[sflag:s0] =	ssyncadd.s32 @!p0 s1  }
0x15d: {  	[bflag:$0x3] =	sbarrier.arrive $0xFFFF  }
0x15e: {  	_ =	shalt  }

</sc_bundles>
